<compile_context>
chip_gen: v7x
topology: tpu7x:2x2x1
jax: 0.10.2.dev20260603
libtpu: 0.0.44.dev20260713+nightly
codegen_flags: <defaults>
</compile_context>

<pallas_src>
import functools

import jax
import jax.numpy as jnp
from jax import lax
from jax.experimental import pallas as pl
from jax.experimental.pallas import tpu as pltpu
from jax.experimental.pallas import tpu_sc as plsc

VOCAB = 100000
EMBED = 128
HIDDEN = 1024
NUM_CLASSES = 4
BATCH = 16384
SEQ = 20

NC = 2
NS = 16
NW = NC * NS
CHUNK = 16
ROWS = CHUNK * SEQ


@functools.partial(jax.jit, static_argnums=(2, 3))
def _sc_gather_mean(table, idx, boffset, nbatch):
    mesh = plsc.VectorSubcoreMesh(core_axis_name="c", subcore_axis_name="s")
    b_per_w = nbatch // NW
    steps = b_per_w // CHUNK

    @functools.partial(
        pl.kernel,
        out_type=jax.ShapeDtypeStruct((nbatch, EMBED), jnp.float32),
        mesh=mesh,
        scratch_types=[
            pltpu.VMEM((b_per_w * SEQ,), jnp.int32),
            pltpu.VMEM((ROWS, EMBED), jnp.float32),
            pltpu.VMEM((ROWS, EMBED), jnp.float32),
            pltpu.VMEM((CHUNK, EMBED), jnp.float32),
            pltpu.SemaphoreType.DMA,
            pltpu.SemaphoreType.DMA,
        ],
    )
    def k(table_hbm, idx_hbm, out_hbm, idx_all, rows0, rows1, acc_v, sem0, sem1):
        wid = lax.axis_index("s") * NC + lax.axis_index("c")
        base = wid * b_per_w
        rows_bufs = (rows0, rows1)
        sems = (sem0, sem1)

        pltpu.sync_copy(
            idx_hbm.at[pl.ds((boffset + base) * SEQ, b_per_w * SEQ)], idx_all)

        def gather_start(g, b):
            pltpu.async_copy(
                table_hbm.at[idx_all.at[pl.ds(g * ROWS, ROWS)]],
                rows_bufs[b], sems[b])

        def gather_wait(b):
            pltpu.make_async_copy(
                table_hbm.at[idx_all.at[pl.ds(0, ROWS)]],
                rows_bufs[b], sems[b]).wait()

        def compute(g, b):
            rows_v = rows_bufs[b]

            def per_b(e, c):
                rbase = e * SEQ
                accs = [rows_v[rbase, pl.ds(j * 16, 16)]
                        for j in range(EMBED // 16)]
                for s in range(1, SEQ):
                    for j in range(EMBED // 16):
                        accs[j] = accs[j] + rows_v[rbase + s, pl.ds(j * 16, 16)]
                for j in range(EMBED // 16):
                    acc_v[e, pl.ds(j * 16, 16)] = accs[j] * (1.0 / SEQ)
                return c

            lax.fori_loop(0, CHUNK, per_b, 0, unroll=False)
            pltpu.sync_copy(acc_v, out_hbm.at[pl.ds(base + g * CHUNK, CHUNK)])

        for b in range(2):
            gather_start(b, b)

        def outer(i, carry):
            g0 = i * 2
            for b in range(2):
                g = g0 + b
                gather_wait(b)
                compute(g, b)
                gather_start(g + 2, b)
            return carry

        lax.fori_loop(0, (steps - 2) // 2, outer, 0, unroll=False)

        for b in range(2):
            gather_wait(b)
            compute(steps - 2 + b, b)

    return k(table, idx)


_BM = 512


def _tc_mlp(xm, W1b, b1, W2b, b2p):
    nbatch = xm.shape[0]

    def body(x_ref, w1_ref, b1_ref, w2_ref, b2_ref, o_ref):
        x16 = x_ref[...].astype(jnp.bfloat16)
        h = jnp.dot(x16, w1_ref[...], preferred_element_type=jnp.float32)
        h = jnp.maximum(h + b1_ref[...], 0.0).astype(jnp.bfloat16)
        o = jnp.dot(h, w2_ref[...], preferred_element_type=jnp.float32)
        o_ref[...] = (o + b2_ref[...])[:, :NUM_CLASSES]

    return pl.pallas_call(
        body,
        grid=(nbatch // _BM,),
        in_specs=[
            pl.BlockSpec((_BM, EMBED), lambda i: (i, 0)),
            pl.BlockSpec((EMBED, HIDDEN), lambda i: (0, 0)),
            pl.BlockSpec((1, HIDDEN), lambda i: (0, 0)),
            pl.BlockSpec((HIDDEN, 128), lambda i: (0, 0)),
            pl.BlockSpec((1, 128), lambda i: (0, 0)),
        ],
        out_specs=pl.BlockSpec((_BM, NUM_CLASSES), lambda i: (i, 0)),
        out_shape=jax.ShapeDtypeStruct((nbatch, NUM_CLASSES), jnp.float32),
    )(xm, W1b, b1.reshape(1, HIDDEN), W2b, b2p.reshape(1, 128))


def kernel(x, table, W1, b1, W2, b2):
    idx = x.reshape(-1)
    W1b = W1.astype(jnp.bfloat16)
    W2b = jnp.pad(W2, ((0, 0), (0, 128 - NUM_CLASSES))).astype(jnp.bfloat16)
    b2p = jnp.pad(b2, (0, 128 - NUM_CLASSES))
    half = BATCH // 2
    outs = []
    means = []
    for h in range(2):
        means.append(_sc_gather_mean(table, idx, h * half, half))
    for h in range(2):
        outs.append(_tc_mlp(means[h], W1b, b1, W2b, b2p))
    return jnp.concatenate(outs, axis=0)

# --- scband reference (transcript-rebuilt; emitter-appended) ---
"""Pipeline reference for scband-agnews-mlp-75737453297690 (READ-ONLY COPY).

The authoritative reference and input builder live on the scoring server;
editing this copy changes nothing except your own understanding.
"""

import jax, jax.numpy as jnp
import numpy as np

VOCAB = 100000
EMBED = 128
HIDDEN = 1024
NUM_CLASSES = 4
BATCH = 16384
SEQ = 20


def setup_inputs(seed: int = 0) -> dict:
    key = jax.random.key(seed)
    k1, k2, k3, k4 = jax.random.split(key, 4)
    x = jax.random.randint(k1, (1, BATCH, SEQ), 0, VOCAB, dtype=jnp.int32)
    table = jax.random.normal(k2, (VOCAB, EMBED), dtype=jnp.float32) * 0.02
    W1 = jax.random.normal(k3, (EMBED, HIDDEN), dtype=jnp.float32) * (1.0 / np.sqrt(EMBED))
    b1 = jnp.zeros((HIDDEN,), dtype=jnp.float32)
    W2 = jax.random.normal(k4, (HIDDEN, NUM_CLASSES), dtype=jnp.float32) * (1.0 / np.sqrt(HIDDEN))
    b2 = jnp.zeros((NUM_CLASSES,), dtype=jnp.float32)
    return {"x": x, "table": table, "W1": W1, "b1": b1, "W2": W2, "b2": b2}


def reference(x, table, W1, b1, W2, b2):
    # emb = self.embedding(x[0])
    idx = x[0]  # [BATCH, SEQ]
    emb = jnp.take(table, idx, axis=0)  # [BATCH, SEQ, EMBED]
    # mean_emb = emb.mean(dim=1)
    mean_emb = jnp.mean(emb, axis=1)  # [BATCH, EMBED]
    # fc: Linear -> ReLU -> Linear
    h = jax.nn.relu(mean_emb @ W1 + b1)
    out = h @ W2 + b2
    return out

if __name__ == "__main__":
    import jax
    _d = setup_inputs()
    print(jax.jit(kernel)(*tuple(_d.values())))

</pallas_src>

<mosaic_0001>
#map = affine_map<(d0, d1) -> (0, 0)>
#map1 = affine_map<(d0, d1) -> (0)>
module attributes {stable_mosaic.version = 14 : i64} {
  func.func @k(%arg0: i32, %arg1: i32, %arg2: memref<100000x128xf32, #tpu.memory_space<hbm>>, %arg3: memref<327680xi32, #tpu.memory_space<hbm>>, %arg4: memref<8192x128xf32, #tpu.memory_space<hbm>>, %arg5: memref<5120xi32, #tpu.memory_space<vmem>>, %arg6: memref<320x128xf32, #tpu.memory_space<vmem>>, %arg7: memref<320x128xf32, #tpu.memory_space<vmem>>, %arg8: memref<16x128xf32, #tpu.memory_space<vmem>>, %arg9: memref<!tpu.dma_semaphore, #tpu.memory_space<semaphore_mem>>, %arg10: memref<!tpu.dma_semaphore, #tpu.memory_space<semaphore_mem>>) attributes {dimension_semantics = [#tpu.dimension_semantics<core_parallel>, #tpu.dimension_semantics<subcore_parallel>], iteration_bounds = array<i64: 2, 16>, scalar_prefetch = 0 : i64, scratch_operands = 6 : i64, tpu.core_type = #tpu.core_type<sc_vector_subcore>, window_params = [{transform_indices = #map}, {transform_indices = #map1}, {transform_indices = #map}]} {
    %mul3A = arith.constant 2 : i32
    %mul3A_0 = arith.muli %arg1, %mul3A : i32
    %add3A = arith.addi %mul3A_0, %arg0 : i32
    %mul3A_1 = arith.constant 256 : i32
    %mul3A_2 = arith.muli %add3A, %mul3A_1 : i32
    %add3A_3 = arith.constant 0 : i32
    %add3A_4 = arith.addi %add3A_3, %mul3A_2 : i32
    %mul3A_5 = arith.constant 20 : i32
    %mul3A_6 = arith.muli %add3A_4, %mul3A_5 : i32
    "tpu.region"() ({
      %run_scoped3A = tpu.sem_alloc : memref<!tpu.dma_semaphore, #tpu.memory_space<semaphore_mem>>
      %dma_start3A_46 = tpu.memref_slice %arg3[%mul3A_6] : memref<327680xi32, #tpu.memory_space<hbm>> -> memref<5120xi32, #tpu.memory_space<hbm>>
      %dma_start3A_47 = tpu.memref_slice %arg3[%mul3A_6] : memref<327680xi32, #tpu.memory_space<hbm>> -> memref<5120xi32, #tpu.memory_space<hbm>>
      tpu.enqueue_dma source(%dma_start3A_47 : memref<5120xi32, #tpu.memory_space<hbm>>) target(%arg5 : memref<5120xi32, #tpu.memory_space<vmem>>) target_semaphore(%run_scoped3A : memref<!tpu.dma_semaphore, #tpu.memory_space<semaphore_mem>>)
      %dma_wait3A_48 = tpu.memref_slice %arg3[%mul3A_6] : memref<327680xi32, #tpu.memory_space<hbm>> -> memref<5120xi32, #tpu.memory_space<hbm>>
      %dma_wait3A_49 = tpu.memref_slice %arg3[%mul3A_6] : memref<327680xi32, #tpu.memory_space<hbm>> -> memref<5120xi32, #tpu.memory_space<hbm>>
      tpu.wait_dma2 semaphore(%run_scoped3A : memref<!tpu.dma_semaphore, #tpu.memory_space<semaphore_mem>>) src(%dma_wait3A_49 : memref<5120xi32, #tpu.memory_space<hbm>>) dst(%arg5 : memref<5120xi32, #tpu.memory_space<vmem>>)
      tpu.yield
    }) : () -> ()
    %dma_start3A = arith.constant 0 : i32
    %dma_start3A_7 = tpu.memref_slice %arg5[%dma_start3A] : memref<5120xi32, #tpu.memory_space<vmem>> -> memref<320xi32, #tpu.memory_space<vmem>>
    %dma_start3A_8 = arith.constant 0 : i32
    %dma_start3A_9 = arith.constant 0 : i32
    %dma_start3A_10 = tpu.memref_slice %arg2[%dma_start3A_8, %dma_start3A_9] : memref<100000x128xf32, #tpu.memory_space<hbm>> -> memref<100000x128xf32, #tpu.memory_space<hbm>>
    tpu.enqueue_indirect_dma source(%dma_start3A_10 : memref<100000x128xf32, #tpu.memory_space<hbm>>) target(%arg6 : memref<320x128xf32, #tpu.memory_space<vmem>>) offsets(%dma_start3A_7 : memref<320xi32, #tpu.memory_space<vmem>>) semaphore(%arg9 : memref<!tpu.dma_semaphore, #tpu.memory_space<semaphore_mem>>)
    %dma_start3A_11 = arith.constant 320 : i32
    %dma_start3A_12 = tpu.memref_slice %arg5[%dma_start3A_11] : memref<5120xi32, #tpu.memory_space<vmem>> -> memref<320xi32, #tpu.memory_space<vmem>>
    %dma_start3A_13 = arith.constant 0 : i32
    %dma_start3A_14 = arith.constant 0 : i32
    %dma_start3A_15 = tpu.memref_slice %arg2[%dma_start3A_13, %dma_start3A_14] : memref<100000x128xf32, #tpu.memory_space<hbm>> -> memref<100000x128xf32, #tpu.memory_space<hbm>>
    tpu.enqueue_indirect_dma source(%dma_start3A_15 : memref<100000x128xf32, #tpu.memory_space<hbm>>) target(%arg7 : memref<320x128xf32, #tpu.memory_space<vmem>>) offsets(%dma_start3A_12 : memref<320xi32, #tpu.memory_space<vmem>>) semaphore(%arg10 : memref<!tpu.dma_semaphore, #tpu.memory_space<semaphore_mem>>)
    %scan3A = arith.constant 0 : i32
    %scan3A_16 = arith.constant 0 : i32
    %scan3A_17 = arith.constant 7 : i32
    %scan3A_18 = arith.addi %scan3A_16, %scan3A_17 : i32
    %scan3A_19 = arith.constant 1 : i32
    scf.for %scan3A_46 = %scan3A_16 to %scan3A_18 step %scan3A_19  : i32 {
      %mul3A_47 = arith.constant 2 : i32
      %mul3A_48 = arith.muli %scan3A_46, %mul3A_47 : i32
      %add3A_49 = arith.constant 0 : i32
      %add3A_50 = arith.addi %mul3A_48, %add3A_49 : i32
      %dma_wait3A_51 = arith.constant 0 : i32
      %dma_wait3A_52 = tpu.memref_slice %arg5[%dma_wait3A_51] : memref<5120xi32, #tpu.memory_space<vmem>> -> memref<320xi32, #tpu.memory_space<vmem>>
      %dma_wait3A_53 = arith.constant 0 : i32
      %dma_wait3A_54 = arith.constant 0 : i32
      %dma_wait3A_55 = tpu.memref_slice %arg2[%dma_wait3A_53, %dma_wait3A_54] : memref<100000x128xf32, #tpu.memory_space<hbm>> -> memref<100000x128xf32, #tpu.memory_space<hbm>>
      tpu.wait_indirect_dma semaphore(%arg9 : memref<!tpu.dma_semaphore, #tpu.memory_space<semaphore_mem>>) src(%dma_wait3A_55 : memref<100000x128xf32, #tpu.memory_space<hbm>>) dst(%arg6 : memref<320x128xf32, #tpu.memory_space<vmem>>)
      %scan3A_56 = arith.constant 0 : i32
      %scan3A_57 = arith.constant 0 : i32
      %scan3A_58 = arith.constant 16 : i32
      %scan3A_59 = arith.addi %scan3A_57, %scan3A_58 : i32
      %scan3A_60 = arith.constant 1 : i32
      scf.for %scan3A_97 = %scan3A_57 to %scan3A_59 step %scan3A_60  : i32 {
        %mul3A_98 = arith.constant 20 : i32
        %mul3A_99 = arith.muli %scan3A_97, %mul3A_98 : i32
        %get3A = arith.index_cast %mul3A_99 : i32 to index
        %get3A_100 = arith.constant 0 : index
        %get3A_101 = tpu.vector_load %arg6[%get3A, %get3A_100] {strides = array<i32>} : memref<320x128xf32, #tpu.memory_space<vmem>>, vector<1x16xf32>,
        %get3A_102 = vector.shape_cast %get3A_101 : vector<1x16xf32> to vector<16xf32>
        %get3A_103 = arith.index_cast %mul3A_99 : i32 to index
        %get3A_104 = arith.constant 16 : index
        %get3A_105 = tpu.vector_load %arg6[%get3A_103, %get3A_104] {strides = array<i32>} : memref<320x128xf32, #tpu.memory_space<vmem>>, vector<1x16xf32>,
        %get3A_106 = vector.shape_cast %get3A_105 : vector<1x16xf32> to vector<16xf32>
        %get3A_107 = arith.index_cast %mul3A_99 : i32 to index
        %get3A_108 = arith.constant 32 : index
        %get3A_109 = tpu.vector_load %arg6[%get3A_107, %get3A_108] {strides = array<i32>} : memref<320x128xf32, #tpu.memory_space<vmem>>, vector<1x16xf32>,
        %get3A_110 = vector.shape_cast %get3A_109 : vector<1x16xf32> to vector<16xf32>
        %get3A_111 = arith.index_cast %mul3A_99 : i32 to index
        %get3A_112 = arith.constant 48 : index
        %get3A_113 = tpu.vector_load %arg6[%get3A_111, %get3A_112] {strides = array<i32>} : memref<320x128xf32, #tpu.memory_space<vmem>>, vector<1x16xf32>,
        %get3A_114 = vector.shape_cast %get3A_113 : vector<1x16xf32> to vector<16xf32>
        %get3A_115 = arith.index_cast %mul3A_99 : i32 to index
        %get3A_116 = arith.constant 64 : index
        %get3A_117 = tpu.vector_load %arg6[%get3A_115, %get3A_116] {strides = array<i32>} : memref<320x128xf32, #tpu.memory_space<vmem>>, vector<1x16xf32>,
        %get3A_118 = vector.shape_cast %get3A_117 : vector<1x16xf32> to vector<16xf32>
        %get3A_119 = arith.index_cast %mul3A_99 : i32 to index
        %get3A_120 = arith.constant 80 : index
        %get3A_121 = tpu.vector_load %arg6[%get3A_119, %get3A_120] {strides = array<i32>} : memref<320x128xf32, #tpu.memory_space<vmem>>, vector<1x16xf32>,
        %get3A_122 = vector.shape_cast %get3A_121 : vector<1x16xf32> to vector<16xf32>
        %get3A_123 = arith.index_cast %mul3A_99 : i32 to index
        %get3A_124 = arith.constant 96 : index
        %get3A_125 = tpu.vector_load %arg6[%get3A_123, %get3A_124] {strides = array<i32>} : memref<320x128xf32, #tpu.memory_space<vmem>>, vector<1x16xf32>,
        %get3A_126 = vector.shape_cast %get3A_125 : vector<1x16xf32> to vector<16xf32>
        %get3A_127 = arith.index_cast %mul3A_99 : i32 to index
        %get3A_128 = arith.constant 112 : index
        %get3A_129 = tpu.vector_load %arg6[%get3A_127, %get3A_128] {strides = array<i32>} : memref<320x128xf32, #tpu.memory_space<vmem>>, vector<1x16xf32>,
        %get3A_130 = vector.shape_cast %get3A_129 : vector<1x16xf32> to vector<16xf32>
        %add3A_131 = arith.constant 1 : i32
        %add3A_132 = arith.addi %mul3A_99, %add3A_131 : i32
        %get3A_133 = arith.index_cast %add3A_132 : i32 to index
        %get3A_134 = arith.constant 0 : index
        %get3A_135 = tpu.vector_load %arg6[%get3A_133, %get3A_134] {strides = array<i32>} : memref<320x128xf32, #tpu.memory_space<vmem>>, vector<1x16xf32>,
        %get3A_136 = vector.shape_cast %get3A_135 : vector<1x16xf32> to vector<16xf32>
        %add3A_137 = arith.addf %get3A_102, %get3A_136 : vector<16xf32>
        %add3A_138 = arith.constant 1 : i32
        %add3A_139 = arith.addi %mul3A_99, %add3A_138 : i32
        %get3A_140 = arith.index_cast %add3A_139 : i32 to index
        %get3A_141 = arith.constant 16 : index
        %get3A_142 = tpu.vector_load %arg6[%get3A_140, %get3A_141] {strides = array<i32>} : memref<320x128xf32, #tpu.memory_space<vmem>>, vector<1x16xf32>,
        %get3A_143 = vector.shape_cast %get3A_142 : vector<1x16xf32> to vector<16xf32>
        %add3A_144 = arith.addf %get3A_106, %get3A_143 : vector<16xf32>
        %add3A_145 = arith.constant 1 : i32
        %add3A_146 = arith.addi %mul3A_99, %add3A_145 : i32
        %get3A_147 = arith.index_cast %add3A_146 : i32 to index
        %get3A_148 = arith.constant 32 : index
        %get3A_149 = tpu.vector_load %arg6[%get3A_147, %get3A_148] {strides = array<i32>} : memref<320x128xf32, #tpu.memory_space<vmem>>, vector<1x16xf32>,
        %get3A_150 = vector.shape_cast %get3A_149 : vector<1x16xf32> to vector<16xf32>
        %add3A_151 = arith.addf %get3A_110, %get3A_150 : vector<16xf32>
        %add3A_152 = arith.constant 1 : i32
        %add3A_153 = arith.addi %mul3A_99, %add3A_152 : i32
        %get3A_154 = arith.index_cast %add3A_153 : i32 to index
        %get3A_155 = arith.constant 48 : index
        %get3A_156 = tpu.vector_load %arg6[%get3A_154, %get3A_155] {strides = array<i32>} : memref<320x128xf32, #tpu.memory_space<vmem>>, vector<1x16xf32>,
        %get3A_157 = vector.shape_cast %get3A_156 : vector<1x16xf32> to vector<16xf32>
        %add3A_158 = arith.addf %get3A_114, %get3A_157 : vector<16xf32>
        %add3A_159 = arith.constant 1 : i32
        %add3A_160 = arith.addi %mul3A_99, %add3A_159 : i32
        %get3A_161 = arith.index_cast %add3A_160 : i32 to index
        %get3A_162 = arith.constant 64 : index
        %get3A_163 = tpu.vector_load %arg6[%get3A_161, %get3A_162] {strides = array<i32>} : memref<320x128xf32, #tpu.memory_space<vmem>>, vector<1x16xf32>,
        %get3A_164 = vector.shape_cast %get3A_163 : vector<1x16xf32> to vector<16xf32>
        %add3A_165 = arith.addf %get3A_118, %get3A_164 : vector<16xf32>
        %add3A_166 = arith.constant 1 : i32
        %add3A_167 = arith.addi %mul3A_99, %add3A_166 : i32
        %get3A_168 = arith.index_cast %add3A_167 : i32 to index
        %get3A_169 = arith.constant 80 : index
        %get3A_170 = tpu.vector_load %arg6[%get3A_168, %get3A_169] {strides = array<i32>} : memref<320x128xf32, #tpu.memory_space<vmem>>, vector<1x16xf32>,
        %get3A_171 = vector.shape_cast %get3A_170 : vector<1x16xf32> to vector<16xf32>
        %add3A_172 = arith.addf %get3A_122, %get3A_171 : vector<16xf32>
        %add3A_173 = arith.constant 1 : i32
        %add3A_174 = arith.addi %mul3A_99, %add3A_173 : i32
        %get3A_175 = arith.index_cast %add3A_174 : i32 to index
        %get3A_176 = arith.constant 96 : index
        %get3A_177 = tpu.vector_load %arg6[%get3A_175, %get3A_176] {strides = array<i32>} : memref<320x128xf32, #tpu.memory_space<vmem>>, vector<1x16xf32>,
        %get3A_178 = vector.shape_cast %get3A_177 : vector<1x16xf32> to vector<16xf32>
        %add3A_179 = arith.addf %get3A_126, %get3A_178 : vector<16xf32>
        %add3A_180 = arith.constant 1 : i32
        %add3A_181 = arith.addi %mul3A_99, %add3A_180 : i32
        %get3A_182 = arith.index_cast %add3A_181 : i32 to index
        %get3A_183 = arith.constant 112 : index
        %get3A_184 = tpu.vector_load %arg6[%get3A_182, %get3A_183] {strides = array<i32>} : memref<320x128xf32, #tpu.memory_space<vmem>>, vector<1x16xf32>,
        %get3A_185 = vector.shape_cast %get3A_184 : vector<1x16xf32> to vector<16xf32>
        %add3A_186 = arith.addf %get3A_130, %get3A_185 : vector<16xf32>
        %add3A_187 = arith.constant 2 : i32
        %add3A_188 = arith.addi %mul3A_99, %add3A_187 : i32
        %get3A_189 = arith.index_cast %add3A_188 : i32 to index
        %get3A_190 = arith.constant 0 : index
        %get3A_191 = tpu.vector_load %arg6[%get3A_189, %get3A_190] {strides = array<i32>} : memref<320x128xf32, #tpu.memory_space<vmem>>, vector<1x16xf32>,
        %get3A_192 = vector.shape_cast %get3A_191 : vector<1x16xf32> to vector<16xf32>
        %add3A_193 = arith.addf %add3A_137, %get3A_192 : vector<16xf32>
        %add3A_194 = arith.constant 2 : i32
        %add3A_195 = arith.addi %mul3A_99, %add3A_194 : i32
        %get3A_196 = arith.index_cast %add3A_195 : i32 to index
        %get3A_197 = arith.constant 16 : index
        %get3A_198 = tpu.vector_load %arg6[%get3A_196, %get3A_197] {strides = array<i32>} : memref<320x128xf32, #tpu.memory_space<vmem>>, vector<1x16xf32>,
        %get3A_199 = vector.shape_cast %get3A_198 : vector<1x16xf32> to vector<16xf32>
        %add3A_200 = arith.addf %add3A_144, %get3A_199 : vector<16xf32>
        %add3A_201 = arith.constant 2 : i32
        %add3A_202 = arith.addi %mul3A_99, %add3A_201 : i32
        %get3A_203 = arith.index_cast %add3A_202 : i32 to index
        %get3A_204 = arith.constant 32 : index
        %get3A_205 = tpu.vector_load %arg6[%get3A_203, %get3A_204] {strides = array<i32>} : memref<320x128xf32, #tpu.memory_space<vmem>>, vector<1x16xf32>,
        %get3A_206 = vector.shape_cast %get3A_205 : vector<1x16xf32> to vector<16xf32>
        %add3A_207 = arith.addf %add3A_151, %get3A_206 : vector<16xf32>
        %add3A_208 = arith.constant 2 : i32
        %add3A_209 = arith.addi %mul3A_99, %add3A_208 : i32
        %get3A_210 = arith.index_cast %add3A_209 : i32 to index
        %get3A_211 = arith.constant 48 : index
        %get3A_212 = tpu.vector_load %arg6[%get3A_210, %get3A_211] {strides = array<i32>} : memref<320x128xf32, #tpu.memory_space<vmem>>, vector<1x16xf32>,
        %get3A_213 = vector.shape_cast %get3A_212 : vector<1x16xf32> to vector<16xf32>
        %add3A_214 = arith.addf %add3A_158, %get3A_213 : vector<16xf32>
        %add3A_215 = arith.constant 2 : i32
        %add3A_216 = arith.addi %mul3A_99, %add3A_215 : i32
        %get3A_217 = arith.index_cast %add3A_216 : i32 to index
        %get3A_218 = arith.constant 64 : index
        %get3A_219 = tpu.vector_load %arg6[%get3A_217, %get3A_218] {strides = array<i32>} : memref<320x128xf32, #tpu.memory_space<vmem>>, vector<1x16xf32>,
        %get3A_220 = vector.shape_cast %get3A_219 : vector<1x16xf32> to vector<16xf32>
        %add3A_221 = arith.addf %add3A_165, %get3A_220 : vector<16xf32>
        %add3A_222 = arith.constant 2 : i32
        %add3A_223 = arith.addi %mul3A_99, %add3A_222 : i32
        %get3A_224 = arith.index_cast %add3A_223 : i32 to index
        %get3A_225 = arith.constant 80 : index
        %get3A_226 = tpu.vector_load %arg6[%get3A_224, %get3A_225] {strides = array<i32>} : memref<320x128xf32, #tpu.memory_space<vmem>>, vector<1x16xf32>,
        %get3A_227 = vector.shape_cast %get3A_226 : vector<1x16xf32> to vector<16xf32>
        %add3A_228 = arith.addf %add3A_172, %get3A_227 : vector<16xf32>
        %add3A_229 = arith.constant 2 : i32
        %add3A_230 = arith.addi %mul3A_99, %add3A_229 : i32
        %get3A_231 = arith.index_cast %add3A_230 : i32 to index
        %get3A_232 = arith.constant 96 : index
        %get3A_233 = tpu.vector_load %arg6[%get3A_231, %get3A_232] {strides = array<i32>} : memref<320x128xf32, #tpu.memory_space<vmem>>, vector<1x16xf32>,
        %get3A_234 = vector.shape_cast %get3A_233 : vector<1x16xf32> to vector<16xf32>
        %add3A_235 = arith.addf %add3A_179, %get3A_234 : vector<16xf32>
        %add3A_236 = arith.constant 2 : i32
        %add3A_237 = arith.addi %mul3A_99, %add3A_236 : i32
        %get3A_238 = arith.index_cast %add3A_237 : i32 to index
        %get3A_239 = arith.constant 112 : index
        %get3A_240 = tpu.vector_load %arg6[%get3A_238, %get3A_239] {strides = array<i32>} : memref<320x128xf32, #tpu.memory_space<vmem>>, vector<1x16xf32>,
        %get3A_241 = vector.shape_cast %get3A_240 : vector<1x16xf32> to vector<16xf32>
        %add3A_242 = arith.addf %add3A_186, %get3A_241 : vector<16xf32>
        %add3A_243 = arith.constant 3 : i32
        %add3A_244 = arith.addi %mul3A_99, %add3A_243 : i32
        %get3A_245 = arith.index_cast %add3A_244 : i32 to index
        %get3A_246 = arith.constant 0 : index
        %get3A_247 = tpu.vector_load %arg6[%get3A_245, %get3A_246] {strides = array<i32>} : memref<320x128xf32, #tpu.memory_space<vmem>>, vector<1x16xf32>,
        %get3A_248 = vector.shape_cast %get3A_247 : vector<1x16xf32> to vector<16xf32>
        %add3A_249 = arith.addf %add3A_193, %get3A_248 : vector<16xf32>
        %add3A_250 = arith.constant 3 : i32
        %add3A_251 = arith.addi %mul3A_99, %add3A_250 : i32
        %get3A_252 = arith.index_cast %add3A_251 : i32 to index
        %get3A_253 = arith.constant 16 : index
        %get3A_254 = tpu.vector_load %arg6[%get3A_252, %get3A_253] {strides = array<i32>} : memref<320x128xf32, #tpu.memory_space<vmem>>, vector<1x16xf32>,
        %get3A_255 = vector.shape_cast %get3A_254 : vector<1x16xf32> to vector<16xf32>
        %add3A_256 = arith.addf %add3A_200, %get3A_255 : vector<16xf32>
        %add3A_257 = arith.constant 3 : i32
        %add3A_258 = arith.addi %mul3A_99, %add3A_257 : i32
        %get3A_259 = arith.index_cast %add3A_258 : i32 to index
        %get3A_260 = arith.constant 32 : index
        %get3A_261 = tpu.vector_load %arg6[%get3A_259, %get3A_260] {strides = array<i32>} : memref<320x128xf32, #tpu.memory_space<vmem>>, vector<1x16xf32>,
        %get3A_262 = vector.shape_cast %get3A_261 : vector<1x16xf32> to vector<16xf32>
        %add3A_263 = arith.addf %add3A_207, %get3A_262 : vector<16xf32>
        %add3A_264 = arith.constant 3 : i32
        %add3A_265 = arith.addi %mul3A_99, %add3A_264 : i32
        %get3A_266 = arith.index_cast %add3A_265 : i32 to index
        %get3A_267 = arith.constant 48 : index
        %get3A_268 = tpu.vector_load %arg6[%get3A_266, %get3A_267] {strides = array<i32>} : memref<320x128xf32, #tpu.memory_space<vmem>>, vector<1x16xf32>,
        %get3A_269 = vector.shape_cast %get3A_268 : vector<1x16xf32> to vector<16xf32>
        %add3A_270 = arith.addf %add3A_214, %get3A_269 : vector<16xf32>
        %add3A_271 = arith.constant 3 : i32
        %add3A_272 = arith.addi %mul3A_99, %add3A_271 : i32
        %get3A_273 = arith.index_cast %add3A_272 : i32 to index
        %get3A_274 = arith.constant 64 : index
        %get3A_275 = tpu.vector_load %arg6[%get3A_273, %get3A_274] {strides = array<i32>} : memref<320x128xf32, #tpu.memory_space<vmem>>, vector<1x16xf32>,
        %get3A_276 = vector.shape_cast %get3A_275 : vector<1x16xf32> to vector<16xf32>
        %add3A_277 = arith.addf %add3A_221, %get3A_276 : vector<16xf32>
        %add3A_278 = arith.constant 3 : i32
        %add3A_279 = arith.addi %mul3A_99, %add3A_278 : i32
        %get3A_280 = arith.index_cast %add3A_279 : i32 to index
        %get3A_281 = arith.constant 80 : index
        %get3A_282 = tpu.vector_load %arg6[%get3A_280, %get3A_281] {strides = array<i32>} : memref<320x128xf32, #tpu.memory_space<vmem>>, vector<1x16xf32>,
        %get3A_283 = vector.shape_cast %get3A_282 : vector<1x16xf32> to vector<16xf32>
        %add3A_284 = arith.addf %add3A_228, %get3A_283 : vector<16xf32>
        %add3A_285 = arith.constant 3 : i32
        %add3A_286 = arith.addi %mul3A_99, %add3A_285 : i32
        %get3A_287 = arith.index_cast %add3A_286 : i32 to index
        %get3A_288 = arith.constant 96 : index
        %get3A_289 = tpu.vector_load %arg6[%get3A_287, %get3A_288] {strides = array<i32>} : memref<320x128xf32, #tpu.memory_space<vmem>>, vector<1x16xf32>,
        %get3A_290 = vector.shape_cast %get3A_289 : vector<1x16xf32> to vector<16xf32>
        %add3A_291 = arith.addf %add3A_235, %get3A_290 : vector<16xf32>
        %add3A_292 = arith.constant 3 : i32
        %add3A_293 = arith.addi %mul3A_99, %add3A_292 : i32
        %get3A_294 = arith.index_cast %add3A_293 : i32 to index
        %get3A_295 = arith.constant 112 : index
        %get3A_296 = tpu.vector_load %arg6[%get3A_294, %get3A_295] {strides = array<i32>} : memref<320x128xf32, #tpu.memory_space<vmem>>, vector<1x16xf32>,
        %get3A_297 = vector.shape_cast %get3A_296 : vector<1x16xf32> to vector<16xf32>
        %add3A_298 = arith.addf %add3A_242, %get3A_297 : vector<16xf32>
        %add3A_299 = arith.constant 4 : i32
        %add3A_300 = arith.addi %mul3A_99, %add3A_299 : i32
        %get3A_301 = arith.index_cast %add3A_300 : i32 to index
        %get3A_302 = arith.constant 0 : index
        %get3A_303 = tpu.vector_load %arg6[%get3A_301, %get3A_302] {strides = array<i32>} : memref<320x128xf32, #tpu.memory_space<vmem>>, vector<1x16xf32>,
        %get3A_304 = vector.shape_cast %get3A_303 : vector<1x16xf32> to vector<16xf32>
        %add3A_305 = arith.addf %add3A_249, %get3A_304 : vector<16xf32>
        %add3A_306 = arith.constant 4 : i32
        %add3A_307 = arith.addi %mul3A_99, %add3A_306 : i32
        %get3A_308 = arith.index_cast %add3A_307 : i32 to index
        %get3A_309 = arith.constant 16 : index
        %get3A_310 = tpu.vector_load %arg6[%get3A_308, %get3A_309] {strides = array<i32>} : memref<320x128xf32, #tpu.memory_space<vmem>>, vector<1x16xf32>,
        %get3A_311 = vector.shape_cast %get3A_310 : vector<1x16xf32> to vector<16xf32>
        %add3A_312 = arith.addf %add3A_256, %get3A_311 : vector<16xf32>
        %add3A_313 = arith.constant 4 : i32
        %add3A_314 = arith.addi %mul3A_99, %add3A_313 : i32
        %get3A_315 = arith.index_cast %add3A_314 : i32 to index
        %get3A_316 = arith.constant 32 : index
        %get3A_317 = tpu.vector_load %arg6[%get3A_315, %get3A_316] {strides = array<i32>} : memref<320x128xf32, #tpu.memory_space<vmem>>, vector<1x16xf32>,
        %get3A_318 = vector.shape_cast %get3A_317 : vector<1x16xf32> to vector<16xf32>
        %add3A_319 = arith.addf %add3A_263, %get3A_318 : vector<16xf32>
        %add3A_320 = arith.constant 4 : i32
        %add3A_321 = arith.addi %mul3A_99, %add3A_320 : i32
        %get3A_322 = arith.index_cast %add3A_321 : i32 to index
        %get3A_323 = arith.constant 48 : index
        %get3A_324 = tpu.vector_load %arg6[%get3A_322, %get3A_323] {strides = array<i32>} : memref<320x128xf32, #tpu.memory_space<vmem>>, vector<1x16xf32>,
        %get3A_325 = vector.shape_cast %get3A_324 : vector<1x16xf32> to vector<16xf32>
        %add3A_326 = arith.addf %add3A_270, %get3A_325 : vector<16xf32>
        %add3A_327 = arith.constant 4 : i32
        %add3A_328 = arith.addi %mul3A_99, %add3A_327 : i32
        %get3A_329 = arith.index_cast %add3A_328 : i32 to index
        %get3A_330 = arith.constant 64 : index
        %get3A_331 = tpu.vector_load %arg6[%get3A_329, %get3A_330] {strides = array<i32>} : memref<320x128xf32, #tpu.memory_space<vmem>>, vector<1x16xf32>,
        %get3A_332 = vector.shape_cast %get3A_331 : vector<1x16xf32> to vector<16xf32>
        %add3A_333 = arith.addf %add3A_277, %get3A_332 : vector<16xf32>
        %add3A_334 = arith.constant 4 : i32
        %add3A_335 = arith.addi %mul3A_99, %add3A_334 : i32
        %get3A_336 = arith.index_cast %add3A_335 : i32 to index
        %get3A_337 = arith.constant 80 : index
        %get3A_338 = tpu.vector_load %arg6[%get3A_336, %get3A_337] {strides = array<i32>} : memref<320x128xf32, #tpu.memory_space<vmem>>, vector<1x16xf32>,
        %get3A_339 = vector.shape_cast %get3A_338 : vector<1x16xf32> to vector<16xf32>
        %add3A_340 = arith.addf %add3A_284, %get3A_339 : vector<16xf32>
        %add3A_341 = arith.constant 4 : i32
        %add3A_342 = arith.addi %mul3A_99, %add3A_341 : i32
        %get3A_343 = arith.index_cast %add3A_342 : i32 to index
        %get3A_344 = arith.constant 96 : index
        %get3A_345 = tpu.vector_load %arg6[%get3A_343, %get3A_344] {strides = array<i32>} : memref<320x128xf32, #tpu.memory_space<vmem>>, vector<1x16xf32>,
        %get3A_346 = vector.shape_cast %get3A_345 : vector<1x16xf32> to vector<16xf32>
        %add3A_347 = arith.addf %add3A_291, %get3A_346 : vector<16xf32>
        %add3A_348 = arith.constant 4 : i32
        %add3A_349 = arith.addi %mul3A_99, %add3A_348 : i32
        %get3A_350 = arith.index_cast %add3A_349 : i32 to index
        %get3A_351 = arith.constant 112 : index
        %get3A_352 = tpu.vector_load %arg6[%get3A_350, %get3A_351] {strides = array<i32>} : memref<320x128xf32, #tpu.memory_space<vmem>>, vector<1x16xf32>,
        %get3A_353 = vector.shape_cast %get3A_352 : vector<1x16xf32> to vector<16xf32>
        %add3A_354 = arith.addf %add3A_298, %get3A_353 : vector<16xf32>
        %add3A_355 = arith.constant 5 : i32
        %add3A_356 = arith.addi %mul3A_99, %add3A_355 : i32
        %get3A_357 = arith.index_cast %add3A_356 : i32 to index
        %get3A_358 = arith.constant 0 : index
        %get3A_359 = tpu.vector_load %arg6[%get3A_357, %get3A_358] {strides = array<i32>} : memref<320x128xf32, #tpu.memory_space<vmem>>, vector<1x16xf32>,
        %get3A_360 = vector.shape_cast %get3A_359 : vector<1x16xf32> to vector<16xf32>
        %add3A_361 = arith.addf %add3A_305, %get3A_360 : vector<16xf32>
        %add3A_362 = arith.constant 5 : i32
        %add3A_363 = arith.addi %mul3A_99, %add3A_362 : i32
        %get3A_364 = arith.index_cast %add3A_363 : i32 to index
        %get3A_365 = arith.constant 16 : index
        %get3A_366 = tpu.vector_load %arg6[%get3A_364, %get3A_365] {strides = array<i32>} : memref<320x128xf32, #tpu.memory_space<vmem>>, vector<1x16xf32>,
        %get3A_367 = vector.shape_cast %get3A_366 : vector<1x16xf32> to vector<16xf32>
        %add3A_368 = arith.addf %add3A_312, %get3A_367 : vector<16xf32>
        %add3A_369 = arith.constant 5 : i32
        %add3A_370 = arith.addi %mul3A_99, %add3A_369 : i32
        %get3A_371 = arith.index_cast %add3A_370 : i32 to index
        %get3A_372 = arith.constant 32 : index
        %get3A_373 = tpu.vector_load %arg6[%get3A_371, %get3A_372] {strides = array<i32>} : memref<320x128xf32, #tpu.memory_space<vmem>>, vector<1x16xf32>,
        %get3A_374 = vector.shape_cast %get3A_373 : vector<1x16xf32> to vector<16xf32>
        %add3A_375 = arith.addf %add3A_319, %get3A_374 : vector<16xf32>
        %add3A_376 = arith.constant 5 : i32
        %add3A_377 = arith.addi %mul3A_99, %add3A_376 : i32
        %get3A_378 = arith.index_cast %add3A_377 : i32 to index
        %get3A_379 = arith.constant 48 : index
        %get3A_380 = tpu.vector_load %arg6[%get3A_378, %get3A_379] {strides = array<i32>} : memref<320x128xf32, #tpu.memory_space<vmem>>, vector<1x16xf32>,
        %get3A_381 = vector.shape_cast %get3A_380 : vector<1x16xf32> to vector<16xf32>
        %add3A_382 = arith.addf %add3A_326, %get3A_381 : vector<16xf32>
        %add3A_383 = arith.constant 5 : i32
        %add3A_384 = arith.addi %mul3A_99, %add3A_383 : i32
        %get3A_385 = arith.index_cast %add3A_384 : i32 to index
        %get3A_386 = arith.constant 64 : index
        %get3A_387 = tpu.vector_load %arg6[%get3A_385, %get3A_386] {strides = array<i32>} : memref<320x128xf32, #tpu.memory_space<vmem>>, vector<1x16xf32>,
        %get3A_388 = vector.shape_cast %get3A_387 : vector<1x16xf32> to vector<16xf32>
        %add3A_389 = arith.addf %add3A_333, %get3A_388 : vector<16xf32>
        %add3A_390 = arith.constant 5 : i32
        %add3A_391 = arith.addi %mul3A_99, %add3A_390 : i32
        %get3A_392 = arith.index_cast %add3A_391 : i32 to index
        %get3A_393 = arith.constant 80 : index
        %get3A_394 = tpu.vector_load %arg6[%get3A_392, %get3A_393] {strides = array<i32>} : memref<320x128xf32, #tpu.memory_space<vmem>>, vector<1x16xf32>,
        %get3A_395 = vector.shape_cast %get3A_394 : vector<1x16xf32> to vector<16xf32>
        %add3A_396 = arith.addf %add3A_340, %get3A_395 : vector<16xf32>
        %add3A_397 = arith.constant 5 : i32
        %add3A_398 = arith.addi %mul3A_99, %add3A_397 : i32
        %get3A_399 = arith.index_cast %add3A_398 : i32 to index
        %get3A_400 = arith.constant 96 : index
        %get3A_401 = tpu.vector_load %arg6[%get3A_399, %get3A_400] {strides = array<i32>} : memref<320x128xf32, #tpu.memory_space<vmem>>, vector<1x16xf32>,
        %get3A_402 = vector.shape_cast %get3A_401 : vector<1x16xf32> to vector<16xf32>
        %add3A_403 = arith.addf %add3A_347, %get3A_402 : vector<16xf32>
        %add3A_404 = arith.constant 5 : i32
        %add3A_405 = arith.addi %mul3A_99, %add3A_404 : i32
        %get3A_406 = arith.index_cast %add3A_405 : i32 to index
        %get3A_407 = arith.constant 112 : index
        %get3A_408 = tpu.vector_load %arg6[%get3A_406, %get3A_407] {strides = array<i32>} : memref<320x128xf32, #tpu.memory_space<vmem>>, vector<1x16xf32>,
        %get3A_409 = vector.shape_cast %get3A_408 : vector<1x16xf32> to vector<16xf32>
        %add3A_410 = arith.addf %add3A_354, %get3A_409 : vector<16xf32>
        %add3A_411 = arith.constant 6 : i32
        %add3A_412 = arith.addi %mul3A_99, %add3A_411 : i32
        %get3A_413 = arith.index_cast %add3A_412 : i32 to index
        %get3A_414 = arith.constant 0 : index
        %get3A_415 = tpu.vector_load %arg6[%get3A_413, %get3A_414] {strides = array<i32>} : memref<320x128xf32, #tpu.memory_space<vmem>>, vector<1x16xf32>,
        %get3A_416 = vector.shape_cast %get3A_415 : vector<1x16xf32> to vector<16xf32>
        %add3A_417 = arith.addf %add3A_361, %get3A_416 : vector<16xf32>
        %add3A_418 = arith.constant 6 : i32
        %add3A_419 = arith.addi %mul3A_99, %add3A_418 : i32
        %get3A_420 = arith.index_cast %add3A_419 : i32 to index
        %get3A_421 = arith.constant 16 : index
        %get3A_422 = tpu.vector_load %arg6[%get3A_420, %get3A_421] {strides = array<i32>} : memref<320x128xf32, #tpu.memory_space<vmem>>, vector<1x16xf32>,
        %get3A_423 = vector.shape_cast %get3A_422 : vector<1x16xf32> to vector<16xf32>
        %add3A_424 = arith.addf %add3A_368, %get3A_423 : vector<16xf32>
        %add3A_425 = arith.constant 6 : i32
        %add3A_426 = arith.addi %mul3A_99, %add3A_425 : i32
        %get3A_427 = arith.index_cast %add3A_426 : i32 to index
        %get3A_428 = arith.constant 32 : index
        %get3A_429 = tpu.vector_load %arg6[%get3A_427, %get3A_428] {strides = array<i32>} : memref<320x128xf32, #tpu.memory_space<vmem>>, vector<1x16xf32>,
        %get3A_430 = vector.shape_cast %get3A_429 : vector<1x16xf32> to vector<16xf32>
        %add3A_431 = arith.addf %add3A_375, %get3A_430 : vector<16xf32>
        %add3A_432 = arith.constant 6 : i32
        %add3A_433 = arith.addi %mul3A_99, %add3A_432 : i32
        %get3A_434 = arith.index_cast %add3A_433 : i32 to index
        %get3A_435 = arith.constant 48 : index
        %get3A_436 = tpu.vector_load %arg6[%get3A_434, %get3A_435] {strides = array<i32>} : memref<320x128xf32, #tpu.memory_space<vmem>>, vector<1x16xf32>,
        %get3A_437 = vector.shape_cast %get3A_436 : vector<1x16xf32> to vector<16xf32>
        %add3A_438 = arith.addf %add3A_382, %get3A_437 : vector<16xf32>
        %add3A_439 = arith.constant 6 : i32
        %add3A_440 = arith.addi %mul3A_99, %add3A_439 : i32
        %get3A_441 = arith.index_cast %add3A_440 : i32 to index
        %get3A_442 = arith.constant 64 : index
        %get3A_443 = tpu.vector_load %arg6[%get3A_441, %get3A_442] {strides = array<i32>} : memref<320x128xf32, #tpu.memory_space<vmem>>, vector<1x16xf32>,
        %get3A_444 = vector.shape_cast %get3A_443 : vector<1x16xf32> to vector<16xf32>
        %add3A_445 = arith.addf %add3A_389, %get3A_444 : vector<16xf32>
        %add3A_446 = arith.constant 6 : i32
        %add3A_447 = arith.addi %mul3A_99, %add3A_446 : i32
        %get3A_448 = arith.index_cast %add3A_447 : i32 to index
        %get3A_449 = arith.constant 80 : index
        %get3A_450 = tpu.vector_load %arg6[%get3A_448, %get3A_449] {strides = array<i32>} : memref<320x128xf32, #tpu.memory_space<vmem>>, vector<1x16xf32>,
        %get3A_451 = vector.shape_cast %get3A_450 : vector<1x16xf32> to vector<16xf32>
        %add3A_452 = arith.addf %add3A_396, %get3A_451 : vector<16xf32>
        %add3A_453 = arith.constant 6 : i32
        %add3A_454 = arith.addi %mul3A_99, %add3A_453 : i32
        %get3A_455 = arith.index_cast %add3A_454 : i32 to index
        %get3A_456 = arith.constant 96 : index
        %get3A_457 = tpu.vector_load %arg6[%get3A_455, %get3A_456] {strides = array<i32>} : memref<320x128xf32, #tpu.memory_space<vmem>>, vector<1x16xf32>,
        %get3A_458 = vector.shape_cast %get3A_457 : vector<1x16xf32> to vector<16xf32>
        %add3A_459 = arith.addf %add3A_403, %get3A_458 : vector<16xf32>
        %add3A_460 = arith.constant 6 : i32
        %add3A_461 = arith.addi %mul3A_99, %add3A_460 : i32
        %get3A_462 = arith.index_cast %add3A_461 : i32 to index
        %get3A_463 = arith.constant 112 : index
        %get3A_464 = tpu.vector_load %arg6[%get3A_462, %get3A_463] {strides = array<i32>} : memref<320x128xf32, #tpu.memory_space<vmem>>, vector<1x16xf32>,
        %get3A_465 = vector.shape_cast %get3A_464 : vector<1x16xf32> to vector<16xf32>
        %add3A_466 = arith.addf %add3A_410, %get3A_465 : vector<16xf32>
        %add3A_467 = arith.constant 7 : i32
        %add3A_468 = arith.addi %mul3A_99, %add3A_467 : i32
        %get3A_469 = arith.index_cast %add3A_468 : i32 to index
        %get3A_470 = arith.constant 0 : index
        %get3A_471 = tpu.vector_load %arg6[%get3A_469, %get3A_470] {strides = array<i32>} : memref<320x128xf32, #tpu.memory_space<vmem>>, vector<1x16xf32>,
        %get3A_472 = vector.shape_cast %get3A_471 : vector<1x16xf32> to vector<16xf32>
        %add3A_473 = arith.addf %add3A_417, %get3A_472 : vector<16xf32>
        %add3A_474 = arith.constant 7 : i32
        %add3A_475 = arith.addi %mul3A_99, %add3A_474 : i32
        %get3A_476 = arith.index_cast %add3A_475 : i32 to index
        %get3A_477 = arith.constant 16 : index
        %get3A_478 = tpu.vector_load %arg6[%get3A_476, %get3A_477] {strides = array<i32>} : memref<320x128xf32, #tpu.memory_space<vmem>>, vector<1x16xf32>,
        %get3A_479 = vector.shape_cast %get3A_478 : vector<1x16xf32> to vector<16xf32>
        %add3A_480 = arith.addf %add3A_424, %get3A_479 : vector<16xf32>
        %add3A_481 = arith.constant 7 : i32
        %add3A_482 = arith.addi %mul3A_99, %add3A_481 : i32
        %get3A_483 = arith.index_cast %add3A_482 : i32 to index
        %get3A_484 = arith.constant 32 : index
        %get3A_485 = tpu.vector_load %arg6[%get3A_483, %get3A_484] {strides = array<i32>} : memref<320x128xf32, #tpu.memory_space<vmem>>, vector<1x16xf32>,
        %get3A_486 = vector.shape_cast %get3A_485 : vector<1x16xf32> to vector<16xf32>
        %add3A_487 = arith.addf %add3A_431, %get3A_486 : vector<16xf32>
        %add3A_488 = arith.constant 7 : i32
        %add3A_489 = arith.addi %mul3A_99, %add3A_488 : i32
        %get3A_490 = arith.index_cast %add3A_489 : i32 to index
        %get3A_491 = arith.constant 48 : index
        %get3A_492 = tpu.vector_load %arg6[%get3A_490, %get3A_491] {strides = array<i32>} : memref<320x128xf32, #tpu.memory_space<vmem>>, vector<1x16xf32>,
        %get3A_493 = vector.shape_cast %get3A_492 : vector<1x16xf32> to vector<16xf32>
        %add3A_494 = arith.addf %add3A_438, %get3A_493 : vector<16xf32>
        %add3A_495 = arith.constant 7 : i32
        %add3A_496 = arith.addi %mul3A_99, %add3A_495 : i32
        %get3A_497 = arith.index_cast %add3A_496 : i32 to index
        %get3A_498 = arith.constant 64 : index
        %get3A_499 = tpu.vector_load %arg6[%get3A_497, %get3A_498] {strides = array<i32>} : memref<320x128xf32, #tpu.memory_space<vmem>>, vector<1x16xf32>,
        %get3A_500 = vector.shape_cast %get3A_499 : vector<1x16xf32> to vector<16xf32>
        %add3A_501 = arith.addf %add3A_445, %get3A_500 : vector<16xf32>
        %add3A_502 = arith.constant 7 : i32
        %add3A_503 = arith.addi %mul3A_99, %add3A_502 : i32
        %get3A_504 = arith.index_cast %add3A_503 : i32 to index
        %get3A_505 = arith.constant 80 : index
        %get3A_506 = tpu.vector_load %arg6[%get3A_504, %get3A_505] {strides = array<i32>} : memref<320x128xf32, #tpu.memory_space<vmem>>, vector<1x16xf32>,
        %get3A_507 = vector.shape_cast %get3A_506 : vector<1x16xf32> to vector<16xf32>
        %add3A_508 = arith.addf %add3A_452, %get3A_507 : vector<16xf32>
        %add3A_509 = arith.constant 7 : i32
        %add3A_510 = arith.addi %mul3A_99, %add3A_509 : i32
        %get3A_511 = arith.index_cast %add3A_510 : i32 to index
        %get3A_512 = arith.constant 96 : index
        %get3A_513 = tpu.vector_load %arg6[%get3A_511, %get3A_512] {strides = array<i32>} : memref<320x128xf32, #tpu.memory_space<vmem>>, vector<1x16xf32>,
        %get3A_514 = vector.shape_cast %get3A_513 : vector<1x16xf32> to vector<16xf32>
        %add3A_515 = arith.addf %add3A_459, %get3A_514 : vector<16xf32>
        %add3A_516 = arith.constant 7 : i32
        %add3A_517 = arith.addi %mul3A_99, %add3A_516 : i32
        %get3A_518 = arith.index_cast %add3A_517 : i32 to index
        %get3A_519 = arith.constant 112 : index
        %get3A_520 = tpu.vector_load %arg6[%get3A_518, %get3A_519] {strides = array<i32>} : memref<320x128xf32, #tpu.memory_space<vmem>>, vector<1x16xf32>,
        %get3A_521 = vector.shape_cast %get3A_520 : vector<1x16xf32> to vector<16xf32>
        %add3A_522 = arith.addf %add3A_466, %get3A_521 : vector<16xf32>
        %add3A_523 = arith.constant 8 : i32
        %add3A_524 = arith.addi %mul3A_99, %add3A_523 : i32
        %get3A_525 = arith.index_cast %add3A_524 : i32 to index
        %get3A_526 = arith.constant 0 : index
        %get3A_527 = tpu.vector_load %arg6[%get3A_525, %get3A_526] {strides = array<i32>} : memref<320x128xf32, #tpu.memory_space<vmem>>, vector<1x16xf32>,
        %get3A_528 = vector.shape_cast %get3A_527 : vector<1x16xf32> to vector<16xf32>
        %add3A_529 = arith.addf %add3A_473, %get3A_528 : vector<16xf32>
        %add3A_530 = arith.constant 8 : i32
        %add3A_531 = arith.addi %mul3A_99, %add3A_530 : i32
        %get3A_532 = arith.index_cast %add3A_531 : i32 to index
        %get3A_533 = arith.constant 16 : index
        %get3A_534 = tpu.vector_load %arg6[%get3A_532, %get3A_533] {strides = array<i32>} : memref<320x128xf32, #tpu.memory_space<vmem>>, vector<1x16xf32>,
        %get3A_535 = vector.shape_cast %get3A_534 : vector<1x16xf32> to vector<16xf32>
        %add3A_536 = arith.addf %add3A_480, %get3A_535 : vector<16xf32>
        %add3A_537 = arith.constant 8 : i32
        %add3A_538 = arith.addi %mul3A_99, %add3A_537 : i32
        %get3A_539 = arith.index_cast %add3A_538 : i32 to index
        %get3A_540 = arith.constant 32 : index
        %get3A_541 = tpu.vector_load %arg6[%get3A_539, %get3A_540] {strides = array<i32>} : memref<320x128xf32, #tpu.memory_space<vmem>>, vector<1x16xf32>,
        %get3A_542 = vector.shape_cast %get3A_541 : vector<1x16xf32> to vector<16xf32>
        %add3A_543 = arith.addf %add3A_487, %get3A_542 : vector<16xf32>
        %add3A_544 = arith.constant 8 : i32
        %add3A_545 = arith.addi %mul3A_99, %add3A_544 : i32
        %get3A_546 = arith.index_cast %add3A_545 : i32 to index
        %get3A_547 = arith.constant 48 : index
        %get3A_548 = tpu.vector_load %arg6[%get3A_546, %get3A_547] {strides = array<i32>} : memref<320x128xf32, #tpu.memory_space<vmem>>, vector<1x16xf32>,
        %get3A_549 = vector.shape_cast %get3A_548 : vector<1x16xf32> to vector<16xf32>
        %add3A_550 = arith.addf %add3A_494, %get3A_549 : vector<16xf32>
        %add3A_551 = arith.constant 8 : i32
        %add3A_552 = arith.addi %mul3A_99, %add3A_551 : i32
        %get3A_553 = arith.index_cast %add3A_552 : i32 to index
        %get3A_554 = arith.constant 64 : index
        %get3A_555 = tpu.vector_load %arg6[%get3A_553, %get3A_554] {strides = array<i32>} : memref<320x128xf32, #tpu.memory_space<vmem>>, vector<1x16xf32>,
        %get3A_556 = vector.shape_cast %get3A_555 : vector<1x16xf32> to vector<16xf32>
        %add3A_557 = arith.addf %add3A_501, %get3A_556 : vector<16xf32>
        %add3A_558 = arith.constant 8 : i32
        %add3A_559 = arith.addi %mul3A_99, %add3A_558 : i32
        %get3A_560 = arith.index_cast %add3A_559 : i32 to index
        %get3A_561 = arith.constant 80 : index
        %get3A_562 = tpu.vector_load %arg6[%get3A_560, %get3A_561] {strides = array<i32>} : memref<320x128xf32, #tpu.memory_space<vmem>>, vector<1x16xf32>,
        %get3A_563 = vector.shape_cast %get3A_562 : vector<1x16xf32> to vector<16xf32>
        %add3A_564 = arith.addf %add3A_508, %get3A_563 : vector<16xf32>
        %add3A_565 = arith.constant 8 : i32
        %add3A_566 = arith.addi %mul3A_99, %add3A_565 : i32
        %get3A_567 = arith.index_cast %add3A_566 : i32 to index
        %get3A_568 = arith.constant 96 : index
        %get3A_569 = tpu.vector_load %arg6[%get3A_567, %get3A_568] {strides = array<i32>} : memref<320x128xf32, #tpu.memory_space<vmem>>, vector<1x16xf32>,
        %get3A_570 = vector.shape_cast %get3A_569 : vector<1x16xf32> to vector<16xf32>
        %add3A_571 = arith.addf %add3A_515, %get3A_570 : vector<16xf32>
        %add3A_572 = arith.constant 8 : i32
        %add3A_573 = arith.addi %mul3A_99, %add3A_572 : i32
        %get3A_574 = arith.index_cast %add3A_573 : i32 to index
        %get3A_575 = arith.constant 112 : index
        %get3A_576 = tpu.vector_load %arg6[%get3A_574, %get3A_575] {strides = array<i32>} : memref<320x128xf32, #tpu.memory_space<vmem>>, vector<1x16xf32>,
        %get3A_577 = vector.shape_cast %get3A_576 : vector<1x16xf32> to vector<16xf32>
        %add3A_578 = arith.addf %add3A_522, %get3A_577 : vector<16xf32>
        %add3A_579 = arith.constant 9 : i32
        %add3A_580 = arith.addi %mul3A_99, %add3A_579 : i32
        %get3A_581 = arith.index_cast %add3A_580 : i32 to index
        %get3A_582 = arith.constant 0 : index
        %get3A_583 = tpu.vector_load %arg6[%get3A_581, %get3A_582] {strides = array<i32>} : memref<320x128xf32, #tpu.memory_space<vmem>>, vector<1x16xf32>,
        %get3A_584 = vector.shape_cast %get3A_583 : vector<1x16xf32> to vector<16xf32>
        %add3A_585 = arith.addf %add3A_529, %get3A_584 : vector<16xf32>
        %add3A_586 = arith.constant 9 : i32
        %add3A_587 = arith.addi %mul3A_99, %add3A_586 : i32
        %get3A_588 = arith.index_cast %add3A_587 : i32 to index
        %get3A_589 = arith.constant 16 : index
        %get3A_590 = tpu.vector_load %arg6[%get3A_588, %get3A_589] {strides = array<i32>} : memref<320x128xf32, #tpu.memory_space<vmem>>, vector<1x16xf32>,
        %get3A_591 = vector.shape_cast %get3A_590 : vector<1x16xf32> to vector<16xf32>
        %add3A_592 = arith.addf %add3A_536, %get3A_591 : vector<16xf32>
        %add3A_593 = arith.constant 9 : i32
        %add3A_594 = arith.addi %mul3A_99, %add3A_593 : i32
        %get3A_595 = arith.index_cast %add3A_594 : i32 to index
        %get3A_596 = arith.constant 32 : index
        %get3A_597 = tpu.vector_load %arg6[%get3A_595, %get3A_596] {strides = array<i32>} : memref<320x128xf32, #tpu.memory_space<vmem>>, vector<1x16xf32>,
        %get3A_598 = vector.shape_cast %get3A_597 : vector<1x16xf32> to vector<16xf32>
        %add3A_599 = arith.addf %add3A_543, %get3A_598 : vector<16xf32>
        %add3A_600 = arith.constant 9 : i32
        %add3A_601 = arith.addi %mul3A_99, %add3A_600 : i32
        %get3A_602 = arith.index_cast %add3A_601 : i32 to index
        %get3A_603 = arith.constant 48 : index
        %get3A_604 = tpu.vector_load %arg6[%get3A_602, %get3A_603] {strides = array<i32>} : memref<320x128xf32, #tpu.memory_space<vmem>>, vector<1x16xf32>,
        %get3A_605 = vector.shape_cast %get3A_604 : vector<1x16xf32> to vector<16xf32>
        %add3A_606 = arith.addf %add3A_550, %get3A_605 : vector<16xf32>
        %add3A_607 = arith.constant 9 : i32
        %add3A_608 = arith.addi %mul3A_99, %add3A_607 : i32
        %get3A_609 = arith.index_cast %add3A_608 : i32 to index
        %get3A_610 = arith.constant 64 : index
        %get3A_611 = tpu.vector_load %arg6[%get3A_609, %get3A_610] {strides = array<i32>} : memref<320x128xf32, #tpu.memory_space<vmem>>, vector<1x16xf32>,
        %get3A_612 = vector.shape_cast %get3A_611 : vector<1x16xf32> to vector<16xf32>
        %add3A_613 = arith.addf %add3A_557, %get3A_612 : vector<16xf32>
        %add3A_614 = arith.constant 9 : i32
        %add3A_615 = arith.addi %mul3A_99, %add3A_614 : i32
        %get3A_616 = arith.index_cast %add3A_615 : i32 to index
        %get3A_617 = arith.constant 80 : index
        %get3A_618 = tpu.vector_load %arg6[%get3A_616, %get3A_617] {strides = array<i32>} : memref<320x128xf32, #tpu.memory_space<vmem>>, vector<1x16xf32>,
        %get3A_619 = vector.shape_cast %get3A_618 : vector<1x16xf32> to vector<16xf32>
        %add3A_620 = arith.addf %add3A_564, %get3A_619 : vector<16xf32>
        %add3A_621 = arith.constant 9 : i32
        %add3A_622 = arith.addi %mul3A_99, %add3A_621 : i32
        %get3A_623 = arith.index_cast %add3A_622 : i32 to index
        %get3A_624 = arith.constant 96 : index
        %get3A_625 = tpu.vector_load %arg6[%get3A_623, %get3A_624] {strides = array<i32>} : memref<320x128xf32, #tpu.memory_space<vmem>>, vector<1x16xf32>,
        %get3A_626 = vector.shape_cast %get3A_625 : vector<1x16xf32> to vector<16xf32>
        %add3A_627 = arith.addf %add3A_571, %get3A_626 : vector<16xf32>
        %add3A_628 = arith.constant 9 : i32
        %add3A_629 = arith.addi %mul3A_99, %add3A_628 : i32
        %get3A_630 = arith.index_cast %add3A_629 : i32 to index
        %get3A_631 = arith.constant 112 : index
        %get3A_632 = tpu.vector_load %arg6[%get3A_630, %get3A_631] {strides = array<i32>} : memref<320x128xf32, #tpu.memory_space<vmem>>, vector<1x16xf32>,
        %get3A_633 = vector.shape_cast %get3A_632 : vector<1x16xf32> to vector<16xf32>
        %add3A_634 = arith.addf %add3A_578, %get3A_633 : vector<16xf32>
        %add3A_635 = arith.constant 10 : i32
        %add3A_636 = arith.addi %mul3A_99, %add3A_635 : i32
        %get3A_637 = arith.index_cast %add3A_636 : i32 to index
        %get3A_638 = arith.constant 0 : index
        %get3A_639 = tpu.vector_load %arg6[%get3A_637, %get3A_638] {strides = array<i32>} : memref<320x128xf32, #tpu.memory_space<vmem>>, vector<1x16xf32>,
        %get3A_640 = vector.shape_cast %get3A_639 : vector<1x16xf32> to vector<16xf32>
        %add3A_641 = arith.addf %add3A_585, %get3A_640 : vector<16xf32>
        %add3A_642 = arith.constant 10 : i32
        %add3A_643 = arith.addi %mul3A_99, %add3A_642 : i32
        %get3A_644 = arith.index_cast %add3A_643 : i32 to index
        %get3A_645 = arith.constant 16 : index
        %get3A_646 = tpu.vector_load %arg6[%get3A_644, %get3A_645] {strides = array<i32>} : memref<320x128xf32, #tpu.memory_space<vmem>>, vector<1x16xf32>,
        %get3A_647 = vector.shape_cast %get3A_646 : vector<1x16xf32> to vector<16xf32>
        %add3A_648 = arith.addf %add3A_592, %get3A_647 : vector<16xf32>
        %add3A_649 = arith.constant 10 : i32
        %add3A_650 = arith.addi %mul3A_99, %add3A_649 : i32
        %get3A_651 = arith.index_cast %add3A_650 : i32 to index
        %get3A_652 = arith.constant 32 : index
        %get3A_653 = tpu.vector_load %arg6[%get3A_651, %get3A_652] {strides = array<i32>} : memref<320x128xf32, #tpu.memory_space<vmem>>, vector<1x16xf32>,
        %get3A_654 = vector.shape_cast %get3A_653 : vector<1x16xf32> to vector<16xf32>
        %add3A_655 = arith.addf %add3A_599, %get3A_654 : vector<16xf32>
        %add3A_656 = arith.constant 10 : i32
        %add3A_657 = arith.addi %mul3A_99, %add3A_656 : i32
        %get3A_658 = arith.index_cast %add3A_657 : i32 to index
        %get3A_659 = arith.constant 48 : index
        %get3A_660 = tpu.vector_load %arg6[%get3A_658, %get3A_659] {strides = array<i32>} : memref<320x128xf32, #tpu.memory_space<vmem>>, vector<1x16xf32>,
        %get3A_661 = vector.shape_cast %get3A_660 : vector<1x16xf32> to vector<16xf32>
        %add3A_662 = arith.addf %add3A_606, %get3A_661 : vector<16xf32>
        %add3A_663 = arith.constant 10 : i32
        %add3A_664 = arith.addi %mul3A_99, %add3A_663 : i32
        %get3A_665 = arith.index_cast %add3A_664 : i32 to index
        %get3A_666 = arith.constant 64 : index
        %get3A_667 = tpu.vector_load %arg6[%get3A_665, %get3A_666] {strides = array<i32>} : memref<320x128xf32, #tpu.memory_space<vmem>>, vector<1x16xf32>,
        %get3A_668 = vector.shape_cast %get3A_667 : vector<1x16xf32> to vector<16xf32>
        %add3A_669 = arith.addf %add3A_613, %get3A_668 : vector<16xf32>
        %add3A_670 = arith.constant 10 : i32
        %add3A_671 = arith.addi %mul3A_99, %add3A_670 : i32
        %get3A_672 = arith.index_cast %add3A_671 : i32 to index
        %get3A_673 = arith.constant 80 : index
        %get3A_674 = tpu.vector_load %arg6[%get3A_672, %get3A_673] {strides = array<i32>} : memref<320x128xf32, #tpu.memory_space<vmem>>, vector<1x16xf32>,
        %get3A_675 = vector.shape_cast %get3A_674 : vector<1x16xf32> to vector<16xf32>
        %add3A_676 = arith.addf %add3A_620, %get3A_675 : vector<16xf32>
        %add3A_677 = arith.constant 10 : i32
        %add3A_678 = arith.addi %mul3A_99, %add3A_677 : i32
        %get3A_679 = arith.index_cast %add3A_678 : i32 to index
        %get3A_680 = arith.constant 96 : index
        %get3A_681 = tpu.vector_load %arg6[%get3A_679, %get3A_680] {strides = array<i32>} : memref<320x128xf32, #tpu.memory_space<vmem>>, vector<1x16xf32>,
        %get3A_682 = vector.shape_cast %get3A_681 : vector<1x16xf32> to vector<16xf32>
        %add3A_683 = arith.addf %add3A_627, %get3A_682 : vector<16xf32>
        %add3A_684 = arith.constant 10 : i32
        %add3A_685 = arith.addi %mul3A_99, %add3A_684 : i32
        %get3A_686 = arith.index_cast %add3A_685 : i32 to index
        %get3A_687 = arith.constant 112 : index
        %get3A_688 = tpu.vector_load %arg6[%get3A_686, %get3A_687] {strides = array<i32>} : memref<320x128xf32, #tpu.memory_space<vmem>>, vector<1x16xf32>,
        %get3A_689 = vector.shape_cast %get3A_688 : vector<1x16xf32> to vector<16xf32>
        %add3A_690 = arith.addf %add3A_634, %get3A_689 : vector<16xf32>
        %add3A_691 = arith.constant 11 : i32
        %add3A_692 = arith.addi %mul3A_99, %add3A_691 : i32
        %get3A_693 = arith.index_cast %add3A_692 : i32 to index
        %get3A_694 = arith.constant 0 : index
        %get3A_695 = tpu.vector_load %arg6[%get3A_693, %get3A_694] {strides = array<i32>} : memref<320x128xf32, #tpu.memory_space<vmem>>, vector<1x16xf32>,
        %get3A_696 = vector.shape_cast %get3A_695 : vector<1x16xf32> to vector<16xf32>
        %add3A_697 = arith.addf %add3A_641, %get3A_696 : vector<16xf32>
        %add3A_698 = arith.constant 11 : i32
        %add3A_699 = arith.addi %mul3A_99, %add3A_698 : i32
        %get3A_700 = arith.index_cast %add3A_699 : i32 to index
        %get3A_701 = arith.constant 16 : index
        %get3A_702 = tpu.vector_load %arg6[%get3A_700, %get3A_701] {strides = array<i32>} : memref<320x128xf32, #tpu.memory_space<vmem>>, vector<1x16xf32>,
        %get3A_703 = vector.shape_cast %get3A_702 : vector<1x16xf32> to vector<16xf32>
        %add3A_704 = arith.addf %add3A_648, %get3A_703 : vector<16xf32>
        %add3A_705 = arith.constant 11 : i32
        %add3A_706 = arith.addi %mul3A_99, %add3A_705 : i32
        %get3A_707 = arith.index_cast %add3A_706 : i32 to index
        %get3A_708 = arith.constant 32 : index
        %get3A_709 = tpu.vector_load %arg6[%get3A_707, %get3A_708] {strides = array<i32>} : memref<320x128xf32, #tpu.memory_space<vmem>>, vector<1x16xf32>,
        %get3A_710 = vector.shape_cast %get3A_709 : vector<1x16xf32> to vector<16xf32>
        %add3A_711 = arith.addf %add3A_655, %get3A_710 : vector<16xf32>
        %add3A_712 = arith.constant 11 : i32
        %add3A_713 = arith.addi %mul3A_99, %add3A_712 : i32
        %get3A_714 = arith.index_cast %add3A_713 : i32 to index
        %get3A_715 = arith.constant 48 : index
        %get3A_716 = tpu.vector_load %arg6[%get3A_714, %get3A_715] {strides = array<i32>} : memref<320x128xf32, #tpu.memory_space<vmem>>, vector<1x16xf32>,
        %get3A_717 = vector.shape_cast %get3A_716 : vector<1x16xf32> to vector<16xf32>
        %add3A_718 = arith.addf %add3A_662, %get3A_717 : vector<16xf32>
        %add3A_719 = arith.constant 11 : i32
        %add3A_720 = arith.addi %mul3A_99, %add3A_719 : i32
        %get3A_721 = arith.index_cast %add3A_720 : i32 to index
        %get3A_722 = arith.constant 64 : index
        %get3A_723 = tpu.vector_load %arg6[%get3A_721, %get3A_722] {strides = array<i32>} : memref<320x128xf32, #tpu.memory_space<vmem>>, vector<1x16xf32>,
        %get3A_724 = vector.shape_cast %get3A_723 : vector<1x16xf32> to vector<16xf32>
        %add3A_725 = arith.addf %add3A_669, %get3A_724 : vector<16xf32>
        %add3A_726 = arith.constant 11 : i32
        %add3A_727 = arith.addi %mul3A_99, %add3A_726 : i32
        %get3A_728 = arith.index_cast %add3A_727 : i32 to index
        %get3A_729 = arith.constant 80 : index
        %get3A_730 = tpu.vector_load %arg6[%get3A_728, %get3A_729] {strides = array<i32>} : memref<320x128xf32, #tpu.memory_space<vmem>>, vector<1x16xf32>,
        %get3A_731 = vector.shape_cast %get3A_730 : vector<1x16xf32> to vector<16xf32>
        %add3A_732 = arith.addf %add3A_676, %get3A_731 : vector<16xf32>
        %add3A_733 = arith.constant 11 : i32
        %add3A_734 = arith.addi %mul3A_99, %add3A_733 : i32
        %get3A_735 = arith.index_cast %add3A_734 : i32 to index
        %get3A_736 = arith.constant 96 : index
        %get3A_737 = tpu.vector_load %arg6[%get3A_735, %get3A_736] {strides = array<i32>} : memref<320x128xf32, #tpu.memory_space<vmem>>, vector<1x16xf32>,
        %get3A_738 = vector.shape_cast %get3A_737 : vector<1x16xf32> to vector<16xf32>
        %add3A_739 = arith.addf %add3A_683, %get3A_738 : vector<16xf32>
        %add3A_740 = arith.constant 11 : i32
        %add3A_741 = arith.addi %mul3A_99, %add3A_740 : i32
        %get3A_742 = arith.index_cast %add3A_741 : i32 to index
        %get3A_743 = arith.constant 112 : index
        %get3A_744 = tpu.vector_load %arg6[%get3A_742, %get3A_743] {strides = array<i32>} : memref<320x128xf32, #tpu.memory_space<vmem>>, vector<1x16xf32>,
        %get3A_745 = vector.shape_cast %get3A_744 : vector<1x16xf32> to vector<16xf32>
        %add3A_746 = arith.addf %add3A_690, %get3A_745 : vector<16xf32>
        %add3A_747 = arith.constant 12 : i32
        %add3A_748 = arith.addi %mul3A_99, %add3A_747 : i32
        %get3A_749 = arith.index_cast %add3A_748 : i32 to index
        %get3A_750 = arith.constant 0 : index
        %get3A_751 = tpu.vector_load %arg6[%get3A_749, %get3A_750] {strides = array<i32>} : memref<320x128xf32, #tpu.memory_space<vmem>>, vector<1x16xf32>,
        %get3A_752 = vector.shape_cast %get3A_751 : vector<1x16xf32> to vector<16xf32>
        %add3A_753 = arith.addf %add3A_697, %get3A_752 : vector<16xf32>
        %add3A_754 = arith.constant 12 : i32
        %add3A_755 = arith.addi %mul3A_99, %add3A_754 : i32
        %get3A_756 = arith.index_cast %add3A_755 : i32 to index
        %get3A_757 = arith.constant 16 : index
        %get3A_758 = tpu.vector_load %arg6[%get3A_756, %get3A_757] {strides = array<i32>} : memref<320x128xf32, #tpu.memory_space<vmem>>, vector<1x16xf32>,
        %get3A_759 = vector.shape_cast %get3A_758 : vector<1x16xf32> to vector<16xf32>
        %add3A_760 = arith.addf %add3A_704, %get3A_759 : vector<16xf32>
        %add3A_761 = arith.constant 12 : i32
        %add3A_762 = arith.addi %mul3A_99, %add3A_761 : i32
        %get3A_763 = arith.index_cast %add3A_762 : i32 to index
        %get3A_764 = arith.constant 32 : index
        %get3A_765 = tpu.vector_load %arg6[%get3A_763, %get3A_764] {strides = array<i32>} : memref<320x128xf32, #tpu.memory_space<vmem>>, vector<1x16xf32>,
        %get3A_766 = vector.shape_cast %get3A_765 : vector<1x16xf32> to vector<16xf32>
        %add3A_767 = arith.addf %add3A_711, %get3A_766 : vector<16xf32>
        %add3A_768 = arith.constant 12 : i32
        %add3A_769 = arith.addi %mul3A_99, %add3A_768 : i32
        %get3A_770 = arith.index_cast %add3A_769 : i32 to index
        %get3A_771 = arith.constant 48 : index
        %get3A_772 = tpu.vector_load %arg6[%get3A_770, %get3A_771] {strides = array<i32>} : memref<320x128xf32, #tpu.memory_space<vmem>>, vector<1x16xf32>,
        %get3A_773 = vector.shape_cast %get3A_772 : vector<1x16xf32> to vector<16xf32>
        %add3A_774 = arith.addf %add3A_718, %get3A_773 : vector<16xf32>
        %add3A_775 = arith.constant 12 : i32
        %add3A_776 = arith.addi %mul3A_99, %add3A_775 : i32
        %get3A_777 = arith.index_cast %add3A_776 : i32 to index
        %get3A_778 = arith.constant 64 : index
        %get3A_779 = tpu.vector_load %arg6[%get3A_777, %get3A_778] {strides = array<i32>} : memref<320x128xf32, #tpu.memory_space<vmem>>, vector<1x16xf32>,
        %get3A_780 = vector.shape_cast %get3A_779 : vector<1x16xf32> to vector<16xf32>
        %add3A_781 = arith.addf %add3A_725, %get3A_780 : vector<16xf32>
        %add3A_782 = arith.constant 12 : i32
        %add3A_783 = arith.addi %mul3A_99, %add3A_782 : i32
        %get3A_784 = arith.index_cast %add3A_783 : i32 to index
        %get3A_785 = arith.constant 80 : index
        %get3A_786 = tpu.vector_load %arg6[%get3A_784, %get3A_785] {strides = array<i32>} : memref<320x128xf32, #tpu.memory_space<vmem>>, vector<1x16xf32>,
        %get3A_787 = vector.shape_cast %get3A_786 : vector<1x16xf32> to vector<16xf32>
        %add3A_788 = arith.addf %add3A_732, %get3A_787 : vector<16xf32>
        %add3A_789 = arith.constant 12 : i32
        %add3A_790 = arith.addi %mul3A_99, %add3A_789 : i32
        %get3A_791 = arith.index_cast %add3A_790 : i32 to index
        %get3A_792 = arith.constant 96 : index
        %get3A_793 = tpu.vector_load %arg6[%get3A_791, %get3A_792] {strides = array<i32>} : memref<320x128xf32, #tpu.memory_space<vmem>>, vector<1x16xf32>,
        %get3A_794 = vector.shape_cast %get3A_793 : vector<1x16xf32> to vector<16xf32>
        %add3A_795 = arith.addf %add3A_739, %get3A_794 : vector<16xf32>
        %add3A_796 = arith.constant 12 : i32
        %add3A_797 = arith.addi %mul3A_99, %add3A_796 : i32
        %get3A_798 = arith.index_cast %add3A_797 : i32 to index
        %get3A_799 = arith.constant 112 : index
        %get3A_800 = tpu.vector_load %arg6[%get3A_798, %get3A_799] {strides = array<i32>} : memref<320x128xf32, #tpu.memory_space<vmem>>, vector<1x16xf32>,
        %get3A_801 = vector.shape_cast %get3A_800 : vector<1x16xf32> to vector<16xf32>
        %add3A_802 = arith.addf %add3A_746, %get3A_801 : vector<16xf32>
        %add3A_803 = arith.constant 13 : i32
        %add3A_804 = arith.addi %mul3A_99, %add3A_803 : i32
        %get3A_805 = arith.index_cast %add3A_804 : i32 to index
        %get3A_806 = arith.constant 0 : index
        %get3A_807 = tpu.vector_load %arg6[%get3A_805, %get3A_806] {strides = array<i32>} : memref<320x128xf32, #tpu.memory_space<vmem>>, vector<1x16xf32>,
        %get3A_808 = vector.shape_cast %get3A_807 : vector<1x16xf32> to vector<16xf32>
        %add3A_809 = arith.addf %add3A_753, %get3A_808 : vector<16xf32>
        %add3A_810 = arith.constant 13 : i32
        %add3A_811 = arith.addi %mul3A_99, %add3A_810 : i32
        %get3A_812 = arith.index_cast %add3A_811 : i32 to index
        %get3A_813 = arith.constant 16 : index
        %get3A_814 = tpu.vector_load %arg6[%get3A_812, %get3A_813] {strides = array<i32>} : memref<320x128xf32, #tpu.memory_space<vmem>>, vector<1x16xf32>,
        %get3A_815 = vector.shape_cast %get3A_814 : vector<1x16xf32> to vector<16xf32>
        %add3A_816 = arith.addf %add3A_760, %get3A_815 : vector<16xf32>
        %add3A_817 = arith.constant 13 : i32
        %add3A_818 = arith.addi %mul3A_99, %add3A_817 : i32
        %get3A_819 = arith.index_cast %add3A_818 : i32 to index
        %get3A_820 = arith.constant 32 : index
        %get3A_821 = tpu.vector_load %arg6[%get3A_819, %get3A_820] {strides = array<i32>} : memref<320x128xf32, #tpu.memory_space<vmem>>, vector<1x16xf32>,
        %get3A_822 = vector.shape_cast %get3A_821 : vector<1x16xf32> to vector<16xf32>
        %add3A_823 = arith.addf %add3A_767, %get3A_822 : vector<16xf32>
        %add3A_824 = arith.constant 13 : i32
        %add3A_825 = arith.addi %mul3A_99, %add3A_824 : i32
        %get3A_826 = arith.index_cast %add3A_825 : i32 to index
        %get3A_827 = arith.constant 48 : index
        %get3A_828 = tpu.vector_load %arg6[%get3A_826, %get3A_827] {strides = array<i32>} : memref<320x128xf32, #tpu.memory_space<vmem>>, vector<1x16xf32>,
        %get3A_829 = vector.shape_cast %get3A_828 : vector<1x16xf32> to vector<16xf32>
        %add3A_830 = arith.addf %add3A_774, %get3A_829 : vector<16xf32>
        %add3A_831 = arith.constant 13 : i32
        %add3A_832 = arith.addi %mul3A_99, %add3A_831 : i32
        %get3A_833 = arith.index_cast %add3A_832 : i32 to index
        %get3A_834 = arith.constant 64 : index
        %get3A_835 = tpu.vector_load %arg6[%get3A_833, %get3A_834] {strides = array<i32>} : memref<320x128xf32, #tpu.memory_space<vmem>>, vector<1x16xf32>,
        %get3A_836 = vector.shape_cast %get3A_835 : vector<1x16xf32> to vector<16xf32>
        %add3A_837 = arith.addf %add3A_781, %get3A_836 : vector<16xf32>
        %add3A_838 = arith.constant 13 : i32
        %add3A_839 = arith.addi %mul3A_99, %add3A_838 : i32
        %get3A_840 = arith.index_cast %add3A_839 : i32 to index
        %get3A_841 = arith.constant 80 : index
        %get3A_842 = tpu.vector_load %arg6[%get3A_840, %get3A_841] {strides = array<i32>} : memref<320x128xf32, #tpu.memory_space<vmem>>, vector<1x16xf32>,
        %get3A_843 = vector.shape_cast %get3A_842 : vector<1x16xf32> to vector<16xf32>
        %add3A_844 = arith.addf %add3A_788, %get3A_843 : vector<16xf32>
        %add3A_845 = arith.constant 13 : i32
        %add3A_846 = arith.addi %mul3A_99, %add3A_845 : i32
        %get3A_847 = arith.index_cast %add3A_846 : i32 to index
        %get3A_848 = arith.constant 96 : index
        %get3A_849 = tpu.vector_load %arg6[%get3A_847, %get3A_848] {strides = array<i32>} : memref<320x128xf32, #tpu.memory_space<vmem>>, vector<1x16xf32>,
        %get3A_850 = vector.shape_cast %get3A_849 : vector<1x16xf32> to vector<16xf32>
        %add3A_851 = arith.addf %add3A_795, %get3A_850 : vector<16xf32>
        %add3A_852 = arith.constant 13 : i32
        %add3A_853 = arith.addi %mul3A_99, %add3A_852 : i32
        %get3A_854 = arith.index_cast %add3A_853 : i32 to index
        %get3A_855 = arith.constant 112 : index
        %get3A_856 = tpu.vector_load %arg6[%get3A_854, %get3A_855] {strides = array<i32>} : memref<320x128xf32, #tpu.memory_space<vmem>>, vector<1x16xf32>,
        %get3A_857 = vector.shape_cast %get3A_856 : vector<1x16xf32> to vector<16xf32>
        %add3A_858 = arith.addf %add3A_802, %get3A_857 : vector<16xf32>
        %add3A_859 = arith.constant 14 : i32
        %add3A_860 = arith.addi %mul3A_99, %add3A_859 : i32
        %get3A_861 = arith.index_cast %add3A_860 : i32 to index
        %get3A_862 = arith.constant 0 : index
        %get3A_863 = tpu.vector_load %arg6[%get3A_861, %get3A_862] {strides = array<i32>} : memref<320x128xf32, #tpu.memory_space<vmem>>, vector<1x16xf32>,
        %get3A_864 = vector.shape_cast %get3A_863 : vector<1x16xf32> to vector<16xf32>
        %add3A_865 = arith.addf %add3A_809, %get3A_864 : vector<16xf32>
        %add3A_866 = arith.constant 14 : i32
        %add3A_867 = arith.addi %mul3A_99, %add3A_866 : i32
        %get3A_868 = arith.index_cast %add3A_867 : i32 to index
        %get3A_869 = arith.constant 16 : index
        %get3A_870 = tpu.vector_load %arg6[%get3A_868, %get3A_869] {strides = array<i32>} : memref<320x128xf32, #tpu.memory_space<vmem>>, vector<1x16xf32>,
        %get3A_871 = vector.shape_cast %get3A_870 : vector<1x16xf32> to vector<16xf32>
        %add3A_872 = arith.addf %add3A_816, %get3A_871 : vector<16xf32>
        %add3A_873 = arith.constant 14 : i32
        %add3A_874 = arith.addi %mul3A_99, %add3A_873 : i32
        %get3A_875 = arith.index_cast %add3A_874 : i32 to index
        %get3A_876 = arith.constant 32 : index
        %get3A_877 = tpu.vector_load %arg6[%get3A_875, %get3A_876] {strides = array<i32>} : memref<320x128xf32, #tpu.memory_space<vmem>>, vector<1x16xf32>,
        %get3A_878 = vector.shape_cast %get3A_877 : vector<1x16xf32> to vector<16xf32>
        %add3A_879 = arith.addf %add3A_823, %get3A_878 : vector<16xf32>
        %add3A_880 = arith.constant 14 : i32
        %add3A_881 = arith.addi %mul3A_99, %add3A_880 : i32
        %get3A_882 = arith.index_cast %add3A_881 : i32 to index
        %get3A_883 = arith.constant 48 : index
        %get3A_884 = tpu.vector_load %arg6[%get3A_882, %get3A_883] {strides = array<i32>} : memref<320x128xf32, #tpu.memory_space<vmem>>, vector<1x16xf32>,
        %get3A_885 = vector.shape_cast %get3A_884 : vector<1x16xf32> to vector<16xf32>
        %add3A_886 = arith.addf %add3A_830, %get3A_885 : vector<16xf32>
        %add3A_887 = arith.constant 14 : i32
        %add3A_888 = arith.addi %mul3A_99, %add3A_887 : i32
        %get3A_889 = arith.index_cast %add3A_888 : i32 to index
        %get3A_890 = arith.constant 64 : index
        %get3A_891 = tpu.vector_load %arg6[%get3A_889, %get3A_890] {strides = array<i32>} : memref<320x128xf32, #tpu.memory_space<vmem>>, vector<1x16xf32>,
        %get3A_892 = vector.shape_cast %get3A_891 : vector<1x16xf32> to vector<16xf32>
        %add3A_893 = arith.addf %add3A_837, %get3A_892 : vector<16xf32>
        %add3A_894 = arith.constant 14 : i32
        %add3A_895 = arith.addi %mul3A_99, %add3A_894 : i32
        %get3A_896 = arith.index_cast %add3A_895 : i32 to index
        %get3A_897 = arith.constant 80 : index
        %get3A_898 = tpu.vector_load %arg6[%get3A_896, %get3A_897] {strides = array<i32>} : memref<320x128xf32, #tpu.memory_space<vmem>>, vector<1x16xf32>,
        %get3A_899 = vector.shape_cast %get3A_898 : vector<1x16xf32> to vector<16xf32>
        %add3A_900 = arith.addf %add3A_844, %get3A_899 : vector<16xf32>
        %add3A_901 = arith.constant 14 : i32
        %add3A_902 = arith.addi %mul3A_99, %add3A_901 : i32
        %get3A_903 = arith.index_cast %add3A_902 : i32 to index
        %get3A_904 = arith.constant 96 : index
        %get3A_905 = tpu.vector_load %arg6[%get3A_903, %get3A_904] {strides = array<i32>} : memref<320x128xf32, #tpu.memory_space<vmem>>, vector<1x16xf32>,
        %get3A_906 = vector.shape_cast %get3A_905 : vector<1x16xf32> to vector<16xf32>
        %add3A_907 = arith.addf %add3A_851, %get3A_906 : vector<16xf32>
        %add3A_908 = arith.constant 14 : i32
        %add3A_909 = arith.addi %mul3A_99, %add3A_908 : i32
        %get3A_910 = arith.index_cast %add3A_909 : i32 to index
        %get3A_911 = arith.constant 112 : index
        %get3A_912 = tpu.vector_load %arg6[%get3A_910, %get3A_911] {strides = array<i32>} : memref<320x128xf32, #tpu.memory_space<vmem>>, vector<1x16xf32>,
        %get3A_913 = vector.shape_cast %get3A_912 : vector<1x16xf32> to vector<16xf32>
        %add3A_914 = arith.addf %add3A_858, %get3A_913 : vector<16xf32>
        %add3A_915 = arith.constant 15 : i32
        %add3A_916 = arith.addi %mul3A_99, %add3A_915 : i32
        %get3A_917 = arith.index_cast %add3A_916 : i32 to index
        %get3A_918 = arith.constant 0 : index
        %get3A_919 = tpu.vector_load %arg6[%get3A_917, %get3A_918] {strides = array<i32>} : memref<320x128xf32, #tpu.memory_space<vmem>>, vector<1x16xf32>,
        %get3A_920 = vector.shape_cast %get3A_919 : vector<1x16xf32> to vector<16xf32>
        %add3A_921 = arith.addf %add3A_865, %get3A_920 : vector<16xf32>
        %add3A_922 = arith.constant 15 : i32
        %add3A_923 = arith.addi %mul3A_99, %add3A_922 : i32
        %get3A_924 = arith.index_cast %add3A_923 : i32 to index
        %get3A_925 = arith.constant 16 : index
        %get3A_926 = tpu.vector_load %arg6[%get3A_924, %get3A_925] {strides = array<i32>} : memref<320x128xf32, #tpu.memory_space<vmem>>, vector<1x16xf32>,
        %get3A_927 = vector.shape_cast %get3A_926 : vector<1x16xf32> to vector<16xf32>
        %add3A_928 = arith.addf %add3A_872, %get3A_927 : vector<16xf32>
        %add3A_929 = arith.constant 15 : i32
        %add3A_930 = arith.addi %mul3A_99, %add3A_929 : i32
        %get3A_931 = arith.index_cast %add3A_930 : i32 to index
        %get3A_932 = arith.constant 32 : index
        %get3A_933 = tpu.vector_load %arg6[%get3A_931, %get3A_932] {strides = array<i32>} : memref<320x128xf32, #tpu.memory_space<vmem>>, vector<1x16xf32>,
        %get3A_934 = vector.shape_cast %get3A_933 : vector<1x16xf32> to vector<16xf32>
        %add3A_935 = arith.addf %add3A_879, %get3A_934 : vector<16xf32>
        %add3A_936 = arith.constant 15 : i32
        %add3A_937 = arith.addi %mul3A_99, %add3A_936 : i32
        %get3A_938 = arith.index_cast %add3A_937 : i32 to index
        %get3A_939 = arith.constant 48 : index
        %get3A_940 = tpu.vector_load %arg6[%get3A_938, %get3A_939] {strides = array<i32>} : memref<320x128xf32, #tpu.memory_space<vmem>>, vector<1x16xf32>,
        %get3A_941 = vector.shape_cast %get3A_940 : vector<1x16xf32> to vector<16xf32>
        %add3A_942 = arith.addf %add3A_886, %get3A_941 : vector<16xf32>
        %add3A_943 = arith.constant 15 : i32
        %add3A_944 = arith.addi %mul3A_99, %add3A_943 : i32
        %get3A_945 = arith.index_cast %add3A_944 : i32 to index
        %get3A_946 = arith.constant 64 : index
        %get3A_947 = tpu.vector_load %arg6[%get3A_945, %get3A_946] {strides = array<i32>} : memref<320x128xf32, #tpu.memory_space<vmem>>, vector<1x16xf32>,
        %get3A_948 = vector.shape_cast %get3A_947 : vector<1x16xf32> to vector<16xf32>
        %add3A_949 = arith.addf %add3A_893, %get3A_948 : vector<16xf32>
        %add3A_950 = arith.constant 15 : i32
        %add3A_951 = arith.addi %mul3A_99, %add3A_950 : i32
        %get3A_952 = arith.index_cast %add3A_951 : i32 to index
        %get3A_953 = arith.constant 80 : index
        %get3A_954 = tpu.vector_load %arg6[%get3A_952, %get3A_953] {strides = array<i32>} : memref<320x128xf32, #tpu.memory_space<vmem>>, vector<1x16xf32>,
        %get3A_955 = vector.shape_cast %get3A_954 : vector<1x16xf32> to vector<16xf32>
        %add3A_956 = arith.addf %add3A_900, %get3A_955 : vector<16xf32>
        %add3A_957 = arith.constant 15 : i32
        %add3A_958 = arith.addi %mul3A_99, %add3A_957 : i32
        %get3A_959 = arith.index_cast %add3A_958 : i32 to index
        %get3A_960 = arith.constant 96 : index
        %get3A_961 = tpu.vector_load %arg6[%get3A_959, %get3A_960] {strides = array<i32>} : memref<320x128xf32, #tpu.memory_space<vmem>>, vector<1x16xf32>,
        %get3A_962 = vector.shape_cast %get3A_961 : vector<1x16xf32> to vector<16xf32>
        %add3A_963 = arith.addf %add3A_907, %get3A_962 : vector<16xf32>
        %add3A_964 = arith.constant 15 : i32
        %add3A_965 = arith.addi %mul3A_99, %add3A_964 : i32
        %get3A_966 = arith.index_cast %add3A_965 : i32 to index
        %get3A_967 = arith.constant 112 : index
        %get3A_968 = tpu.vector_load %arg6[%get3A_966, %get3A_967] {strides = array<i32>} : memref<320x128xf32, #tpu.memory_space<vmem>>, vector<1x16xf32>,
        %get3A_969 = vector.shape_cast %get3A_968 : vector<1x16xf32> to vector<16xf32>
        %add3A_970 = arith.addf %add3A_914, %get3A_969 : vector<16xf32>
        %add3A_971 = arith.constant 16 : i32
        %add3A_972 = arith.addi %mul3A_99, %add3A_971 : i32
        %get3A_973 = arith.index_cast %add3A_972 : i32 to index
        %get3A_974 = arith.constant 0 : index
        %get3A_975 = tpu.vector_load %arg6[%get3A_973, %get3A_974] {strides = array<i32>} : memref<320x128xf32, #tpu.memory_space<vmem>>, vector<1x16xf32>,
        %get3A_976 = vector.shape_cast %get3A_975 : vector<1x16xf32> to vector<16xf32>
        %add3A_977 = arith.addf %add3A_921, %get3A_976 : vector<16xf32>
        %add3A_978 = arith.constant 16 : i32
        %add3A_979 = arith.addi %mul3A_99, %add3A_978 : i32
        %get3A_980 = arith.index_cast %add3A_979 : i32 to index
        %get3A_981 = arith.constant 16 : index
        %get3A_982 = tpu.vector_load %arg6[%get3A_980, %get3A_981] {strides = array<i32>} : memref<320x128xf32, #tpu.memory_space<vmem>>, vector<1x16xf32>,
        %get3A_983 = vector.shape_cast %get3A_982 : vector<1x16xf32> to vector<16xf32>
        %add3A_984 = arith.addf %add3A_928, %get3A_983 : vector<16xf32>
        %add3A_985 = arith.constant 16 : i32
        %add3A_986 = arith.addi %mul3A_99, %add3A_985 : i32
        %get3A_987 = arith.index_cast %add3A_986 : i32 to index
        %get3A_988 = arith.constant 32 : index
        %get3A_989 = tpu.vector_load %arg6[%get3A_987, %get3A_988] {strides = array<i32>} : memref<320x128xf32, #tpu.memory_space<vmem>>, vector<1x16xf32>,
        %get3A_990 = vector.shape_cast %get3A_989 : vector<1x16xf32> to vector<16xf32>
        %add3A_991 = arith.addf %add3A_935, %get3A_990 : vector<16xf32>
        %add3A_992 = arith.constant 16 : i32
        %add3A_993 = arith.addi %mul3A_99, %add3A_992 : i32
        %get3A_994 = arith.index_cast %add3A_993 : i32 to index
        %get3A_995 = arith.constant 48 : index
        %get3A_996 = tpu.vector_load %arg6[%get3A_994, %get3A_995] {strides = array<i32>} : memref<320x128xf32, #tpu.memory_space<vmem>>, vector<1x16xf32>,
        %get3A_997 = vector.shape_cast %get3A_996 : vector<1x16xf32> to vector<16xf32>
        %add3A_998 = arith.addf %add3A_942, %get3A_997 : vector<16xf32>
        %add3A_999 = arith.constant 16 : i32
        %add3A_1000 = arith.addi %mul3A_99, %add3A_999 : i32
        %get3A_1001 = arith.index_cast %add3A_1000 : i32 to index
        %get3A_1002 = arith.constant 64 : index
        %get3A_1003 = tpu.vector_load %arg6[%get3A_1001, %get3A_1002] {strides = array<i32>} : memref<320x128xf32, #tpu.memory_space<vmem>>, vector<1x16xf32>,
        %get3A_1004 = vector.shape_cast %get3A_1003 : vector<1x16xf32> to vector<16xf32>
        %add3A_1005 = arith.addf %add3A_949, %get3A_1004 : vector<16xf32>
        %add3A_1006 = arith.constant 16 : i32
        %add3A_1007 = arith.addi %mul3A_99, %add3A_1006 : i32
        %get3A_1008 = arith.index_cast %add3A_1007 : i32 to index
        %get3A_1009 = arith.constant 80 : index
        %get3A_1010 = tpu.vector_load %arg6[%get3A_1008, %get3A_1009] {strides = array<i32>} : memref<320x128xf32, #tpu.memory_space<vmem>>, vector<1x16xf32>,
        %get3A_1011 = vector.shape_cast %get3A_1010 : vector<1x16xf32> to vector<16xf32>
        %add3A_1012 = arith.addf %add3A_956, %get3A_1011 : vector<16xf32>
        %add3A_1013 = arith.constant 16 : i32
        %add3A_1014 = arith.addi %mul3A_99, %add3A_1013 : i32
        %get3A_1015 = arith.index_cast %add3A_1014 : i32 to index
        %get3A_1016 = arith.constant 96 : index
        %get3A_1017 = tpu.vector_load %arg6[%get3A_1015, %get3A_1016] {strides = array<i32>} : memref<320x128xf32, #tpu.memory_space<vmem>>, vector<1x16xf32>,
        %get3A_1018 = vector.shape_cast %get3A_1017 : vector<1x16xf32> to vector<16xf32>
        %add3A_1019 = arith.addf %add3A_963, %get3A_1018 : vector<16xf32>
        %add3A_1020 = arith.constant 16 : i32
        %add3A_1021 = arith.addi %mul3A_99, %add3A_1020 : i32
        %get3A_1022 = arith.index_cast %add3A_1021 : i32 to index
        %get3A_1023 = arith.constant 112 : index
        %get3A_1024 = tpu.vector_load %arg6[%get3A_1022, %get3A_1023] {strides = array<i32>} : memref<320x128xf32, #tpu.memory_space<vmem>>, vector<1x16xf32>,
        %get3A_1025 = vector.shape_cast %get3A_1024 : vector<1x16xf32> to vector<16xf32>
        %add3A_1026 = arith.addf %add3A_970, %get3A_1025 : vector<16xf32>
        %add3A_1027 = arith.constant 17 : i32
        %add3A_1028 = arith.addi %mul3A_99, %add3A_1027 : i32
        %get3A_1029 = arith.index_cast %add3A_1028 : i32 to index
        %get3A_1030 = arith.constant 0 : index
        %get3A_1031 = tpu.vector_load %arg6[%get3A_1029, %get3A_1030] {strides = array<i32>} : memref<320x128xf32, #tpu.memory_space<vmem>>, vector<1x16xf32>,
        %get3A_1032 = vector.shape_cast %get3A_1031 : vector<1x16xf32> to vector<16xf32>
        %add3A_1033 = arith.addf %add3A_977, %get3A_1032 : vector<16xf32>
        %add3A_1034 = arith.constant 17 : i32
        %add3A_1035 = arith.addi %mul3A_99, %add3A_1034 : i32
        %get3A_1036 = arith.index_cast %add3A_1035 : i32 to index
        %get3A_1037 = arith.constant 16 : index
        %get3A_1038 = tpu.vector_load %arg6[%get3A_1036, %get3A_1037] {strides = array<i32>} : memref<320x128xf32, #tpu.memory_space<vmem>>, vector<1x16xf32>,
        %get3A_1039 = vector.shape_cast %get3A_1038 : vector<1x16xf32> to vector<16xf32>
        %add3A_1040 = arith.addf %add3A_984, %get3A_1039 : vector<16xf32>
        %add3A_1041 = arith.constant 17 : i32
        %add3A_1042 = arith.addi %mul3A_99, %add3A_1041 : i32
        %get3A_1043 = arith.index_cast %add3A_1042 : i32 to index
        %get3A_1044 = arith.constant 32 : index
        %get3A_1045 = tpu.vector_load %arg6[%get3A_1043, %get3A_1044] {strides = array<i32>} : memref<320x128xf32, #tpu.memory_space<vmem>>, vector<1x16xf32>,
        %get3A_1046 = vector.shape_cast %get3A_1045 : vector<1x16xf32> to vector<16xf32>
        %add3A_1047 = arith.addf %add3A_991, %get3A_1046 : vector<16xf32>
        %add3A_1048 = arith.constant 17 : i32
        %add3A_1049 = arith.addi %mul3A_99, %add3A_1048 : i32
        %get3A_1050 = arith.index_cast %add3A_1049 : i32 to index
        %get3A_1051 = arith.constant 48 : index
        %get3A_1052 = tpu.vector_load %arg6[%get3A_1050, %get3A_1051] {strides = array<i32>} : memref<320x128xf32, #tpu.memory_space<vmem>>, vector<1x16xf32>,
        %get3A_1053 = vector.shape_cast %get3A_1052 : vector<1x16xf32> to vector<16xf32>
        %add3A_1054 = arith.addf %add3A_998, %get3A_1053 : vector<16xf32>
        %add3A_1055 = arith.constant 17 : i32
        %add3A_1056 = arith.addi %mul3A_99, %add3A_1055 : i32
        %get3A_1057 = arith.index_cast %add3A_1056 : i32 to index
        %get3A_1058 = arith.constant 64 : index
        %get3A_1059 = tpu.vector_load %arg6[%get3A_1057, %get3A_1058] {strides = array<i32>} : memref<320x128xf32, #tpu.memory_space<vmem>>, vector<1x16xf32>,
        %get3A_1060 = vector.shape_cast %get3A_1059 : vector<1x16xf32> to vector<16xf32>
        %add3A_1061 = arith.addf %add3A_1005, %get3A_1060 : vector<16xf32>
        %add3A_1062 = arith.constant 17 : i32
        %add3A_1063 = arith.addi %mul3A_99, %add3A_1062 : i32
        %get3A_1064 = arith.index_cast %add3A_1063 : i32 to index
        %get3A_1065 = arith.constant 80 : index
        %get3A_1066 = tpu.vector_load %arg6[%get3A_1064, %get3A_1065] {strides = array<i32>} : memref<320x128xf32, #tpu.memory_space<vmem>>, vector<1x16xf32>,
        %get3A_1067 = vector.shape_cast %get3A_1066 : vector<1x16xf32> to vector<16xf32>
        %add3A_1068 = arith.addf %add3A_1012, %get3A_1067 : vector<16xf32>
        %add3A_1069 = arith.constant 17 : i32
        %add3A_1070 = arith.addi %mul3A_99, %add3A_1069 : i32
        %get3A_1071 = arith.index_cast %add3A_1070 : i32 to index
        %get3A_1072 = arith.constant 96 : index
        %get3A_1073 = tpu.vector_load %arg6[%get3A_1071, %get3A_1072] {strides = array<i32>} : memref<320x128xf32, #tpu.memory_space<vmem>>, vector<1x16xf32>,
        %get3A_1074 = vector.shape_cast %get3A_1073 : vector<1x16xf32> to vector<16xf32>
        %add3A_1075 = arith.addf %add3A_1019, %get3A_1074 : vector<16xf32>
        %add3A_1076 = arith.constant 17 : i32
        %add3A_1077 = arith.addi %mul3A_99, %add3A_1076 : i32
        %get3A_1078 = arith.index_cast %add3A_1077 : i32 to index
        %get3A_1079 = arith.constant 112 : index
        %get3A_1080 = tpu.vector_load %arg6[%get3A_1078, %get3A_1079] {strides = array<i32>} : memref<320x128xf32, #tpu.memory_space<vmem>>, vector<1x16xf32>,
        %get3A_1081 = vector.shape_cast %get3A_1080 : vector<1x16xf32> to vector<16xf32>
        %add3A_1082 = arith.addf %add3A_1026, %get3A_1081 : vector<16xf32>
        %add3A_1083 = arith.constant 18 : i32
        %add3A_1084 = arith.addi %mul3A_99, %add3A_1083 : i32
        %get3A_1085 = arith.index_cast %add3A_1084 : i32 to index
        %get3A_1086 = arith.constant 0 : index
        %get3A_1087 = tpu.vector_load %arg6[%get3A_1085, %get3A_1086] {strides = array<i32>} : memref<320x128xf32, #tpu.memory_space<vmem>>, vector<1x16xf32>,
        %get3A_1088 = vector.shape_cast %get3A_1087 : vector<1x16xf32> to vector<16xf32>
        %add3A_1089 = arith.addf %add3A_1033, %get3A_1088 : vector<16xf32>
        %add3A_1090 = arith.constant 18 : i32
        %add3A_1091 = arith.addi %mul3A_99, %add3A_1090 : i32
        %get3A_1092 = arith.index_cast %add3A_1091 : i32 to index
        %get3A_1093 = arith.constant 16 : index
        %get3A_1094 = tpu.vector_load %arg6[%get3A_1092, %get3A_1093] {strides = array<i32>} : memref<320x128xf32, #tpu.memory_space<vmem>>, vector<1x16xf32>,
        %get3A_1095 = vector.shape_cast %get3A_1094 : vector<1x16xf32> to vector<16xf32>
        %add3A_1096 = arith.addf %add3A_1040, %get3A_1095 : vector<16xf32>
        %add3A_1097 = arith.constant 18 : i32
        %add3A_1098 = arith.addi %mul3A_99, %add3A_1097 : i32
        %get3A_1099 = arith.index_cast %add3A_1098 : i32 to index
        %get3A_1100 = arith.constant 32 : index
        %get3A_1101 = tpu.vector_load %arg6[%get3A_1099, %get3A_1100] {strides = array<i32>} : memref<320x128xf32, #tpu.memory_space<vmem>>, vector<1x16xf32>,
        %get3A_1102 = vector.shape_cast %get3A_1101 : vector<1x16xf32> to vector<16xf32>
        %add3A_1103 = arith.addf %add3A_1047, %get3A_1102 : vector<16xf32>
        %add3A_1104 = arith.constant 18 : i32
        %add3A_1105 = arith.addi %mul3A_99, %add3A_1104 : i32
        %get3A_1106 = arith.index_cast %add3A_1105 : i32 to index
        %get3A_1107 = arith.constant 48 : index
        %get3A_1108 = tpu.vector_load %arg6[%get3A_1106, %get3A_1107] {strides = array<i32>} : memref<320x128xf32, #tpu.memory_space<vmem>>, vector<1x16xf32>,
        %get3A_1109 = vector.shape_cast %get3A_1108 : vector<1x16xf32> to vector<16xf32>
        %add3A_1110 = arith.addf %add3A_1054, %get3A_1109 : vector<16xf32>
        %add3A_1111 = arith.constant 18 : i32
        %add3A_1112 = arith.addi %mul3A_99, %add3A_1111 : i32
        %get3A_1113 = arith.index_cast %add3A_1112 : i32 to index
        %get3A_1114 = arith.constant 64 : index
        %get3A_1115 = tpu.vector_load %arg6[%get3A_1113, %get3A_1114] {strides = array<i32>} : memref<320x128xf32, #tpu.memory_space<vmem>>, vector<1x16xf32>,
        %get3A_1116 = vector.shape_cast %get3A_1115 : vector<1x16xf32> to vector<16xf32>
        %add3A_1117 = arith.addf %add3A_1061, %get3A_1116 : vector<16xf32>
        %add3A_1118 = arith.constant 18 : i32
        %add3A_1119 = arith.addi %mul3A_99, %add3A_1118 : i32
        %get3A_1120 = arith.index_cast %add3A_1119 : i32 to index
        %get3A_1121 = arith.constant 80 : index
        %get3A_1122 = tpu.vector_load %arg6[%get3A_1120, %get3A_1121] {strides = array<i32>} : memref<320x128xf32, #tpu.memory_space<vmem>>, vector<1x16xf32>,
        %get3A_1123 = vector.shape_cast %get3A_1122 : vector<1x16xf32> to vector<16xf32>
        %add3A_1124 = arith.addf %add3A_1068, %get3A_1123 : vector<16xf32>
        %add3A_1125 = arith.constant 18 : i32
        %add3A_1126 = arith.addi %mul3A_99, %add3A_1125 : i32
        %get3A_1127 = arith.index_cast %add3A_1126 : i32 to index
        %get3A_1128 = arith.constant 96 : index
        %get3A_1129 = tpu.vector_load %arg6[%get3A_1127, %get3A_1128] {strides = array<i32>} : memref<320x128xf32, #tpu.memory_space<vmem>>, vector<1x16xf32>,
        %get3A_1130 = vector.shape_cast %get3A_1129 : vector<1x16xf32> to vector<16xf32>
        %add3A_1131 = arith.addf %add3A_1075, %get3A_1130 : vector<16xf32>
        %add3A_1132 = arith.constant 18 : i32
        %add3A_1133 = arith.addi %mul3A_99, %add3A_1132 : i32
        %get3A_1134 = arith.index_cast %add3A_1133 : i32 to index
        %get3A_1135 = arith.constant 112 : index
        %get3A_1136 = tpu.vector_load %arg6[%get3A_1134, %get3A_1135] {strides = array<i32>} : memref<320x128xf32, #tpu.memory_space<vmem>>, vector<1x16xf32>,
        %get3A_1137 = vector.shape_cast %get3A_1136 : vector<1x16xf32> to vector<16xf32>
        %add3A_1138 = arith.addf %add3A_1082, %get3A_1137 : vector<16xf32>
        %add3A_1139 = arith.constant 19 : i32
        %add3A_1140 = arith.addi %mul3A_99, %add3A_1139 : i32
        %get3A_1141 = arith.index_cast %add3A_1140 : i32 to index
        %get3A_1142 = arith.constant 0 : index
        %get3A_1143 = tpu.vector_load %arg6[%get3A_1141, %get3A_1142] {strides = array<i32>} : memref<320x128xf32, #tpu.memory_space<vmem>>, vector<1x16xf32>,
        %get3A_1144 = vector.shape_cast %get3A_1143 : vector<1x16xf32> to vector<16xf32>
        %add3A_1145 = arith.addf %add3A_1089, %get3A_1144 : vector<16xf32>
        %add3A_1146 = arith.constant 19 : i32
        %add3A_1147 = arith.addi %mul3A_99, %add3A_1146 : i32
        %get3A_1148 = arith.index_cast %add3A_1147 : i32 to index
        %get3A_1149 = arith.constant 16 : index
        %get3A_1150 = tpu.vector_load %arg6[%get3A_1148, %get3A_1149] {strides = array<i32>} : memref<320x128xf32, #tpu.memory_space<vmem>>, vector<1x16xf32>,
        %get3A_1151 = vector.shape_cast %get3A_1150 : vector<1x16xf32> to vector<16xf32>
        %add3A_1152 = arith.addf %add3A_1096, %get3A_1151 : vector<16xf32>
        %add3A_1153 = arith.constant 19 : i32
        %add3A_1154 = arith.addi %mul3A_99, %add3A_1153 : i32
        %get3A_1155 = arith.index_cast %add3A_1154 : i32 to index
        %get3A_1156 = arith.constant 32 : index
        %get3A_1157 = tpu.vector_load %arg6[%get3A_1155, %get3A_1156] {strides = array<i32>} : memref<320x128xf32, #tpu.memory_space<vmem>>, vector<1x16xf32>,
        %get3A_1158 = vector.shape_cast %get3A_1157 : vector<1x16xf32> to vector<16xf32>
        %add3A_1159 = arith.addf %add3A_1103, %get3A_1158 : vector<16xf32>
        %add3A_1160 = arith.constant 19 : i32
        %add3A_1161 = arith.addi %mul3A_99, %add3A_1160 : i32
        %get3A_1162 = arith.index_cast %add3A_1161 : i32 to index
        %get3A_1163 = arith.constant 48 : index
        %get3A_1164 = tpu.vector_load %arg6[%get3A_1162, %get3A_1163] {strides = array<i32>} : memref<320x128xf32, #tpu.memory_space<vmem>>, vector<1x16xf32>,
        %get3A_1165 = vector.shape_cast %get3A_1164 : vector<1x16xf32> to vector<16xf32>
        %add3A_1166 = arith.addf %add3A_1110, %get3A_1165 : vector<16xf32>
        %add3A_1167 = arith.constant 19 : i32
        %add3A_1168 = arith.addi %mul3A_99, %add3A_1167 : i32
        %get3A_1169 = arith.index_cast %add3A_1168 : i32 to index
        %get3A_1170 = arith.constant 64 : index
        %get3A_1171 = tpu.vector_load %arg6[%get3A_1169, %get3A_1170] {strides = array<i32>} : memref<320x128xf32, #tpu.memory_space<vmem>>, vector<1x16xf32>,
        %get3A_1172 = vector.shape_cast %get3A_1171 : vector<1x16xf32> to vector<16xf32>
        %add3A_1173 = arith.addf %add3A_1117, %get3A_1172 : vector<16xf32>
        %add3A_1174 = arith.constant 19 : i32
        %add3A_1175 = arith.addi %mul3A_99, %add3A_1174 : i32
        %get3A_1176 = arith.index_cast %add3A_1175 : i32 to index
        %get3A_1177 = arith.constant 80 : index
        %get3A_1178 = tpu.vector_load %arg6[%get3A_1176, %get3A_1177] {strides = array<i32>} : memref<320x128xf32, #tpu.memory_space<vmem>>, vector<1x16xf32>,
        %get3A_1179 = vector.shape_cast %get3A_1178 : vector<1x16xf32> to vector<16xf32>
        %add3A_1180 = arith.addf %add3A_1124, %get3A_1179 : vector<16xf32>
        %add3A_1181 = arith.constant 19 : i32
        %add3A_1182 = arith.addi %mul3A_99, %add3A_1181 : i32
        %get3A_1183 = arith.index_cast %add3A_1182 : i32 to index
        %get3A_1184 = arith.constant 96 : index
        %get3A_1185 = tpu.vector_load %arg6[%get3A_1183, %get3A_1184] {strides = array<i32>} : memref<320x128xf32, #tpu.memory_space<vmem>>, vector<1x16xf32>,
        %get3A_1186 = vector.shape_cast %get3A_1185 : vector<1x16xf32> to vector<16xf32>
        %add3A_1187 = arith.addf %add3A_1131, %get3A_1186 : vector<16xf32>
        %add3A_1188 = arith.constant 19 : i32
        %add3A_1189 = arith.addi %mul3A_99, %add3A_1188 : i32
        %get3A_1190 = arith.index_cast %add3A_1189 : i32 to index
        %get3A_1191 = arith.constant 112 : index
        %get3A_1192 = tpu.vector_load %arg6[%get3A_1190, %get3A_1191] {strides = array<i32>} : memref<320x128xf32, #tpu.memory_space<vmem>>, vector<1x16xf32>,
        %get3A_1193 = vector.shape_cast %get3A_1192 : vector<1x16xf32> to vector<16xf32>
        %add3A_1194 = arith.addf %add3A_1138, %get3A_1193 : vector<16xf32>
        %mul3A_1195 = arith.constant 5.000000e-02 : f32
        %mul3A_1196 = vector.broadcast %mul3A_1195 : f32 to vector<16xf32>
        %mul3A_1197 = arith.mulf %add3A_1145, %mul3A_1196 : vector<16xf32>
        %swap3A = arith.index_cast %scan3A_97 : i32 to index
        %swap3A_1198 = arith.constant 0 : index
        %swap3A_1199 = tpu.vector_load %arg8[%swap3A, %swap3A_1198] {strides = array<i32>} : memref<16x128xf32, #tpu.memory_space<vmem>>, vector<1x16xf32>,
        %swap3A_1200 = vector.shape_cast %swap3A_1199 : vector<1x16xf32> to vector<16xf32>
        %swap3A_1201 = vector.shape_cast %mul3A_1197 : vector<16xf32> to vector<1x16xf32>
        tpu.vector_store %arg8[%swap3A, %swap3A_1198], %swap3A_1201 {strides = array<i32>} : memref<16x128xf32, #tpu.memory_space<vmem>>, vector<1x16xf32>,
        %mul3A_1202 = arith.constant 5.000000e-02 : f32
        %mul3A_1203 = vector.broadcast %mul3A_1202 : f32 to vector<16xf32>
        %mul3A_1204 = arith.mulf %add3A_1152, %mul3A_1203 : vector<16xf32>
        %swap3A_1205 = arith.index_cast %scan3A_97 : i32 to index
        %swap3A_1206 = arith.constant 16 : index
        %swap3A_1207 = tpu.vector_load %arg8[%swap3A_1205, %swap3A_1206] {strides = array<i32>} : memref<16x128xf32, #tpu.memory_space<vmem>>, vector<1x16xf32>,
        %swap3A_1208 = vector.shape_cast %swap3A_1207 : vector<1x16xf32> to vector<16xf32>
        %swap3A_1209 = vector.shape_cast %mul3A_1204 : vector<16xf32> to vector<1x16xf32>
        tpu.vector_store %arg8[%swap3A_1205, %swap3A_1206], %swap3A_1209 {strides = array<i32>} : memref<16x128xf32, #tpu.memory_space<vmem>>, vector<1x16xf32>,
        %mul3A_1210 = arith.constant 5.000000e-02 : f32
        %mul3A_1211 = vector.broadcast %mul3A_1210 : f32 to vector<16xf32>
        %mul3A_1212 = arith.mulf %add3A_1159, %mul3A_1211 : vector<16xf32>
        %swap3A_1213 = arith.index_cast %scan3A_97 : i32 to index
        %swap3A_1214 = arith.constant 32 : index
        %swap3A_1215 = tpu.vector_load %arg8[%swap3A_1213, %swap3A_1214] {strides = array<i32>} : memref<16x128xf32, #tpu.memory_space<vmem>>, vector<1x16xf32>,
        %swap3A_1216 = vector.shape_cast %swap3A_1215 : vector<1x16xf32> to vector<16xf32>
        %swap3A_1217 = vector.shape_cast %mul3A_1212 : vector<16xf32> to vector<1x16xf32>
        tpu.vector_store %arg8[%swap3A_1213, %swap3A_1214], %swap3A_1217 {strides = array<i32>} : memref<16x128xf32, #tpu.memory_space<vmem>>, vector<1x16xf32>,
        %mul3A_1218 = arith.constant 5.000000e-02 : f32
        %mul3A_1219 = vector.broadcast %mul3A_1218 : f32 to vector<16xf32>
        %mul3A_1220 = arith.mulf %add3A_1166, %mul3A_1219 : vector<16xf32>
        %swap3A_1221 = arith.index_cast %scan3A_97 : i32 to index
        %swap3A_1222 = arith.constant 48 : index
        %swap3A_1223 = tpu.vector_load %arg8[%swap3A_1221, %swap3A_1222] {strides = array<i32>} : memref<16x128xf32, #tpu.memory_space<vmem>>, vector<1x16xf32>,
        %swap3A_1224 = vector.shape_cast %swap3A_1223 : vector<1x16xf32> to vector<16xf32>
        %swap3A_1225 = vector.shape_cast %mul3A_1220 : vector<16xf32> to vector<1x16xf32>
        tpu.vector_store %arg8[%swap3A_1221, %swap3A_1222], %swap3A_1225 {strides = array<i32>} : memref<16x128xf32, #tpu.memory_space<vmem>>, vector<1x16xf32>,
        %mul3A_1226 = arith.constant 5.000000e-02 : f32
        %mul3A_1227 = vector.broadcast %mul3A_1226 : f32 to vector<16xf32>
        %mul3A_1228 = arith.mulf %add3A_1173, %mul3A_1227 : vector<16xf32>
        %swap3A_1229 = arith.index_cast %scan3A_97 : i32 to index
        %swap3A_1230 = arith.constant 64 : index
        %swap3A_1231 = tpu.vector_load %arg8[%swap3A_1229, %swap3A_1230] {strides = array<i32>} : memref<16x128xf32, #tpu.memory_space<vmem>>, vector<1x16xf32>,
        %swap3A_1232 = vector.shape_cast %swap3A_1231 : vector<1x16xf32> to vector<16xf32>
        %swap3A_1233 = vector.shape_cast %mul3A_1228 : vector<16xf32> to vector<1x16xf32>
        tpu.vector_store %arg8[%swap3A_1229, %swap3A_1230], %swap3A_1233 {strides = array<i32>} : memref<16x128xf32, #tpu.memory_space<vmem>>, vector<1x16xf32>,
        %mul3A_1234 = arith.constant 5.000000e-02 : f32
        %mul3A_1235 = vector.broadcast %mul3A_1234 : f32 to vector<16xf32>
        %mul3A_1236 = arith.mulf %add3A_1180, %mul3A_1235 : vector<16xf32>
        %swap3A_1237 = arith.index_cast %scan3A_97 : i32 to index
        %swap3A_1238 = arith.constant 80 : index
        %swap3A_1239 = tpu.vector_load %arg8[%swap3A_1237, %swap3A_1238] {strides = array<i32>} : memref<16x128xf32, #tpu.memory_space<vmem>>, vector<1x16xf32>,
        %swap3A_1240 = vector.shape_cast %swap3A_1239 : vector<1x16xf32> to vector<16xf32>
        %swap3A_1241 = vector.shape_cast %mul3A_1236 : vector<16xf32> to vector<1x16xf32>
        tpu.vector_store %arg8[%swap3A_1237, %swap3A_1238], %swap3A_1241 {strides = array<i32>} : memref<16x128xf32, #tpu.memory_space<vmem>>, vector<1x16xf32>,
        %mul3A_1242 = arith.constant 5.000000e-02 : f32
        %mul3A_1243 = vector.broadcast %mul3A_1242 : f32 to vector<16xf32>
        %mul3A_1244 = arith.mulf %add3A_1187, %mul3A_1243 : vector<16xf32>
        %swap3A_1245 = arith.index_cast %scan3A_97 : i32 to index
        %swap3A_1246 = arith.constant 96 : index
        %swap3A_1247 = tpu.vector_load %arg8[%swap3A_1245, %swap3A_1246] {strides = array<i32>} : memref<16x128xf32, #tpu.memory_space<vmem>>, vector<1x16xf32>,
        %swap3A_1248 = vector.shape_cast %swap3A_1247 : vector<1x16xf32> to vector<16xf32>
        %swap3A_1249 = vector.shape_cast %mul3A_1244 : vector<16xf32> to vector<1x16xf32>
        tpu.vector_store %arg8[%swap3A_1245, %swap3A_1246], %swap3A_1249 {strides = array<i32>} : memref<16x128xf32, #tpu.memory_space<vmem>>, vector<1x16xf32>,
        %mul3A_1250 = arith.constant 5.000000e-02 : f32
        %mul3A_1251 = vector.broadcast %mul3A_1250 : f32 to vector<16xf32>
        %mul3A_1252 = arith.mulf %add3A_1194, %mul3A_1251 : vector<16xf32>
        %swap3A_1253 = arith.index_cast %scan3A_97 : i32 to index
        %swap3A_1254 = arith.constant 112 : index
        %swap3A_1255 = tpu.vector_load %arg8[%swap3A_1253, %swap3A_1254] {strides = array<i32>} : memref<16x128xf32, #tpu.memory_space<vmem>>, vector<1x16xf32>,
        %swap3A_1256 = vector.shape_cast %swap3A_1255 : vector<1x16xf32> to vector<16xf32>
        %swap3A_1257 = vector.shape_cast %mul3A_1252 : vector<16xf32> to vector<1x16xf32>
        tpu.vector_store %arg8[%swap3A_1253, %swap3A_1254], %swap3A_1257 {strides = array<i32>} : memref<16x128xf32, #tpu.memory_space<vmem>>, vector<1x16xf32>,
      }
      %scan3A_61 = arith.constant 16 : i32
      %mul3A_62 = arith.constant 16 : i32
      %mul3A_63 = arith.muli %add3A_50, %mul3A_62 : i32
      %add3A_64 = arith.addi %mul3A_2, %mul3A_63 : i32
      "tpu.region"() ({
        %run_scoped3A = tpu.sem_alloc : memref<!tpu.dma_semaphore, #tpu.memory_space<semaphore_mem>>
        %dma_start3A_97 = arith.constant 0 : i32
        %dma_start3A_98 = tpu.memref_slice %arg4[%add3A_64, %dma_start3A_97] : memref<8192x128xf32, #tpu.memory_space<hbm>> -> memref<16x128xf32, #tpu.memory_space<hbm>>
        %dma_start3A_99 = arith.constant 0 : i32
        %dma_start3A_100 = tpu.memref_slice %arg4[%add3A_64, %dma_start3A_99] : memref<8192x128xf32, #tpu.memory_space<hbm>> -> memref<16x128xf32, #tpu.memory_space<hbm>>
        tpu.enqueue_dma source(%arg8 : memref<16x128xf32, #tpu.memory_space<vmem>>) target(%dma_start3A_100 : memref<16x128xf32, #tpu.memory_space<hbm>>) target_semaphore(%run_scoped3A : memref<!tpu.dma_semaphore, #tpu.memory_space<semaphore_mem>>)
        %dma_wait3A_101 = arith.constant 0 : i32
        %dma_wait3A_102 = tpu.memref_slice %arg4[%add3A_64, %dma_wait3A_101] : memref<8192x128xf32, #tpu.memory_space<hbm>> -> memref<16x128xf32, #tpu.memory_space<hbm>>
        %dma_wait3A_103 = arith.constant 0 : i32
        %dma_wait3A_104 = tpu.memref_slice %arg4[%add3A_64, %dma_wait3A_103] : memref<8192x128xf32, #tpu.memory_space<hbm>> -> memref<16x128xf32, #tpu.memory_space<hbm>>
        tpu.wait_dma2 semaphore(%run_scoped3A : memref<!tpu.dma_semaphore, #tpu.memory_space<semaphore_mem>>) src(%arg8 : memref<16x128xf32, #tpu.memory_space<vmem>>) dst(%dma_wait3A_104 : memref<16x128xf32, #tpu.memory_space<hbm>>)
        tpu.yield
      }) : () -> ()
      %add3A_65 = arith.constant 2 : i32
      %add3A_66 = arith.addi %add3A_50, %add3A_65 : i32
      %mul3A_67 = arith.constant 320 : i32
      %mul3A_68 = arith.muli %add3A_66, %mul3A_67 : i32
      %dma_start3A_69 = tpu.memref_slice %arg5[%mul3A_68] : memref<5120xi32, #tpu.memory_space<vmem>> -> memref<320xi32, #tpu.memory_space<vmem>>
      %dma_start3A_70 = arith.constant 0 : i32
      %dma_start3A_71 = arith.constant 0 : i32
      %dma_start3A_72 = tpu.memref_slice %arg2[%dma_start3A_70, %dma_start3A_71] : memref<100000x128xf32, #tpu.memory_space<hbm>> -> memref<100000x128xf32, #tpu.memory_space<hbm>>
      tpu.enqueue_indirect_dma source(%dma_start3A_72 : memref<100000x128xf32, #tpu.memory_space<hbm>>) target(%arg6 : memref<320x128xf32, #tpu.memory_space<vmem>>) offsets(%dma_start3A_69 : memref<320xi32, #tpu.memory_space<vmem>>) semaphore(%arg9 : memref<!tpu.dma_semaphore, #tpu.memory_space<semaphore_mem>>)
      %add3A_73 = arith.constant 1 : i32
      %add3A_74 = arith.addi %mul3A_48, %add3A_73 : i32
      %dma_wait3A_75 = arith.constant 0 : i32
      %dma_wait3A_76 = tpu.memref_slice %arg5[%dma_wait3A_75] : memref<5120xi32, #tpu.memory_space<vmem>> -> memref<320xi32, #tpu.memory_space<vmem>>
      %dma_wait3A_77 = arith.constant 0 : i32
      %dma_wait3A_78 = arith.constant 0 : i32
      %dma_wait3A_79 = tpu.memref_slice %arg2[%dma_wait3A_77, %dma_wait3A_78] : memref<100000x128xf32, #tpu.memory_space<hbm>> -> memref<100000x128xf32, #tpu.memory_space<hbm>>
      tpu.wait_indirect_dma semaphore(%arg10 : memref<!tpu.dma_semaphore, #tpu.memory_space<semaphore_mem>>) src(%dma_wait3A_79 : memref<100000x128xf32, #tpu.memory_space<hbm>>) dst(%arg7 : memref<320x128xf32, #tpu.memory_space<vmem>>)
      %scan3A_80 = arith.constant 0 : i32
      %scan3A_81 = arith.constant 0 : i32
      %scan3A_82 = arith.constant 16 : i32
      %scan3A_83 = arith.addi %scan3A_81, %scan3A_82 : i32
      %scan3A_84 = arith.constant 1 : i32
      scf.for %scan3A_97 = %scan3A_81 to %scan3A_83 step %scan3A_84  : i32 {
        %mul3A_98 = arith.constant 20 : i32
        %mul3A_99 = arith.muli %scan3A_97, %mul3A_98 : i32
        %get3A = arith.index_cast %mul3A_99 : i32 to index
        %get3A_100 = arith.constant 0 : index
        %get3A_101 = tpu.vector_load %arg7[%get3A, %get3A_100] {strides = array<i32>} : memref<320x128xf32, #tpu.memory_space<vmem>>, vector<1x16xf32>,
        %get3A_102 = vector.shape_cast %get3A_101 : vector<1x16xf32> to vector<16xf32>
        %get3A_103 = arith.index_cast %mul3A_99 : i32 to index
        %get3A_104 = arith.constant 16 : index
        %get3A_105 = tpu.vector_load %arg7[%get3A_103, %get3A_104] {strides = array<i32>} : memref<320x128xf32, #tpu.memory_space<vmem>>, vector<1x16xf32>,
        %get3A_106 = vector.shape_cast %get3A_105 : vector<1x16xf32> to vector<16xf32>
        %get3A_107 = arith.index_cast %mul3A_99 : i32 to index
        %get3A_108 = arith.constant 32 : index
        %get3A_109 = tpu.vector_load %arg7[%get3A_107, %get3A_108] {strides = array<i32>} : memref<320x128xf32, #tpu.memory_space<vmem>>, vector<1x16xf32>,
        %get3A_110 = vector.shape_cast %get3A_109 : vector<1x16xf32> to vector<16xf32>
        %get3A_111 = arith.index_cast %mul3A_99 : i32 to index
        %get3A_112 = arith.constant 48 : index
        %get3A_113 = tpu.vector_load %arg7[%get3A_111, %get3A_112] {strides = array<i32>} : memref<320x128xf32, #tpu.memory_space<vmem>>, vector<1x16xf32>,
        %get3A_114 = vector.shape_cast %get3A_113 : vector<1x16xf32> to vector<16xf32>
        %get3A_115 = arith.index_cast %mul3A_99 : i32 to index
        %get3A_116 = arith.constant 64 : index
        %get3A_117 = tpu.vector_load %arg7[%get3A_115, %get3A_116] {strides = array<i32>} : memref<320x128xf32, #tpu.memory_space<vmem>>, vector<1x16xf32>,
        %get3A_118 = vector.shape_cast %get3A_117 : vector<1x16xf32> to vector<16xf32>
        %get3A_119 = arith.index_cast %mul3A_99 : i32 to index
        %get3A_120 = arith.constant 80 : index
        %get3A_121 = tpu.vector_load %arg7[%get3A_119, %get3A_120] {strides = array<i32>} : memref<320x128xf32, #tpu.memory_space<vmem>>, vector<1x16xf32>,
        %get3A_122 = vector.shape_cast %get3A_121 : vector<1x16xf32> to vector<16xf32>
        %get3A_123 = arith.index_cast %mul3A_99 : i32 to index
        %get3A_124 = arith.constant 96 : index
        %get3A_125 = tpu.vector_load %arg7[%get3A_123, %get3A_124] {strides = array<i32>} : memref<320x128xf32, #tpu.memory_space<vmem>>, vector<1x16xf32>,
        %get3A_126 = vector.shape_cast %get3A_125 : vector<1x16xf32> to vector<16xf32>
        %get3A_127 = arith.index_cast %mul3A_99 : i32 to index
        %get3A_128 = arith.constant 112 : index
        %get3A_129 = tpu.vector_load %arg7[%get3A_127, %get3A_128] {strides = array<i32>} : memref<320x128xf32, #tpu.memory_space<vmem>>, vector<1x16xf32>,
        %get3A_130 = vector.shape_cast %get3A_129 : vector<1x16xf32> to vector<16xf32>
        %add3A_131 = arith.constant 1 : i32
        %add3A_132 = arith.addi %mul3A_99, %add3A_131 : i32
        %get3A_133 = arith.index_cast %add3A_132 : i32 to index
        %get3A_134 = arith.constant 0 : index
        %get3A_135 = tpu.vector_load %arg7[%get3A_133, %get3A_134] {strides = array<i32>} : memref<320x128xf32, #tpu.memory_space<vmem>>, vector<1x16xf32>,
        %get3A_136 = vector.shape_cast %get3A_135 : vector<1x16xf32> to vector<16xf32>
        %add3A_137 = arith.addf %get3A_102, %get3A_136 : vector<16xf32>
        %add3A_138 = arith.constant 1 : i32
        %add3A_139 = arith.addi %mul3A_99, %add3A_138 : i32
        %get3A_140 = arith.index_cast %add3A_139 : i32 to index
        %get3A_141 = arith.constant 16 : index
        %get3A_142 = tpu.vector_load %arg7[%get3A_140, %get3A_141] {strides = array<i32>} : memref<320x128xf32, #tpu.memory_space<vmem>>, vector<1x16xf32>,
        %get3A_143 = vector.shape_cast %get3A_142 : vector<1x16xf32> to vector<16xf32>
        %add3A_144 = arith.addf %get3A_106, %get3A_143 : vector<16xf32>
        %add3A_145 = arith.constant 1 : i32
        %add3A_146 = arith.addi %mul3A_99, %add3A_145 : i32
        %get3A_147 = arith.index_cast %add3A_146 : i32 to index
        %get3A_148 = arith.constant 32 : index
        %get3A_149 = tpu.vector_load %arg7[%get3A_147, %get3A_148] {strides = array<i32>} : memref<320x128xf32, #tpu.memory_space<vmem>>, vector<1x16xf32>,
        %get3A_150 = vector.shape_cast %get3A_149 : vector<1x16xf32> to vector<16xf32>
        %add3A_151 = arith.addf %get3A_110, %get3A_150 : vector<16xf32>
        %add3A_152 = arith.constant 1 : i32
        %add3A_153 = arith.addi %mul3A_99, %add3A_152 : i32
        %get3A_154 = arith.index_cast %add3A_153 : i32 to index
        %get3A_155 = arith.constant 48 : index
        %get3A_156 = tpu.vector_load %arg7[%get3A_154, %get3A_155] {strides = array<i32>} : memref<320x128xf32, #tpu.memory_space<vmem>>, vector<1x16xf32>,
        %get3A_157 = vector.shape_cast %get3A_156 : vector<1x16xf32> to vector<16xf32>
        %add3A_158 = arith.addf %get3A_114, %get3A_157 : vector<16xf32>
        %add3A_159 = arith.constant 1 : i32
        %add3A_160 = arith.addi %mul3A_99, %add3A_159 : i32
        %get3A_161 = arith.index_cast %add3A_160 : i32 to index
        %get3A_162 = arith.constant 64 : index
        %get3A_163 = tpu.vector_load %arg7[%get3A_161, %get3A_162] {strides = array<i32>} : memref<320x128xf32, #tpu.memory_space<vmem>>, vector<1x16xf32>,
        %get3A_164 = vector.shape_cast %get3A_163 : vector<1x16xf32> to vector<16xf32>
        %add3A_165 = arith.addf %get3A_118, %get3A_164 : vector<16xf32>
        %add3A_166 = arith.constant 1 : i32
        %add3A_167 = arith.addi %mul3A_99, %add3A_166 : i32
        %get3A_168 = arith.index_cast %add3A_167 : i32 to index
        %get3A_169 = arith.constant 80 : index
        %get3A_170 = tpu.vector_load %arg7[%get3A_168, %get3A_169] {strides = array<i32>} : memref<320x128xf32, #tpu.memory_space<vmem>>, vector<1x16xf32>,
        %get3A_171 = vector.shape_cast %get3A_170 : vector<1x16xf32> to vector<16xf32>
        %add3A_172 = arith.addf %get3A_122, %get3A_171 : vector<16xf32>
        %add3A_173 = arith.constant 1 : i32
        %add3A_174 = arith.addi %mul3A_99, %add3A_173 : i32
        %get3A_175 = arith.index_cast %add3A_174 : i32 to index
        %get3A_176 = arith.constant 96 : index
        %get3A_177 = tpu.vector_load %arg7[%get3A_175, %get3A_176] {strides = array<i32>} : memref<320x128xf32, #tpu.memory_space<vmem>>, vector<1x16xf32>,
        %get3A_178 = vector.shape_cast %get3A_177 : vector<1x16xf32> to vector<16xf32>
        %add3A_179 = arith.addf %get3A_126, %get3A_178 : vector<16xf32>
        %add3A_180 = arith.constant 1 : i32
        %add3A_181 = arith.addi %mul3A_99, %add3A_180 : i32
        %get3A_182 = arith.index_cast %add3A_181 : i32 to index
        %get3A_183 = arith.constant 112 : index
        %get3A_184 = tpu.vector_load %arg7[%get3A_182, %get3A_183] {strides = array<i32>} : memref<320x128xf32, #tpu.memory_space<vmem>>, vector<1x16xf32>,
        %get3A_185 = vector.shape_cast %get3A_184 : vector<1x16xf32> to vector<16xf32>
        %add3A_186 = arith.addf %get3A_130, %get3A_185 : vector<16xf32>
        %add3A_187 = arith.constant 2 : i32
        %add3A_188 = arith.addi %mul3A_99, %add3A_187 : i32
        %get3A_189 = arith.index_cast %add3A_188 : i32 to index
        %get3A_190 = arith.constant 0 : index
        %get3A_191 = tpu.vector_load %arg7[%get3A_189, %get3A_190] {strides = array<i32>} : memref<320x128xf32, #tpu.memory_space<vmem>>, vector<1x16xf32>,
        %get3A_192 = vector.shape_cast %get3A_191 : vector<1x16xf32> to vector<16xf32>
        %add3A_193 = arith.addf %add3A_137, %get3A_192 : vector<16xf32>
        %add3A_194 = arith.constant 2 : i32
        %add3A_195 = arith.addi %mul3A_99, %add3A_194 : i32
        %get3A_196 = arith.index_cast %add3A_195 : i32 to index
        %get3A_197 = arith.constant 16 : index
        %get3A_198 = tpu.vector_load %arg7[%get3A_196, %get3A_197] {strides = array<i32>} : memref<320x128xf32, #tpu.memory_space<vmem>>, vector<1x16xf32>,
        %get3A_199 = vector.shape_cast %get3A_198 : vector<1x16xf32> to vector<16xf32>
        %add3A_200 = arith.addf %add3A_144, %get3A_199 : vector<16xf32>
        %add3A_201 = arith.constant 2 : i32
        %add3A_202 = arith.addi %mul3A_99, %add3A_201 : i32
        %get3A_203 = arith.index_cast %add3A_202 : i32 to index
        %get3A_204 = arith.constant 32 : index
        %get3A_205 = tpu.vector_load %arg7[%get3A_203, %get3A_204] {strides = array<i32>} : memref<320x128xf32, #tpu.memory_space<vmem>>, vector<1x16xf32>,
        %get3A_206 = vector.shape_cast %get3A_205 : vector<1x16xf32> to vector<16xf32>
        %add3A_207 = arith.addf %add3A_151, %get3A_206 : vector<16xf32>
        %add3A_208 = arith.constant 2 : i32
        %add3A_209 = arith.addi %mul3A_99, %add3A_208 : i32
        %get3A_210 = arith.index_cast %add3A_209 : i32 to index
        %get3A_211 = arith.constant 48 : index
        %get3A_212 = tpu.vector_load %arg7[%get3A_210, %get3A_211] {strides = array<i32>} : memref<320x128xf32, #tpu.memory_space<vmem>>, vector<1x16xf32>,
        %get3A_213 = vector.shape_cast %get3A_212 : vector<1x16xf32> to vector<16xf32>
        %add3A_214 = arith.addf %add3A_158, %get3A_213 : vector<16xf32>
        %add3A_215 = arith.constant 2 : i32
        %add3A_216 = arith.addi %mul3A_99, %add3A_215 : i32
        %get3A_217 = arith.index_cast %add3A_216 : i32 to index
        %get3A_218 = arith.constant 64 : index
        %get3A_219 = tpu.vector_load %arg7[%get3A_217, %get3A_218] {strides = array<i32>} : memref<320x128xf32, #tpu.memory_space<vmem>>, vector<1x16xf32>,
        %get3A_220 = vector.shape_cast %get3A_219 : vector<1x16xf32> to vector<16xf32>
        %add3A_221 = arith.addf %add3A_165, %get3A_220 : vector<16xf32>
        %add3A_222 = arith.constant 2 : i32
        %add3A_223 = arith.addi %mul3A_99, %add3A_222 : i32
        %get3A_224 = arith.index_cast %add3A_223 : i32 to index
        %get3A_225 = arith.constant 80 : index
        %get3A_226 = tpu.vector_load %arg7[%get3A_224, %get3A_225] {strides = array<i32>} : memref<320x128xf32, #tpu.memory_space<vmem>>, vector<1x16xf32>,
        %get3A_227 = vector.shape_cast %get3A_226 : vector<1x16xf32> to vector<16xf32>
        %add3A_228 = arith.addf %add3A_172, %get3A_227 : vector<16xf32>
        %add3A_229 = arith.constant 2 : i32
        %add3A_230 = arith.addi %mul3A_99, %add3A_229 : i32
        %get3A_231 = arith.index_cast %add3A_230 : i32 to index
        %get3A_232 = arith.constant 96 : index
        %get3A_233 = tpu.vector_load %arg7[%get3A_231, %get3A_232] {strides = array<i32>} : memref<320x128xf32, #tpu.memory_space<vmem>>, vector<1x16xf32>,
        %get3A_234 = vector.shape_cast %get3A_233 : vector<1x16xf32> to vector<16xf32>
        %add3A_235 = arith.addf %add3A_179, %get3A_234 : vector<16xf32>
        %add3A_236 = arith.constant 2 : i32
        %add3A_237 = arith.addi %mul3A_99, %add3A_236 : i32
        %get3A_238 = arith.index_cast %add3A_237 : i32 to index
        %get3A_239 = arith.constant 112 : index
        %get3A_240 = tpu.vector_load %arg7[%get3A_238, %get3A_239] {strides = array<i32>} : memref<320x128xf32, #tpu.memory_space<vmem>>, vector<1x16xf32>,
        %get3A_241 = vector.shape_cast %get3A_240 : vector<1x16xf32> to vector<16xf32>
        %add3A_242 = arith.addf %add3A_186, %get3A_241 : vector<16xf32>
        %add3A_243 = arith.constant 3 : i32
        %add3A_244 = arith.addi %mul3A_99, %add3A_243 : i32
        %get3A_245 = arith.index_cast %add3A_244 : i32 to index
        %get3A_246 = arith.constant 0 : index
        %get3A_247 = tpu.vector_load %arg7[%get3A_245, %get3A_246] {strides = array<i32>} : memref<320x128xf32, #tpu.memory_space<vmem>>, vector<1x16xf32>,
        %get3A_248 = vector.shape_cast %get3A_247 : vector<1x16xf32> to vector<16xf32>
        %add3A_249 = arith.addf %add3A_193, %get3A_248 : vector<16xf32>
        %add3A_250 = arith.constant 3 : i32
        %add3A_251 = arith.addi %mul3A_99, %add3A_250 : i32
        %get3A_252 = arith.index_cast %add3A_251 : i32 to index
        %get3A_253 = arith.constant 16 : index
        %get3A_254 = tpu.vector_load %arg7[%get3A_252, %get3A_253] {strides = array<i32>} : memref<320x128xf32, #tpu.memory_space<vmem>>, vector<1x16xf32>,
        %get3A_255 = vector.shape_cast %get3A_254 : vector<1x16xf32> to vector<16xf32>
        %add3A_256 = arith.addf %add3A_200, %get3A_255 : vector<16xf32>
        %add3A_257 = arith.constant 3 : i32
        %add3A_258 = arith.addi %mul3A_99, %add3A_257 : i32
        %get3A_259 = arith.index_cast %add3A_258 : i32 to index
        %get3A_260 = arith.constant 32 : index
        %get3A_261 = tpu.vector_load %arg7[%get3A_259, %get3A_260] {strides = array<i32>} : memref<320x128xf32, #tpu.memory_space<vmem>>, vector<1x16xf32>,
        %get3A_262 = vector.shape_cast %get3A_261 : vector<1x16xf32> to vector<16xf32>
        %add3A_263 = arith.addf %add3A_207, %get3A_262 : vector<16xf32>
        %add3A_264 = arith.constant 3 : i32
        %add3A_265 = arith.addi %mul3A_99, %add3A_264 : i32
        %get3A_266 = arith.index_cast %add3A_265 : i32 to index
        %get3A_267 = arith.constant 48 : index
        %get3A_268 = tpu.vector_load %arg7[%get3A_266, %get3A_267] {strides = array<i32>} : memref<320x128xf32, #tpu.memory_space<vmem>>, vector<1x16xf32>,
        %get3A_269 = vector.shape_cast %get3A_268 : vector<1x16xf32> to vector<16xf32>
        %add3A_270 = arith.addf %add3A_214, %get3A_269 : vector<16xf32>
        %add3A_271 = arith.constant 3 : i32
        %add3A_272 = arith.addi %mul3A_99, %add3A_271 : i32
        %get3A_273 = arith.index_cast %add3A_272 : i32 to index
        %get3A_274 = arith.constant 64 : index
        %get3A_275 = tpu.vector_load %arg7[%get3A_273, %get3A_274] {strides = array<i32>} : memref<320x128xf32, #tpu.memory_space<vmem>>, vector<1x16xf32>,
        %get3A_276 = vector.shape_cast %get3A_275 : vector<1x16xf32> to vector<16xf32>
        %add3A_277 = arith.addf %add3A_221, %get3A_276 : vector<16xf32>
        %add3A_278 = arith.constant 3 : i32
        %add3A_279 = arith.addi %mul3A_99, %add3A_278 : i32
        %get3A_280 = arith.index_cast %add3A_279 : i32 to index
        %get3A_281 = arith.constant 80 : index
        %get3A_282 = tpu.vector_load %arg7[%get3A_280, %get3A_281] {strides = array<i32>} : memref<320x128xf32, #tpu.memory_space<vmem>>, vector<1x16xf32>,
        %get3A_283 = vector.shape_cast %get3A_282 : vector<1x16xf32> to vector<16xf32>
        %add3A_284 = arith.addf %add3A_228, %get3A_283 : vector<16xf32>
        %add3A_285 = arith.constant 3 : i32
        %add3A_286 = arith.addi %mul3A_99, %add3A_285 : i32
        %get3A_287 = arith.index_cast %add3A_286 : i32 to index
        %get3A_288 = arith.constant 96 : index
        %get3A_289 = tpu.vector_load %arg7[%get3A_287, %get3A_288] {strides = array<i32>} : memref<320x128xf32, #tpu.memory_space<vmem>>, vector<1x16xf32>,
        %get3A_290 = vector.shape_cast %get3A_289 : vector<1x16xf32> to vector<16xf32>
        %add3A_291 = arith.addf %add3A_235, %get3A_290 : vector<16xf32>
        %add3A_292 = arith.constant 3 : i32
        %add3A_293 = arith.addi %mul3A_99, %add3A_292 : i32
        %get3A_294 = arith.index_cast %add3A_293 : i32 to index
        %get3A_295 = arith.constant 112 : index
        %get3A_296 = tpu.vector_load %arg7[%get3A_294, %get3A_295] {strides = array<i32>} : memref<320x128xf32, #tpu.memory_space<vmem>>, vector<1x16xf32>,
        %get3A_297 = vector.shape_cast %get3A_296 : vector<1x16xf32> to vector<16xf32>
        %add3A_298 = arith.addf %add3A_242, %get3A_297 : vector<16xf32>
        %add3A_299 = arith.constant 4 : i32
        %add3A_300 = arith.addi %mul3A_99, %add3A_299 : i32
        %get3A_301 = arith.index_cast %add3A_300 : i32 to index
        %get3A_302 = arith.constant 0 : index
        %get3A_303 = tpu.vector_load %arg7[%get3A_301, %get3A_302] {strides = array<i32>} : memref<320x128xf32, #tpu.memory_space<vmem>>, vector<1x16xf32>,
        %get3A_304 = vector.shape_cast %get3A_303 : vector<1x16xf32> to vector<16xf32>
        %add3A_305 = arith.addf %add3A_249, %get3A_304 : vector<16xf32>
        %add3A_306 = arith.constant 4 : i32
        %add3A_307 = arith.addi %mul3A_99, %add3A_306 : i32
        %get3A_308 = arith.index_cast %add3A_307 : i32 to index
        %get3A_309 = arith.constant 16 : index
        %get3A_310 = tpu.vector_load %arg7[%get3A_308, %get3A_309] {strides = array<i32>} : memref<320x128xf32, #tpu.memory_space<vmem>>, vector<1x16xf32>,
        %get3A_311 = vector.shape_cast %get3A_310 : vector<1x16xf32> to vector<16xf32>
        %add3A_312 = arith.addf %add3A_256, %get3A_311 : vector<16xf32>
        %add3A_313 = arith.constant 4 : i32
        %add3A_314 = arith.addi %mul3A_99, %add3A_313 : i32
        %get3A_315 = arith.index_cast %add3A_314 : i32 to index
        %get3A_316 = arith.constant 32 : index
        %get3A_317 = tpu.vector_load %arg7[%get3A_315, %get3A_316] {strides = array<i32>} : memref<320x128xf32, #tpu.memory_space<vmem>>, vector<1x16xf32>,
        %get3A_318 = vector.shape_cast %get3A_317 : vector<1x16xf32> to vector<16xf32>
        %add3A_319 = arith.addf %add3A_263, %get3A_318 : vector<16xf32>
        %add3A_320 = arith.constant 4 : i32
        %add3A_321 = arith.addi %mul3A_99, %add3A_320 : i32
        %get3A_322 = arith.index_cast %add3A_321 : i32 to index
        %get3A_323 = arith.constant 48 : index
        %get3A_324 = tpu.vector_load %arg7[%get3A_322, %get3A_323] {strides = array<i32>} : memref<320x128xf32, #tpu.memory_space<vmem>>, vector<1x16xf32>,
        %get3A_325 = vector.shape_cast %get3A_324 : vector<1x16xf32> to vector<16xf32>
        %add3A_326 = arith.addf %add3A_270, %get3A_325 : vector<16xf32>
        %add3A_327 = arith.constant 4 : i32
        %add3A_328 = arith.addi %mul3A_99, %add3A_327 : i32
        %get3A_329 = arith.index_cast %add3A_328 : i32 to index
        %get3A_330 = arith.constant 64 : index
        %get3A_331 = tpu.vector_load %arg7[%get3A_329, %get3A_330] {strides = array<i32>} : memref<320x128xf32, #tpu.memory_space<vmem>>, vector<1x16xf32>,
        %get3A_332 = vector.shape_cast %get3A_331 : vector<1x16xf32> to vector<16xf32>
        %add3A_333 = arith.addf %add3A_277, %get3A_332 : vector<16xf32>
        %add3A_334 = arith.constant 4 : i32
        %add3A_335 = arith.addi %mul3A_99, %add3A_334 : i32
        %get3A_336 = arith.index_cast %add3A_335 : i32 to index
        %get3A_337 = arith.constant 80 : index
        %get3A_338 = tpu.vector_load %arg7[%get3A_336, %get3A_337] {strides = array<i32>} : memref<320x128xf32, #tpu.memory_space<vmem>>, vector<1x16xf32>,
        %get3A_339 = vector.shape_cast %get3A_338 : vector<1x16xf32> to vector<16xf32>
        %add3A_340 = arith.addf %add3A_284, %get3A_339 : vector<16xf32>
        %add3A_341 = arith.constant 4 : i32
        %add3A_342 = arith.addi %mul3A_99, %add3A_341 : i32
        %get3A_343 = arith.index_cast %add3A_342 : i32 to index
        %get3A_344 = arith.constant 96 : index
        %get3A_345 = tpu.vector_load %arg7[%get3A_343, %get3A_344] {strides = array<i32>} : memref<320x128xf32, #tpu.memory_space<vmem>>, vector<1x16xf32>,
        %get3A_346 = vector.shape_cast %get3A_345 : vector<1x16xf32> to vector<16xf32>
        %add3A_347 = arith.addf %add3A_291, %get3A_346 : vector<16xf32>
        %add3A_348 = arith.constant 4 : i32
        %add3A_349 = arith.addi %mul3A_99, %add3A_348 : i32
        %get3A_350 = arith.index_cast %add3A_349 : i32 to index
        %get3A_351 = arith.constant 112 : index
        %get3A_352 = tpu.vector_load %arg7[%get3A_350, %get3A_351] {strides = array<i32>} : memref<320x128xf32, #tpu.memory_space<vmem>>, vector<1x16xf32>,
        %get3A_353 = vector.shape_cast %get3A_352 : vector<1x16xf32> to vector<16xf32>
        %add3A_354 = arith.addf %add3A_298, %get3A_353 : vector<16xf32>
        %add3A_355 = arith.constant 5 : i32
        %add3A_356 = arith.addi %mul3A_99, %add3A_355 : i32
        %get3A_357 = arith.index_cast %add3A_356 : i32 to index
        %get3A_358 = arith.constant 0 : index
        %get3A_359 = tpu.vector_load %arg7[%get3A_357, %get3A_358] {strides = array<i32>} : memref<320x128xf32, #tpu.memory_space<vmem>>, vector<1x16xf32>,
        %get3A_360 = vector.shape_cast %get3A_359 : vector<1x16xf32> to vector<16xf32>
        %add3A_361 = arith.addf %add3A_305, %get3A_360 : vector<16xf32>
        %add3A_362 = arith.constant 5 : i32
        %add3A_363 = arith.addi %mul3A_99, %add3A_362 : i32
        %get3A_364 = arith.index_cast %add3A_363 : i32 to index
        %get3A_365 = arith.constant 16 : index
        %get3A_366 = tpu.vector_load %arg7[%get3A_364, %get3A_365] {strides = array<i32>} : memref<320x128xf32, #tpu.memory_space<vmem>>, vector<1x16xf32>,
        %get3A_367 = vector.shape_cast %get3A_366 : vector<1x16xf32> to vector<16xf32>
        %add3A_368 = arith.addf %add3A_312, %get3A_367 : vector<16xf32>
        %add3A_369 = arith.constant 5 : i32
        %add3A_370 = arith.addi %mul3A_99, %add3A_369 : i32
        %get3A_371 = arith.index_cast %add3A_370 : i32 to index
        %get3A_372 = arith.constant 32 : index
        %get3A_373 = tpu.vector_load %arg7[%get3A_371, %get3A_372] {strides = array<i32>} : memref<320x128xf32, #tpu.memory_space<vmem>>, vector<1x16xf32>,
        %get3A_374 = vector.shape_cast %get3A_373 : vector<1x16xf32> to vector<16xf32>
        %add3A_375 = arith.addf %add3A_319, %get3A_374 : vector<16xf32>
        %add3A_376 = arith.constant 5 : i32
        %add3A_377 = arith.addi %mul3A_99, %add3A_376 : i32
        %get3A_378 = arith.index_cast %add3A_377 : i32 to index
        %get3A_379 = arith.constant 48 : index
        %get3A_380 = tpu.vector_load %arg7[%get3A_378, %get3A_379] {strides = array<i32>} : memref<320x128xf32, #tpu.memory_space<vmem>>, vector<1x16xf32>,
        %get3A_381 = vector.shape_cast %get3A_380 : vector<1x16xf32> to vector<16xf32>
        %add3A_382 = arith.addf %add3A_326, %get3A_381 : vector<16xf32>
        %add3A_383 = arith.constant 5 : i32
        %add3A_384 = arith.addi %mul3A_99, %add3A_383 : i32
        %get3A_385 = arith.index_cast %add3A_384 : i32 to index
        %get3A_386 = arith.constant 64 : index
        %get3A_387 = tpu.vector_load %arg7[%get3A_385, %get3A_386] {strides = array<i32>} : memref<320x128xf32, #tpu.memory_space<vmem>>, vector<1x16xf32>,
        %get3A_388 = vector.shape_cast %get3A_387 : vector<1x16xf32> to vector<16xf32>
        %add3A_389 = arith.addf %add3A_333, %get3A_388 : vector<16xf32>
        %add3A_390 = arith.constant 5 : i32
        %add3A_391 = arith.addi %mul3A_99, %add3A_390 : i32
        %get3A_392 = arith.index_cast %add3A_391 : i32 to index
        %get3A_393 = arith.constant 80 : index
        %get3A_394 = tpu.vector_load %arg7[%get3A_392, %get3A_393] {strides = array<i32>} : memref<320x128xf32, #tpu.memory_space<vmem>>, vector<1x16xf32>,
        %get3A_395 = vector.shape_cast %get3A_394 : vector<1x16xf32> to vector<16xf32>
        %add3A_396 = arith.addf %add3A_340, %get3A_395 : vector<16xf32>
        %add3A_397 = arith.constant 5 : i32
        %add3A_398 = arith.addi %mul3A_99, %add3A_397 : i32
        %get3A_399 = arith.index_cast %add3A_398 : i32 to index
        %get3A_400 = arith.constant 96 : index
        %get3A_401 = tpu.vector_load %arg7[%get3A_399, %get3A_400] {strides = array<i32>} : memref<320x128xf32, #tpu.memory_space<vmem>>, vector<1x16xf32>,
        %get3A_402 = vector.shape_cast %get3A_401 : vector<1x16xf32> to vector<16xf32>
        %add3A_403 = arith.addf %add3A_347, %get3A_402 : vector<16xf32>
        %add3A_404 = arith.constant 5 : i32
        %add3A_405 = arith.addi %mul3A_99, %add3A_404 : i32
        %get3A_406 = arith.index_cast %add3A_405 : i32 to index
        %get3A_407 = arith.constant 112 : index
        %get3A_408 = tpu.vector_load %arg7[%get3A_406, %get3A_407] {strides = array<i32>} : memref<320x128xf32, #tpu.memory_space<vmem>>, vector<1x16xf32>,
        %get3A_409 = vector.shape_cast %get3A_408 : vector<1x16xf32> to vector<16xf32>
        %add3A_410 = arith.addf %add3A_354, %get3A_409 : vector<16xf32>
        %add3A_411 = arith.constant 6 : i32
        %add3A_412 = arith.addi %mul3A_99, %add3A_411 : i32
        %get3A_413 = arith.index_cast %add3A_412 : i32 to index
        %get3A_414 = arith.constant 0 : index
        %get3A_415 = tpu.vector_load %arg7[%get3A_413, %get3A_414] {strides = array<i32>} : memref<320x128xf32, #tpu.memory_space<vmem>>, vector<1x16xf32>,
        %get3A_416 = vector.shape_cast %get3A_415 : vector<1x16xf32> to vector<16xf32>
        %add3A_417 = arith.addf %add3A_361, %get3A_416 : vector<16xf32>
        %add3A_418 = arith.constant 6 : i32
        %add3A_419 = arith.addi %mul3A_99, %add3A_418 : i32
        %get3A_420 = arith.index_cast %add3A_419 : i32 to index
        %get3A_421 = arith.constant 16 : index
        %get3A_422 = tpu.vector_load %arg7[%get3A_420, %get3A_421] {strides = array<i32>} : memref<320x128xf32, #tpu.memory_space<vmem>>, vector<1x16xf32>,
        %get3A_423 = vector.shape_cast %get3A_422 : vector<1x16xf32> to vector<16xf32>
        %add3A_424 = arith.addf %add3A_368, %get3A_423 : vector<16xf32>
        %add3A_425 = arith.constant 6 : i32
        %add3A_426 = arith.addi %mul3A_99, %add3A_425 : i32
        %get3A_427 = arith.index_cast %add3A_426 : i32 to index
        %get3A_428 = arith.constant 32 : index
        %get3A_429 = tpu.vector_load %arg7[%get3A_427, %get3A_428] {strides = array<i32>} : memref<320x128xf32, #tpu.memory_space<vmem>>, vector<1x16xf32>,
        %get3A_430 = vector.shape_cast %get3A_429 : vector<1x16xf32> to vector<16xf32>
        %add3A_431 = arith.addf %add3A_375, %get3A_430 : vector<16xf32>
        %add3A_432 = arith.constant 6 : i32
        %add3A_433 = arith.addi %mul3A_99, %add3A_432 : i32
        %get3A_434 = arith.index_cast %add3A_433 : i32 to index
        %get3A_435 = arith.constant 48 : index
        %get3A_436 = tpu.vector_load %arg7[%get3A_434, %get3A_435] {strides = array<i32>} : memref<320x128xf32, #tpu.memory_space<vmem>>, vector<1x16xf32>,
        %get3A_437 = vector.shape_cast %get3A_436 : vector<1x16xf32> to vector<16xf32>
        %add3A_438 = arith.addf %add3A_382, %get3A_437 : vector<16xf32>
        %add3A_439 = arith.constant 6 : i32
        %add3A_440 = arith.addi %mul3A_99, %add3A_439 : i32
        %get3A_441 = arith.index_cast %add3A_440 : i32 to index
        %get3A_442 = arith.constant 64 : index
        %get3A_443 = tpu.vector_load %arg7[%get3A_441, %get3A_442] {strides = array<i32>} : memref<320x128xf32, #tpu.memory_space<vmem>>, vector<1x16xf32>,
        %get3A_444 = vector.shape_cast %get3A_443 : vector<1x16xf32> to vector<16xf32>
        %add3A_445 = arith.addf %add3A_389, %get3A_444 : vector<16xf32>
        %add3A_446 = arith.constant 6 : i32
        %add3A_447 = arith.addi %mul3A_99, %add3A_446 : i32
        %get3A_448 = arith.index_cast %add3A_447 : i32 to index
        %get3A_449 = arith.constant 80 : index
        %get3A_450 = tpu.vector_load %arg7[%get3A_448, %get3A_449] {strides = array<i32>} : memref<320x128xf32, #tpu.memory_space<vmem>>, vector<1x16xf32>,
        %get3A_451 = vector.shape_cast %get3A_450 : vector<1x16xf32> to vector<16xf32>
        %add3A_452 = arith.addf %add3A_396, %get3A_451 : vector<16xf32>
        %add3A_453 = arith.constant 6 : i32
        %add3A_454 = arith.addi %mul3A_99, %add3A_453 : i32
        %get3A_455 = arith.index_cast %add3A_454 : i32 to index
        %get3A_456 = arith.constant 96 : index
        %get3A_457 = tpu.vector_load %arg7[%get3A_455, %get3A_456] {strides = array<i32>} : memref<320x128xf32, #tpu.memory_space<vmem>>, vector<1x16xf32>,
        %get3A_458 = vector.shape_cast %get3A_457 : vector<1x16xf32> to vector<16xf32>
        %add3A_459 = arith.addf %add3A_403, %get3A_458 : vector<16xf32>
        %add3A_460 = arith.constant 6 : i32
        %add3A_461 = arith.addi %mul3A_99, %add3A_460 : i32
        %get3A_462 = arith.index_cast %add3A_461 : i32 to index
        %get3A_463 = arith.constant 112 : index
        %get3A_464 = tpu.vector_load %arg7[%get3A_462, %get3A_463] {strides = array<i32>} : memref<320x128xf32, #tpu.memory_space<vmem>>, vector<1x16xf32>,
        %get3A_465 = vector.shape_cast %get3A_464 : vector<1x16xf32> to vector<16xf32>
        %add3A_466 = arith.addf %add3A_410, %get3A_465 : vector<16xf32>
        %add3A_467 = arith.constant 7 : i32
        %add3A_468 = arith.addi %mul3A_99, %add3A_467 : i32
        %get3A_469 = arith.index_cast %add3A_468 : i32 to index
        %get3A_470 = arith.constant 0 : index
        %get3A_471 = tpu.vector_load %arg7[%get3A_469, %get3A_470] {strides = array<i32>} : memref<320x128xf32, #tpu.memory_space<vmem>>, vector<1x16xf32>,
        %get3A_472 = vector.shape_cast %get3A_471 : vector<1x16xf32> to vector<16xf32>
        %add3A_473 = arith.addf %add3A_417, %get3A_472 : vector<16xf32>
        %add3A_474 = arith.constant 7 : i32
        %add3A_475 = arith.addi %mul3A_99, %add3A_474 : i32
        %get3A_476 = arith.index_cast %add3A_475 : i32 to index
        %get3A_477 = arith.constant 16 : index
        %get3A_478 = tpu.vector_load %arg7[%get3A_476, %get3A_477] {strides = array<i32>} : memref<320x128xf32, #tpu.memory_space<vmem>>, vector<1x16xf32>,
        %get3A_479 = vector.shape_cast %get3A_478 : vector<1x16xf32> to vector<16xf32>
        %add3A_480 = arith.addf %add3A_424, %get3A_479 : vector<16xf32>
        %add3A_481 = arith.constant 7 : i32
        %add3A_482 = arith.addi %mul3A_99, %add3A_481 : i32
        %get3A_483 = arith.index_cast %add3A_482 : i32 to index
        %get3A_484 = arith.constant 32 : index
        %get3A_485 = tpu.vector_load %arg7[%get3A_483, %get3A_484] {strides = array<i32>} : memref<320x128xf32, #tpu.memory_space<vmem>>, vector<1x16xf32>,
        %get3A_486 = vector.shape_cast %get3A_485 : vector<1x16xf32> to vector<16xf32>
        %add3A_487 = arith.addf %add3A_431, %get3A_486 : vector<16xf32>
        %add3A_488 = arith.constant 7 : i32
        %add3A_489 = arith.addi %mul3A_99, %add3A_488 : i32
        %get3A_490 = arith.index_cast %add3A_489 : i32 to index
        %get3A_491 = arith.constant 48 : index
        %get3A_492 = tpu.vector_load %arg7[%get3A_490, %get3A_491] {strides = array<i32>} : memref<320x128xf32, #tpu.memory_space<vmem>>, vector<1x16xf32>,
        %get3A_493 = vector.shape_cast %get3A_492 : vector<1x16xf32> to vector<16xf32>
        %add3A_494 = arith.addf %add3A_438, %get3A_493 : vector<16xf32>
        %add3A_495 = arith.constant 7 : i32
        %add3A_496 = arith.addi %mul3A_99, %add3A_495 : i32
        %get3A_497 = arith.index_cast %add3A_496 : i32 to index
        %get3A_498 = arith.constant 64 : index
        %get3A_499 = tpu.vector_load %arg7[%get3A_497, %get3A_498] {strides = array<i32>} : memref<320x128xf32, #tpu.memory_space<vmem>>, vector<1x16xf32>,
        %get3A_500 = vector.shape_cast %get3A_499 : vector<1x16xf32> to vector<16xf32>
        %add3A_501 = arith.addf %add3A_445, %get3A_500 : vector<16xf32>
        %add3A_502 = arith.constant 7 : i32
        %add3A_503 = arith.addi %mul3A_99, %add3A_502 : i32
        %get3A_504 = arith.index_cast %add3A_503 : i32 to index
        %get3A_505 = arith.constant 80 : index
        %get3A_506 = tpu.vector_load %arg7[%get3A_504, %get3A_505] {strides = array<i32>} : memref<320x128xf32, #tpu.memory_space<vmem>>, vector<1x16xf32>,
        %get3A_507 = vector.shape_cast %get3A_506 : vector<1x16xf32> to vector<16xf32>
        %add3A_508 = arith.addf %add3A_452, %get3A_507 : vector<16xf32>
        %add3A_509 = arith.constant 7 : i32
        %add3A_510 = arith.addi %mul3A_99, %add3A_509 : i32
        %get3A_511 = arith.index_cast %add3A_510 : i32 to index
        %get3A_512 = arith.constant 96 : index
        %get3A_513 = tpu.vector_load %arg7[%get3A_511, %get3A_512] {strides = array<i32>} : memref<320x128xf32, #tpu.memory_space<vmem>>, vector<1x16xf32>,
        %get3A_514 = vector.shape_cast %get3A_513 : vector<1x16xf32> to vector<16xf32>
        %add3A_515 = arith.addf %add3A_459, %get3A_514 : vector<16xf32>
        %add3A_516 = arith.constant 7 : i32
        %add3A_517 = arith.addi %mul3A_99, %add3A_516 : i32
        %get3A_518 = arith.index_cast %add3A_517 : i32 to index
        %get3A_519 = arith.constant 112 : index
        %get3A_520 = tpu.vector_load %arg7[%get3A_518, %get3A_519] {strides = array<i32>} : memref<320x128xf32, #tpu.memory_space<vmem>>, vector<1x16xf32>,
        %get3A_521 = vector.shape_cast %get3A_520 : vector<1x16xf32> to vector<16xf32>
        %add3A_522 = arith.addf %add3A_466, %get3A_521 : vector<16xf32>
        %add3A_523 = arith.constant 8 : i32
        %add3A_524 = arith.addi %mul3A_99, %add3A_523 : i32
        %get3A_525 = arith.index_cast %add3A_524 : i32 to index
        %get3A_526 = arith.constant 0 : index
        %get3A_527 = tpu.vector_load %arg7[%get3A_525, %get3A_526] {strides = array<i32>} : memref<320x128xf32, #tpu.memory_space<vmem>>, vector<1x16xf32>,
        %get3A_528 = vector.shape_cast %get3A_527 : vector<1x16xf32> to vector<16xf32>
        %add3A_529 = arith.addf %add3A_473, %get3A_528 : vector<16xf32>
        %add3A_530 = arith.constant 8 : i32
        %add3A_531 = arith.addi %mul3A_99, %add3A_530 : i32
        %get3A_532 = arith.index_cast %add3A_531 : i32 to index
        %get3A_533 = arith.constant 16 : index
        %get3A_534 = tpu.vector_load %arg7[%get3A_532, %get3A_533] {strides = array<i32>} : memref<320x128xf32, #tpu.memory_space<vmem>>, vector<1x16xf32>,
        %get3A_535 = vector.shape_cast %get3A_534 : vector<1x16xf32> to vector<16xf32>
        %add3A_536 = arith.addf %add3A_480, %get3A_535 : vector<16xf32>
        %add3A_537 = arith.constant 8 : i32
        %add3A_538 = arith.addi %mul3A_99, %add3A_537 : i32
        %get3A_539 = arith.index_cast %add3A_538 : i32 to index
        %get3A_540 = arith.constant 32 : index
        %get3A_541 = tpu.vector_load %arg7[%get3A_539, %get3A_540] {strides = array<i32>} : memref<320x128xf32, #tpu.memory_space<vmem>>, vector<1x16xf32>,
        %get3A_542 = vector.shape_cast %get3A_541 : vector<1x16xf32> to vector<16xf32>
        %add3A_543 = arith.addf %add3A_487, %get3A_542 : vector<16xf32>
        %add3A_544 = arith.constant 8 : i32
        %add3A_545 = arith.addi %mul3A_99, %add3A_544 : i32
        %get3A_546 = arith.index_cast %add3A_545 : i32 to index
        %get3A_547 = arith.constant 48 : index
        %get3A_548 = tpu.vector_load %arg7[%get3A_546, %get3A_547] {strides = array<i32>} : memref<320x128xf32, #tpu.memory_space<vmem>>, vector<1x16xf32>,
        %get3A_549 = vector.shape_cast %get3A_548 : vector<1x16xf32> to vector<16xf32>
        %add3A_550 = arith.addf %add3A_494, %get3A_549 : vector<16xf32>
        %add3A_551 = arith.constant 8 : i32
        %add3A_552 = arith.addi %mul3A_99, %add3A_551 : i32
        %get3A_553 = arith.index_cast %add3A_552 : i32 to index
        %get3A_554 = arith.constant 64 : index
        %get3A_555 = tpu.vector_load %arg7[%get3A_553, %get3A_554] {strides = array<i32>} : memref<320x128xf32, #tpu.memory_space<vmem>>, vector<1x16xf32>,
        %get3A_556 = vector.shape_cast %get3A_555 : vector<1x16xf32> to vector<16xf32>
        %add3A_557 = arith.addf %add3A_501, %get3A_556 : vector<16xf32>
        %add3A_558 = arith.constant 8 : i32
        %add3A_559 = arith.addi %mul3A_99, %add3A_558 : i32
        %get3A_560 = arith.index_cast %add3A_559 : i32 to index
        %get3A_561 = arith.constant 80 : index
        %get3A_562 = tpu.vector_load %arg7[%get3A_560, %get3A_561] {strides = array<i32>} : memref<320x128xf32, #tpu.memory_space<vmem>>, vector<1x16xf32>,
        %get3A_563 = vector.shape_cast %get3A_562 : vector<1x16xf32> to vector<16xf32>
        %add3A_564 = arith.addf %add3A_508, %get3A_563 : vector<16xf32>
        %add3A_565 = arith.constant 8 : i32
        %add3A_566 = arith.addi %mul3A_99, %add3A_565 : i32
        %get3A_567 = arith.index_cast %add3A_566 : i32 to index
        %get3A_568 = arith.constant 96 : index
        %get3A_569 = tpu.vector_load %arg7[%get3A_567, %get3A_568] {strides = array<i32>} : memref<320x128xf32, #tpu.memory_space<vmem>>, vector<1x16xf32>,
        %get3A_570 = vector.shape_cast %get3A_569 : vector<1x16xf32> to vector<16xf32>
        %add3A_571 = arith.addf %add3A_515, %get3A_570 : vector<16xf32>
        %add3A_572 = arith.constant 8 : i32
        %add3A_573 = arith.addi %mul3A_99, %add3A_572 : i32
        %get3A_574 = arith.index_cast %add3A_573 : i32 to index
        %get3A_575 = arith.constant 112 : index
        %get3A_576 = tpu.vector_load %arg7[%get3A_574, %get3A_575] {strides = array<i32>} : memref<320x128xf32, #tpu.memory_space<vmem>>, vector<1x16xf32>,
        %get3A_577 = vector.shape_cast %get3A_576 : vector<1x16xf32> to vector<16xf32>
        %add3A_578 = arith.addf %add3A_522, %get3A_577 : vector<16xf32>
        %add3A_579 = arith.constant 9 : i32
        %add3A_580 = arith.addi %mul3A_99, %add3A_579 : i32
        %get3A_581 = arith.index_cast %add3A_580 : i32 to index
        %get3A_582 = arith.constant 0 : index
        %get3A_583 = tpu.vector_load %arg7[%get3A_581, %get3A_582] {strides = array<i32>} : memref<320x128xf32, #tpu.memory_space<vmem>>, vector<1x16xf32>,
        %get3A_584 = vector.shape_cast %get3A_583 : vector<1x16xf32> to vector<16xf32>
        %add3A_585 = arith.addf %add3A_529, %get3A_584 : vector<16xf32>
        %add3A_586 = arith.constant 9 : i32
        %add3A_587 = arith.addi %mul3A_99, %add3A_586 : i32
        %get3A_588 = arith.index_cast %add3A_587 : i32 to index
        %get3A_589 = arith.constant 16 : index
        %get3A_590 = tpu.vector_load %arg7[%get3A_588, %get3A_589] {strides = array<i32>} : memref<320x128xf32, #tpu.memory_space<vmem>>, vector<1x16xf32>,
        %get3A_591 = vector.shape_cast %get3A_590 : vector<1x16xf32> to vector<16xf32>
        %add3A_592 = arith.addf %add3A_536, %get3A_591 : vector<16xf32>
        %add3A_593 = arith.constant 9 : i32
        %add3A_594 = arith.addi %mul3A_99, %add3A_593 : i32
        %get3A_595 = arith.index_cast %add3A_594 : i32 to index
        %get3A_596 = arith.constant 32 : index
        %get3A_597 = tpu.vector_load %arg7[%get3A_595, %get3A_596] {strides = array<i32>} : memref<320x128xf32, #tpu.memory_space<vmem>>, vector<1x16xf32>,
        %get3A_598 = vector.shape_cast %get3A_597 : vector<1x16xf32> to vector<16xf32>
        %add3A_599 = arith.addf %add3A_543, %get3A_598 : vector<16xf32>
        %add3A_600 = arith.constant 9 : i32
        %add3A_601 = arith.addi %mul3A_99, %add3A_600 : i32
        %get3A_602 = arith.index_cast %add3A_601 : i32 to index
        %get3A_603 = arith.constant 48 : index
        %get3A_604 = tpu.vector_load %arg7[%get3A_602, %get3A_603] {strides = array<i32>} : memref<320x128xf32, #tpu.memory_space<vmem>>, vector<1x16xf32>,
        %get3A_605 = vector.shape_cast %get3A_604 : vector<1x16xf32> to vector<16xf32>
        %add3A_606 = arith.addf %add3A_550, %get3A_605 : vector<16xf32>
        %add3A_607 = arith.constant 9 : i32
        %add3A_608 = arith.addi %mul3A_99, %add3A_607 : i32
        %get3A_609 = arith.index_cast %add3A_608 : i32 to index
        %get3A_610 = arith.constant 64 : index
        %get3A_611 = tpu.vector_load %arg7[%get3A_609, %get3A_610] {strides = array<i32>} : memref<320x128xf32, #tpu.memory_space<vmem>>, vector<1x16xf32>,
        %get3A_612 = vector.shape_cast %get3A_611 : vector<1x16xf32> to vector<16xf32>
        %add3A_613 = arith.addf %add3A_557, %get3A_612 : vector<16xf32>
        %add3A_614 = arith.constant 9 : i32
        %add3A_615 = arith.addi %mul3A_99, %add3A_614 : i32
        %get3A_616 = arith.index_cast %add3A_615 : i32 to index
        %get3A_617 = arith.constant 80 : index
        %get3A_618 = tpu.vector_load %arg7[%get3A_616, %get3A_617] {strides = array<i32>} : memref<320x128xf32, #tpu.memory_space<vmem>>, vector<1x16xf32>,
        %get3A_619 = vector.shape_cast %get3A_618 : vector<1x16xf32> to vector<16xf32>
        %add3A_620 = arith.addf %add3A_564, %get3A_619 : vector<16xf32>
        %add3A_621 = arith.constant 9 : i32
        %add3A_622 = arith.addi %mul3A_99, %add3A_621 : i32
        %get3A_623 = arith.index_cast %add3A_622 : i32 to index
        %get3A_624 = arith.constant 96 : index
        %get3A_625 = tpu.vector_load %arg7[%get3A_623, %get3A_624] {strides = array<i32>} : memref<320x128xf32, #tpu.memory_space<vmem>>, vector<1x16xf32>,
        %get3A_626 = vector.shape_cast %get3A_625 : vector<1x16xf32> to vector<16xf32>
        %add3A_627 = arith.addf %add3A_571, %get3A_626 : vector<16xf32>
        %add3A_628 = arith.constant 9 : i32
        %add3A_629 = arith.addi %mul3A_99, %add3A_628 : i32
        %get3A_630 = arith.index_cast %add3A_629 : i32 to index
        %get3A_631 = arith.constant 112 : index
        %get3A_632 = tpu.vector_load %arg7[%get3A_630, %get3A_631] {strides = array<i32>} : memref<320x128xf32, #tpu.memory_space<vmem>>, vector<1x16xf32>,
        %get3A_633 = vector.shape_cast %get3A_632 : vector<1x16xf32> to vector<16xf32>
        %add3A_634 = arith.addf %add3A_578, %get3A_633 : vector<16xf32>
        %add3A_635 = arith.constant 10 : i32
        %add3A_636 = arith.addi %mul3A_99, %add3A_635 : i32
        %get3A_637 = arith.index_cast %add3A_636 : i32 to index
        %get3A_638 = arith.constant 0 : index
        %get3A_639 = tpu.vector_load %arg7[%get3A_637, %get3A_638] {strides = array<i32>} : memref<320x128xf32, #tpu.memory_space<vmem>>, vector<1x16xf32>,
        %get3A_640 = vector.shape_cast %get3A_639 : vector<1x16xf32> to vector<16xf32>
        %add3A_641 = arith.addf %add3A_585, %get3A_640 : vector<16xf32>
        %add3A_642 = arith.constant 10 : i32
        %add3A_643 = arith.addi %mul3A_99, %add3A_642 : i32
        %get3A_644 = arith.index_cast %add3A_643 : i32 to index
        %get3A_645 = arith.constant 16 : index
        %get3A_646 = tpu.vector_load %arg7[%get3A_644, %get3A_645] {strides = array<i32>} : memref<320x128xf32, #tpu.memory_space<vmem>>, vector<1x16xf32>,
        %get3A_647 = vector.shape_cast %get3A_646 : vector<1x16xf32> to vector<16xf32>
        %add3A_648 = arith.addf %add3A_592, %get3A_647 : vector<16xf32>
        %add3A_649 = arith.constant 10 : i32
        %add3A_650 = arith.addi %mul3A_99, %add3A_649 : i32
        %get3A_651 = arith.index_cast %add3A_650 : i32 to index
        %get3A_652 = arith.constant 32 : index
        %get3A_653 = tpu.vector_load %arg7[%get3A_651, %get3A_652] {strides = array<i32>} : memref<320x128xf32, #tpu.memory_space<vmem>>, vector<1x16xf32>,
        %get3A_654 = vector.shape_cast %get3A_653 : vector<1x16xf32> to vector<16xf32>
        %add3A_655 = arith.addf %add3A_599, %get3A_654 : vector<16xf32>
        %add3A_656 = arith.constant 10 : i32
        %add3A_657 = arith.addi %mul3A_99, %add3A_656 : i32
        %get3A_658 = arith.index_cast %add3A_657 : i32 to index
        %get3A_659 = arith.constant 48 : index
        %get3A_660 = tpu.vector_load %arg7[%get3A_658, %get3A_659] {strides = array<i32>} : memref<320x128xf32, #tpu.memory_space<vmem>>, vector<1x16xf32>,
        %get3A_661 = vector.shape_cast %get3A_660 : vector<1x16xf32> to vector<16xf32>
        %add3A_662 = arith.addf %add3A_606, %get3A_661 : vector<16xf32>
        %add3A_663 = arith.constant 10 : i32
        %add3A_664 = arith.addi %mul3A_99, %add3A_663 : i32
        %get3A_665 = arith.index_cast %add3A_664 : i32 to index
        %get3A_666 = arith.constant 64 : index
        %get3A_667 = tpu.vector_load %arg7[%get3A_665, %get3A_666] {strides = array<i32>} : memref<320x128xf32, #tpu.memory_space<vmem>>, vector<1x16xf32>,
        %get3A_668 = vector.shape_cast %get3A_667 : vector<1x16xf32> to vector<16xf32>
        %add3A_669 = arith.addf %add3A_613, %get3A_668 : vector<16xf32>
        %add3A_670 = arith.constant 10 : i32
        %add3A_671 = arith.addi %mul3A_99, %add3A_670 : i32
        %get3A_672 = arith.index_cast %add3A_671 : i32 to index
        %get3A_673 = arith.constant 80 : index
        %get3A_674 = tpu.vector_load %arg7[%get3A_672, %get3A_673] {strides = array<i32>} : memref<320x128xf32, #tpu.memory_space<vmem>>, vector<1x16xf32>,
        %get3A_675 = vector.shape_cast %get3A_674 : vector<1x16xf32> to vector<16xf32>
        %add3A_676 = arith.addf %add3A_620, %get3A_675 : vector<16xf32>
        %add3A_677 = arith.constant 10 : i32
        %add3A_678 = arith.addi %mul3A_99, %add3A_677 : i32
        %get3A_679 = arith.index_cast %add3A_678 : i32 to index
        %get3A_680 = arith.constant 96 : index
        %get3A_681 = tpu.vector_load %arg7[%get3A_679, %get3A_680] {strides = array<i32>} : memref<320x128xf32, #tpu.memory_space<vmem>>, vector<1x16xf32>,
        %get3A_682 = vector.shape_cast %get3A_681 : vector<1x16xf32> to vector<16xf32>
        %add3A_683 = arith.addf %add3A_627, %get3A_682 : vector<16xf32>
        %add3A_684 = arith.constant 10 : i32
        %add3A_685 = arith.addi %mul3A_99, %add3A_684 : i32
        %get3A_686 = arith.index_cast %add3A_685 : i32 to index
        %get3A_687 = arith.constant 112 : index
        %get3A_688 = tpu.vector_load %arg7[%get3A_686, %get3A_687] {strides = array<i32>} : memref<320x128xf32, #tpu.memory_space<vmem>>, vector<1x16xf32>,
        %get3A_689 = vector.shape_cast %get3A_688 : vector<1x16xf32> to vector<16xf32>
        %add3A_690 = arith.addf %add3A_634, %get3A_689 : vector<16xf32>
        %add3A_691 = arith.constant 11 : i32
        %add3A_692 = arith.addi %mul3A_99, %add3A_691 : i32
        %get3A_693 = arith.index_cast %add3A_692 : i32 to index
        %get3A_694 = arith.constant 0 : index
        %get3A_695 = tpu.vector_load %arg7[%get3A_693, %get3A_694] {strides = array<i32>} : memref<320x128xf32, #tpu.memory_space<vmem>>, vector<1x16xf32>,
        %get3A_696 = vector.shape_cast %get3A_695 : vector<1x16xf32> to vector<16xf32>
        %add3A_697 = arith.addf %add3A_641, %get3A_696 : vector<16xf32>
        %add3A_698 = arith.constant 11 : i32
        %add3A_699 = arith.addi %mul3A_99, %add3A_698 : i32
        %get3A_700 = arith.index_cast %add3A_699 : i32 to index
        %get3A_701 = arith.constant 16 : index
        %get3A_702 = tpu.vector_load %arg7[%get3A_700, %get3A_701] {strides = array<i32>} : memref<320x128xf32, #tpu.memory_space<vmem>>, vector<1x16xf32>,
        %get3A_703 = vector.shape_cast %get3A_702 : vector<1x16xf32> to vector<16xf32>
        %add3A_704 = arith.addf %add3A_648, %get3A_703 : vector<16xf32>
        %add3A_705 = arith.constant 11 : i32
        %add3A_706 = arith.addi %mul3A_99, %add3A_705 : i32
        %get3A_707 = arith.index_cast %add3A_706 : i32 to index
        %get3A_708 = arith.constant 32 : index
        %get3A_709 = tpu.vector_load %arg7[%get3A_707, %get3A_708] {strides = array<i32>} : memref<320x128xf32, #tpu.memory_space<vmem>>, vector<1x16xf32>,
        %get3A_710 = vector.shape_cast %get3A_709 : vector<1x16xf32> to vector<16xf32>
        %add3A_711 = arith.addf %add3A_655, %get3A_710 : vector<16xf32>
        %add3A_712 = arith.constant 11 : i32
        %add3A_713 = arith.addi %mul3A_99, %add3A_712 : i32
        %get3A_714 = arith.index_cast %add3A_713 : i32 to index
        %get3A_715 = arith.constant 48 : index
        %get3A_716 = tpu.vector_load %arg7[%get3A_714, %get3A_715] {strides = array<i32>} : memref<320x128xf32, #tpu.memory_space<vmem>>, vector<1x16xf32>,
        %get3A_717 = vector.shape_cast %get3A_716 : vector<1x16xf32> to vector<16xf32>
        %add3A_718 = arith.addf %add3A_662, %get3A_717 : vector<16xf32>
        %add3A_719 = arith.constant 11 : i32
        %add3A_720 = arith.addi %mul3A_99, %add3A_719 : i32
        %get3A_721 = arith.index_cast %add3A_720 : i32 to index
        %get3A_722 = arith.constant 64 : index
        %get3A_723 = tpu.vector_load %arg7[%get3A_721, %get3A_722] {strides = array<i32>} : memref<320x128xf32, #tpu.memory_space<vmem>>, vector<1x16xf32>,
        %get3A_724 = vector.shape_cast %get3A_723 : vector<1x16xf32> to vector<16xf32>
        %add3A_725 = arith.addf %add3A_669, %get3A_724 : vector<16xf32>
        %add3A_726 = arith.constant 11 : i32
        %add3A_727 = arith.addi %mul3A_99, %add3A_726 : i32
        %get3A_728 = arith.index_cast %add3A_727 : i32 to index
        %get3A_729 = arith.constant 80 : index
        %get3A_730 = tpu.vector_load %arg7[%get3A_728, %get3A_729] {strides = array<i32>} : memref<320x128xf32, #tpu.memory_space<vmem>>, vector<1x16xf32>,
        %get3A_731 = vector.shape_cast %get3A_730 : vector<1x16xf32> to vector<16xf32>
        %add3A_732 = arith.addf %add3A_676, %get3A_731 : vector<16xf32>
        %add3A_733 = arith.constant 11 : i32
        %add3A_734 = arith.addi %mul3A_99, %add3A_733 : i32
        %get3A_735 = arith.index_cast %add3A_734 : i32 to index
        %get3A_736 = arith.constant 96 : index
        %get3A_737 = tpu.vector_load %arg7[%get3A_735, %get3A_736] {strides = array<i32>} : memref<320x128xf32, #tpu.memory_space<vmem>>, vector<1x16xf32>,
        %get3A_738 = vector.shape_cast %get3A_737 : vector<1x16xf32> to vector<16xf32>
        %add3A_739 = arith.addf %add3A_683, %get3A_738 : vector<16xf32>
        %add3A_740 = arith.constant 11 : i32
        %add3A_741 = arith.addi %mul3A_99, %add3A_740 : i32
        %get3A_742 = arith.index_cast %add3A_741 : i32 to index
        %get3A_743 = arith.constant 112 : index
        %get3A_744 = tpu.vector_load %arg7[%get3A_742, %get3A_743] {strides = array<i32>} : memref<320x128xf32, #tpu.memory_space<vmem>>, vector<1x16xf32>,
        %get3A_745 = vector.shape_cast %get3A_744 : vector<1x16xf32> to vector<16xf32>
        %add3A_746 = arith.addf %add3A_690, %get3A_745 : vector<16xf32>
        %add3A_747 = arith.constant 12 : i32
        %add3A_748 = arith.addi %mul3A_99, %add3A_747 : i32
        %get3A_749 = arith.index_cast %add3A_748 : i32 to index
        %get3A_750 = arith.constant 0 : index
        %get3A_751 = tpu.vector_load %arg7[%get3A_749, %get3A_750] {strides = array<i32>} : memref<320x128xf32, #tpu.memory_space<vmem>>, vector<1x16xf32>,
        %get3A_752 = vector.shape_cast %get3A_751 : vector<1x16xf32> to vector<16xf32>
        %add3A_753 = arith.addf %add3A_697, %get3A_752 : vector<16xf32>
        %add3A_754 = arith.constant 12 : i32
        %add3A_755 = arith.addi %mul3A_99, %add3A_754 : i32
        %get3A_756 = arith.index_cast %add3A_755 : i32 to index
        %get3A_757 = arith.constant 16 : index
        %get3A_758 = tpu.vector_load %arg7[%get3A_756, %get3A_757] {strides = array<i32>} : memref<320x128xf32, #tpu.memory_space<vmem>>, vector<1x16xf32>,
        %get3A_759 = vector.shape_cast %get3A_758 : vector<1x16xf32> to vector<16xf32>
        %add3A_760 = arith.addf %add3A_704, %get3A_759 : vector<16xf32>
        %add3A_761 = arith.constant 12 : i32
        %add3A_762 = arith.addi %mul3A_99, %add3A_761 : i32
        %get3A_763 = arith.index_cast %add3A_762 : i32 to index
        %get3A_764 = arith.constant 32 : index
        %get3A_765 = tpu.vector_load %arg7[%get3A_763, %get3A_764] {strides = array<i32>} : memref<320x128xf32, #tpu.memory_space<vmem>>, vector<1x16xf32>,
        %get3A_766 = vector.shape_cast %get3A_765 : vector<1x16xf32> to vector<16xf32>
        %add3A_767 = arith.addf %add3A_711, %get3A_766 : vector<16xf32>
        %add3A_768 = arith.constant 12 : i32
        %add3A_769 = arith.addi %mul3A_99, %add3A_768 : i32
        %get3A_770 = arith.index_cast %add3A_769 : i32 to index
        %get3A_771 = arith.constant 48 : index
        %get3A_772 = tpu.vector_load %arg7[%get3A_770, %get3A_771] {strides = array<i32>} : memref<320x128xf32, #tpu.memory_space<vmem>>, vector<1x16xf32>,
        %get3A_773 = vector.shape_cast %get3A_772 : vector<1x16xf32> to vector<16xf32>
        %add3A_774 = arith.addf %add3A_718, %get3A_773 : vector<16xf32>
        %add3A_775 = arith.constant 12 : i32
        %add3A_776 = arith.addi %mul3A_99, %add3A_775 : i32
        %get3A_777 = arith.index_cast %add3A_776 : i32 to index
        %get3A_778 = arith.constant 64 : index
        %get3A_779 = tpu.vector_load %arg7[%get3A_777, %get3A_778] {strides = array<i32>} : memref<320x128xf32, #tpu.memory_space<vmem>>, vector<1x16xf32>,
        %get3A_780 = vector.shape_cast %get3A_779 : vector<1x16xf32> to vector<16xf32>
        %add3A_781 = arith.addf %add3A_725, %get3A_780 : vector<16xf32>
        %add3A_782 = arith.constant 12 : i32
        %add3A_783 = arith.addi %mul3A_99, %add3A_782 : i32
        %get3A_784 = arith.index_cast %add3A_783 : i32 to index
        %get3A_785 = arith.constant 80 : index
        %get3A_786 = tpu.vector_load %arg7[%get3A_784, %get3A_785] {strides = array<i32>} : memref<320x128xf32, #tpu.memory_space<vmem>>, vector<1x16xf32>,
        %get3A_787 = vector.shape_cast %get3A_786 : vector<1x16xf32> to vector<16xf32>
        %add3A_788 = arith.addf %add3A_732, %get3A_787 : vector<16xf32>
        %add3A_789 = arith.constant 12 : i32
        %add3A_790 = arith.addi %mul3A_99, %add3A_789 : i32
        %get3A_791 = arith.index_cast %add3A_790 : i32 to index
        %get3A_792 = arith.constant 96 : index
        %get3A_793 = tpu.vector_load %arg7[%get3A_791, %get3A_792] {strides = array<i32>} : memref<320x128xf32, #tpu.memory_space<vmem>>, vector<1x16xf32>,
        %get3A_794 = vector.shape_cast %get3A_793 : vector<1x16xf32> to vector<16xf32>
        %add3A_795 = arith.addf %add3A_739, %get3A_794 : vector<16xf32>
        %add3A_796 = arith.constant 12 : i32
        %add3A_797 = arith.addi %mul3A_99, %add3A_796 : i32
        %get3A_798 = arith.index_cast %add3A_797 : i32 to index
        %get3A_799 = arith.constant 112 : index
        %get3A_800 = tpu.vector_load %arg7[%get3A_798, %get3A_799] {strides = array<i32>} : memref<320x128xf32, #tpu.memory_space<vmem>>, vector<1x16xf32>,
        %get3A_801 = vector.shape_cast %get3A_800 : vector<1x16xf32> to vector<16xf32>
        %add3A_802 = arith.addf %add3A_746, %get3A_801 : vector<16xf32>
        %add3A_803 = arith.constant 13 : i32
        %add3A_804 = arith.addi %mul3A_99, %add3A_803 : i32
        %get3A_805 = arith.index_cast %add3A_804 : i32 to index
        %get3A_806 = arith.constant 0 : index
        %get3A_807 = tpu.vector_load %arg7[%get3A_805, %get3A_806] {strides = array<i32>} : memref<320x128xf32, #tpu.memory_space<vmem>>, vector<1x16xf32>,
        %get3A_808 = vector.shape_cast %get3A_807 : vector<1x16xf32> to vector<16xf32>
        %add3A_809 = arith.addf %add3A_753, %get3A_808 : vector<16xf32>
        %add3A_810 = arith.constant 13 : i32
        %add3A_811 = arith.addi %mul3A_99, %add3A_810 : i32
        %get3A_812 = arith.index_cast %add3A_811 : i32 to index
        %get3A_813 = arith.constant 16 : index
        %get3A_814 = tpu.vector_load %arg7[%get3A_812, %get3A_813] {strides = array<i32>} : memref<320x128xf32, #tpu.memory_space<vmem>>, vector<1x16xf32>,
        %get3A_815 = vector.shape_cast %get3A_814 : vector<1x16xf32> to vector<16xf32>
        %add3A_816 = arith.addf %add3A_760, %get3A_815 : vector<16xf32>
        %add3A_817 = arith.constant 13 : i32
        %add3A_818 = arith.addi %mul3A_99, %add3A_817 : i32
        %get3A_819 = arith.index_cast %add3A_818 : i32 to index
        %get3A_820 = arith.constant 32 : index
        %get3A_821 = tpu.vector_load %arg7[%get3A_819, %get3A_820] {strides = array<i32>} : memref<320x128xf32, #tpu.memory_space<vmem>>, vector<1x16xf32>,
        %get3A_822 = vector.shape_cast %get3A_821 : vector<1x16xf32> to vector<16xf32>
        %add3A_823 = arith.addf %add3A_767, %get3A_822 : vector<16xf32>
        %add3A_824 = arith.constant 13 : i32
        %add3A_825 = arith.addi %mul3A_99, %add3A_824 : i32
        %get3A_826 = arith.index_cast %add3A_825 : i32 to index
        %get3A_827 = arith.constant 48 : index
        %get3A_828 = tpu.vector_load %arg7[%get3A_826, %get3A_827] {strides = array<i32>} : memref<320x128xf32, #tpu.memory_space<vmem>>, vector<1x16xf32>,
        %get3A_829 = vector.shape_cast %get3A_828 : vector<1x16xf32> to vector<16xf32>
        %add3A_830 = arith.addf %add3A_774, %get3A_829 : vector<16xf32>
        %add3A_831 = arith.constant 13 : i32
        %add3A_832 = arith.addi %mul3A_99, %add3A_831 : i32
        %get3A_833 = arith.index_cast %add3A_832 : i32 to index
        %get3A_834 = arith.constant 64 : index
        %get3A_835 = tpu.vector_load %arg7[%get3A_833, %get3A_834] {strides = array<i32>} : memref<320x128xf32, #tpu.memory_space<vmem>>, vector<1x16xf32>,
        %get3A_836 = vector.shape_cast %get3A_835 : vector<1x16xf32> to vector<16xf32>
        %add3A_837 = arith.addf %add3A_781, %get3A_836 : vector<16xf32>
        %add3A_838 = arith.constant 13 : i32
        %add3A_839 = arith.addi %mul3A_99, %add3A_838 : i32
        %get3A_840 = arith.index_cast %add3A_839 : i32 to index
        %get3A_841 = arith.constant 80 : index
        %get3A_842 = tpu.vector_load %arg7[%get3A_840, %get3A_841] {strides = array<i32>} : memref<320x128xf32, #tpu.memory_space<vmem>>, vector<1x16xf32>,
        %get3A_843 = vector.shape_cast %get3A_842 : vector<1x16xf32> to vector<16xf32>
        %add3A_844 = arith.addf %add3A_788, %get3A_843 : vector<16xf32>
        %add3A_845 = arith.constant 13 : i32
        %add3A_846 = arith.addi %mul3A_99, %add3A_845 : i32
        %get3A_847 = arith.index_cast %add3A_846 : i32 to index
        %get3A_848 = arith.constant 96 : index
        %get3A_849 = tpu.vector_load %arg7[%get3A_847, %get3A_848] {strides = array<i32>} : memref<320x128xf32, #tpu.memory_space<vmem>>, vector<1x16xf32>,
        %get3A_850 = vector.shape_cast %get3A_849 : vector<1x16xf32> to vector<16xf32>
        %add3A_851 = arith.addf %add3A_795, %get3A_850 : vector<16xf32>
        %add3A_852 = arith.constant 13 : i32
        %add3A_853 = arith.addi %mul3A_99, %add3A_852 : i32
        %get3A_854 = arith.index_cast %add3A_853 : i32 to index
        %get3A_855 = arith.constant 112 : index
        %get3A_856 = tpu.vector_load %arg7[%get3A_854, %get3A_855] {strides = array<i32>} : memref<320x128xf32, #tpu.memory_space<vmem>>, vector<1x16xf32>,
        %get3A_857 = vector.shape_cast %get3A_856 : vector<1x16xf32> to vector<16xf32>
        %add3A_858 = arith.addf %add3A_802, %get3A_857 : vector<16xf32>
        %add3A_859 = arith.constant 14 : i32
        %add3A_860 = arith.addi %mul3A_99, %add3A_859 : i32
        %get3A_861 = arith.index_cast %add3A_860 : i32 to index
        %get3A_862 = arith.constant 0 : index
        %get3A_863 = tpu.vector_load %arg7[%get3A_861, %get3A_862] {strides = array<i32>} : memref<320x128xf32, #tpu.memory_space<vmem>>, vector<1x16xf32>,
        %get3A_864 = vector.shape_cast %get3A_863 : vector<1x16xf32> to vector<16xf32>
        %add3A_865 = arith.addf %add3A_809, %get3A_864 : vector<16xf32>
        %add3A_866 = arith.constant 14 : i32
        %add3A_867 = arith.addi %mul3A_99, %add3A_866 : i32
        %get3A_868 = arith.index_cast %add3A_867 : i32 to index
        %get3A_869 = arith.constant 16 : index
        %get3A_870 = tpu.vector_load %arg7[%get3A_868, %get3A_869] {strides = array<i32>} : memref<320x128xf32, #tpu.memory_space<vmem>>, vector<1x16xf32>,
        %get3A_871 = vector.shape_cast %get3A_870 : vector<1x16xf32> to vector<16xf32>
        %add3A_872 = arith.addf %add3A_816, %get3A_871 : vector<16xf32>
        %add3A_873 = arith.constant 14 : i32
        %add3A_874 = arith.addi %mul3A_99, %add3A_873 : i32
        %get3A_875 = arith.index_cast %add3A_874 : i32 to index
        %get3A_876 = arith.constant 32 : index
        %get3A_877 = tpu.vector_load %arg7[%get3A_875, %get3A_876] {strides = array<i32>} : memref<320x128xf32, #tpu.memory_space<vmem>>, vector<1x16xf32>,
        %get3A_878 = vector.shape_cast %get3A_877 : vector<1x16xf32> to vector<16xf32>
        %add3A_879 = arith.addf %add3A_823, %get3A_878 : vector<16xf32>
        %add3A_880 = arith.constant 14 : i32
        %add3A_881 = arith.addi %mul3A_99, %add3A_880 : i32
        %get3A_882 = arith.index_cast %add3A_881 : i32 to index
        %get3A_883 = arith.constant 48 : index
        %get3A_884 = tpu.vector_load %arg7[%get3A_882, %get3A_883] {strides = array<i32>} : memref<320x128xf32, #tpu.memory_space<vmem>>, vector<1x16xf32>,
        %get3A_885 = vector.shape_cast %get3A_884 : vector<1x16xf32> to vector<16xf32>
        %add3A_886 = arith.addf %add3A_830, %get3A_885 : vector<16xf32>
        %add3A_887 = arith.constant 14 : i32
        %add3A_888 = arith.addi %mul3A_99, %add3A_887 : i32
        %get3A_889 = arith.index_cast %add3A_888 : i32 to index
        %get3A_890 = arith.constant 64 : index
        %get3A_891 = tpu.vector_load %arg7[%get3A_889, %get3A_890] {strides = array<i32>} : memref<320x128xf32, #tpu.memory_space<vmem>>, vector<1x16xf32>,
        %get3A_892 = vector.shape_cast %get3A_891 : vector<1x16xf32> to vector<16xf32>
        %add3A_893 = arith.addf %add3A_837, %get3A_892 : vector<16xf32>
        %add3A_894 = arith.constant 14 : i32
        %add3A_895 = arith.addi %mul3A_99, %add3A_894 : i32
        %get3A_896 = arith.index_cast %add3A_895 : i32 to index
        %get3A_897 = arith.constant 80 : index
        %get3A_898 = tpu.vector_load %arg7[%get3A_896, %get3A_897] {strides = array<i32>} : memref<320x128xf32, #tpu.memory_space<vmem>>, vector<1x16xf32>,
        %get3A_899 = vector.shape_cast %get3A_898 : vector<1x16xf32> to vector<16xf32>
        %add3A_900 = arith.addf %add3A_844, %get3A_899 : vector<16xf32>
        %add3A_901 = arith.constant 14 : i32
        %add3A_902 = arith.addi %mul3A_99, %add3A_901 : i32
        %get3A_903 = arith.index_cast %add3A_902 : i32 to index
        %get3A_904 = arith.constant 96 : index
        %get3A_905 = tpu.vector_load %arg7[%get3A_903, %get3A_904] {strides = array<i32>} : memref<320x128xf32, #tpu.memory_space<vmem>>, vector<1x16xf32>,
        %get3A_906 = vector.shape_cast %get3A_905 : vector<1x16xf32> to vector<16xf32>
        %add3A_907 = arith.addf %add3A_851, %get3A_906 : vector<16xf32>
        %add3A_908 = arith.constant 14 : i32
        %add3A_909 = arith.addi %mul3A_99, %add3A_908 : i32
        %get3A_910 = arith.index_cast %add3A_909 : i32 to index
        %get3A_911 = arith.constant 112 : index
        %get3A_912 = tpu.vector_load %arg7[%get3A_910, %get3A_911] {strides = array<i32>} : memref<320x128xf32, #tpu.memory_space<vmem>>, vector<1x16xf32>,
        %get3A_913 = vector.shape_cast %get3A_912 : vector<1x16xf32> to vector<16xf32>
        %add3A_914 = arith.addf %add3A_858, %get3A_913 : vector<16xf32>
        %add3A_915 = arith.constant 15 : i32
        %add3A_916 = arith.addi %mul3A_99, %add3A_915 : i32
        %get3A_917 = arith.index_cast %add3A_916 : i32 to index
        %get3A_918 = arith.constant 0 : index
        %get3A_919 = tpu.vector_load %arg7[%get3A_917, %get3A_918] {strides = array<i32>} : memref<320x128xf32, #tpu.memory_space<vmem>>, vector<1x16xf32>,
        %get3A_920 = vector.shape_cast %get3A_919 : vector<1x16xf32> to vector<16xf32>
        %add3A_921 = arith.addf %add3A_865, %get3A_920 : vector<16xf32>
        %add3A_922 = arith.constant 15 : i32
        %add3A_923 = arith.addi %mul3A_99, %add3A_922 : i32
        %get3A_924 = arith.index_cast %add3A_923 : i32 to index
        %get3A_925 = arith.constant 16 : index
        %get3A_926 = tpu.vector_load %arg7[%get3A_924, %get3A_925] {strides = array<i32>} : memref<320x128xf32, #tpu.memory_space<vmem>>, vector<1x16xf32>,
        %get3A_927 = vector.shape_cast %get3A_926 : vector<1x16xf32> to vector<16xf32>
        %add3A_928 = arith.addf %add3A_872, %get3A_927 : vector<16xf32>
        %add3A_929 = arith.constant 15 : i32
        %add3A_930 = arith.addi %mul3A_99, %add3A_929 : i32
        %get3A_931 = arith.index_cast %add3A_930 : i32 to index
        %get3A_932 = arith.constant 32 : index
        %get3A_933 = tpu.vector_load %arg7[%get3A_931, %get3A_932] {strides = array<i32>} : memref<320x128xf32, #tpu.memory_space<vmem>>, vector<1x16xf32>,
        %get3A_934 = vector.shape_cast %get3A_933 : vector<1x16xf32> to vector<16xf32>
        %add3A_935 = arith.addf %add3A_879, %get3A_934 : vector<16xf32>
        %add3A_936 = arith.constant 15 : i32
        %add3A_937 = arith.addi %mul3A_99, %add3A_936 : i32
        %get3A_938 = arith.index_cast %add3A_937 : i32 to index
        %get3A_939 = arith.constant 48 : index
        %get3A_940 = tpu.vector_load %arg7[%get3A_938, %get3A_939] {strides = array<i32>} : memref<320x128xf32, #tpu.memory_space<vmem>>, vector<1x16xf32>,
        %get3A_941 = vector.shape_cast %get3A_940 : vector<1x16xf32> to vector<16xf32>
        %add3A_942 = arith.addf %add3A_886, %get3A_941 : vector<16xf32>
        %add3A_943 = arith.constant 15 : i32
        %add3A_944 = arith.addi %mul3A_99, %add3A_943 : i32
        %get3A_945 = arith.index_cast %add3A_944 : i32 to index
        %get3A_946 = arith.constant 64 : index
        %get3A_947 = tpu.vector_load %arg7[%get3A_945, %get3A_946] {strides = array<i32>} : memref<320x128xf32, #tpu.memory_space<vmem>>, vector<1x16xf32>,
        %get3A_948 = vector.shape_cast %get3A_947 : vector<1x16xf32> to vector<16xf32>
        %add3A_949 = arith.addf %add3A_893, %get3A_948 : vector<16xf32>
        %add3A_950 = arith.constant 15 : i32
        %add3A_951 = arith.addi %mul3A_99, %add3A_950 : i32
        %get3A_952 = arith.index_cast %add3A_951 : i32 to index
        %get3A_953 = arith.constant 80 : index
        %get3A_954 = tpu.vector_load %arg7[%get3A_952, %get3A_953] {strides = array<i32>} : memref<320x128xf32, #tpu.memory_space<vmem>>, vector<1x16xf32>,
        %get3A_955 = vector.shape_cast %get3A_954 : vector<1x16xf32> to vector<16xf32>
        %add3A_956 = arith.addf %add3A_900, %get3A_955 : vector<16xf32>
        %add3A_957 = arith.constant 15 : i32
        %add3A_958 = arith.addi %mul3A_99, %add3A_957 : i32
        %get3A_959 = arith.index_cast %add3A_958 : i32 to index
        %get3A_960 = arith.constant 96 : index
        %get3A_961 = tpu.vector_load %arg7[%get3A_959, %get3A_960] {strides = array<i32>} : memref<320x128xf32, #tpu.memory_space<vmem>>, vector<1x16xf32>,
        %get3A_962 = vector.shape_cast %get3A_961 : vector<1x16xf32> to vector<16xf32>
        %add3A_963 = arith.addf %add3A_907, %get3A_962 : vector<16xf32>
        %add3A_964 = arith.constant 15 : i32
        %add3A_965 = arith.addi %mul3A_99, %add3A_964 : i32
        %get3A_966 = arith.index_cast %add3A_965 : i32 to index
        %get3A_967 = arith.constant 112 : index
        %get3A_968 = tpu.vector_load %arg7[%get3A_966, %get3A_967] {strides = array<i32>} : memref<320x128xf32, #tpu.memory_space<vmem>>, vector<1x16xf32>,
        %get3A_969 = vector.shape_cast %get3A_968 : vector<1x16xf32> to vector<16xf32>
        %add3A_970 = arith.addf %add3A_914, %get3A_969 : vector<16xf32>
        %add3A_971 = arith.constant 16 : i32
        %add3A_972 = arith.addi %mul3A_99, %add3A_971 : i32
        %get3A_973 = arith.index_cast %add3A_972 : i32 to index
        %get3A_974 = arith.constant 0 : index
        %get3A_975 = tpu.vector_load %arg7[%get3A_973, %get3A_974] {strides = array<i32>} : memref<320x128xf32, #tpu.memory_space<vmem>>, vector<1x16xf32>,
        %get3A_976 = vector.shape_cast %get3A_975 : vector<1x16xf32> to vector<16xf32>
        %add3A_977 = arith.addf %add3A_921, %get3A_976 : vector<16xf32>
        %add3A_978 = arith.constant 16 : i32
        %add3A_979 = arith.addi %mul3A_99, %add3A_978 : i32
        %get3A_980 = arith.index_cast %add3A_979 : i32 to index
        %get3A_981 = arith.constant 16 : index
        %get3A_982 = tpu.vector_load %arg7[%get3A_980, %get3A_981] {strides = array<i32>} : memref<320x128xf32, #tpu.memory_space<vmem>>, vector<1x16xf32>,
        %get3A_983 = vector.shape_cast %get3A_982 : vector<1x16xf32> to vector<16xf32>
        %add3A_984 = arith.addf %add3A_928, %get3A_983 : vector<16xf32>
        %add3A_985 = arith.constant 16 : i32
        %add3A_986 = arith.addi %mul3A_99, %add3A_985 : i32
        %get3A_987 = arith.index_cast %add3A_986 : i32 to index
        %get3A_988 = arith.constant 32 : index
        %get3A_989 = tpu.vector_load %arg7[%get3A_987, %get3A_988] {strides = array<i32>} : memref<320x128xf32, #tpu.memory_space<vmem>>, vector<1x16xf32>,
        %get3A_990 = vector.shape_cast %get3A_989 : vector<1x16xf32> to vector<16xf32>
        %add3A_991 = arith.addf %add3A_935, %get3A_990 : vector<16xf32>
        %add3A_992 = arith.constant 16 : i32
        %add3A_993 = arith.addi %mul3A_99, %add3A_992 : i32
        %get3A_994 = arith.index_cast %add3A_993 : i32 to index
        %get3A_995 = arith.constant 48 : index
        %get3A_996 = tpu.vector_load %arg7[%get3A_994, %get3A_995] {strides = array<i32>} : memref<320x128xf32, #tpu.memory_space<vmem>>, vector<1x16xf32>,
        %get3A_997 = vector.shape_cast %get3A_996 : vector<1x16xf32> to vector<16xf32>
        %add3A_998 = arith.addf %add3A_942, %get3A_997 : vector<16xf32>
        %add3A_999 = arith.constant 16 : i32
        %add3A_1000 = arith.addi %mul3A_99, %add3A_999 : i32
        %get3A_1001 = arith.index_cast %add3A_1000 : i32 to index
        %get3A_1002 = arith.constant 64 : index
        %get3A_1003 = tpu.vector_load %arg7[%get3A_1001, %get3A_1002] {strides = array<i32>} : memref<320x128xf32, #tpu.memory_space<vmem>>, vector<1x16xf32>,
        %get3A_1004 = vector.shape_cast %get3A_1003 : vector<1x16xf32> to vector<16xf32>
        %add3A_1005 = arith.addf %add3A_949, %get3A_1004 : vector<16xf32>
        %add3A_1006 = arith.constant 16 : i32
        %add3A_1007 = arith.addi %mul3A_99, %add3A_1006 : i32
        %get3A_1008 = arith.index_cast %add3A_1007 : i32 to index
        %get3A_1009 = arith.constant 80 : index
        %get3A_1010 = tpu.vector_load %arg7[%get3A_1008, %get3A_1009] {strides = array<i32>} : memref<320x128xf32, #tpu.memory_space<vmem>>, vector<1x16xf32>,
        %get3A_1011 = vector.shape_cast %get3A_1010 : vector<1x16xf32> to vector<16xf32>
        %add3A_1012 = arith.addf %add3A_956, %get3A_1011 : vector<16xf32>
        %add3A_1013 = arith.constant 16 : i32
        %add3A_1014 = arith.addi %mul3A_99, %add3A_1013 : i32
        %get3A_1015 = arith.index_cast %add3A_1014 : i32 to index
        %get3A_1016 = arith.constant 96 : index
        %get3A_1017 = tpu.vector_load %arg7[%get3A_1015, %get3A_1016] {strides = array<i32>} : memref<320x128xf32, #tpu.memory_space<vmem>>, vector<1x16xf32>,
        %get3A_1018 = vector.shape_cast %get3A_1017 : vector<1x16xf32> to vector<16xf32>
        %add3A_1019 = arith.addf %add3A_963, %get3A_1018 : vector<16xf32>
        %add3A_1020 = arith.constant 16 : i32
        %add3A_1021 = arith.addi %mul3A_99, %add3A_1020 : i32
        %get3A_1022 = arith.index_cast %add3A_1021 : i32 to index
        %get3A_1023 = arith.constant 112 : index
        %get3A_1024 = tpu.vector_load %arg7[%get3A_1022, %get3A_1023] {strides = array<i32>} : memref<320x128xf32, #tpu.memory_space<vmem>>, vector<1x16xf32>,
        %get3A_1025 = vector.shape_cast %get3A_1024 : vector<1x16xf32> to vector<16xf32>
        %add3A_1026 = arith.addf %add3A_970, %get3A_1025 : vector<16xf32>
        %add3A_1027 = arith.constant 17 : i32
        %add3A_1028 = arith.addi %mul3A_99, %add3A_1027 : i32
        %get3A_1029 = arith.index_cast %add3A_1028 : i32 to index
        %get3A_1030 = arith.constant 0 : index
        %get3A_1031 = tpu.vector_load %arg7[%get3A_1029, %get3A_1030] {strides = array<i32>} : memref<320x128xf32, #tpu.memory_space<vmem>>, vector<1x16xf32>,
        %get3A_1032 = vector.shape_cast %get3A_1031 : vector<1x16xf32> to vector<16xf32>
        %add3A_1033 = arith.addf %add3A_977, %get3A_1032 : vector<16xf32>
        %add3A_1034 = arith.constant 17 : i32
        %add3A_1035 = arith.addi %mul3A_99, %add3A_1034 : i32
        %get3A_1036 = arith.index_cast %add3A_1035 : i32 to index
        %get3A_1037 = arith.constant 16 : index
        %get3A_1038 = tpu.vector_load %arg7[%get3A_1036, %get3A_1037] {strides = array<i32>} : memref<320x128xf32, #tpu.memory_space<vmem>>, vector<1x16xf32>,
        %get3A_1039 = vector.shape_cast %get3A_1038 : vector<1x16xf32> to vector<16xf32>
        %add3A_1040 = arith.addf %add3A_984, %get3A_1039 : vector<16xf32>
        %add3A_1041 = arith.constant 17 : i32
        %add3A_1042 = arith.addi %mul3A_99, %add3A_1041 : i32
        %get3A_1043 = arith.index_cast %add3A_1042 : i32 to index
        %get3A_1044 = arith.constant 32 : index
        %get3A_1045 = tpu.vector_load %arg7[%get3A_1043, %get3A_1044] {strides = array<i32>} : memref<320x128xf32, #tpu.memory_space<vmem>>, vector<1x16xf32>,
        %get3A_1046 = vector.shape_cast %get3A_1045 : vector<1x16xf32> to vector<16xf32>
        %add3A_1047 = arith.addf %add3A_991, %get3A_1046 : vector<16xf32>
        %add3A_1048 = arith.constant 17 : i32
        %add3A_1049 = arith.addi %mul3A_99, %add3A_1048 : i32
        %get3A_1050 = arith.index_cast %add3A_1049 : i32 to index
        %get3A_1051 = arith.constant 48 : index
        %get3A_1052 = tpu.vector_load %arg7[%get3A_1050, %get3A_1051] {strides = array<i32>} : memref<320x128xf32, #tpu.memory_space<vmem>>, vector<1x16xf32>,
        %get3A_1053 = vector.shape_cast %get3A_1052 : vector<1x16xf32> to vector<16xf32>
        %add3A_1054 = arith.addf %add3A_998, %get3A_1053 : vector<16xf32>
        %add3A_1055 = arith.constant 17 : i32
        %add3A_1056 = arith.addi %mul3A_99, %add3A_1055 : i32
        %get3A_1057 = arith.index_cast %add3A_1056 : i32 to index
        %get3A_1058 = arith.constant 64 : index
        %get3A_1059 = tpu.vector_load %arg7[%get3A_1057, %get3A_1058] {strides = array<i32>} : memref<320x128xf32, #tpu.memory_space<vmem>>, vector<1x16xf32>,
        %get3A_1060 = vector.shape_cast %get3A_1059 : vector<1x16xf32> to vector<16xf32>
        %add3A_1061 = arith.addf %add3A_1005, %get3A_1060 : vector<16xf32>
        %add3A_1062 = arith.constant 17 : i32
        %add3A_1063 = arith.addi %mul3A_99, %add3A_1062 : i32
        %get3A_1064 = arith.index_cast %add3A_1063 : i32 to index
        %get3A_1065 = arith.constant 80 : index
        %get3A_1066 = tpu.vector_load %arg7[%get3A_1064, %get3A_1065] {strides = array<i32>} : memref<320x128xf32, #tpu.memory_space<vmem>>, vector<1x16xf32>,
        %get3A_1067 = vector.shape_cast %get3A_1066 : vector<1x16xf32> to vector<16xf32>
        %add3A_1068 = arith.addf %add3A_1012, %get3A_1067 : vector<16xf32>
        %add3A_1069 = arith.constant 17 : i32
        %add3A_1070 = arith.addi %mul3A_99, %add3A_1069 : i32
        %get3A_1071 = arith.index_cast %add3A_1070 : i32 to index
        %get3A_1072 = arith.constant 96 : index
        %get3A_1073 = tpu.vector_load %arg7[%get3A_1071, %get3A_1072] {strides = array<i32>} : memref<320x128xf32, #tpu.memory_space<vmem>>, vector<1x16xf32>,
        %get3A_1074 = vector.shape_cast %get3A_1073 : vector<1x16xf32> to vector<16xf32>
        %add3A_1075 = arith.addf %add3A_1019, %get3A_1074 : vector<16xf32>
        %add3A_1076 = arith.constant 17 : i32
        %add3A_1077 = arith.addi %mul3A_99, %add3A_1076 : i32
        %get3A_1078 = arith.index_cast %add3A_1077 : i32 to index
        %get3A_1079 = arith.constant 112 : index
        %get3A_1080 = tpu.vector_load %arg7[%get3A_1078, %get3A_1079] {strides = array<i32>} : memref<320x128xf32, #tpu.memory_space<vmem>>, vector<1x16xf32>,
        %get3A_1081 = vector.shape_cast %get3A_1080 : vector<1x16xf32> to vector<16xf32>
        %add3A_1082 = arith.addf %add3A_1026, %get3A_1081 : vector<16xf32>
        %add3A_1083 = arith.constant 18 : i32
        %add3A_1084 = arith.addi %mul3A_99, %add3A_1083 : i32
        %get3A_1085 = arith.index_cast %add3A_1084 : i32 to index
        %get3A_1086 = arith.constant 0 : index
        %get3A_1087 = tpu.vector_load %arg7[%get3A_1085, %get3A_1086] {strides = array<i32>} : memref<320x128xf32, #tpu.memory_space<vmem>>, vector<1x16xf32>,
        %get3A_1088 = vector.shape_cast %get3A_1087 : vector<1x16xf32> to vector<16xf32>
        %add3A_1089 = arith.addf %add3A_1033, %get3A_1088 : vector<16xf32>
        %add3A_1090 = arith.constant 18 : i32
        %add3A_1091 = arith.addi %mul3A_99, %add3A_1090 : i32
        %get3A_1092 = arith.index_cast %add3A_1091 : i32 to index
        %get3A_1093 = arith.constant 16 : index
        %get3A_1094 = tpu.vector_load %arg7[%get3A_1092, %get3A_1093] {strides = array<i32>} : memref<320x128xf32, #tpu.memory_space<vmem>>, vector<1x16xf32>,
        %get3A_1095 = vector.shape_cast %get3A_1094 : vector<1x16xf32> to vector<16xf32>
        %add3A_1096 = arith.addf %add3A_1040, %get3A_1095 : vector<16xf32>
        %add3A_1097 = arith.constant 18 : i32
        %add3A_1098 = arith.addi %mul3A_99, %add3A_1097 : i32
        %get3A_1099 = arith.index_cast %add3A_1098 : i32 to index
        %get3A_1100 = arith.constant 32 : index
        %get3A_1101 = tpu.vector_load %arg7[%get3A_1099, %get3A_1100] {strides = array<i32>} : memref<320x128xf32, #tpu.memory_space<vmem>>, vector<1x16xf32>,
        %get3A_1102 = vector.shape_cast %get3A_1101 : vector<1x16xf32> to vector<16xf32>
        %add3A_1103 = arith.addf %add3A_1047, %get3A_1102 : vector<16xf32>
        %add3A_1104 = arith.constant 18 : i32
        %add3A_1105 = arith.addi %mul3A_99, %add3A_1104 : i32
        %get3A_1106 = arith.index_cast %add3A_1105 : i32 to index
        %get3A_1107 = arith.constant 48 : index
        %get3A_1108 = tpu.vector_load %arg7[%get3A_1106, %get3A_1107] {strides = array<i32>} : memref<320x128xf32, #tpu.memory_space<vmem>>, vector<1x16xf32>,
        %get3A_1109 = vector.shape_cast %get3A_1108 : vector<1x16xf32> to vector<16xf32>
        %add3A_1110 = arith.addf %add3A_1054, %get3A_1109 : vector<16xf32>
        %add3A_1111 = arith.constant 18 : i32
        %add3A_1112 = arith.addi %mul3A_99, %add3A_1111 : i32
        %get3A_1113 = arith.index_cast %add3A_1112 : i32 to index
        %get3A_1114 = arith.constant 64 : index
        %get3A_1115 = tpu.vector_load %arg7[%get3A_1113, %get3A_1114] {strides = array<i32>} : memref<320x128xf32, #tpu.memory_space<vmem>>, vector<1x16xf32>,
        %get3A_1116 = vector.shape_cast %get3A_1115 : vector<1x16xf32> to vector<16xf32>
        %add3A_1117 = arith.addf %add3A_1061, %get3A_1116 : vector<16xf32>
        %add3A_1118 = arith.constant 18 : i32
        %add3A_1119 = arith.addi %mul3A_99, %add3A_1118 : i32
        %get3A_1120 = arith.index_cast %add3A_1119 : i32 to index
        %get3A_1121 = arith.constant 80 : index
        %get3A_1122 = tpu.vector_load %arg7[%get3A_1120, %get3A_1121] {strides = array<i32>} : memref<320x128xf32, #tpu.memory_space<vmem>>, vector<1x16xf32>,
        %get3A_1123 = vector.shape_cast %get3A_1122 : vector<1x16xf32> to vector<16xf32>
        %add3A_1124 = arith.addf %add3A_1068, %get3A_1123 : vector<16xf32>
        %add3A_1125 = arith.constant 18 : i32
        %add3A_1126 = arith.addi %mul3A_99, %add3A_1125 : i32
        %get3A_1127 = arith.index_cast %add3A_1126 : i32 to index
        %get3A_1128 = arith.constant 96 : index
        %get3A_1129 = tpu.vector_load %arg7[%get3A_1127, %get3A_1128] {strides = array<i32>} : memref<320x128xf32, #tpu.memory_space<vmem>>, vector<1x16xf32>,
        %get3A_1130 = vector.shape_cast %get3A_1129 : vector<1x16xf32> to vector<16xf32>
        %add3A_1131 = arith.addf %add3A_1075, %get3A_1130 : vector<16xf32>
        %add3A_1132 = arith.constant 18 : i32
        %add3A_1133 = arith.addi %mul3A_99, %add3A_1132 : i32
        %get3A_1134 = arith.index_cast %add3A_1133 : i32 to index
        %get3A_1135 = arith.constant 112 : index
        %get3A_1136 = tpu.vector_load %arg7[%get3A_1134, %get3A_1135] {strides = array<i32>} : memref<320x128xf32, #tpu.memory_space<vmem>>, vector<1x16xf32>,
        %get3A_1137 = vector.shape_cast %get3A_1136 : vector<1x16xf32> to vector<16xf32>
        %add3A_1138 = arith.addf %add3A_1082, %get3A_1137 : vector<16xf32>
        %add3A_1139 = arith.constant 19 : i32
        %add3A_1140 = arith.addi %mul3A_99, %add3A_1139 : i32
        %get3A_1141 = arith.index_cast %add3A_1140 : i32 to index
        %get3A_1142 = arith.constant 0 : index
        %get3A_1143 = tpu.vector_load %arg7[%get3A_1141, %get3A_1142] {strides = array<i32>} : memref<320x128xf32, #tpu.memory_space<vmem>>, vector<1x16xf32>,
        %get3A_1144 = vector.shape_cast %get3A_1143 : vector<1x16xf32> to vector<16xf32>
        %add3A_1145 = arith.addf %add3A_1089, %get3A_1144 : vector<16xf32>
        %add3A_1146 = arith.constant 19 : i32
        %add3A_1147 = arith.addi %mul3A_99, %add3A_1146 : i32
        %get3A_1148 = arith.index_cast %add3A_1147 : i32 to index
        %get3A_1149 = arith.constant 16 : index
        %get3A_1150 = tpu.vector_load %arg7[%get3A_1148, %get3A_1149] {strides = array<i32>} : memref<320x128xf32, #tpu.memory_space<vmem>>, vector<1x16xf32>,
        %get3A_1151 = vector.shape_cast %get3A_1150 : vector<1x16xf32> to vector<16xf32>
        %add3A_1152 = arith.addf %add3A_1096, %get3A_1151 : vector<16xf32>
        %add3A_1153 = arith.constant 19 : i32
        %add3A_1154 = arith.addi %mul3A_99, %add3A_1153 : i32
        %get3A_1155 = arith.index_cast %add3A_1154 : i32 to index
        %get3A_1156 = arith.constant 32 : index
        %get3A_1157 = tpu.vector_load %arg7[%get3A_1155, %get3A_1156] {strides = array<i32>} : memref<320x128xf32, #tpu.memory_space<vmem>>, vector<1x16xf32>,
        %get3A_1158 = vector.shape_cast %get3A_1157 : vector<1x16xf32> to vector<16xf32>
        %add3A_1159 = arith.addf %add3A_1103, %get3A_1158 : vector<16xf32>
        %add3A_1160 = arith.constant 19 : i32
        %add3A_1161 = arith.addi %mul3A_99, %add3A_1160 : i32
        %get3A_1162 = arith.index_cast %add3A_1161 : i32 to index
        %get3A_1163 = arith.constant 48 : index
        %get3A_1164 = tpu.vector_load %arg7[%get3A_1162, %get3A_1163] {strides = array<i32>} : memref<320x128xf32, #tpu.memory_space<vmem>>, vector<1x16xf32>,
        %get3A_1165 = vector.shape_cast %get3A_1164 : vector<1x16xf32> to vector<16xf32>
        %add3A_1166 = arith.addf %add3A_1110, %get3A_1165 : vector<16xf32>
        %add3A_1167 = arith.constant 19 : i32
        %add3A_1168 = arith.addi %mul3A_99, %add3A_1167 : i32
        %get3A_1169 = arith.index_cast %add3A_1168 : i32 to index
        %get3A_1170 = arith.constant 64 : index
        %get3A_1171 = tpu.vector_load %arg7[%get3A_1169, %get3A_1170] {strides = array<i32>} : memref<320x128xf32, #tpu.memory_space<vmem>>, vector<1x16xf32>,
        %get3A_1172 = vector.shape_cast %get3A_1171 : vector<1x16xf32> to vector<16xf32>
        %add3A_1173 = arith.addf %add3A_1117, %get3A_1172 : vector<16xf32>
        %add3A_1174 = arith.constant 19 : i32
        %add3A_1175 = arith.addi %mul3A_99, %add3A_1174 : i32
        %get3A_1176 = arith.index_cast %add3A_1175 : i32 to index
        %get3A_1177 = arith.constant 80 : index
        %get3A_1178 = tpu.vector_load %arg7[%get3A_1176, %get3A_1177] {strides = array<i32>} : memref<320x128xf32, #tpu.memory_space<vmem>>, vector<1x16xf32>,
        %get3A_1179 = vector.shape_cast %get3A_1178 : vector<1x16xf32> to vector<16xf32>
        %add3A_1180 = arith.addf %add3A_1124, %get3A_1179 : vector<16xf32>
        %add3A_1181 = arith.constant 19 : i32
        %add3A_1182 = arith.addi %mul3A_99, %add3A_1181 : i32
        %get3A_1183 = arith.index_cast %add3A_1182 : i32 to index
        %get3A_1184 = arith.constant 96 : index
        %get3A_1185 = tpu.vector_load %arg7[%get3A_1183, %get3A_1184] {strides = array<i32>} : memref<320x128xf32, #tpu.memory_space<vmem>>, vector<1x16xf32>,
        %get3A_1186 = vector.shape_cast %get3A_1185 : vector<1x16xf32> to vector<16xf32>
        %add3A_1187 = arith.addf %add3A_1131, %get3A_1186 : vector<16xf32>
        %add3A_1188 = arith.constant 19 : i32
        %add3A_1189 = arith.addi %mul3A_99, %add3A_1188 : i32
        %get3A_1190 = arith.index_cast %add3A_1189 : i32 to index
        %get3A_1191 = arith.constant 112 : index
        %get3A_1192 = tpu.vector_load %arg7[%get3A_1190, %get3A_1191] {strides = array<i32>} : memref<320x128xf32, #tpu.memory_space<vmem>>, vector<1x16xf32>,
        %get3A_1193 = vector.shape_cast %get3A_1192 : vector<1x16xf32> to vector<16xf32>
        %add3A_1194 = arith.addf %add3A_1138, %get3A_1193 : vector<16xf32>
        %mul3A_1195 = arith.constant 5.000000e-02 : f32
        %mul3A_1196 = vector.broadcast %mul3A_1195 : f32 to vector<16xf32>
        %mul3A_1197 = arith.mulf %add3A_1145, %mul3A_1196 : vector<16xf32>
        %swap3A = arith.index_cast %scan3A_97 : i32 to index
        %swap3A_1198 = arith.constant 0 : index
        %swap3A_1199 = tpu.vector_load %arg8[%swap3A, %swap3A_1198] {strides = array<i32>} : memref<16x128xf32, #tpu.memory_space<vmem>>, vector<1x16xf32>,
        %swap3A_1200 = vector.shape_cast %swap3A_1199 : vector<1x16xf32> to vector<16xf32>
        %swap3A_1201 = vector.shape_cast %mul3A_1197 : vector<16xf32> to vector<1x16xf32>
        tpu.vector_store %arg8[%swap3A, %swap3A_1198], %swap3A_1201 {strides = array<i32>} : memref<16x128xf32, #tpu.memory_space<vmem>>, vector<1x16xf32>,
        %mul3A_1202 = arith.constant 5.000000e-02 : f32
        %mul3A_1203 = vector.broadcast %mul3A_1202 : f32 to vector<16xf32>
        %mul3A_1204 = arith.mulf %add3A_1152, %mul3A_1203 : vector<16xf32>
        %swap3A_1205 = arith.index_cast %scan3A_97 : i32 to index
        %swap3A_1206 = arith.constant 16 : index
        %swap3A_1207 = tpu.vector_load %arg8[%swap3A_1205, %swap3A_1206] {strides = array<i32>} : memref<16x128xf32, #tpu.memory_space<vmem>>, vector<1x16xf32>,
        %swap3A_1208 = vector.shape_cast %swap3A_1207 : vector<1x16xf32> to vector<16xf32>
        %swap3A_1209 = vector.shape_cast %mul3A_1204 : vector<16xf32> to vector<1x16xf32>
        tpu.vector_store %arg8[%swap3A_1205, %swap3A_1206], %swap3A_1209 {strides = array<i32>} : memref<16x128xf32, #tpu.memory_space<vmem>>, vector<1x16xf32>,
        %mul3A_1210 = arith.constant 5.000000e-02 : f32
        %mul3A_1211 = vector.broadcast %mul3A_1210 : f32 to vector<16xf32>
        %mul3A_1212 = arith.mulf %add3A_1159, %mul3A_1211 : vector<16xf32>
        %swap3A_1213 = arith.index_cast %scan3A_97 : i32 to index
        %swap3A_1214 = arith.constant 32 : index
        %swap3A_1215 = tpu.vector_load %arg8[%swap3A_1213, %swap3A_1214] {strides = array<i32>} : memref<16x128xf32, #tpu.memory_space<vmem>>, vector<1x16xf32>,
        %swap3A_1216 = vector.shape_cast %swap3A_1215 : vector<1x16xf32> to vector<16xf32>
        %swap3A_1217 = vector.shape_cast %mul3A_1212 : vector<16xf32> to vector<1x16xf32>
        tpu.vector_store %arg8[%swap3A_1213, %swap3A_1214], %swap3A_1217 {strides = array<i32>} : memref<16x128xf32, #tpu.memory_space<vmem>>, vector<1x16xf32>,
        %mul3A_1218 = arith.constant 5.000000e-02 : f32
        %mul3A_1219 = vector.broadcast %mul3A_1218 : f32 to vector<16xf32>
        %mul3A_1220 = arith.mulf %add3A_1166, %mul3A_1219 : vector<16xf32>
        %swap3A_1221 = arith.index_cast %scan3A_97 : i32 to index
        %swap3A_1222 = arith.constant 48 : index
        %swap3A_1223 = tpu.vector_load %arg8[%swap3A_1221, %swap3A_1222] {strides = array<i32>} : memref<16x128xf32, #tpu.memory_space<vmem>>, vector<1x16xf32>,
        %swap3A_1224 = vector.shape_cast %swap3A_1223 : vector<1x16xf32> to vector<16xf32>
        %swap3A_1225 = vector.shape_cast %mul3A_1220 : vector<16xf32> to vector<1x16xf32>
        tpu.vector_store %arg8[%swap3A_1221, %swap3A_1222], %swap3A_1225 {strides = array<i32>} : memref<16x128xf32, #tpu.memory_space<vmem>>, vector<1x16xf32>,
        %mul3A_1226 = arith.constant 5.000000e-02 : f32
        %mul3A_1227 = vector.broadcast %mul3A_1226 : f32 to vector<16xf32>
        %mul3A_1228 = arith.mulf %add3A_1173, %mul3A_1227 : vector<16xf32>
        %swap3A_1229 = arith.index_cast %scan3A_97 : i32 to index
        %swap3A_1230 = arith.constant 64 : index
        %swap3A_1231 = tpu.vector_load %arg8[%swap3A_1229, %swap3A_1230] {strides = array<i32>} : memref<16x128xf32, #tpu.memory_space<vmem>>, vector<1x16xf32>,
        %swap3A_1232 = vector.shape_cast %swap3A_1231 : vector<1x16xf32> to vector<16xf32>
        %swap3A_1233 = vector.shape_cast %mul3A_1228 : vector<16xf32> to vector<1x16xf32>
        tpu.vector_store %arg8[%swap3A_1229, %swap3A_1230], %swap3A_1233 {strides = array<i32>} : memref<16x128xf32, #tpu.memory_space<vmem>>, vector<1x16xf32>,
        %mul3A_1234 = arith.constant 5.000000e-02 : f32
        %mul3A_1235 = vector.broadcast %mul3A_1234 : f32 to vector<16xf32>
        %mul3A_1236 = arith.mulf %add3A_1180, %mul3A_1235 : vector<16xf32>
        %swap3A_1237 = arith.index_cast %scan3A_97 : i32 to index
        %swap3A_1238 = arith.constant 80 : index
        %swap3A_1239 = tpu.vector_load %arg8[%swap3A_1237, %swap3A_1238] {strides = array<i32>} : memref<16x128xf32, #tpu.memory_space<vmem>>, vector<1x16xf32>,
        %swap3A_1240 = vector.shape_cast %swap3A_1239 : vector<1x16xf32> to vector<16xf32>
        %swap3A_1241 = vector.shape_cast %mul3A_1236 : vector<16xf32> to vector<1x16xf32>
        tpu.vector_store %arg8[%swap3A_1237, %swap3A_1238], %swap3A_1241 {strides = array<i32>} : memref<16x128xf32, #tpu.memory_space<vmem>>, vector<1x16xf32>,
        %mul3A_1242 = arith.constant 5.000000e-02 : f32
        %mul3A_1243 = vector.broadcast %mul3A_1242 : f32 to vector<16xf32>
        %mul3A_1244 = arith.mulf %add3A_1187, %mul3A_1243 : vector<16xf32>
        %swap3A_1245 = arith.index_cast %scan3A_97 : i32 to index
        %swap3A_1246 = arith.constant 96 : index
        %swap3A_1247 = tpu.vector_load %arg8[%swap3A_1245, %swap3A_1246] {strides = array<i32>} : memref<16x128xf32, #tpu.memory_space<vmem>>, vector<1x16xf32>,
        %swap3A_1248 = vector.shape_cast %swap3A_1247 : vector<1x16xf32> to vector<16xf32>
        %swap3A_1249 = vector.shape_cast %mul3A_1244 : vector<16xf32> to vector<1x16xf32>
        tpu.vector_store %arg8[%swap3A_1245, %swap3A_1246], %swap3A_1249 {strides = array<i32>} : memref<16x128xf32, #tpu.memory_space<vmem>>, vector<1x16xf32>,
        %mul3A_1250 = arith.constant 5.000000e-02 : f32
        %mul3A_1251 = vector.broadcast %mul3A_1250 : f32 to vector<16xf32>
        %mul3A_1252 = arith.mulf %add3A_1194, %mul3A_1251 : vector<16xf32>
        %swap3A_1253 = arith.index_cast %scan3A_97 : i32 to index
        %swap3A_1254 = arith.constant 112 : index
        %swap3A_1255 = tpu.vector_load %arg8[%swap3A_1253, %swap3A_1254] {strides = array<i32>} : memref<16x128xf32, #tpu.memory_space<vmem>>, vector<1x16xf32>,
        %swap3A_1256 = vector.shape_cast %swap3A_1255 : vector<1x16xf32> to vector<16xf32>
        %swap3A_1257 = vector.shape_cast %mul3A_1252 : vector<16xf32> to vector<1x16xf32>
        tpu.vector_store %arg8[%swap3A_1253, %swap3A_1254], %swap3A_1257 {strides = array<i32>} : memref<16x128xf32, #tpu.memory_space<vmem>>, vector<1x16xf32>,
      }
      %scan3A_85 = arith.constant 16 : i32
      %mul3A_86 = arith.constant 16 : i32
      %mul3A_87 = arith.muli %add3A_74, %mul3A_86 : i32
      %add3A_88 = arith.addi %mul3A_2, %mul3A_87 : i32
      "tpu.region"() ({
        %run_scoped3A = tpu.sem_alloc : memref<!tpu.dma_semaphore, #tpu.memory_space<semaphore_mem>>
        %dma_start3A_97 = arith.constant 0 : i32
        %dma_start3A_98 = tpu.memref_slice %arg4[%add3A_88, %dma_start3A_97] : memref<8192x128xf32, #tpu.memory_space<hbm>> -> memref<16x128xf32, #tpu.memory_space<hbm>>
        %dma_start3A_99 = arith.constant 0 : i32
        %dma_start3A_100 = tpu.memref_slice %arg4[%add3A_88, %dma_start3A_99] : memref<8192x128xf32, #tpu.memory_space<hbm>> -> memref<16x128xf32, #tpu.memory_space<hbm>>
        tpu.enqueue_dma source(%arg8 : memref<16x128xf32, #tpu.memory_space<vmem>>) target(%dma_start3A_100 : memref<16x128xf32, #tpu.memory_space<hbm>>) target_semaphore(%run_scoped3A : memref<!tpu.dma_semaphore, #tpu.memory_space<semaphore_mem>>)
        %dma_wait3A_101 = arith.constant 0 : i32
        %dma_wait3A_102 = tpu.memref_slice %arg4[%add3A_88, %dma_wait3A_101] : memref<8192x128xf32, #tpu.memory_space<hbm>> -> memref<16x128xf32, #tpu.memory_space<hbm>>
        %dma_wait3A_103 = arith.constant 0 : i32
        %dma_wait3A_104 = tpu.memref_slice %arg4[%add3A_88, %dma_wait3A_103] : memref<8192x128xf32, #tpu.memory_space<hbm>> -> memref<16x128xf32, #tpu.memory_space<hbm>>
        tpu.wait_dma2 semaphore(%run_scoped3A : memref<!tpu.dma_semaphore, #tpu.memory_space<semaphore_mem>>) src(%arg8 : memref<16x128xf32, #tpu.memory_space<vmem>>) dst(%dma_wait3A_104 : memref<16x128xf32, #tpu.memory_space<hbm>>)
        tpu.yield
      }) : () -> ()
      %add3A_89 = arith.constant 2 : i32
      %add3A_90 = arith.addi %add3A_74, %add3A_89 : i32
      %mul3A_91 = arith.constant 320 : i32
      %mul3A_92 = arith.muli %add3A_90, %mul3A_91 : i32
      %dma_start3A_93 = tpu.memref_slice %arg5[%mul3A_92] : memref<5120xi32, #tpu.memory_space<vmem>> -> memref<320xi32, #tpu.memory_space<vmem>>
      %dma_start3A_94 = arith.constant 0 : i32
      %dma_start3A_95 = arith.constant 0 : i32
      %dma_start3A_96 = tpu.memref_slice %arg2[%dma_start3A_94, %dma_start3A_95] : memref<100000x128xf32, #tpu.memory_space<hbm>> -> memref<100000x128xf32, #tpu.memory_space<hbm>>
      tpu.enqueue_indirect_dma source(%dma_start3A_96 : memref<100000x128xf32, #tpu.memory_space<hbm>>) target(%arg7 : memref<320x128xf32, #tpu.memory_space<vmem>>) offsets(%dma_start3A_93 : memref<320xi32, #tpu.memory_space<vmem>>) semaphore(%arg10 : memref<!tpu.dma_semaphore, #tpu.memory_space<semaphore_mem>>)
    }
    %scan3A_20 = arith.constant 7 : i32
    %dma_wait3A = arith.constant 0 : i32
    %dma_wait3A_21 = tpu.memref_slice %arg5[%dma_wait3A] : memref<5120xi32, #tpu.memory_space<vmem>> -> memref<320xi32, #tpu.memory_space<vmem>>
    %dma_wait3A_22 = arith.constant 0 : i32
    %dma_wait3A_23 = arith.constant 0 : i32
    %dma_wait3A_24 = tpu.memref_slice %arg2[%dma_wait3A_22, %dma_wait3A_23] : memref<100000x128xf32, #tpu.memory_space<hbm>> -> memref<100000x128xf32, #tpu.memory_space<hbm>>
    tpu.wait_indirect_dma semaphore(%arg9 : memref<!tpu.dma_semaphore, #tpu.memory_space<semaphore_mem>>) src(%dma_wait3A_24 : memref<100000x128xf32, #tpu.memory_space<hbm>>) dst(%arg6 : memref<320x128xf32, #tpu.memory_space<vmem>>)
    %scan3A_25 = arith.constant 0 : i32
    %scan3A_26 = arith.constant 0 : i32
    %scan3A_27 = arith.constant 16 : i32
    %scan3A_28 = arith.addi %scan3A_26, %scan3A_27 : i32
    %scan3A_29 = arith.constant 1 : i32
    scf.for %scan3A_46 = %scan3A_26 to %scan3A_28 step %scan3A_29  : i32 {
      %mul3A_47 = arith.constant 20 : i32
      %mul3A_48 = arith.muli %scan3A_46, %mul3A_47 : i32
      %get3A = arith.index_cast %mul3A_48 : i32 to index
      %get3A_49 = arith.constant 0 : index
      %get3A_50 = tpu.vector_load %arg6[%get3A, %get3A_49] {strides = array<i32>} : memref<320x128xf32, #tpu.memory_space<vmem>>, vector<1x16xf32>,
      %get3A_51 = vector.shape_cast %get3A_50 : vector<1x16xf32> to vector<16xf32>
      %get3A_52 = arith.index_cast %mul3A_48 : i32 to index
      %get3A_53 = arith.constant 16 : index
      %get3A_54 = tpu.vector_load %arg6[%get3A_52, %get3A_53] {strides = array<i32>} : memref<320x128xf32, #tpu.memory_space<vmem>>, vector<1x16xf32>,
      %get3A_55 = vector.shape_cast %get3A_54 : vector<1x16xf32> to vector<16xf32>
      %get3A_56 = arith.index_cast %mul3A_48 : i32 to index
      %get3A_57 = arith.constant 32 : index
      %get3A_58 = tpu.vector_load %arg6[%get3A_56, %get3A_57] {strides = array<i32>} : memref<320x128xf32, #tpu.memory_space<vmem>>, vector<1x16xf32>,
      %get3A_59 = vector.shape_cast %get3A_58 : vector<1x16xf32> to vector<16xf32>
      %get3A_60 = arith.index_cast %mul3A_48 : i32 to index
      %get3A_61 = arith.constant 48 : index
      %get3A_62 = tpu.vector_load %arg6[%get3A_60, %get3A_61] {strides = array<i32>} : memref<320x128xf32, #tpu.memory_space<vmem>>, vector<1x16xf32>,
      %get3A_63 = vector.shape_cast %get3A_62 : vector<1x16xf32> to vector<16xf32>
      %get3A_64 = arith.index_cast %mul3A_48 : i32 to index
      %get3A_65 = arith.constant 64 : index
      %get3A_66 = tpu.vector_load %arg6[%get3A_64, %get3A_65] {strides = array<i32>} : memref<320x128xf32, #tpu.memory_space<vmem>>, vector<1x16xf32>,
      %get3A_67 = vector.shape_cast %get3A_66 : vector<1x16xf32> to vector<16xf32>
      %get3A_68 = arith.index_cast %mul3A_48 : i32 to index
      %get3A_69 = arith.constant 80 : index
      %get3A_70 = tpu.vector_load %arg6[%get3A_68, %get3A_69] {strides = array<i32>} : memref<320x128xf32, #tpu.memory_space<vmem>>, vector<1x16xf32>,
      %get3A_71 = vector.shape_cast %get3A_70 : vector<1x16xf32> to vector<16xf32>
      %get3A_72 = arith.index_cast %mul3A_48 : i32 to index
      %get3A_73 = arith.constant 96 : index
      %get3A_74 = tpu.vector_load %arg6[%get3A_72, %get3A_73] {strides = array<i32>} : memref<320x128xf32, #tpu.memory_space<vmem>>, vector<1x16xf32>,
      %get3A_75 = vector.shape_cast %get3A_74 : vector<1x16xf32> to vector<16xf32>
      %get3A_76 = arith.index_cast %mul3A_48 : i32 to index
      %get3A_77 = arith.constant 112 : index
      %get3A_78 = tpu.vector_load %arg6[%get3A_76, %get3A_77] {strides = array<i32>} : memref<320x128xf32, #tpu.memory_space<vmem>>, vector<1x16xf32>,
      %get3A_79 = vector.shape_cast %get3A_78 : vector<1x16xf32> to vector<16xf32>
      %add3A_80 = arith.constant 1 : i32
      %add3A_81 = arith.addi %mul3A_48, %add3A_80 : i32
      %get3A_82 = arith.index_cast %add3A_81 : i32 to index
      %get3A_83 = arith.constant 0 : index
      %get3A_84 = tpu.vector_load %arg6[%get3A_82, %get3A_83] {strides = array<i32>} : memref<320x128xf32, #tpu.memory_space<vmem>>, vector<1x16xf32>,
      %get3A_85 = vector.shape_cast %get3A_84 : vector<1x16xf32> to vector<16xf32>
      %add3A_86 = arith.addf %get3A_51, %get3A_85 : vector<16xf32>
      %add3A_87 = arith.constant 1 : i32
      %add3A_88 = arith.addi %mul3A_48, %add3A_87 : i32
      %get3A_89 = arith.index_cast %add3A_88 : i32 to index
      %get3A_90 = arith.constant 16 : index
      %get3A_91 = tpu.vector_load %arg6[%get3A_89, %get3A_90] {strides = array<i32>} : memref<320x128xf32, #tpu.memory_space<vmem>>, vector<1x16xf32>,
      %get3A_92 = vector.shape_cast %get3A_91 : vector<1x16xf32> to vector<16xf32>
      %add3A_93 = arith.addf %get3A_55, %get3A_92 : vector<16xf32>
      %add3A_94 = arith.constant 1 : i32
      %add3A_95 = arith.addi %mul3A_48, %add3A_94 : i32
      %get3A_96 = arith.index_cast %add3A_95 : i32 to index
      %get3A_97 = arith.constant 32 : index
      %get3A_98 = tpu.vector_load %arg6[%get3A_96, %get3A_97] {strides = array<i32>} : memref<320x128xf32, #tpu.memory_space<vmem>>, vector<1x16xf32>,
      %get3A_99 = vector.shape_cast %get3A_98 : vector<1x16xf32> to vector<16xf32>
      %add3A_100 = arith.addf %get3A_59, %get3A_99 : vector<16xf32>
      %add3A_101 = arith.constant 1 : i32
      %add3A_102 = arith.addi %mul3A_48, %add3A_101 : i32
      %get3A_103 = arith.index_cast %add3A_102 : i32 to index
      %get3A_104 = arith.constant 48 : index
      %get3A_105 = tpu.vector_load %arg6[%get3A_103, %get3A_104] {strides = array<i32>} : memref<320x128xf32, #tpu.memory_space<vmem>>, vector<1x16xf32>,
      %get3A_106 = vector.shape_cast %get3A_105 : vector<1x16xf32> to vector<16xf32>
      %add3A_107 = arith.addf %get3A_63, %get3A_106 : vector<16xf32>
      %add3A_108 = arith.constant 1 : i32
      %add3A_109 = arith.addi %mul3A_48, %add3A_108 : i32
      %get3A_110 = arith.index_cast %add3A_109 : i32 to index
      %get3A_111 = arith.constant 64 : index
      %get3A_112 = tpu.vector_load %arg6[%get3A_110, %get3A_111] {strides = array<i32>} : memref<320x128xf32, #tpu.memory_space<vmem>>, vector<1x16xf32>,
      %get3A_113 = vector.shape_cast %get3A_112 : vector<1x16xf32> to vector<16xf32>
      %add3A_114 = arith.addf %get3A_67, %get3A_113 : vector<16xf32>
      %add3A_115 = arith.constant 1 : i32
      %add3A_116 = arith.addi %mul3A_48, %add3A_115 : i32
      %get3A_117 = arith.index_cast %add3A_116 : i32 to index
      %get3A_118 = arith.constant 80 : index
      %get3A_119 = tpu.vector_load %arg6[%get3A_117, %get3A_118] {strides = array<i32>} : memref<320x128xf32, #tpu.memory_space<vmem>>, vector<1x16xf32>,
      %get3A_120 = vector.shape_cast %get3A_119 : vector<1x16xf32> to vector<16xf32>
      %add3A_121 = arith.addf %get3A_71, %get3A_120 : vector<16xf32>
      %add3A_122 = arith.constant 1 : i32
      %add3A_123 = arith.addi %mul3A_48, %add3A_122 : i32
      %get3A_124 = arith.index_cast %add3A_123 : i32 to index
      %get3A_125 = arith.constant 96 : index
      %get3A_126 = tpu.vector_load %arg6[%get3A_124, %get3A_125] {strides = array<i32>} : memref<320x128xf32, #tpu.memory_space<vmem>>, vector<1x16xf32>,
      %get3A_127 = vector.shape_cast %get3A_126 : vector<1x16xf32> to vector<16xf32>
      %add3A_128 = arith.addf %get3A_75, %get3A_127 : vector<16xf32>
      %add3A_129 = arith.constant 1 : i32
      %add3A_130 = arith.addi %mul3A_48, %add3A_129 : i32
      %get3A_131 = arith.index_cast %add3A_130 : i32 to index
      %get3A_132 = arith.constant 112 : index
      %get3A_133 = tpu.vector_load %arg6[%get3A_131, %get3A_132] {strides = array<i32>} : memref<320x128xf32, #tpu.memory_space<vmem>>, vector<1x16xf32>,
      %get3A_134 = vector.shape_cast %get3A_133 : vector<1x16xf32> to vector<16xf32>
      %add3A_135 = arith.addf %get3A_79, %get3A_134 : vector<16xf32>
      %add3A_136 = arith.constant 2 : i32
      %add3A_137 = arith.addi %mul3A_48, %add3A_136 : i32
      %get3A_138 = arith.index_cast %add3A_137 : i32 to index
      %get3A_139 = arith.constant 0 : index
      %get3A_140 = tpu.vector_load %arg6[%get3A_138, %get3A_139] {strides = array<i32>} : memref<320x128xf32, #tpu.memory_space<vmem>>, vector<1x16xf32>,
      %get3A_141 = vector.shape_cast %get3A_140 : vector<1x16xf32> to vector<16xf32>
      %add3A_142 = arith.addf %add3A_86, %get3A_141 : vector<16xf32>
      %add3A_143 = arith.constant 2 : i32
      %add3A_144 = arith.addi %mul3A_48, %add3A_143 : i32
      %get3A_145 = arith.index_cast %add3A_144 : i32 to index
      %get3A_146 = arith.constant 16 : index
      %get3A_147 = tpu.vector_load %arg6[%get3A_145, %get3A_146] {strides = array<i32>} : memref<320x128xf32, #tpu.memory_space<vmem>>, vector<1x16xf32>,
      %get3A_148 = vector.shape_cast %get3A_147 : vector<1x16xf32> to vector<16xf32>
      %add3A_149 = arith.addf %add3A_93, %get3A_148 : vector<16xf32>
      %add3A_150 = arith.constant 2 : i32
      %add3A_151 = arith.addi %mul3A_48, %add3A_150 : i32
      %get3A_152 = arith.index_cast %add3A_151 : i32 to index
      %get3A_153 = arith.constant 32 : index
      %get3A_154 = tpu.vector_load %arg6[%get3A_152, %get3A_153] {strides = array<i32>} : memref<320x128xf32, #tpu.memory_space<vmem>>, vector<1x16xf32>,
      %get3A_155 = vector.shape_cast %get3A_154 : vector<1x16xf32> to vector<16xf32>
      %add3A_156 = arith.addf %add3A_100, %get3A_155 : vector<16xf32>
      %add3A_157 = arith.constant 2 : i32
      %add3A_158 = arith.addi %mul3A_48, %add3A_157 : i32
      %get3A_159 = arith.index_cast %add3A_158 : i32 to index
      %get3A_160 = arith.constant 48 : index
      %get3A_161 = tpu.vector_load %arg6[%get3A_159, %get3A_160] {strides = array<i32>} : memref<320x128xf32, #tpu.memory_space<vmem>>, vector<1x16xf32>,
      %get3A_162 = vector.shape_cast %get3A_161 : vector<1x16xf32> to vector<16xf32>
      %add3A_163 = arith.addf %add3A_107, %get3A_162 : vector<16xf32>
      %add3A_164 = arith.constant 2 : i32
      %add3A_165 = arith.addi %mul3A_48, %add3A_164 : i32
      %get3A_166 = arith.index_cast %add3A_165 : i32 to index
      %get3A_167 = arith.constant 64 : index
      %get3A_168 = tpu.vector_load %arg6[%get3A_166, %get3A_167] {strides = array<i32>} : memref<320x128xf32, #tpu.memory_space<vmem>>, vector<1x16xf32>,
      %get3A_169 = vector.shape_cast %get3A_168 : vector<1x16xf32> to vector<16xf32>
      %add3A_170 = arith.addf %add3A_114, %get3A_169 : vector<16xf32>
      %add3A_171 = arith.constant 2 : i32
      %add3A_172 = arith.addi %mul3A_48, %add3A_171 : i32
      %get3A_173 = arith.index_cast %add3A_172 : i32 to index
      %get3A_174 = arith.constant 80 : index
      %get3A_175 = tpu.vector_load %arg6[%get3A_173, %get3A_174] {strides = array<i32>} : memref<320x128xf32, #tpu.memory_space<vmem>>, vector<1x16xf32>,
      %get3A_176 = vector.shape_cast %get3A_175 : vector<1x16xf32> to vector<16xf32>
      %add3A_177 = arith.addf %add3A_121, %get3A_176 : vector<16xf32>
      %add3A_178 = arith.constant 2 : i32
      %add3A_179 = arith.addi %mul3A_48, %add3A_178 : i32
      %get3A_180 = arith.index_cast %add3A_179 : i32 to index
      %get3A_181 = arith.constant 96 : index
      %get3A_182 = tpu.vector_load %arg6[%get3A_180, %get3A_181] {strides = array<i32>} : memref<320x128xf32, #tpu.memory_space<vmem>>, vector<1x16xf32>,
      %get3A_183 = vector.shape_cast %get3A_182 : vector<1x16xf32> to vector<16xf32>
      %add3A_184 = arith.addf %add3A_128, %get3A_183 : vector<16xf32>
      %add3A_185 = arith.constant 2 : i32
      %add3A_186 = arith.addi %mul3A_48, %add3A_185 : i32
      %get3A_187 = arith.index_cast %add3A_186 : i32 to index
      %get3A_188 = arith.constant 112 : index
      %get3A_189 = tpu.vector_load %arg6[%get3A_187, %get3A_188] {strides = array<i32>} : memref<320x128xf32, #tpu.memory_space<vmem>>, vector<1x16xf32>,
      %get3A_190 = vector.shape_cast %get3A_189 : vector<1x16xf32> to vector<16xf32>
      %add3A_191 = arith.addf %add3A_135, %get3A_190 : vector<16xf32>
      %add3A_192 = arith.constant 3 : i32
      %add3A_193 = arith.addi %mul3A_48, %add3A_192 : i32
      %get3A_194 = arith.index_cast %add3A_193 : i32 to index
      %get3A_195 = arith.constant 0 : index
      %get3A_196 = tpu.vector_load %arg6[%get3A_194, %get3A_195] {strides = array<i32>} : memref<320x128xf32, #tpu.memory_space<vmem>>, vector<1x16xf32>,
      %get3A_197 = vector.shape_cast %get3A_196 : vector<1x16xf32> to vector<16xf32>
      %add3A_198 = arith.addf %add3A_142, %get3A_197 : vector<16xf32>
      %add3A_199 = arith.constant 3 : i32
      %add3A_200 = arith.addi %mul3A_48, %add3A_199 : i32
      %get3A_201 = arith.index_cast %add3A_200 : i32 to index
      %get3A_202 = arith.constant 16 : index
      %get3A_203 = tpu.vector_load %arg6[%get3A_201, %get3A_202] {strides = array<i32>} : memref<320x128xf32, #tpu.memory_space<vmem>>, vector<1x16xf32>,
      %get3A_204 = vector.shape_cast %get3A_203 : vector<1x16xf32> to vector<16xf32>
      %add3A_205 = arith.addf %add3A_149, %get3A_204 : vector<16xf32>
      %add3A_206 = arith.constant 3 : i32
      %add3A_207 = arith.addi %mul3A_48, %add3A_206 : i32
      %get3A_208 = arith.index_cast %add3A_207 : i32 to index
      %get3A_209 = arith.constant 32 : index
      %get3A_210 = tpu.vector_load %arg6[%get3A_208, %get3A_209] {strides = array<i32>} : memref<320x128xf32, #tpu.memory_space<vmem>>, vector<1x16xf32>,
      %get3A_211 = vector.shape_cast %get3A_210 : vector<1x16xf32> to vector<16xf32>
      %add3A_212 = arith.addf %add3A_156, %get3A_211 : vector<16xf32>
      %add3A_213 = arith.constant 3 : i32
      %add3A_214 = arith.addi %mul3A_48, %add3A_213 : i32
      %get3A_215 = arith.index_cast %add3A_214 : i32 to index
      %get3A_216 = arith.constant 48 : index
      %get3A_217 = tpu.vector_load %arg6[%get3A_215, %get3A_216] {strides = array<i32>} : memref<320x128xf32, #tpu.memory_space<vmem>>, vector<1x16xf32>,
      %get3A_218 = vector.shape_cast %get3A_217 : vector<1x16xf32> to vector<16xf32>
      %add3A_219 = arith.addf %add3A_163, %get3A_218 : vector<16xf32>
      %add3A_220 = arith.constant 3 : i32
      %add3A_221 = arith.addi %mul3A_48, %add3A_220 : i32
      %get3A_222 = arith.index_cast %add3A_221 : i32 to index
      %get3A_223 = arith.constant 64 : index
      %get3A_224 = tpu.vector_load %arg6[%get3A_222, %get3A_223] {strides = array<i32>} : memref<320x128xf32, #tpu.memory_space<vmem>>, vector<1x16xf32>,
      %get3A_225 = vector.shape_cast %get3A_224 : vector<1x16xf32> to vector<16xf32>
      %add3A_226 = arith.addf %add3A_170, %get3A_225 : vector<16xf32>
      %add3A_227 = arith.constant 3 : i32
      %add3A_228 = arith.addi %mul3A_48, %add3A_227 : i32
      %get3A_229 = arith.index_cast %add3A_228 : i32 to index
      %get3A_230 = arith.constant 80 : index
      %get3A_231 = tpu.vector_load %arg6[%get3A_229, %get3A_230] {strides = array<i32>} : memref<320x128xf32, #tpu.memory_space<vmem>>, vector<1x16xf32>,
      %get3A_232 = vector.shape_cast %get3A_231 : vector<1x16xf32> to vector<16xf32>
      %add3A_233 = arith.addf %add3A_177, %get3A_232 : vector<16xf32>
      %add3A_234 = arith.constant 3 : i32
      %add3A_235 = arith.addi %mul3A_48, %add3A_234 : i32
      %get3A_236 = arith.index_cast %add3A_235 : i32 to index
      %get3A_237 = arith.constant 96 : index
      %get3A_238 = tpu.vector_load %arg6[%get3A_236, %get3A_237] {strides = array<i32>} : memref<320x128xf32, #tpu.memory_space<vmem>>, vector<1x16xf32>,
      %get3A_239 = vector.shape_cast %get3A_238 : vector<1x16xf32> to vector<16xf32>
      %add3A_240 = arith.addf %add3A_184, %get3A_239 : vector<16xf32>
      %add3A_241 = arith.constant 3 : i32
      %add3A_242 = arith.addi %mul3A_48, %add3A_241 : i32
      %get3A_243 = arith.index_cast %add3A_242 : i32 to index
      %get3A_244 = arith.constant 112 : index
      %get3A_245 = tpu.vector_load %arg6[%get3A_243, %get3A_244] {strides = array<i32>} : memref<320x128xf32, #tpu.memory_space<vmem>>, vector<1x16xf32>,
      %get3A_246 = vector.shape_cast %get3A_245 : vector<1x16xf32> to vector<16xf32>
      %add3A_247 = arith.addf %add3A_191, %get3A_246 : vector<16xf32>
      %add3A_248 = arith.constant 4 : i32
      %add3A_249 = arith.addi %mul3A_48, %add3A_248 : i32
      %get3A_250 = arith.index_cast %add3A_249 : i32 to index
      %get3A_251 = arith.constant 0 : index
      %get3A_252 = tpu.vector_load %arg6[%get3A_250, %get3A_251] {strides = array<i32>} : memref<320x128xf32, #tpu.memory_space<vmem>>, vector<1x16xf32>,
      %get3A_253 = vector.shape_cast %get3A_252 : vector<1x16xf32> to vector<16xf32>
      %add3A_254 = arith.addf %add3A_198, %get3A_253 : vector<16xf32>
      %add3A_255 = arith.constant 4 : i32
      %add3A_256 = arith.addi %mul3A_48, %add3A_255 : i32
      %get3A_257 = arith.index_cast %add3A_256 : i32 to index
      %get3A_258 = arith.constant 16 : index
      %get3A_259 = tpu.vector_load %arg6[%get3A_257, %get3A_258] {strides = array<i32>} : memref<320x128xf32, #tpu.memory_space<vmem>>, vector<1x16xf32>,
      %get3A_260 = vector.shape_cast %get3A_259 : vector<1x16xf32> to vector<16xf32>
      %add3A_261 = arith.addf %add3A_205, %get3A_260 : vector<16xf32>
      %add3A_262 = arith.constant 4 : i32
      %add3A_263 = arith.addi %mul3A_48, %add3A_262 : i32
      %get3A_264 = arith.index_cast %add3A_263 : i32 to index
      %get3A_265 = arith.constant 32 : index
      %get3A_266 = tpu.vector_load %arg6[%get3A_264, %get3A_265] {strides = array<i32>} : memref<320x128xf32, #tpu.memory_space<vmem>>, vector<1x16xf32>,
      %get3A_267 = vector.shape_cast %get3A_266 : vector<1x16xf32> to vector<16xf32>
      %add3A_268 = arith.addf %add3A_212, %get3A_267 : vector<16xf32>
      %add3A_269 = arith.constant 4 : i32
      %add3A_270 = arith.addi %mul3A_48, %add3A_269 : i32
      %get3A_271 = arith.index_cast %add3A_270 : i32 to index
      %get3A_272 = arith.constant 48 : index
      %get3A_273 = tpu.vector_load %arg6[%get3A_271, %get3A_272] {strides = array<i32>} : memref<320x128xf32, #tpu.memory_space<vmem>>, vector<1x16xf32>,
      %get3A_274 = vector.shape_cast %get3A_273 : vector<1x16xf32> to vector<16xf32>
      %add3A_275 = arith.addf %add3A_219, %get3A_274 : vector<16xf32>
      %add3A_276 = arith.constant 4 : i32
      %add3A_277 = arith.addi %mul3A_48, %add3A_276 : i32
      %get3A_278 = arith.index_cast %add3A_277 : i32 to index
      %get3A_279 = arith.constant 64 : index
      %get3A_280 = tpu.vector_load %arg6[%get3A_278, %get3A_279] {strides = array<i32>} : memref<320x128xf32, #tpu.memory_space<vmem>>, vector<1x16xf32>,
      %get3A_281 = vector.shape_cast %get3A_280 : vector<1x16xf32> to vector<16xf32>
      %add3A_282 = arith.addf %add3A_226, %get3A_281 : vector<16xf32>
      %add3A_283 = arith.constant 4 : i32
      %add3A_284 = arith.addi %mul3A_48, %add3A_283 : i32
      %get3A_285 = arith.index_cast %add3A_284 : i32 to index
      %get3A_286 = arith.constant 80 : index
      %get3A_287 = tpu.vector_load %arg6[%get3A_285, %get3A_286] {strides = array<i32>} : memref<320x128xf32, #tpu.memory_space<vmem>>, vector<1x16xf32>,
      %get3A_288 = vector.shape_cast %get3A_287 : vector<1x16xf32> to vector<16xf32>
      %add3A_289 = arith.addf %add3A_233, %get3A_288 : vector<16xf32>
      %add3A_290 = arith.constant 4 : i32
      %add3A_291 = arith.addi %mul3A_48, %add3A_290 : i32
      %get3A_292 = arith.index_cast %add3A_291 : i32 to index
      %get3A_293 = arith.constant 96 : index
      %get3A_294 = tpu.vector_load %arg6[%get3A_292, %get3A_293] {strides = array<i32>} : memref<320x128xf32, #tpu.memory_space<vmem>>, vector<1x16xf32>,
      %get3A_295 = vector.shape_cast %get3A_294 : vector<1x16xf32> to vector<16xf32>
      %add3A_296 = arith.addf %add3A_240, %get3A_295 : vector<16xf32>
      %add3A_297 = arith.constant 4 : i32
      %add3A_298 = arith.addi %mul3A_48, %add3A_297 : i32
      %get3A_299 = arith.index_cast %add3A_298 : i32 to index
      %get3A_300 = arith.constant 112 : index
      %get3A_301 = tpu.vector_load %arg6[%get3A_299, %get3A_300] {strides = array<i32>} : memref<320x128xf32, #tpu.memory_space<vmem>>, vector<1x16xf32>,
      %get3A_302 = vector.shape_cast %get3A_301 : vector<1x16xf32> to vector<16xf32>
      %add3A_303 = arith.addf %add3A_247, %get3A_302 : vector<16xf32>
      %add3A_304 = arith.constant 5 : i32
      %add3A_305 = arith.addi %mul3A_48, %add3A_304 : i32
      %get3A_306 = arith.index_cast %add3A_305 : i32 to index
      %get3A_307 = arith.constant 0 : index
      %get3A_308 = tpu.vector_load %arg6[%get3A_306, %get3A_307] {strides = array<i32>} : memref<320x128xf32, #tpu.memory_space<vmem>>, vector<1x16xf32>,
      %get3A_309 = vector.shape_cast %get3A_308 : vector<1x16xf32> to vector<16xf32>
      %add3A_310 = arith.addf %add3A_254, %get3A_309 : vector<16xf32>
      %add3A_311 = arith.constant 5 : i32
      %add3A_312 = arith.addi %mul3A_48, %add3A_311 : i32
      %get3A_313 = arith.index_cast %add3A_312 : i32 to index
      %get3A_314 = arith.constant 16 : index
      %get3A_315 = tpu.vector_load %arg6[%get3A_313, %get3A_314] {strides = array<i32>} : memref<320x128xf32, #tpu.memory_space<vmem>>, vector<1x16xf32>,
      %get3A_316 = vector.shape_cast %get3A_315 : vector<1x16xf32> to vector<16xf32>
      %add3A_317 = arith.addf %add3A_261, %get3A_316 : vector<16xf32>
      %add3A_318 = arith.constant 5 : i32
      %add3A_319 = arith.addi %mul3A_48, %add3A_318 : i32
      %get3A_320 = arith.index_cast %add3A_319 : i32 to index
      %get3A_321 = arith.constant 32 : index
      %get3A_322 = tpu.vector_load %arg6[%get3A_320, %get3A_321] {strides = array<i32>} : memref<320x128xf32, #tpu.memory_space<vmem>>, vector<1x16xf32>,
      %get3A_323 = vector.shape_cast %get3A_322 : vector<1x16xf32> to vector<16xf32>
      %add3A_324 = arith.addf %add3A_268, %get3A_323 : vector<16xf32>
      %add3A_325 = arith.constant 5 : i32
      %add3A_326 = arith.addi %mul3A_48, %add3A_325 : i32
      %get3A_327 = arith.index_cast %add3A_326 : i32 to index
      %get3A_328 = arith.constant 48 : index
      %get3A_329 = tpu.vector_load %arg6[%get3A_327, %get3A_328] {strides = array<i32>} : memref<320x128xf32, #tpu.memory_space<vmem>>, vector<1x16xf32>,
      %get3A_330 = vector.shape_cast %get3A_329 : vector<1x16xf32> to vector<16xf32>
      %add3A_331 = arith.addf %add3A_275, %get3A_330 : vector<16xf32>
      %add3A_332 = arith.constant 5 : i32
      %add3A_333 = arith.addi %mul3A_48, %add3A_332 : i32
      %get3A_334 = arith.index_cast %add3A_333 : i32 to index
      %get3A_335 = arith.constant 64 : index
      %get3A_336 = tpu.vector_load %arg6[%get3A_334, %get3A_335] {strides = array<i32>} : memref<320x128xf32, #tpu.memory_space<vmem>>, vector<1x16xf32>,
      %get3A_337 = vector.shape_cast %get3A_336 : vector<1x16xf32> to vector<16xf32>
      %add3A_338 = arith.addf %add3A_282, %get3A_337 : vector<16xf32>
      %add3A_339 = arith.constant 5 : i32
      %add3A_340 = arith.addi %mul3A_48, %add3A_339 : i32
      %get3A_341 = arith.index_cast %add3A_340 : i32 to index
      %get3A_342 = arith.constant 80 : index
      %get3A_343 = tpu.vector_load %arg6[%get3A_341, %get3A_342] {strides = array<i32>} : memref<320x128xf32, #tpu.memory_space<vmem>>, vector<1x16xf32>,
      %get3A_344 = vector.shape_cast %get3A_343 : vector<1x16xf32> to vector<16xf32>
      %add3A_345 = arith.addf %add3A_289, %get3A_344 : vector<16xf32>
      %add3A_346 = arith.constant 5 : i32
      %add3A_347 = arith.addi %mul3A_48, %add3A_346 : i32
      %get3A_348 = arith.index_cast %add3A_347 : i32 to index
      %get3A_349 = arith.constant 96 : index
      %get3A_350 = tpu.vector_load %arg6[%get3A_348, %get3A_349] {strides = array<i32>} : memref<320x128xf32, #tpu.memory_space<vmem>>, vector<1x16xf32>,
      %get3A_351 = vector.shape_cast %get3A_350 : vector<1x16xf32> to vector<16xf32>
      %add3A_352 = arith.addf %add3A_296, %get3A_351 : vector<16xf32>
      %add3A_353 = arith.constant 5 : i32
      %add3A_354 = arith.addi %mul3A_48, %add3A_353 : i32
      %get3A_355 = arith.index_cast %add3A_354 : i32 to index
      %get3A_356 = arith.constant 112 : index
      %get3A_357 = tpu.vector_load %arg6[%get3A_355, %get3A_356] {strides = array<i32>} : memref<320x128xf32, #tpu.memory_space<vmem>>, vector<1x16xf32>,
      %get3A_358 = vector.shape_cast %get3A_357 : vector<1x16xf32> to vector<16xf32>
      %add3A_359 = arith.addf %add3A_303, %get3A_358 : vector<16xf32>
      %add3A_360 = arith.constant 6 : i32
      %add3A_361 = arith.addi %mul3A_48, %add3A_360 : i32
      %get3A_362 = arith.index_cast %add3A_361 : i32 to index
      %get3A_363 = arith.constant 0 : index
      %get3A_364 = tpu.vector_load %arg6[%get3A_362, %get3A_363] {strides = array<i32>} : memref<320x128xf32, #tpu.memory_space<vmem>>, vector<1x16xf32>,
      %get3A_365 = vector.shape_cast %get3A_364 : vector<1x16xf32> to vector<16xf32>
      %add3A_366 = arith.addf %add3A_310, %get3A_365 : vector<16xf32>
      %add3A_367 = arith.constant 6 : i32
      %add3A_368 = arith.addi %mul3A_48, %add3A_367 : i32
      %get3A_369 = arith.index_cast %add3A_368 : i32 to index
      %get3A_370 = arith.constant 16 : index
      %get3A_371 = tpu.vector_load %arg6[%get3A_369, %get3A_370] {strides = array<i32>} : memref<320x128xf32, #tpu.memory_space<vmem>>, vector<1x16xf32>,
      %get3A_372 = vector.shape_cast %get3A_371 : vector<1x16xf32> to vector<16xf32>
      %add3A_373 = arith.addf %add3A_317, %get3A_372 : vector<16xf32>
      %add3A_374 = arith.constant 6 : i32
      %add3A_375 = arith.addi %mul3A_48, %add3A_374 : i32
      %get3A_376 = arith.index_cast %add3A_375 : i32 to index
      %get3A_377 = arith.constant 32 : index
      %get3A_378 = tpu.vector_load %arg6[%get3A_376, %get3A_377] {strides = array<i32>} : memref<320x128xf32, #tpu.memory_space<vmem>>, vector<1x16xf32>,
      %get3A_379 = vector.shape_cast %get3A_378 : vector<1x16xf32> to vector<16xf32>
      %add3A_380 = arith.addf %add3A_324, %get3A_379 : vector<16xf32>
      %add3A_381 = arith.constant 6 : i32
      %add3A_382 = arith.addi %mul3A_48, %add3A_381 : i32
      %get3A_383 = arith.index_cast %add3A_382 : i32 to index
      %get3A_384 = arith.constant 48 : index
      %get3A_385 = tpu.vector_load %arg6[%get3A_383, %get3A_384] {strides = array<i32>} : memref<320x128xf32, #tpu.memory_space<vmem>>, vector<1x16xf32>,
      %get3A_386 = vector.shape_cast %get3A_385 : vector<1x16xf32> to vector<16xf32>
      %add3A_387 = arith.addf %add3A_331, %get3A_386 : vector<16xf32>
      %add3A_388 = arith.constant 6 : i32
      %add3A_389 = arith.addi %mul3A_48, %add3A_388 : i32
      %get3A_390 = arith.index_cast %add3A_389 : i32 to index
      %get3A_391 = arith.constant 64 : index
      %get3A_392 = tpu.vector_load %arg6[%get3A_390, %get3A_391] {strides = array<i32>} : memref<320x128xf32, #tpu.memory_space<vmem>>, vector<1x16xf32>,
      %get3A_393 = vector.shape_cast %get3A_392 : vector<1x16xf32> to vector<16xf32>
      %add3A_394 = arith.addf %add3A_338, %get3A_393 : vector<16xf32>
      %add3A_395 = arith.constant 6 : i32
      %add3A_396 = arith.addi %mul3A_48, %add3A_395 : i32
      %get3A_397 = arith.index_cast %add3A_396 : i32 to index
      %get3A_398 = arith.constant 80 : index
      %get3A_399 = tpu.vector_load %arg6[%get3A_397, %get3A_398] {strides = array<i32>} : memref<320x128xf32, #tpu.memory_space<vmem>>, vector<1x16xf32>,
      %get3A_400 = vector.shape_cast %get3A_399 : vector<1x16xf32> to vector<16xf32>
      %add3A_401 = arith.addf %add3A_345, %get3A_400 : vector<16xf32>
      %add3A_402 = arith.constant 6 : i32
      %add3A_403 = arith.addi %mul3A_48, %add3A_402 : i32
      %get3A_404 = arith.index_cast %add3A_403 : i32 to index
      %get3A_405 = arith.constant 96 : index
      %get3A_406 = tpu.vector_load %arg6[%get3A_404, %get3A_405] {strides = array<i32>} : memref<320x128xf32, #tpu.memory_space<vmem>>, vector<1x16xf32>,
      %get3A_407 = vector.shape_cast %get3A_406 : vector<1x16xf32> to vector<16xf32>
      %add3A_408 = arith.addf %add3A_352, %get3A_407 : vector<16xf32>
      %add3A_409 = arith.constant 6 : i32
      %add3A_410 = arith.addi %mul3A_48, %add3A_409 : i32
      %get3A_411 = arith.index_cast %add3A_410 : i32 to index
      %get3A_412 = arith.constant 112 : index
      %get3A_413 = tpu.vector_load %arg6[%get3A_411, %get3A_412] {strides = array<i32>} : memref<320x128xf32, #tpu.memory_space<vmem>>, vector<1x16xf32>,
      %get3A_414 = vector.shape_cast %get3A_413 : vector<1x16xf32> to vector<16xf32>
      %add3A_415 = arith.addf %add3A_359, %get3A_414 : vector<16xf32>
      %add3A_416 = arith.constant 7 : i32
      %add3A_417 = arith.addi %mul3A_48, %add3A_416 : i32
      %get3A_418 = arith.index_cast %add3A_417 : i32 to index
      %get3A_419 = arith.constant 0 : index
      %get3A_420 = tpu.vector_load %arg6[%get3A_418, %get3A_419] {strides = array<i32>} : memref<320x128xf32, #tpu.memory_space<vmem>>, vector<1x16xf32>,
      %get3A_421 = vector.shape_cast %get3A_420 : vector<1x16xf32> to vector<16xf32>
      %add3A_422 = arith.addf %add3A_366, %get3A_421 : vector<16xf32>
      %add3A_423 = arith.constant 7 : i32
      %add3A_424 = arith.addi %mul3A_48, %add3A_423 : i32
      %get3A_425 = arith.index_cast %add3A_424 : i32 to index
      %get3A_426 = arith.constant 16 : index
      %get3A_427 = tpu.vector_load %arg6[%get3A_425, %get3A_426] {strides = array<i32>} : memref<320x128xf32, #tpu.memory_space<vmem>>, vector<1x16xf32>,
      %get3A_428 = vector.shape_cast %get3A_427 : vector<1x16xf32> to vector<16xf32>
      %add3A_429 = arith.addf %add3A_373, %get3A_428 : vector<16xf32>
      %add3A_430 = arith.constant 7 : i32
      %add3A_431 = arith.addi %mul3A_48, %add3A_430 : i32
      %get3A_432 = arith.index_cast %add3A_431 : i32 to index
      %get3A_433 = arith.constant 32 : index
      %get3A_434 = tpu.vector_load %arg6[%get3A_432, %get3A_433] {strides = array<i32>} : memref<320x128xf32, #tpu.memory_space<vmem>>, vector<1x16xf32>,
      %get3A_435 = vector.shape_cast %get3A_434 : vector<1x16xf32> to vector<16xf32>
      %add3A_436 = arith.addf %add3A_380, %get3A_435 : vector<16xf32>
      %add3A_437 = arith.constant 7 : i32
      %add3A_438 = arith.addi %mul3A_48, %add3A_437 : i32
      %get3A_439 = arith.index_cast %add3A_438 : i32 to index
      %get3A_440 = arith.constant 48 : index
      %get3A_441 = tpu.vector_load %arg6[%get3A_439, %get3A_440] {strides = array<i32>} : memref<320x128xf32, #tpu.memory_space<vmem>>, vector<1x16xf32>,
      %get3A_442 = vector.shape_cast %get3A_441 : vector<1x16xf32> to vector<16xf32>
      %add3A_443 = arith.addf %add3A_387, %get3A_442 : vector<16xf32>
      %add3A_444 = arith.constant 7 : i32
      %add3A_445 = arith.addi %mul3A_48, %add3A_444 : i32
      %get3A_446 = arith.index_cast %add3A_445 : i32 to index
      %get3A_447 = arith.constant 64 : index
      %get3A_448 = tpu.vector_load %arg6[%get3A_446, %get3A_447] {strides = array<i32>} : memref<320x128xf32, #tpu.memory_space<vmem>>, vector<1x16xf32>,
      %get3A_449 = vector.shape_cast %get3A_448 : vector<1x16xf32> to vector<16xf32>
      %add3A_450 = arith.addf %add3A_394, %get3A_449 : vector<16xf32>
      %add3A_451 = arith.constant 7 : i32
      %add3A_452 = arith.addi %mul3A_48, %add3A_451 : i32
      %get3A_453 = arith.index_cast %add3A_452 : i32 to index
      %get3A_454 = arith.constant 80 : index
      %get3A_455 = tpu.vector_load %arg6[%get3A_453, %get3A_454] {strides = array<i32>} : memref<320x128xf32, #tpu.memory_space<vmem>>, vector<1x16xf32>,
      %get3A_456 = vector.shape_cast %get3A_455 : vector<1x16xf32> to vector<16xf32>
      %add3A_457 = arith.addf %add3A_401, %get3A_456 : vector<16xf32>
      %add3A_458 = arith.constant 7 : i32
      %add3A_459 = arith.addi %mul3A_48, %add3A_458 : i32
      %get3A_460 = arith.index_cast %add3A_459 : i32 to index
      %get3A_461 = arith.constant 96 : index
      %get3A_462 = tpu.vector_load %arg6[%get3A_460, %get3A_461] {strides = array<i32>} : memref<320x128xf32, #tpu.memory_space<vmem>>, vector<1x16xf32>,
      %get3A_463 = vector.shape_cast %get3A_462 : vector<1x16xf32> to vector<16xf32>
      %add3A_464 = arith.addf %add3A_408, %get3A_463 : vector<16xf32>
      %add3A_465 = arith.constant 7 : i32
      %add3A_466 = arith.addi %mul3A_48, %add3A_465 : i32
      %get3A_467 = arith.index_cast %add3A_466 : i32 to index
      %get3A_468 = arith.constant 112 : index
      %get3A_469 = tpu.vector_load %arg6[%get3A_467, %get3A_468] {strides = array<i32>} : memref<320x128xf32, #tpu.memory_space<vmem>>, vector<1x16xf32>,
      %get3A_470 = vector.shape_cast %get3A_469 : vector<1x16xf32> to vector<16xf32>
      %add3A_471 = arith.addf %add3A_415, %get3A_470 : vector<16xf32>
      %add3A_472 = arith.constant 8 : i32
      %add3A_473 = arith.addi %mul3A_48, %add3A_472 : i32
      %get3A_474 = arith.index_cast %add3A_473 : i32 to index
      %get3A_475 = arith.constant 0 : index
      %get3A_476 = tpu.vector_load %arg6[%get3A_474, %get3A_475] {strides = array<i32>} : memref<320x128xf32, #tpu.memory_space<vmem>>, vector<1x16xf32>,
      %get3A_477 = vector.shape_cast %get3A_476 : vector<1x16xf32> to vector<16xf32>
      %add3A_478 = arith.addf %add3A_422, %get3A_477 : vector<16xf32>
      %add3A_479 = arith.constant 8 : i32
      %add3A_480 = arith.addi %mul3A_48, %add3A_479 : i32
      %get3A_481 = arith.index_cast %add3A_480 : i32 to index
      %get3A_482 = arith.constant 16 : index
      %get3A_483 = tpu.vector_load %arg6[%get3A_481, %get3A_482] {strides = array<i32>} : memref<320x128xf32, #tpu.memory_space<vmem>>, vector<1x16xf32>,
      %get3A_484 = vector.shape_cast %get3A_483 : vector<1x16xf32> to vector<16xf32>
      %add3A_485 = arith.addf %add3A_429, %get3A_484 : vector<16xf32>
      %add3A_486 = arith.constant 8 : i32
      %add3A_487 = arith.addi %mul3A_48, %add3A_486 : i32
      %get3A_488 = arith.index_cast %add3A_487 : i32 to index
      %get3A_489 = arith.constant 32 : index
      %get3A_490 = tpu.vector_load %arg6[%get3A_488, %get3A_489] {strides = array<i32>} : memref<320x128xf32, #tpu.memory_space<vmem>>, vector<1x16xf32>,
      %get3A_491 = vector.shape_cast %get3A_490 : vector<1x16xf32> to vector<16xf32>
      %add3A_492 = arith.addf %add3A_436, %get3A_491 : vector<16xf32>
      %add3A_493 = arith.constant 8 : i32
      %add3A_494 = arith.addi %mul3A_48, %add3A_493 : i32
      %get3A_495 = arith.index_cast %add3A_494 : i32 to index
      %get3A_496 = arith.constant 48 : index
      %get3A_497 = tpu.vector_load %arg6[%get3A_495, %get3A_496] {strides = array<i32>} : memref<320x128xf32, #tpu.memory_space<vmem>>, vector<1x16xf32>,
      %get3A_498 = vector.shape_cast %get3A_497 : vector<1x16xf32> to vector<16xf32>
      %add3A_499 = arith.addf %add3A_443, %get3A_498 : vector<16xf32>
      %add3A_500 = arith.constant 8 : i32
      %add3A_501 = arith.addi %mul3A_48, %add3A_500 : i32
      %get3A_502 = arith.index_cast %add3A_501 : i32 to index
      %get3A_503 = arith.constant 64 : index
      %get3A_504 = tpu.vector_load %arg6[%get3A_502, %get3A_503] {strides = array<i32>} : memref<320x128xf32, #tpu.memory_space<vmem>>, vector<1x16xf32>,
      %get3A_505 = vector.shape_cast %get3A_504 : vector<1x16xf32> to vector<16xf32>
      %add3A_506 = arith.addf %add3A_450, %get3A_505 : vector<16xf32>
      %add3A_507 = arith.constant 8 : i32
      %add3A_508 = arith.addi %mul3A_48, %add3A_507 : i32
      %get3A_509 = arith.index_cast %add3A_508 : i32 to index
      %get3A_510 = arith.constant 80 : index
      %get3A_511 = tpu.vector_load %arg6[%get3A_509, %get3A_510] {strides = array<i32>} : memref<320x128xf32, #tpu.memory_space<vmem>>, vector<1x16xf32>,
      %get3A_512 = vector.shape_cast %get3A_511 : vector<1x16xf32> to vector<16xf32>
      %add3A_513 = arith.addf %add3A_457, %get3A_512 : vector<16xf32>
      %add3A_514 = arith.constant 8 : i32
      %add3A_515 = arith.addi %mul3A_48, %add3A_514 : i32
      %get3A_516 = arith.index_cast %add3A_515 : i32 to index
      %get3A_517 = arith.constant 96 : index
      %get3A_518 = tpu.vector_load %arg6[%get3A_516, %get3A_517] {strides = array<i32>} : memref<320x128xf32, #tpu.memory_space<vmem>>, vector<1x16xf32>,
      %get3A_519 = vector.shape_cast %get3A_518 : vector<1x16xf32> to vector<16xf32>
      %add3A_520 = arith.addf %add3A_464, %get3A_519 : vector<16xf32>
      %add3A_521 = arith.constant 8 : i32
      %add3A_522 = arith.addi %mul3A_48, %add3A_521 : i32
      %get3A_523 = arith.index_cast %add3A_522 : i32 to index
      %get3A_524 = arith.constant 112 : index
      %get3A_525 = tpu.vector_load %arg6[%get3A_523, %get3A_524] {strides = array<i32>} : memref<320x128xf32, #tpu.memory_space<vmem>>, vector<1x16xf32>,
      %get3A_526 = vector.shape_cast %get3A_525 : vector<1x16xf32> to vector<16xf32>
      %add3A_527 = arith.addf %add3A_471, %get3A_526 : vector<16xf32>
      %add3A_528 = arith.constant 9 : i32
      %add3A_529 = arith.addi %mul3A_48, %add3A_528 : i32
      %get3A_530 = arith.index_cast %add3A_529 : i32 to index
      %get3A_531 = arith.constant 0 : index
      %get3A_532 = tpu.vector_load %arg6[%get3A_530, %get3A_531] {strides = array<i32>} : memref<320x128xf32, #tpu.memory_space<vmem>>, vector<1x16xf32>,
      %get3A_533 = vector.shape_cast %get3A_532 : vector<1x16xf32> to vector<16xf32>
      %add3A_534 = arith.addf %add3A_478, %get3A_533 : vector<16xf32>
      %add3A_535 = arith.constant 9 : i32
      %add3A_536 = arith.addi %mul3A_48, %add3A_535 : i32
      %get3A_537 = arith.index_cast %add3A_536 : i32 to index
      %get3A_538 = arith.constant 16 : index
      %get3A_539 = tpu.vector_load %arg6[%get3A_537, %get3A_538] {strides = array<i32>} : memref<320x128xf32, #tpu.memory_space<vmem>>, vector<1x16xf32>,
      %get3A_540 = vector.shape_cast %get3A_539 : vector<1x16xf32> to vector<16xf32>
      %add3A_541 = arith.addf %add3A_485, %get3A_540 : vector<16xf32>
      %add3A_542 = arith.constant 9 : i32
      %add3A_543 = arith.addi %mul3A_48, %add3A_542 : i32
      %get3A_544 = arith.index_cast %add3A_543 : i32 to index
      %get3A_545 = arith.constant 32 : index
      %get3A_546 = tpu.vector_load %arg6[%get3A_544, %get3A_545] {strides = array<i32>} : memref<320x128xf32, #tpu.memory_space<vmem>>, vector<1x16xf32>,
      %get3A_547 = vector.shape_cast %get3A_546 : vector<1x16xf32> to vector<16xf32>
      %add3A_548 = arith.addf %add3A_492, %get3A_547 : vector<16xf32>
      %add3A_549 = arith.constant 9 : i32
      %add3A_550 = arith.addi %mul3A_48, %add3A_549 : i32
      %get3A_551 = arith.index_cast %add3A_550 : i32 to index
      %get3A_552 = arith.constant 48 : index
      %get3A_553 = tpu.vector_load %arg6[%get3A_551, %get3A_552] {strides = array<i32>} : memref<320x128xf32, #tpu.memory_space<vmem>>, vector<1x16xf32>,
      %get3A_554 = vector.shape_cast %get3A_553 : vector<1x16xf32> to vector<16xf32>
      %add3A_555 = arith.addf %add3A_499, %get3A_554 : vector<16xf32>
      %add3A_556 = arith.constant 9 : i32
      %add3A_557 = arith.addi %mul3A_48, %add3A_556 : i32
      %get3A_558 = arith.index_cast %add3A_557 : i32 to index
      %get3A_559 = arith.constant 64 : index
      %get3A_560 = tpu.vector_load %arg6[%get3A_558, %get3A_559] {strides = array<i32>} : memref<320x128xf32, #tpu.memory_space<vmem>>, vector<1x16xf32>,
      %get3A_561 = vector.shape_cast %get3A_560 : vector<1x16xf32> to vector<16xf32>
      %add3A_562 = arith.addf %add3A_506, %get3A_561 : vector<16xf32>
      %add3A_563 = arith.constant 9 : i32
      %add3A_564 = arith.addi %mul3A_48, %add3A_563 : i32
      %get3A_565 = arith.index_cast %add3A_564 : i32 to index
      %get3A_566 = arith.constant 80 : index
      %get3A_567 = tpu.vector_load %arg6[%get3A_565, %get3A_566] {strides = array<i32>} : memref<320x128xf32, #tpu.memory_space<vmem>>, vector<1x16xf32>,
      %get3A_568 = vector.shape_cast %get3A_567 : vector<1x16xf32> to vector<16xf32>
      %add3A_569 = arith.addf %add3A_513, %get3A_568 : vector<16xf32>
      %add3A_570 = arith.constant 9 : i32
      %add3A_571 = arith.addi %mul3A_48, %add3A_570 : i32
      %get3A_572 = arith.index_cast %add3A_571 : i32 to index
      %get3A_573 = arith.constant 96 : index
      %get3A_574 = tpu.vector_load %arg6[%get3A_572, %get3A_573] {strides = array<i32>} : memref<320x128xf32, #tpu.memory_space<vmem>>, vector<1x16xf32>,
      %get3A_575 = vector.shape_cast %get3A_574 : vector<1x16xf32> to vector<16xf32>
      %add3A_576 = arith.addf %add3A_520, %get3A_575 : vector<16xf32>
      %add3A_577 = arith.constant 9 : i32
      %add3A_578 = arith.addi %mul3A_48, %add3A_577 : i32
      %get3A_579 = arith.index_cast %add3A_578 : i32 to index
      %get3A_580 = arith.constant 112 : index
      %get3A_581 = tpu.vector_load %arg6[%get3A_579, %get3A_580] {strides = array<i32>} : memref<320x128xf32, #tpu.memory_space<vmem>>, vector<1x16xf32>,
      %get3A_582 = vector.shape_cast %get3A_581 : vector<1x16xf32> to vector<16xf32>
      %add3A_583 = arith.addf %add3A_527, %get3A_582 : vector<16xf32>
      %add3A_584 = arith.constant 10 : i32
      %add3A_585 = arith.addi %mul3A_48, %add3A_584 : i32
      %get3A_586 = arith.index_cast %add3A_585 : i32 to index
      %get3A_587 = arith.constant 0 : index
      %get3A_588 = tpu.vector_load %arg6[%get3A_586, %get3A_587] {strides = array<i32>} : memref<320x128xf32, #tpu.memory_space<vmem>>, vector<1x16xf32>,
      %get3A_589 = vector.shape_cast %get3A_588 : vector<1x16xf32> to vector<16xf32>
      %add3A_590 = arith.addf %add3A_534, %get3A_589 : vector<16xf32>
      %add3A_591 = arith.constant 10 : i32
      %add3A_592 = arith.addi %mul3A_48, %add3A_591 : i32
      %get3A_593 = arith.index_cast %add3A_592 : i32 to index
      %get3A_594 = arith.constant 16 : index
      %get3A_595 = tpu.vector_load %arg6[%get3A_593, %get3A_594] {strides = array<i32>} : memref<320x128xf32, #tpu.memory_space<vmem>>, vector<1x16xf32>,
      %get3A_596 = vector.shape_cast %get3A_595 : vector<1x16xf32> to vector<16xf32>
      %add3A_597 = arith.addf %add3A_541, %get3A_596 : vector<16xf32>
      %add3A_598 = arith.constant 10 : i32
      %add3A_599 = arith.addi %mul3A_48, %add3A_598 : i32
      %get3A_600 = arith.index_cast %add3A_599 : i32 to index
      %get3A_601 = arith.constant 32 : index
      %get3A_602 = tpu.vector_load %arg6[%get3A_600, %get3A_601] {strides = array<i32>} : memref<320x128xf32, #tpu.memory_space<vmem>>, vector<1x16xf32>,
      %get3A_603 = vector.shape_cast %get3A_602 : vector<1x16xf32> to vector<16xf32>
      %add3A_604 = arith.addf %add3A_548, %get3A_603 : vector<16xf32>
      %add3A_605 = arith.constant 10 : i32
      %add3A_606 = arith.addi %mul3A_48, %add3A_605 : i32
      %get3A_607 = arith.index_cast %add3A_606 : i32 to index
      %get3A_608 = arith.constant 48 : index
      %get3A_609 = tpu.vector_load %arg6[%get3A_607, %get3A_608] {strides = array<i32>} : memref<320x128xf32, #tpu.memory_space<vmem>>, vector<1x16xf32>,
      %get3A_610 = vector.shape_cast %get3A_609 : vector<1x16xf32> to vector<16xf32>
      %add3A_611 = arith.addf %add3A_555, %get3A_610 : vector<16xf32>
      %add3A_612 = arith.constant 10 : i32
      %add3A_613 = arith.addi %mul3A_48, %add3A_612 : i32
      %get3A_614 = arith.index_cast %add3A_613 : i32 to index
      %get3A_615 = arith.constant 64 : index
      %get3A_616 = tpu.vector_load %arg6[%get3A_614, %get3A_615] {strides = array<i32>} : memref<320x128xf32, #tpu.memory_space<vmem>>, vector<1x16xf32>,
      %get3A_617 = vector.shape_cast %get3A_616 : vector<1x16xf32> to vector<16xf32>
      %add3A_618 = arith.addf %add3A_562, %get3A_617 : vector<16xf32>
      %add3A_619 = arith.constant 10 : i32
      %add3A_620 = arith.addi %mul3A_48, %add3A_619 : i32
      %get3A_621 = arith.index_cast %add3A_620 : i32 to index
      %get3A_622 = arith.constant 80 : index
      %get3A_623 = tpu.vector_load %arg6[%get3A_621, %get3A_622] {strides = array<i32>} : memref<320x128xf32, #tpu.memory_space<vmem>>, vector<1x16xf32>,
      %get3A_624 = vector.shape_cast %get3A_623 : vector<1x16xf32> to vector<16xf32>
      %add3A_625 = arith.addf %add3A_569, %get3A_624 : vector<16xf32>
      %add3A_626 = arith.constant 10 : i32
      %add3A_627 = arith.addi %mul3A_48, %add3A_626 : i32
      %get3A_628 = arith.index_cast %add3A_627 : i32 to index
      %get3A_629 = arith.constant 96 : index
      %get3A_630 = tpu.vector_load %arg6[%get3A_628, %get3A_629] {strides = array<i32>} : memref<320x128xf32, #tpu.memory_space<vmem>>, vector<1x16xf32>,
      %get3A_631 = vector.shape_cast %get3A_630 : vector<1x16xf32> to vector<16xf32>
      %add3A_632 = arith.addf %add3A_576, %get3A_631 : vector<16xf32>
      %add3A_633 = arith.constant 10 : i32
      %add3A_634 = arith.addi %mul3A_48, %add3A_633 : i32
      %get3A_635 = arith.index_cast %add3A_634 : i32 to index
      %get3A_636 = arith.constant 112 : index
      %get3A_637 = tpu.vector_load %arg6[%get3A_635, %get3A_636] {strides = array<i32>} : memref<320x128xf32, #tpu.memory_space<vmem>>, vector<1x16xf32>,
      %get3A_638 = vector.shape_cast %get3A_637 : vector<1x16xf32> to vector<16xf32>
      %add3A_639 = arith.addf %add3A_583, %get3A_638 : vector<16xf32>
      %add3A_640 = arith.constant 11 : i32
      %add3A_641 = arith.addi %mul3A_48, %add3A_640 : i32
      %get3A_642 = arith.index_cast %add3A_641 : i32 to index
      %get3A_643 = arith.constant 0 : index
      %get3A_644 = tpu.vector_load %arg6[%get3A_642, %get3A_643] {strides = array<i32>} : memref<320x128xf32, #tpu.memory_space<vmem>>, vector<1x16xf32>,
      %get3A_645 = vector.shape_cast %get3A_644 : vector<1x16xf32> to vector<16xf32>
      %add3A_646 = arith.addf %add3A_590, %get3A_645 : vector<16xf32>
      %add3A_647 = arith.constant 11 : i32
      %add3A_648 = arith.addi %mul3A_48, %add3A_647 : i32
      %get3A_649 = arith.index_cast %add3A_648 : i32 to index
      %get3A_650 = arith.constant 16 : index
      %get3A_651 = tpu.vector_load %arg6[%get3A_649, %get3A_650] {strides = array<i32>} : memref<320x128xf32, #tpu.memory_space<vmem>>, vector<1x16xf32>,
      %get3A_652 = vector.shape_cast %get3A_651 : vector<1x16xf32> to vector<16xf32>
      %add3A_653 = arith.addf %add3A_597, %get3A_652 : vector<16xf32>
      %add3A_654 = arith.constant 11 : i32
      %add3A_655 = arith.addi %mul3A_48, %add3A_654 : i32
      %get3A_656 = arith.index_cast %add3A_655 : i32 to index
      %get3A_657 = arith.constant 32 : index
      %get3A_658 = tpu.vector_load %arg6[%get3A_656, %get3A_657] {strides = array<i32>} : memref<320x128xf32, #tpu.memory_space<vmem>>, vector<1x16xf32>,
      %get3A_659 = vector.shape_cast %get3A_658 : vector<1x16xf32> to vector<16xf32>
      %add3A_660 = arith.addf %add3A_604, %get3A_659 : vector<16xf32>
      %add3A_661 = arith.constant 11 : i32
      %add3A_662 = arith.addi %mul3A_48, %add3A_661 : i32
      %get3A_663 = arith.index_cast %add3A_662 : i32 to index
      %get3A_664 = arith.constant 48 : index
      %get3A_665 = tpu.vector_load %arg6[%get3A_663, %get3A_664] {strides = array<i32>} : memref<320x128xf32, #tpu.memory_space<vmem>>, vector<1x16xf32>,
      %get3A_666 = vector.shape_cast %get3A_665 : vector<1x16xf32> to vector<16xf32>
      %add3A_667 = arith.addf %add3A_611, %get3A_666 : vector<16xf32>
      %add3A_668 = arith.constant 11 : i32
      %add3A_669 = arith.addi %mul3A_48, %add3A_668 : i32
      %get3A_670 = arith.index_cast %add3A_669 : i32 to index
      %get3A_671 = arith.constant 64 : index
      %get3A_672 = tpu.vector_load %arg6[%get3A_670, %get3A_671] {strides = array<i32>} : memref<320x128xf32, #tpu.memory_space<vmem>>, vector<1x16xf32>,
      %get3A_673 = vector.shape_cast %get3A_672 : vector<1x16xf32> to vector<16xf32>
      %add3A_674 = arith.addf %add3A_618, %get3A_673 : vector<16xf32>
      %add3A_675 = arith.constant 11 : i32
      %add3A_676 = arith.addi %mul3A_48, %add3A_675 : i32
      %get3A_677 = arith.index_cast %add3A_676 : i32 to index
      %get3A_678 = arith.constant 80 : index
      %get3A_679 = tpu.vector_load %arg6[%get3A_677, %get3A_678] {strides = array<i32>} : memref<320x128xf32, #tpu.memory_space<vmem>>, vector<1x16xf32>,
      %get3A_680 = vector.shape_cast %get3A_679 : vector<1x16xf32> to vector<16xf32>
      %add3A_681 = arith.addf %add3A_625, %get3A_680 : vector<16xf32>
      %add3A_682 = arith.constant 11 : i32
      %add3A_683 = arith.addi %mul3A_48, %add3A_682 : i32
      %get3A_684 = arith.index_cast %add3A_683 : i32 to index
      %get3A_685 = arith.constant 96 : index
      %get3A_686 = tpu.vector_load %arg6[%get3A_684, %get3A_685] {strides = array<i32>} : memref<320x128xf32, #tpu.memory_space<vmem>>, vector<1x16xf32>,
      %get3A_687 = vector.shape_cast %get3A_686 : vector<1x16xf32> to vector<16xf32>
      %add3A_688 = arith.addf %add3A_632, %get3A_687 : vector<16xf32>
      %add3A_689 = arith.constant 11 : i32
      %add3A_690 = arith.addi %mul3A_48, %add3A_689 : i32
      %get3A_691 = arith.index_cast %add3A_690 : i32 to index
      %get3A_692 = arith.constant 112 : index
      %get3A_693 = tpu.vector_load %arg6[%get3A_691, %get3A_692] {strides = array<i32>} : memref<320x128xf32, #tpu.memory_space<vmem>>, vector<1x16xf32>,
      %get3A_694 = vector.shape_cast %get3A_693 : vector<1x16xf32> to vector<16xf32>
      %add3A_695 = arith.addf %add3A_639, %get3A_694 : vector<16xf32>
      %add3A_696 = arith.constant 12 : i32
      %add3A_697 = arith.addi %mul3A_48, %add3A_696 : i32
      %get3A_698 = arith.index_cast %add3A_697 : i32 to index
      %get3A_699 = arith.constant 0 : index
      %get3A_700 = tpu.vector_load %arg6[%get3A_698, %get3A_699] {strides = array<i32>} : memref<320x128xf32, #tpu.memory_space<vmem>>, vector<1x16xf32>,
      %get3A_701 = vector.shape_cast %get3A_700 : vector<1x16xf32> to vector<16xf32>
      %add3A_702 = arith.addf %add3A_646, %get3A_701 : vector<16xf32>
      %add3A_703 = arith.constant 12 : i32
      %add3A_704 = arith.addi %mul3A_48, %add3A_703 : i32
      %get3A_705 = arith.index_cast %add3A_704 : i32 to index
      %get3A_706 = arith.constant 16 : index
      %get3A_707 = tpu.vector_load %arg6[%get3A_705, %get3A_706] {strides = array<i32>} : memref<320x128xf32, #tpu.memory_space<vmem>>, vector<1x16xf32>,
      %get3A_708 = vector.shape_cast %get3A_707 : vector<1x16xf32> to vector<16xf32>
      %add3A_709 = arith.addf %add3A_653, %get3A_708 : vector<16xf32>
      %add3A_710 = arith.constant 12 : i32
      %add3A_711 = arith.addi %mul3A_48, %add3A_710 : i32
      %get3A_712 = arith.index_cast %add3A_711 : i32 to index
      %get3A_713 = arith.constant 32 : index
      %get3A_714 = tpu.vector_load %arg6[%get3A_712, %get3A_713] {strides = array<i32>} : memref<320x128xf32, #tpu.memory_space<vmem>>, vector<1x16xf32>,
      %get3A_715 = vector.shape_cast %get3A_714 : vector<1x16xf32> to vector<16xf32>
      %add3A_716 = arith.addf %add3A_660, %get3A_715 : vector<16xf32>
      %add3A_717 = arith.constant 12 : i32
      %add3A_718 = arith.addi %mul3A_48, %add3A_717 : i32
      %get3A_719 = arith.index_cast %add3A_718 : i32 to index
      %get3A_720 = arith.constant 48 : index
      %get3A_721 = tpu.vector_load %arg6[%get3A_719, %get3A_720] {strides = array<i32>} : memref<320x128xf32, #tpu.memory_space<vmem>>, vector<1x16xf32>,
      %get3A_722 = vector.shape_cast %get3A_721 : vector<1x16xf32> to vector<16xf32>
      %add3A_723 = arith.addf %add3A_667, %get3A_722 : vector<16xf32>
      %add3A_724 = arith.constant 12 : i32
      %add3A_725 = arith.addi %mul3A_48, %add3A_724 : i32
      %get3A_726 = arith.index_cast %add3A_725 : i32 to index
      %get3A_727 = arith.constant 64 : index
      %get3A_728 = tpu.vector_load %arg6[%get3A_726, %get3A_727] {strides = array<i32>} : memref<320x128xf32, #tpu.memory_space<vmem>>, vector<1x16xf32>,
      %get3A_729 = vector.shape_cast %get3A_728 : vector<1x16xf32> to vector<16xf32>
      %add3A_730 = arith.addf %add3A_674, %get3A_729 : vector<16xf32>
      %add3A_731 = arith.constant 12 : i32
      %add3A_732 = arith.addi %mul3A_48, %add3A_731 : i32
      %get3A_733 = arith.index_cast %add3A_732 : i32 to index
      %get3A_734 = arith.constant 80 : index
      %get3A_735 = tpu.vector_load %arg6[%get3A_733, %get3A_734] {strides = array<i32>} : memref<320x128xf32, #tpu.memory_space<vmem>>, vector<1x16xf32>,
      %get3A_736 = vector.shape_cast %get3A_735 : vector<1x16xf32> to vector<16xf32>
      %add3A_737 = arith.addf %add3A_681, %get3A_736 : vector<16xf32>
      %add3A_738 = arith.constant 12 : i32
      %add3A_739 = arith.addi %mul3A_48, %add3A_738 : i32
      %get3A_740 = arith.index_cast %add3A_739 : i32 to index
      %get3A_741 = arith.constant 96 : index
      %get3A_742 = tpu.vector_load %arg6[%get3A_740, %get3A_741] {strides = array<i32>} : memref<320x128xf32, #tpu.memory_space<vmem>>, vector<1x16xf32>,
      %get3A_743 = vector.shape_cast %get3A_742 : vector<1x16xf32> to vector<16xf32>
      %add3A_744 = arith.addf %add3A_688, %get3A_743 : vector<16xf32>
      %add3A_745 = arith.constant 12 : i32
      %add3A_746 = arith.addi %mul3A_48, %add3A_745 : i32
      %get3A_747 = arith.index_cast %add3A_746 : i32 to index
      %get3A_748 = arith.constant 112 : index
      %get3A_749 = tpu.vector_load %arg6[%get3A_747, %get3A_748] {strides = array<i32>} : memref<320x128xf32, #tpu.memory_space<vmem>>, vector<1x16xf32>,
      %get3A_750 = vector.shape_cast %get3A_749 : vector<1x16xf32> to vector<16xf32>
      %add3A_751 = arith.addf %add3A_695, %get3A_750 : vector<16xf32>
      %add3A_752 = arith.constant 13 : i32
      %add3A_753 = arith.addi %mul3A_48, %add3A_752 : i32
      %get3A_754 = arith.index_cast %add3A_753 : i32 to index
      %get3A_755 = arith.constant 0 : index
      %get3A_756 = tpu.vector_load %arg6[%get3A_754, %get3A_755] {strides = array<i32>} : memref<320x128xf32, #tpu.memory_space<vmem>>, vector<1x16xf32>,
      %get3A_757 = vector.shape_cast %get3A_756 : vector<1x16xf32> to vector<16xf32>
      %add3A_758 = arith.addf %add3A_702, %get3A_757 : vector<16xf32>
      %add3A_759 = arith.constant 13 : i32
      %add3A_760 = arith.addi %mul3A_48, %add3A_759 : i32
      %get3A_761 = arith.index_cast %add3A_760 : i32 to index
      %get3A_762 = arith.constant 16 : index
      %get3A_763 = tpu.vector_load %arg6[%get3A_761, %get3A_762] {strides = array<i32>} : memref<320x128xf32, #tpu.memory_space<vmem>>, vector<1x16xf32>,
      %get3A_764 = vector.shape_cast %get3A_763 : vector<1x16xf32> to vector<16xf32>
      %add3A_765 = arith.addf %add3A_709, %get3A_764 : vector<16xf32>
      %add3A_766 = arith.constant 13 : i32
      %add3A_767 = arith.addi %mul3A_48, %add3A_766 : i32
      %get3A_768 = arith.index_cast %add3A_767 : i32 to index
      %get3A_769 = arith.constant 32 : index
      %get3A_770 = tpu.vector_load %arg6[%get3A_768, %get3A_769] {strides = array<i32>} : memref<320x128xf32, #tpu.memory_space<vmem>>, vector<1x16xf32>,
      %get3A_771 = vector.shape_cast %get3A_770 : vector<1x16xf32> to vector<16xf32>
      %add3A_772 = arith.addf %add3A_716, %get3A_771 : vector<16xf32>
      %add3A_773 = arith.constant 13 : i32
      %add3A_774 = arith.addi %mul3A_48, %add3A_773 : i32
      %get3A_775 = arith.index_cast %add3A_774 : i32 to index
      %get3A_776 = arith.constant 48 : index
      %get3A_777 = tpu.vector_load %arg6[%get3A_775, %get3A_776] {strides = array<i32>} : memref<320x128xf32, #tpu.memory_space<vmem>>, vector<1x16xf32>,
      %get3A_778 = vector.shape_cast %get3A_777 : vector<1x16xf32> to vector<16xf32>
      %add3A_779 = arith.addf %add3A_723, %get3A_778 : vector<16xf32>
      %add3A_780 = arith.constant 13 : i32
      %add3A_781 = arith.addi %mul3A_48, %add3A_780 : i32
      %get3A_782 = arith.index_cast %add3A_781 : i32 to index
      %get3A_783 = arith.constant 64 : index
      %get3A_784 = tpu.vector_load %arg6[%get3A_782, %get3A_783] {strides = array<i32>} : memref<320x128xf32, #tpu.memory_space<vmem>>, vector<1x16xf32>,
      %get3A_785 = vector.shape_cast %get3A_784 : vector<1x16xf32> to vector<16xf32>
      %add3A_786 = arith.addf %add3A_730, %get3A_785 : vector<16xf32>
      %add3A_787 = arith.constant 13 : i32
      %add3A_788 = arith.addi %mul3A_48, %add3A_787 : i32
      %get3A_789 = arith.index_cast %add3A_788 : i32 to index
      %get3A_790 = arith.constant 80 : index
      %get3A_791 = tpu.vector_load %arg6[%get3A_789, %get3A_790] {strides = array<i32>} : memref<320x128xf32, #tpu.memory_space<vmem>>, vector<1x16xf32>,
      %get3A_792 = vector.shape_cast %get3A_791 : vector<1x16xf32> to vector<16xf32>
      %add3A_793 = arith.addf %add3A_737, %get3A_792 : vector<16xf32>
      %add3A_794 = arith.constant 13 : i32
      %add3A_795 = arith.addi %mul3A_48, %add3A_794 : i32
      %get3A_796 = arith.index_cast %add3A_795 : i32 to index
      %get3A_797 = arith.constant 96 : index
      %get3A_798 = tpu.vector_load %arg6[%get3A_796, %get3A_797] {strides = array<i32>} : memref<320x128xf32, #tpu.memory_space<vmem>>, vector<1x16xf32>,
      %get3A_799 = vector.shape_cast %get3A_798 : vector<1x16xf32> to vector<16xf32>
      %add3A_800 = arith.addf %add3A_744, %get3A_799 : vector<16xf32>
      %add3A_801 = arith.constant 13 : i32
      %add3A_802 = arith.addi %mul3A_48, %add3A_801 : i32
      %get3A_803 = arith.index_cast %add3A_802 : i32 to index
      %get3A_804 = arith.constant 112 : index
      %get3A_805 = tpu.vector_load %arg6[%get3A_803, %get3A_804] {strides = array<i32>} : memref<320x128xf32, #tpu.memory_space<vmem>>, vector<1x16xf32>,
      %get3A_806 = vector.shape_cast %get3A_805 : vector<1x16xf32> to vector<16xf32>
      %add3A_807 = arith.addf %add3A_751, %get3A_806 : vector<16xf32>
      %add3A_808 = arith.constant 14 : i32
      %add3A_809 = arith.addi %mul3A_48, %add3A_808 : i32
      %get3A_810 = arith.index_cast %add3A_809 : i32 to index
      %get3A_811 = arith.constant 0 : index
      %get3A_812 = tpu.vector_load %arg6[%get3A_810, %get3A_811] {strides = array<i32>} : memref<320x128xf32, #tpu.memory_space<vmem>>, vector<1x16xf32>,
      %get3A_813 = vector.shape_cast %get3A_812 : vector<1x16xf32> to vector<16xf32>
      %add3A_814 = arith.addf %add3A_758, %get3A_813 : vector<16xf32>
      %add3A_815 = arith.constant 14 : i32
      %add3A_816 = arith.addi %mul3A_48, %add3A_815 : i32
      %get3A_817 = arith.index_cast %add3A_816 : i32 to index
      %get3A_818 = arith.constant 16 : index
      %get3A_819 = tpu.vector_load %arg6[%get3A_817, %get3A_818] {strides = array<i32>} : memref<320x128xf32, #tpu.memory_space<vmem>>, vector<1x16xf32>,
      %get3A_820 = vector.shape_cast %get3A_819 : vector<1x16xf32> to vector<16xf32>
      %add3A_821 = arith.addf %add3A_765, %get3A_820 : vector<16xf32>
      %add3A_822 = arith.constant 14 : i32
      %add3A_823 = arith.addi %mul3A_48, %add3A_822 : i32
      %get3A_824 = arith.index_cast %add3A_823 : i32 to index
      %get3A_825 = arith.constant 32 : index
      %get3A_826 = tpu.vector_load %arg6[%get3A_824, %get3A_825] {strides = array<i32>} : memref<320x128xf32, #tpu.memory_space<vmem>>, vector<1x16xf32>,
      %get3A_827 = vector.shape_cast %get3A_826 : vector<1x16xf32> to vector<16xf32>
      %add3A_828 = arith.addf %add3A_772, %get3A_827 : vector<16xf32>
      %add3A_829 = arith.constant 14 : i32
      %add3A_830 = arith.addi %mul3A_48, %add3A_829 : i32
      %get3A_831 = arith.index_cast %add3A_830 : i32 to index
      %get3A_832 = arith.constant 48 : index
      %get3A_833 = tpu.vector_load %arg6[%get3A_831, %get3A_832] {strides = array<i32>} : memref<320x128xf32, #tpu.memory_space<vmem>>, vector<1x16xf32>,
      %get3A_834 = vector.shape_cast %get3A_833 : vector<1x16xf32> to vector<16xf32>
      %add3A_835 = arith.addf %add3A_779, %get3A_834 : vector<16xf32>
      %add3A_836 = arith.constant 14 : i32
      %add3A_837 = arith.addi %mul3A_48, %add3A_836 : i32
      %get3A_838 = arith.index_cast %add3A_837 : i32 to index
      %get3A_839 = arith.constant 64 : index
      %get3A_840 = tpu.vector_load %arg6[%get3A_838, %get3A_839] {strides = array<i32>} : memref<320x128xf32, #tpu.memory_space<vmem>>, vector<1x16xf32>,
      %get3A_841 = vector.shape_cast %get3A_840 : vector<1x16xf32> to vector<16xf32>
      %add3A_842 = arith.addf %add3A_786, %get3A_841 : vector<16xf32>
      %add3A_843 = arith.constant 14 : i32
      %add3A_844 = arith.addi %mul3A_48, %add3A_843 : i32
      %get3A_845 = arith.index_cast %add3A_844 : i32 to index
      %get3A_846 = arith.constant 80 : index
      %get3A_847 = tpu.vector_load %arg6[%get3A_845, %get3A_846] {strides = array<i32>} : memref<320x128xf32, #tpu.memory_space<vmem>>, vector<1x16xf32>,
      %get3A_848 = vector.shape_cast %get3A_847 : vector<1x16xf32> to vector<16xf32>
      %add3A_849 = arith.addf %add3A_793, %get3A_848 : vector<16xf32>
      %add3A_850 = arith.constant 14 : i32
      %add3A_851 = arith.addi %mul3A_48, %add3A_850 : i32
      %get3A_852 = arith.index_cast %add3A_851 : i32 to index
      %get3A_853 = arith.constant 96 : index
      %get3A_854 = tpu.vector_load %arg6[%get3A_852, %get3A_853] {strides = array<i32>} : memref<320x128xf32, #tpu.memory_space<vmem>>, vector<1x16xf32>,
      %get3A_855 = vector.shape_cast %get3A_854 : vector<1x16xf32> to vector<16xf32>
      %add3A_856 = arith.addf %add3A_800, %get3A_855 : vector<16xf32>
      %add3A_857 = arith.constant 14 : i32
      %add3A_858 = arith.addi %mul3A_48, %add3A_857 : i32
      %get3A_859 = arith.index_cast %add3A_858 : i32 to index
      %get3A_860 = arith.constant 112 : index
      %get3A_861 = tpu.vector_load %arg6[%get3A_859, %get3A_860] {strides = array<i32>} : memref<320x128xf32, #tpu.memory_space<vmem>>, vector<1x16xf32>,
      %get3A_862 = vector.shape_cast %get3A_861 : vector<1x16xf32> to vector<16xf32>
      %add3A_863 = arith.addf %add3A_807, %get3A_862 : vector<16xf32>
      %add3A_864 = arith.constant 15 : i32
      %add3A_865 = arith.addi %mul3A_48, %add3A_864 : i32
      %get3A_866 = arith.index_cast %add3A_865 : i32 to index
      %get3A_867 = arith.constant 0 : index
      %get3A_868 = tpu.vector_load %arg6[%get3A_866, %get3A_867] {strides = array<i32>} : memref<320x128xf32, #tpu.memory_space<vmem>>, vector<1x16xf32>,
      %get3A_869 = vector.shape_cast %get3A_868 : vector<1x16xf32> to vector<16xf32>
      %add3A_870 = arith.addf %add3A_814, %get3A_869 : vector<16xf32>
      %add3A_871 = arith.constant 15 : i32
      %add3A_872 = arith.addi %mul3A_48, %add3A_871 : i32
      %get3A_873 = arith.index_cast %add3A_872 : i32 to index
      %get3A_874 = arith.constant 16 : index
      %get3A_875 = tpu.vector_load %arg6[%get3A_873, %get3A_874] {strides = array<i32>} : memref<320x128xf32, #tpu.memory_space<vmem>>, vector<1x16xf32>,
      %get3A_876 = vector.shape_cast %get3A_875 : vector<1x16xf32> to vector<16xf32>
      %add3A_877 = arith.addf %add3A_821, %get3A_876 : vector<16xf32>
      %add3A_878 = arith.constant 15 : i32
      %add3A_879 = arith.addi %mul3A_48, %add3A_878 : i32
      %get3A_880 = arith.index_cast %add3A_879 : i32 to index
      %get3A_881 = arith.constant 32 : index
      %get3A_882 = tpu.vector_load %arg6[%get3A_880, %get3A_881] {strides = array<i32>} : memref<320x128xf32, #tpu.memory_space<vmem>>, vector<1x16xf32>,
      %get3A_883 = vector.shape_cast %get3A_882 : vector<1x16xf32> to vector<16xf32>
      %add3A_884 = arith.addf %add3A_828, %get3A_883 : vector<16xf32>
      %add3A_885 = arith.constant 15 : i32
      %add3A_886 = arith.addi %mul3A_48, %add3A_885 : i32
      %get3A_887 = arith.index_cast %add3A_886 : i32 to index
      %get3A_888 = arith.constant 48 : index
      %get3A_889 = tpu.vector_load %arg6[%get3A_887, %get3A_888] {strides = array<i32>} : memref<320x128xf32, #tpu.memory_space<vmem>>, vector<1x16xf32>,
      %get3A_890 = vector.shape_cast %get3A_889 : vector<1x16xf32> to vector<16xf32>
      %add3A_891 = arith.addf %add3A_835, %get3A_890 : vector<16xf32>
      %add3A_892 = arith.constant 15 : i32
      %add3A_893 = arith.addi %mul3A_48, %add3A_892 : i32
      %get3A_894 = arith.index_cast %add3A_893 : i32 to index
      %get3A_895 = arith.constant 64 : index
      %get3A_896 = tpu.vector_load %arg6[%get3A_894, %get3A_895] {strides = array<i32>} : memref<320x128xf32, #tpu.memory_space<vmem>>, vector<1x16xf32>,
      %get3A_897 = vector.shape_cast %get3A_896 : vector<1x16xf32> to vector<16xf32>
      %add3A_898 = arith.addf %add3A_842, %get3A_897 : vector<16xf32>
      %add3A_899 = arith.constant 15 : i32
      %add3A_900 = arith.addi %mul3A_48, %add3A_899 : i32
      %get3A_901 = arith.index_cast %add3A_900 : i32 to index
      %get3A_902 = arith.constant 80 : index
      %get3A_903 = tpu.vector_load %arg6[%get3A_901, %get3A_902] {strides = array<i32>} : memref<320x128xf32, #tpu.memory_space<vmem>>, vector<1x16xf32>,
      %get3A_904 = vector.shape_cast %get3A_903 : vector<1x16xf32> to vector<16xf32>
      %add3A_905 = arith.addf %add3A_849, %get3A_904 : vector<16xf32>
      %add3A_906 = arith.constant 15 : i32
      %add3A_907 = arith.addi %mul3A_48, %add3A_906 : i32
      %get3A_908 = arith.index_cast %add3A_907 : i32 to index
      %get3A_909 = arith.constant 96 : index
      %get3A_910 = tpu.vector_load %arg6[%get3A_908, %get3A_909] {strides = array<i32>} : memref<320x128xf32, #tpu.memory_space<vmem>>, vector<1x16xf32>,
      %get3A_911 = vector.shape_cast %get3A_910 : vector<1x16xf32> to vector<16xf32>
      %add3A_912 = arith.addf %add3A_856, %get3A_911 : vector<16xf32>
      %add3A_913 = arith.constant 15 : i32
      %add3A_914 = arith.addi %mul3A_48, %add3A_913 : i32
      %get3A_915 = arith.index_cast %add3A_914 : i32 to index
      %get3A_916 = arith.constant 112 : index
      %get3A_917 = tpu.vector_load %arg6[%get3A_915, %get3A_916] {strides = array<i32>} : memref<320x128xf32, #tpu.memory_space<vmem>>, vector<1x16xf32>,
      %get3A_918 = vector.shape_cast %get3A_917 : vector<1x16xf32> to vector<16xf32>
      %add3A_919 = arith.addf %add3A_863, %get3A_918 : vector<16xf32>
      %add3A_920 = arith.constant 16 : i32
      %add3A_921 = arith.addi %mul3A_48, %add3A_920 : i32
      %get3A_922 = arith.index_cast %add3A_921 : i32 to index
      %get3A_923 = arith.constant 0 : index
      %get3A_924 = tpu.vector_load %arg6[%get3A_922, %get3A_923] {strides = array<i32>} : memref<320x128xf32, #tpu.memory_space<vmem>>, vector<1x16xf32>,
      %get3A_925 = vector.shape_cast %get3A_924 : vector<1x16xf32> to vector<16xf32>
      %add3A_926 = arith.addf %add3A_870, %get3A_925 : vector<16xf32>
      %add3A_927 = arith.constant 16 : i32
      %add3A_928 = arith.addi %mul3A_48, %add3A_927 : i32
      %get3A_929 = arith.index_cast %add3A_928 : i32 to index
      %get3A_930 = arith.constant 16 : index
      %get3A_931 = tpu.vector_load %arg6[%get3A_929, %get3A_930] {strides = array<i32>} : memref<320x128xf32, #tpu.memory_space<vmem>>, vector<1x16xf32>,
      %get3A_932 = vector.shape_cast %get3A_931 : vector<1x16xf32> to vector<16xf32>
      %add3A_933 = arith.addf %add3A_877, %get3A_932 : vector<16xf32>
      %add3A_934 = arith.constant 16 : i32
      %add3A_935 = arith.addi %mul3A_48, %add3A_934 : i32
      %get3A_936 = arith.index_cast %add3A_935 : i32 to index
      %get3A_937 = arith.constant 32 : index
      %get3A_938 = tpu.vector_load %arg6[%get3A_936, %get3A_937] {strides = array<i32>} : memref<320x128xf32, #tpu.memory_space<vmem>>, vector<1x16xf32>,
      %get3A_939 = vector.shape_cast %get3A_938 : vector<1x16xf32> to vector<16xf32>
      %add3A_940 = arith.addf %add3A_884, %get3A_939 : vector<16xf32>
      %add3A_941 = arith.constant 16 : i32
      %add3A_942 = arith.addi %mul3A_48, %add3A_941 : i32
      %get3A_943 = arith.index_cast %add3A_942 : i32 to index
      %get3A_944 = arith.constant 48 : index
      %get3A_945 = tpu.vector_load %arg6[%get3A_943, %get3A_944] {strides = array<i32>} : memref<320x128xf32, #tpu.memory_space<vmem>>, vector<1x16xf32>,
      %get3A_946 = vector.shape_cast %get3A_945 : vector<1x16xf32> to vector<16xf32>
      %add3A_947 = arith.addf %add3A_891, %get3A_946 : vector<16xf32>
      %add3A_948 = arith.constant 16 : i32
      %add3A_949 = arith.addi %mul3A_48, %add3A_948 : i32
      %get3A_950 = arith.index_cast %add3A_949 : i32 to index
      %get3A_951 = arith.constant 64 : index
      %get3A_952 = tpu.vector_load %arg6[%get3A_950, %get3A_951] {strides = array<i32>} : memref<320x128xf32, #tpu.memory_space<vmem>>, vector<1x16xf32>,
      %get3A_953 = vector.shape_cast %get3A_952 : vector<1x16xf32> to vector<16xf32>
      %add3A_954 = arith.addf %add3A_898, %get3A_953 : vector<16xf32>
      %add3A_955 = arith.constant 16 : i32
      %add3A_956 = arith.addi %mul3A_48, %add3A_955 : i32
      %get3A_957 = arith.index_cast %add3A_956 : i32 to index
      %get3A_958 = arith.constant 80 : index
      %get3A_959 = tpu.vector_load %arg6[%get3A_957, %get3A_958] {strides = array<i32>} : memref<320x128xf32, #tpu.memory_space<vmem>>, vector<1x16xf32>,
      %get3A_960 = vector.shape_cast %get3A_959 : vector<1x16xf32> to vector<16xf32>
      %add3A_961 = arith.addf %add3A_905, %get3A_960 : vector<16xf32>
      %add3A_962 = arith.constant 16 : i32
      %add3A_963 = arith.addi %mul3A_48, %add3A_962 : i32
      %get3A_964 = arith.index_cast %add3A_963 : i32 to index
      %get3A_965 = arith.constant 96 : index
      %get3A_966 = tpu.vector_load %arg6[%get3A_964, %get3A_965] {strides = array<i32>} : memref<320x128xf32, #tpu.memory_space<vmem>>, vector<1x16xf32>,
      %get3A_967 = vector.shape_cast %get3A_966 : vector<1x16xf32> to vector<16xf32>
      %add3A_968 = arith.addf %add3A_912, %get3A_967 : vector<16xf32>
      %add3A_969 = arith.constant 16 : i32
      %add3A_970 = arith.addi %mul3A_48, %add3A_969 : i32
      %get3A_971 = arith.index_cast %add3A_970 : i32 to index
      %get3A_972 = arith.constant 112 : index
      %get3A_973 = tpu.vector_load %arg6[%get3A_971, %get3A_972] {strides = array<i32>} : memref<320x128xf32, #tpu.memory_space<vmem>>, vector<1x16xf32>,
      %get3A_974 = vector.shape_cast %get3A_973 : vector<1x16xf32> to vector<16xf32>
      %add3A_975 = arith.addf %add3A_919, %get3A_974 : vector<16xf32>
      %add3A_976 = arith.constant 17 : i32
      %add3A_977 = arith.addi %mul3A_48, %add3A_976 : i32
      %get3A_978 = arith.index_cast %add3A_977 : i32 to index
      %get3A_979 = arith.constant 0 : index
      %get3A_980 = tpu.vector_load %arg6[%get3A_978, %get3A_979] {strides = array<i32>} : memref<320x128xf32, #tpu.memory_space<vmem>>, vector<1x16xf32>,
      %get3A_981 = vector.shape_cast %get3A_980 : vector<1x16xf32> to vector<16xf32>
      %add3A_982 = arith.addf %add3A_926, %get3A_981 : vector<16xf32>
      %add3A_983 = arith.constant 17 : i32
      %add3A_984 = arith.addi %mul3A_48, %add3A_983 : i32
      %get3A_985 = arith.index_cast %add3A_984 : i32 to index
      %get3A_986 = arith.constant 16 : index
      %get3A_987 = tpu.vector_load %arg6[%get3A_985, %get3A_986] {strides = array<i32>} : memref<320x128xf32, #tpu.memory_space<vmem>>, vector<1x16xf32>,
      %get3A_988 = vector.shape_cast %get3A_987 : vector<1x16xf32> to vector<16xf32>
      %add3A_989 = arith.addf %add3A_933, %get3A_988 : vector<16xf32>
      %add3A_990 = arith.constant 17 : i32
      %add3A_991 = arith.addi %mul3A_48, %add3A_990 : i32
      %get3A_992 = arith.index_cast %add3A_991 : i32 to index
      %get3A_993 = arith.constant 32 : index
      %get3A_994 = tpu.vector_load %arg6[%get3A_992, %get3A_993] {strides = array<i32>} : memref<320x128xf32, #tpu.memory_space<vmem>>, vector<1x16xf32>,
      %get3A_995 = vector.shape_cast %get3A_994 : vector<1x16xf32> to vector<16xf32>
      %add3A_996 = arith.addf %add3A_940, %get3A_995 : vector<16xf32>
      %add3A_997 = arith.constant 17 : i32
      %add3A_998 = arith.addi %mul3A_48, %add3A_997 : i32
      %get3A_999 = arith.index_cast %add3A_998 : i32 to index
      %get3A_1000 = arith.constant 48 : index
      %get3A_1001 = tpu.vector_load %arg6[%get3A_999, %get3A_1000] {strides = array<i32>} : memref<320x128xf32, #tpu.memory_space<vmem>>, vector<1x16xf32>,
      %get3A_1002 = vector.shape_cast %get3A_1001 : vector<1x16xf32> to vector<16xf32>
      %add3A_1003 = arith.addf %add3A_947, %get3A_1002 : vector<16xf32>
      %add3A_1004 = arith.constant 17 : i32
      %add3A_1005 = arith.addi %mul3A_48, %add3A_1004 : i32
      %get3A_1006 = arith.index_cast %add3A_1005 : i32 to index
      %get3A_1007 = arith.constant 64 : index
      %get3A_1008 = tpu.vector_load %arg6[%get3A_1006, %get3A_1007] {strides = array<i32>} : memref<320x128xf32, #tpu.memory_space<vmem>>, vector<1x16xf32>,
      %get3A_1009 = vector.shape_cast %get3A_1008 : vector<1x16xf32> to vector<16xf32>
      %add3A_1010 = arith.addf %add3A_954, %get3A_1009 : vector<16xf32>
      %add3A_1011 = arith.constant 17 : i32
      %add3A_1012 = arith.addi %mul3A_48, %add3A_1011 : i32
      %get3A_1013 = arith.index_cast %add3A_1012 : i32 to index
      %get3A_1014 = arith.constant 80 : index
      %get3A_1015 = tpu.vector_load %arg6[%get3A_1013, %get3A_1014] {strides = array<i32>} : memref<320x128xf32, #tpu.memory_space<vmem>>, vector<1x16xf32>,
      %get3A_1016 = vector.shape_cast %get3A_1015 : vector<1x16xf32> to vector<16xf32>
      %add3A_1017 = arith.addf %add3A_961, %get3A_1016 : vector<16xf32>
      %add3A_1018 = arith.constant 17 : i32
      %add3A_1019 = arith.addi %mul3A_48, %add3A_1018 : i32
      %get3A_1020 = arith.index_cast %add3A_1019 : i32 to index
      %get3A_1021 = arith.constant 96 : index
      %get3A_1022 = tpu.vector_load %arg6[%get3A_1020, %get3A_1021] {strides = array<i32>} : memref<320x128xf32, #tpu.memory_space<vmem>>, vector<1x16xf32>,
      %get3A_1023 = vector.shape_cast %get3A_1022 : vector<1x16xf32> to vector<16xf32>
      %add3A_1024 = arith.addf %add3A_968, %get3A_1023 : vector<16xf32>
      %add3A_1025 = arith.constant 17 : i32
      %add3A_1026 = arith.addi %mul3A_48, %add3A_1025 : i32
      %get3A_1027 = arith.index_cast %add3A_1026 : i32 to index
      %get3A_1028 = arith.constant 112 : index
      %get3A_1029 = tpu.vector_load %arg6[%get3A_1027, %get3A_1028] {strides = array<i32>} : memref<320x128xf32, #tpu.memory_space<vmem>>, vector<1x16xf32>,
      %get3A_1030 = vector.shape_cast %get3A_1029 : vector<1x16xf32> to vector<16xf32>
      %add3A_1031 = arith.addf %add3A_975, %get3A_1030 : vector<16xf32>
      %add3A_1032 = arith.constant 18 : i32
      %add3A_1033 = arith.addi %mul3A_48, %add3A_1032 : i32
      %get3A_1034 = arith.index_cast %add3A_1033 : i32 to index
      %get3A_1035 = arith.constant 0 : index
      %get3A_1036 = tpu.vector_load %arg6[%get3A_1034, %get3A_1035] {strides = array<i32>} : memref<320x128xf32, #tpu.memory_space<vmem>>, vector<1x16xf32>,
      %get3A_1037 = vector.shape_cast %get3A_1036 : vector<1x16xf32> to vector<16xf32>
      %add3A_1038 = arith.addf %add3A_982, %get3A_1037 : vector<16xf32>
      %add3A_1039 = arith.constant 18 : i32
      %add3A_1040 = arith.addi %mul3A_48, %add3A_1039 : i32
      %get3A_1041 = arith.index_cast %add3A_1040 : i32 to index
      %get3A_1042 = arith.constant 16 : index
      %get3A_1043 = tpu.vector_load %arg6[%get3A_1041, %get3A_1042] {strides = array<i32>} : memref<320x128xf32, #tpu.memory_space<vmem>>, vector<1x16xf32>,
      %get3A_1044 = vector.shape_cast %get3A_1043 : vector<1x16xf32> to vector<16xf32>
      %add3A_1045 = arith.addf %add3A_989, %get3A_1044 : vector<16xf32>
      %add3A_1046 = arith.constant 18 : i32
      %add3A_1047 = arith.addi %mul3A_48, %add3A_1046 : i32
      %get3A_1048 = arith.index_cast %add3A_1047 : i32 to index
      %get3A_1049 = arith.constant 32 : index
      %get3A_1050 = tpu.vector_load %arg6[%get3A_1048, %get3A_1049] {strides = array<i32>} : memref<320x128xf32, #tpu.memory_space<vmem>>, vector<1x16xf32>,
      %get3A_1051 = vector.shape_cast %get3A_1050 : vector<1x16xf32> to vector<16xf32>
      %add3A_1052 = arith.addf %add3A_996, %get3A_1051 : vector<16xf32>
      %add3A_1053 = arith.constant 18 : i32
      %add3A_1054 = arith.addi %mul3A_48, %add3A_1053 : i32
      %get3A_1055 = arith.index_cast %add3A_1054 : i32 to index
      %get3A_1056 = arith.constant 48 : index
      %get3A_1057 = tpu.vector_load %arg6[%get3A_1055, %get3A_1056] {strides = array<i32>} : memref<320x128xf32, #tpu.memory_space<vmem>>, vector<1x16xf32>,
      %get3A_1058 = vector.shape_cast %get3A_1057 : vector<1x16xf32> to vector<16xf32>
      %add3A_1059 = arith.addf %add3A_1003, %get3A_1058 : vector<16xf32>
      %add3A_1060 = arith.constant 18 : i32
      %add3A_1061 = arith.addi %mul3A_48, %add3A_1060 : i32
      %get3A_1062 = arith.index_cast %add3A_1061 : i32 to index
      %get3A_1063 = arith.constant 64 : index
      %get3A_1064 = tpu.vector_load %arg6[%get3A_1062, %get3A_1063] {strides = array<i32>} : memref<320x128xf32, #tpu.memory_space<vmem>>, vector<1x16xf32>,
      %get3A_1065 = vector.shape_cast %get3A_1064 : vector<1x16xf32> to vector<16xf32>
      %add3A_1066 = arith.addf %add3A_1010, %get3A_1065 : vector<16xf32>
      %add3A_1067 = arith.constant 18 : i32
      %add3A_1068 = arith.addi %mul3A_48, %add3A_1067 : i32
      %get3A_1069 = arith.index_cast %add3A_1068 : i32 to index
      %get3A_1070 = arith.constant 80 : index
      %get3A_1071 = tpu.vector_load %arg6[%get3A_1069, %get3A_1070] {strides = array<i32>} : memref<320x128xf32, #tpu.memory_space<vmem>>, vector<1x16xf32>,
      %get3A_1072 = vector.shape_cast %get3A_1071 : vector<1x16xf32> to vector<16xf32>
      %add3A_1073 = arith.addf %add3A_1017, %get3A_1072 : vector<16xf32>
      %add3A_1074 = arith.constant 18 : i32
      %add3A_1075 = arith.addi %mul3A_48, %add3A_1074 : i32
      %get3A_1076 = arith.index_cast %add3A_1075 : i32 to index
      %get3A_1077 = arith.constant 96 : index
      %get3A_1078 = tpu.vector_load %arg6[%get3A_1076, %get3A_1077] {strides = array<i32>} : memref<320x128xf32, #tpu.memory_space<vmem>>, vector<1x16xf32>,
      %get3A_1079 = vector.shape_cast %get3A_1078 : vector<1x16xf32> to vector<16xf32>
      %add3A_1080 = arith.addf %add3A_1024, %get3A_1079 : vector<16xf32>
      %add3A_1081 = arith.constant 18 : i32
      %add3A_1082 = arith.addi %mul3A_48, %add3A_1081 : i32
      %get3A_1083 = arith.index_cast %add3A_1082 : i32 to index
      %get3A_1084 = arith.constant 112 : index
      %get3A_1085 = tpu.vector_load %arg6[%get3A_1083, %get3A_1084] {strides = array<i32>} : memref<320x128xf32, #tpu.memory_space<vmem>>, vector<1x16xf32>,
      %get3A_1086 = vector.shape_cast %get3A_1085 : vector<1x16xf32> to vector<16xf32>
      %add3A_1087 = arith.addf %add3A_1031, %get3A_1086 : vector<16xf32>
      %add3A_1088 = arith.constant 19 : i32
      %add3A_1089 = arith.addi %mul3A_48, %add3A_1088 : i32
      %get3A_1090 = arith.index_cast %add3A_1089 : i32 to index
      %get3A_1091 = arith.constant 0 : index
      %get3A_1092 = tpu.vector_load %arg6[%get3A_1090, %get3A_1091] {strides = array<i32>} : memref<320x128xf32, #tpu.memory_space<vmem>>, vector<1x16xf32>,
      %get3A_1093 = vector.shape_cast %get3A_1092 : vector<1x16xf32> to vector<16xf32>
      %add3A_1094 = arith.addf %add3A_1038, %get3A_1093 : vector<16xf32>
      %add3A_1095 = arith.constant 19 : i32
      %add3A_1096 = arith.addi %mul3A_48, %add3A_1095 : i32
      %get3A_1097 = arith.index_cast %add3A_1096 : i32 to index
      %get3A_1098 = arith.constant 16 : index
      %get3A_1099 = tpu.vector_load %arg6[%get3A_1097, %get3A_1098] {strides = array<i32>} : memref<320x128xf32, #tpu.memory_space<vmem>>, vector<1x16xf32>,
      %get3A_1100 = vector.shape_cast %get3A_1099 : vector<1x16xf32> to vector<16xf32>
      %add3A_1101 = arith.addf %add3A_1045, %get3A_1100 : vector<16xf32>
      %add3A_1102 = arith.constant 19 : i32
      %add3A_1103 = arith.addi %mul3A_48, %add3A_1102 : i32
      %get3A_1104 = arith.index_cast %add3A_1103 : i32 to index
      %get3A_1105 = arith.constant 32 : index
      %get3A_1106 = tpu.vector_load %arg6[%get3A_1104, %get3A_1105] {strides = array<i32>} : memref<320x128xf32, #tpu.memory_space<vmem>>, vector<1x16xf32>,
      %get3A_1107 = vector.shape_cast %get3A_1106 : vector<1x16xf32> to vector<16xf32>
      %add3A_1108 = arith.addf %add3A_1052, %get3A_1107 : vector<16xf32>
      %add3A_1109 = arith.constant 19 : i32
      %add3A_1110 = arith.addi %mul3A_48, %add3A_1109 : i32
      %get3A_1111 = arith.index_cast %add3A_1110 : i32 to index
      %get3A_1112 = arith.constant 48 : index
      %get3A_1113 = tpu.vector_load %arg6[%get3A_1111, %get3A_1112] {strides = array<i32>} : memref<320x128xf32, #tpu.memory_space<vmem>>, vector<1x16xf32>,
      %get3A_1114 = vector.shape_cast %get3A_1113 : vector<1x16xf32> to vector<16xf32>
      %add3A_1115 = arith.addf %add3A_1059, %get3A_1114 : vector<16xf32>
      %add3A_1116 = arith.constant 19 : i32
      %add3A_1117 = arith.addi %mul3A_48, %add3A_1116 : i32
      %get3A_1118 = arith.index_cast %add3A_1117 : i32 to index
      %get3A_1119 = arith.constant 64 : index
      %get3A_1120 = tpu.vector_load %arg6[%get3A_1118, %get3A_1119] {strides = array<i32>} : memref<320x128xf32, #tpu.memory_space<vmem>>, vector<1x16xf32>,
      %get3A_1121 = vector.shape_cast %get3A_1120 : vector<1x16xf32> to vector<16xf32>
      %add3A_1122 = arith.addf %add3A_1066, %get3A_1121 : vector<16xf32>
      %add3A_1123 = arith.constant 19 : i32
      %add3A_1124 = arith.addi %mul3A_48, %add3A_1123 : i32
      %get3A_1125 = arith.index_cast %add3A_1124 : i32 to index
      %get3A_1126 = arith.constant 80 : index
      %get3A_1127 = tpu.vector_load %arg6[%get3A_1125, %get3A_1126] {strides = array<i32>} : memref<320x128xf32, #tpu.memory_space<vmem>>, vector<1x16xf32>,
      %get3A_1128 = vector.shape_cast %get3A_1127 : vector<1x16xf32> to vector<16xf32>
      %add3A_1129 = arith.addf %add3A_1073, %get3A_1128 : vector<16xf32>
      %add3A_1130 = arith.constant 19 : i32
      %add3A_1131 = arith.addi %mul3A_48, %add3A_1130 : i32
      %get3A_1132 = arith.index_cast %add3A_1131 : i32 to index
      %get3A_1133 = arith.constant 96 : index
      %get3A_1134 = tpu.vector_load %arg6[%get3A_1132, %get3A_1133] {strides = array<i32>} : memref<320x128xf32, #tpu.memory_space<vmem>>, vector<1x16xf32>,
      %get3A_1135 = vector.shape_cast %get3A_1134 : vector<1x16xf32> to vector<16xf32>
      %add3A_1136 = arith.addf %add3A_1080, %get3A_1135 : vector<16xf32>
      %add3A_1137 = arith.constant 19 : i32
      %add3A_1138 = arith.addi %mul3A_48, %add3A_1137 : i32
      %get3A_1139 = arith.index_cast %add3A_1138 : i32 to index
      %get3A_1140 = arith.constant 112 : index
      %get3A_1141 = tpu.vector_load %arg6[%get3A_1139, %get3A_1140] {strides = array<i32>} : memref<320x128xf32, #tpu.memory_space<vmem>>, vector<1x16xf32>,
      %get3A_1142 = vector.shape_cast %get3A_1141 : vector<1x16xf32> to vector<16xf32>
      %add3A_1143 = arith.addf %add3A_1087, %get3A_1142 : vector<16xf32>
      %mul3A_1144 = arith.constant 5.000000e-02 : f32
      %mul3A_1145 = vector.broadcast %mul3A_1144 : f32 to vector<16xf32>
      %mul3A_1146 = arith.mulf %add3A_1094, %mul3A_1145 : vector<16xf32>
      %swap3A = arith.index_cast %scan3A_46 : i32 to index
      %swap3A_1147 = arith.constant 0 : index
      %swap3A_1148 = tpu.vector_load %arg8[%swap3A, %swap3A_1147] {strides = array<i32>} : memref<16x128xf32, #tpu.memory_space<vmem>>, vector<1x16xf32>,
      %swap3A_1149 = vector.shape_cast %swap3A_1148 : vector<1x16xf32> to vector<16xf32>
      %swap3A_1150 = vector.shape_cast %mul3A_1146 : vector<16xf32> to vector<1x16xf32>
      tpu.vector_store %arg8[%swap3A, %swap3A_1147], %swap3A_1150 {strides = array<i32>} : memref<16x128xf32, #tpu.memory_space<vmem>>, vector<1x16xf32>,
      %mul3A_1151 = arith.constant 5.000000e-02 : f32
      %mul3A_1152 = vector.broadcast %mul3A_1151 : f32 to vector<16xf32>
      %mul3A_1153 = arith.mulf %add3A_1101, %mul3A_1152 : vector<16xf32>
      %swap3A_1154 = arith.index_cast %scan3A_46 : i32 to index
      %swap3A_1155 = arith.constant 16 : index
      %swap3A_1156 = tpu.vector_load %arg8[%swap3A_1154, %swap3A_1155] {strides = array<i32>} : memref<16x128xf32, #tpu.memory_space<vmem>>, vector<1x16xf32>,
      %swap3A_1157 = vector.shape_cast %swap3A_1156 : vector<1x16xf32> to vector<16xf32>
      %swap3A_1158 = vector.shape_cast %mul3A_1153 : vector<16xf32> to vector<1x16xf32>
      tpu.vector_store %arg8[%swap3A_1154, %swap3A_1155], %swap3A_1158 {strides = array<i32>} : memref<16x128xf32, #tpu.memory_space<vmem>>, vector<1x16xf32>,
      %mul3A_1159 = arith.constant 5.000000e-02 : f32
      %mul3A_1160 = vector.broadcast %mul3A_1159 : f32 to vector<16xf32>
      %mul3A_1161 = arith.mulf %add3A_1108, %mul3A_1160 : vector<16xf32>
      %swap3A_1162 = arith.index_cast %scan3A_46 : i32 to index
      %swap3A_1163 = arith.constant 32 : index
      %swap3A_1164 = tpu.vector_load %arg8[%swap3A_1162, %swap3A_1163] {strides = array<i32>} : memref<16x128xf32, #tpu.memory_space<vmem>>, vector<1x16xf32>,
      %swap3A_1165 = vector.shape_cast %swap3A_1164 : vector<1x16xf32> to vector<16xf32>
      %swap3A_1166 = vector.shape_cast %mul3A_1161 : vector<16xf32> to vector<1x16xf32>
      tpu.vector_store %arg8[%swap3A_1162, %swap3A_1163], %swap3A_1166 {strides = array<i32>} : memref<16x128xf32, #tpu.memory_space<vmem>>, vector<1x16xf32>,
      %mul3A_1167 = arith.constant 5.000000e-02 : f32
      %mul3A_1168 = vector.broadcast %mul3A_1167 : f32 to vector<16xf32>
      %mul3A_1169 = arith.mulf %add3A_1115, %mul3A_1168 : vector<16xf32>
      %swap3A_1170 = arith.index_cast %scan3A_46 : i32 to index
      %swap3A_1171 = arith.constant 48 : index
      %swap3A_1172 = tpu.vector_load %arg8[%swap3A_1170, %swap3A_1171] {strides = array<i32>} : memref<16x128xf32, #tpu.memory_space<vmem>>, vector<1x16xf32>,
      %swap3A_1173 = vector.shape_cast %swap3A_1172 : vector<1x16xf32> to vector<16xf32>
      %swap3A_1174 = vector.shape_cast %mul3A_1169 : vector<16xf32> to vector<1x16xf32>
      tpu.vector_store %arg8[%swap3A_1170, %swap3A_1171], %swap3A_1174 {strides = array<i32>} : memref<16x128xf32, #tpu.memory_space<vmem>>, vector<1x16xf32>,
      %mul3A_1175 = arith.constant 5.000000e-02 : f32
      %mul3A_1176 = vector.broadcast %mul3A_1175 : f32 to vector<16xf32>
      %mul3A_1177 = arith.mulf %add3A_1122, %mul3A_1176 : vector<16xf32>
      %swap3A_1178 = arith.index_cast %scan3A_46 : i32 to index
      %swap3A_1179 = arith.constant 64 : index
      %swap3A_1180 = tpu.vector_load %arg8[%swap3A_1178, %swap3A_1179] {strides = array<i32>} : memref<16x128xf32, #tpu.memory_space<vmem>>, vector<1x16xf32>,
      %swap3A_1181 = vector.shape_cast %swap3A_1180 : vector<1x16xf32> to vector<16xf32>
      %swap3A_1182 = vector.shape_cast %mul3A_1177 : vector<16xf32> to vector<1x16xf32>
      tpu.vector_store %arg8[%swap3A_1178, %swap3A_1179], %swap3A_1182 {strides = array<i32>} : memref<16x128xf32, #tpu.memory_space<vmem>>, vector<1x16xf32>,
      %mul3A_1183 = arith.constant 5.000000e-02 : f32
      %mul3A_1184 = vector.broadcast %mul3A_1183 : f32 to vector<16xf32>
      %mul3A_1185 = arith.mulf %add3A_1129, %mul3A_1184 : vector<16xf32>
      %swap3A_1186 = arith.index_cast %scan3A_46 : i32 to index
      %swap3A_1187 = arith.constant 80 : index
      %swap3A_1188 = tpu.vector_load %arg8[%swap3A_1186, %swap3A_1187] {strides = array<i32>} : memref<16x128xf32, #tpu.memory_space<vmem>>, vector<1x16xf32>,
      %swap3A_1189 = vector.shape_cast %swap3A_1188 : vector<1x16xf32> to vector<16xf32>
      %swap3A_1190 = vector.shape_cast %mul3A_1185 : vector<16xf32> to vector<1x16xf32>
      tpu.vector_store %arg8[%swap3A_1186, %swap3A_1187], %swap3A_1190 {strides = array<i32>} : memref<16x128xf32, #tpu.memory_space<vmem>>, vector<1x16xf32>,
      %mul3A_1191 = arith.constant 5.000000e-02 : f32
      %mul3A_1192 = vector.broadcast %mul3A_1191 : f32 to vector<16xf32>
      %mul3A_1193 = arith.mulf %add3A_1136, %mul3A_1192 : vector<16xf32>
      %swap3A_1194 = arith.index_cast %scan3A_46 : i32 to index
      %swap3A_1195 = arith.constant 96 : index
      %swap3A_1196 = tpu.vector_load %arg8[%swap3A_1194, %swap3A_1195] {strides = array<i32>} : memref<16x128xf32, #tpu.memory_space<vmem>>, vector<1x16xf32>,
      %swap3A_1197 = vector.shape_cast %swap3A_1196 : vector<1x16xf32> to vector<16xf32>
      %swap3A_1198 = vector.shape_cast %mul3A_1193 : vector<16xf32> to vector<1x16xf32>
      tpu.vector_store %arg8[%swap3A_1194, %swap3A_1195], %swap3A_1198 {strides = array<i32>} : memref<16x128xf32, #tpu.memory_space<vmem>>, vector<1x16xf32>,
      %mul3A_1199 = arith.constant 5.000000e-02 : f32
      %mul3A_1200 = vector.broadcast %mul3A_1199 : f32 to vector<16xf32>
      %mul3A_1201 = arith.mulf %add3A_1143, %mul3A_1200 : vector<16xf32>
      %swap3A_1202 = arith.index_cast %scan3A_46 : i32 to index
      %swap3A_1203 = arith.constant 112 : index
      %swap3A_1204 = tpu.vector_load %arg8[%swap3A_1202, %swap3A_1203] {strides = array<i32>} : memref<16x128xf32, #tpu.memory_space<vmem>>, vector<1x16xf32>,
      %swap3A_1205 = vector.shape_cast %swap3A_1204 : vector<1x16xf32> to vector<16xf32>
      %swap3A_1206 = vector.shape_cast %mul3A_1201 : vector<16xf32> to vector<1x16xf32>
      tpu.vector_store %arg8[%swap3A_1202, %swap3A_1203], %swap3A_1206 {strides = array<i32>} : memref<16x128xf32, #tpu.memory_space<vmem>>, vector<1x16xf32>,
    }
    %scan3A_30 = arith.constant 16 : i32
    %add3A_31 = arith.constant 224 : i32
    %add3A_32 = arith.addi %mul3A_2, %add3A_31 : i32
    "tpu.region"() ({
      %run_scoped3A = tpu.sem_alloc : memref<!tpu.dma_semaphore, #tpu.memory_space<semaphore_mem>>
      %dma_start3A_46 = arith.constant 0 : i32
      %dma_start3A_47 = tpu.memref_slice %arg4[%add3A_32, %dma_start3A_46] : memref<8192x128xf32, #tpu.memory_space<hbm>> -> memref<16x128xf32, #tpu.memory_space<hbm>>
      %dma_start3A_48 = arith.constant 0 : i32
      %dma_start3A_49 = tpu.memref_slice %arg4[%add3A_32, %dma_start3A_48] : memref<8192x128xf32, #tpu.memory_space<hbm>> -> memref<16x128xf32, #tpu.memory_space<hbm>>
      tpu.enqueue_dma source(%arg8 : memref<16x128xf32, #tpu.memory_space<vmem>>) target(%dma_start3A_49 : memref<16x128xf32, #tpu.memory_space<hbm>>) target_semaphore(%run_scoped3A : memref<!tpu.dma_semaphore, #tpu.memory_space<semaphore_mem>>)
      %dma_wait3A_50 = arith.constant 0 : i32
      %dma_wait3A_51 = tpu.memref_slice %arg4[%add3A_32, %dma_wait3A_50] : memref<8192x128xf32, #tpu.memory_space<hbm>> -> memref<16x128xf32, #tpu.memory_space<hbm>>
      %dma_wait3A_52 = arith.constant 0 : i32
      %dma_wait3A_53 = tpu.memref_slice %arg4[%add3A_32, %dma_wait3A_52] : memref<8192x128xf32, #tpu.memory_space<hbm>> -> memref<16x128xf32, #tpu.memory_space<hbm>>
      tpu.wait_dma2 semaphore(%run_scoped3A : memref<!tpu.dma_semaphore, #tpu.memory_space<semaphore_mem>>) src(%arg8 : memref<16x128xf32, #tpu.memory_space<vmem>>) dst(%dma_wait3A_53 : memref<16x128xf32, #tpu.memory_space<hbm>>)
      tpu.yield
    }) : () -> ()
    %dma_wait3A_33 = arith.constant 0 : i32
    %dma_wait3A_34 = tpu.memref_slice %arg5[%dma_wait3A_33] : memref<5120xi32, #tpu.memory_space<vmem>> -> memref<320xi32, #tpu.memory_space<vmem>>
    %dma_wait3A_35 = arith.constant 0 : i32
    %dma_wait3A_36 = arith.constant 0 : i32
    %dma_wait3A_37 = tpu.memref_slice %arg2[%dma_wait3A_35, %dma_wait3A_36] : memref<100000x128xf32, #tpu.memory_space<hbm>> -> memref<100000x128xf32, #tpu.memory_space<hbm>>
    tpu.wait_indirect_dma semaphore(%arg10 : memref<!tpu.dma_semaphore, #tpu.memory_space<semaphore_mem>>) src(%dma_wait3A_37 : memref<100000x128xf32, #tpu.memory_space<hbm>>) dst(%arg7 : memref<320x128xf32, #tpu.memory_space<vmem>>)
    %scan3A_38 = arith.constant 0 : i32
    %scan3A_39 = arith.constant 0 : i32
    %scan3A_40 = arith.constant 16 : i32
    %scan3A_41 = arith.addi %scan3A_39, %scan3A_40 : i32
    %scan3A_42 = arith.constant 1 : i32
    scf.for %scan3A_46 = %scan3A_39 to %scan3A_41 step %scan3A_42  : i32 {
      %mul3A_47 = arith.constant 20 : i32
      %mul3A_48 = arith.muli %scan3A_46, %mul3A_47 : i32
      %get3A = arith.index_cast %mul3A_48 : i32 to index
      %get3A_49 = arith.constant 0 : index
      %get3A_50 = tpu.vector_load %arg7[%get3A, %get3A_49] {strides = array<i32>} : memref<320x128xf32, #tpu.memory_space<vmem>>, vector<1x16xf32>,
      %get3A_51 = vector.shape_cast %get3A_50 : vector<1x16xf32> to vector<16xf32>
      %get3A_52 = arith.index_cast %mul3A_48 : i32 to index
      %get3A_53 = arith.constant 16 : index
      %get3A_54 = tpu.vector_load %arg7[%get3A_52, %get3A_53] {strides = array<i32>} : memref<320x128xf32, #tpu.memory_space<vmem>>, vector<1x16xf32>,
      %get3A_55 = vector.shape_cast %get3A_54 : vector<1x16xf32> to vector<16xf32>
      %get3A_56 = arith.index_cast %mul3A_48 : i32 to index
      %get3A_57 = arith.constant 32 : index
      %get3A_58 = tpu.vector_load %arg7[%get3A_56, %get3A_57] {strides = array<i32>} : memref<320x128xf32, #tpu.memory_space<vmem>>, vector<1x16xf32>,
      %get3A_59 = vector.shape_cast %get3A_58 : vector<1x16xf32> to vector<16xf32>
      %get3A_60 = arith.index_cast %mul3A_48 : i32 to index
      %get3A_61 = arith.constant 48 : index
      %get3A_62 = tpu.vector_load %arg7[%get3A_60, %get3A_61] {strides = array<i32>} : memref<320x128xf32, #tpu.memory_space<vmem>>, vector<1x16xf32>,
      %get3A_63 = vector.shape_cast %get3A_62 : vector<1x16xf32> to vector<16xf32>
      %get3A_64 = arith.index_cast %mul3A_48 : i32 to index
      %get3A_65 = arith.constant 64 : index
      %get3A_66 = tpu.vector_load %arg7[%get3A_64, %get3A_65] {strides = array<i32>} : memref<320x128xf32, #tpu.memory_space<vmem>>, vector<1x16xf32>,
      %get3A_67 = vector.shape_cast %get3A_66 : vector<1x16xf32> to vector<16xf32>
      %get3A_68 = arith.index_cast %mul3A_48 : i32 to index
      %get3A_69 = arith.constant 80 : index
      %get3A_70 = tpu.vector_load %arg7[%get3A_68, %get3A_69] {strides = array<i32>} : memref<320x128xf32, #tpu.memory_space<vmem>>, vector<1x16xf32>,
      %get3A_71 = vector.shape_cast %get3A_70 : vector<1x16xf32> to vector<16xf32>
      %get3A_72 = arith.index_cast %mul3A_48 : i32 to index
      %get3A_73 = arith.constant 96 : index
      %get3A_74 = tpu.vector_load %arg7[%get3A_72, %get3A_73] {strides = array<i32>} : memref<320x128xf32, #tpu.memory_space<vmem>>, vector<1x16xf32>,
      %get3A_75 = vector.shape_cast %get3A_74 : vector<1x16xf32> to vector<16xf32>
      %get3A_76 = arith.index_cast %mul3A_48 : i32 to index
      %get3A_77 = arith.constant 112 : index
      %get3A_78 = tpu.vector_load %arg7[%get3A_76, %get3A_77] {strides = array<i32>} : memref<320x128xf32, #tpu.memory_space<vmem>>, vector<1x16xf32>,
      %get3A_79 = vector.shape_cast %get3A_78 : vector<1x16xf32> to vector<16xf32>
      %add3A_80 = arith.constant 1 : i32
      %add3A_81 = arith.addi %mul3A_48, %add3A_80 : i32
      %get3A_82 = arith.index_cast %add3A_81 : i32 to index
      %get3A_83 = arith.constant 0 : index
      %get3A_84 = tpu.vector_load %arg7[%get3A_82, %get3A_83] {strides = array<i32>} : memref<320x128xf32, #tpu.memory_space<vmem>>, vector<1x16xf32>,
      %get3A_85 = vector.shape_cast %get3A_84 : vector<1x16xf32> to vector<16xf32>
      %add3A_86 = arith.addf %get3A_51, %get3A_85 : vector<16xf32>
      %add3A_87 = arith.constant 1 : i32
      %add3A_88 = arith.addi %mul3A_48, %add3A_87 : i32
      %get3A_89 = arith.index_cast %add3A_88 : i32 to index
      %get3A_90 = arith.constant 16 : index
      %get3A_91 = tpu.vector_load %arg7[%get3A_89, %get3A_90] {strides = array<i32>} : memref<320x128xf32, #tpu.memory_space<vmem>>, vector<1x16xf32>,
      %get3A_92 = vector.shape_cast %get3A_91 : vector<1x16xf32> to vector<16xf32>
      %add3A_93 = arith.addf %get3A_55, %get3A_92 : vector<16xf32>
      %add3A_94 = arith.constant 1 : i32
      %add3A_95 = arith.addi %mul3A_48, %add3A_94 : i32
      %get3A_96 = arith.index_cast %add3A_95 : i32 to index
      %get3A_97 = arith.constant 32 : index
      %get3A_98 = tpu.vector_load %arg7[%get3A_96, %get3A_97] {strides = array<i32>} : memref<320x128xf32, #tpu.memory_space<vmem>>, vector<1x16xf32>,
      %get3A_99 = vector.shape_cast %get3A_98 : vector<1x16xf32> to vector<16xf32>
      %add3A_100 = arith.addf %get3A_59, %get3A_99 : vector<16xf32>
      %add3A_101 = arith.constant 1 : i32
      %add3A_102 = arith.addi %mul3A_48, %add3A_101 : i32
      %get3A_103 = arith.index_cast %add3A_102 : i32 to index
      %get3A_104 = arith.constant 48 : index
      %get3A_105 = tpu.vector_load %arg7[%get3A_103, %get3A_104] {strides = array<i32>} : memref<320x128xf32, #tpu.memory_space<vmem>>, vector<1x16xf32>,
      %get3A_106 = vector.shape_cast %get3A_105 : vector<1x16xf32> to vector<16xf32>
      %add3A_107 = arith.addf %get3A_63, %get3A_106 : vector<16xf32>
      %add3A_108 = arith.constant 1 : i32
      %add3A_109 = arith.addi %mul3A_48, %add3A_108 : i32
      %get3A_110 = arith.index_cast %add3A_109 : i32 to index
      %get3A_111 = arith.constant 64 : index
      %get3A_112 = tpu.vector_load %arg7[%get3A_110, %get3A_111] {strides = array<i32>} : memref<320x128xf32, #tpu.memory_space<vmem>>, vector<1x16xf32>,
      %get3A_113 = vector.shape_cast %get3A_112 : vector<1x16xf32> to vector<16xf32>
      %add3A_114 = arith.addf %get3A_67, %get3A_113 : vector<16xf32>
      %add3A_115 = arith.constant 1 : i32
      %add3A_116 = arith.addi %mul3A_48, %add3A_115 : i32
      %get3A_117 = arith.index_cast %add3A_116 : i32 to index
      %get3A_118 = arith.constant 80 : index
      %get3A_119 = tpu.vector_load %arg7[%get3A_117, %get3A_118] {strides = array<i32>} : memref<320x128xf32, #tpu.memory_space<vmem>>, vector<1x16xf32>,
      %get3A_120 = vector.shape_cast %get3A_119 : vector<1x16xf32> to vector<16xf32>
      %add3A_121 = arith.addf %get3A_71, %get3A_120 : vector<16xf32>
      %add3A_122 = arith.constant 1 : i32
      %add3A_123 = arith.addi %mul3A_48, %add3A_122 : i32
      %get3A_124 = arith.index_cast %add3A_123 : i32 to index
      %get3A_125 = arith.constant 96 : index
      %get3A_126 = tpu.vector_load %arg7[%get3A_124, %get3A_125] {strides = array<i32>} : memref<320x128xf32, #tpu.memory_space<vmem>>, vector<1x16xf32>,
      %get3A_127 = vector.shape_cast %get3A_126 : vector<1x16xf32> to vector<16xf32>
      %add3A_128 = arith.addf %get3A_75, %get3A_127 : vector<16xf32>
      %add3A_129 = arith.constant 1 : i32
      %add3A_130 = arith.addi %mul3A_48, %add3A_129 : i32
      %get3A_131 = arith.index_cast %add3A_130 : i32 to index
      %get3A_132 = arith.constant 112 : index
      %get3A_133 = tpu.vector_load %arg7[%get3A_131, %get3A_132] {strides = array<i32>} : memref<320x128xf32, #tpu.memory_space<vmem>>, vector<1x16xf32>,
      %get3A_134 = vector.shape_cast %get3A_133 : vector<1x16xf32> to vector<16xf32>
      %add3A_135 = arith.addf %get3A_79, %get3A_134 : vector<16xf32>
      %add3A_136 = arith.constant 2 : i32
      %add3A_137 = arith.addi %mul3A_48, %add3A_136 : i32
      %get3A_138 = arith.index_cast %add3A_137 : i32 to index
      %get3A_139 = arith.constant 0 : index
      %get3A_140 = tpu.vector_load %arg7[%get3A_138, %get3A_139] {strides = array<i32>} : memref<320x128xf32, #tpu.memory_space<vmem>>, vector<1x16xf32>,
      %get3A_141 = vector.shape_cast %get3A_140 : vector<1x16xf32> to vector<16xf32>
      %add3A_142 = arith.addf %add3A_86, %get3A_141 : vector<16xf32>
      %add3A_143 = arith.constant 2 : i32
      %add3A_144 = arith.addi %mul3A_48, %add3A_143 : i32
      %get3A_145 = arith.index_cast %add3A_144 : i32 to index
      %get3A_146 = arith.constant 16 : index
      %get3A_147 = tpu.vector_load %arg7[%get3A_145, %get3A_146] {strides = array<i32>} : memref<320x128xf32, #tpu.memory_space<vmem>>, vector<1x16xf32>,
      %get3A_148 = vector.shape_cast %get3A_147 : vector<1x16xf32> to vector<16xf32>
      %add3A_149 = arith.addf %add3A_93, %get3A_148 : vector<16xf32>
      %add3A_150 = arith.constant 2 : i32
      %add3A_151 = arith.addi %mul3A_48, %add3A_150 : i32
      %get3A_152 = arith.index_cast %add3A_151 : i32 to index
      %get3A_153 = arith.constant 32 : index
      %get3A_154 = tpu.vector_load %arg7[%get3A_152, %get3A_153] {strides = array<i32>} : memref<320x128xf32, #tpu.memory_space<vmem>>, vector<1x16xf32>,
      %get3A_155 = vector.shape_cast %get3A_154 : vector<1x16xf32> to vector<16xf32>
      %add3A_156 = arith.addf %add3A_100, %get3A_155 : vector<16xf32>
      %add3A_157 = arith.constant 2 : i32
      %add3A_158 = arith.addi %mul3A_48, %add3A_157 : i32
      %get3A_159 = arith.index_cast %add3A_158 : i32 to index
      %get3A_160 = arith.constant 48 : index
      %get3A_161 = tpu.vector_load %arg7[%get3A_159, %get3A_160] {strides = array<i32>} : memref<320x128xf32, #tpu.memory_space<vmem>>, vector<1x16xf32>,
      %get3A_162 = vector.shape_cast %get3A_161 : vector<1x16xf32> to vector<16xf32>
      %add3A_163 = arith.addf %add3A_107, %get3A_162 : vector<16xf32>
      %add3A_164 = arith.constant 2 : i32
      %add3A_165 = arith.addi %mul3A_48, %add3A_164 : i32
      %get3A_166 = arith.index_cast %add3A_165 : i32 to index
      %get3A_167 = arith.constant 64 : index
      %get3A_168 = tpu.vector_load %arg7[%get3A_166, %get3A_167] {strides = array<i32>} : memref<320x128xf32, #tpu.memory_space<vmem>>, vector<1x16xf32>,
      %get3A_169 = vector.shape_cast %get3A_168 : vector<1x16xf32> to vector<16xf32>
      %add3A_170 = arith.addf %add3A_114, %get3A_169 : vector<16xf32>
      %add3A_171 = arith.constant 2 : i32
      %add3A_172 = arith.addi %mul3A_48, %add3A_171 : i32
      %get3A_173 = arith.index_cast %add3A_172 : i32 to index
      %get3A_174 = arith.constant 80 : index
      %get3A_175 = tpu.vector_load %arg7[%get3A_173, %get3A_174] {strides = array<i32>} : memref<320x128xf32, #tpu.memory_space<vmem>>, vector<1x16xf32>,
      %get3A_176 = vector.shape_cast %get3A_175 : vector<1x16xf32> to vector<16xf32>
      %add3A_177 = arith.addf %add3A_121, %get3A_176 : vector<16xf32>
      %add3A_178 = arith.constant 2 : i32
      %add3A_179 = arith.addi %mul3A_48, %add3A_178 : i32
      %get3A_180 = arith.index_cast %add3A_179 : i32 to index
      %get3A_181 = arith.constant 96 : index
      %get3A_182 = tpu.vector_load %arg7[%get3A_180, %get3A_181] {strides = array<i32>} : memref<320x128xf32, #tpu.memory_space<vmem>>, vector<1x16xf32>,
      %get3A_183 = vector.shape_cast %get3A_182 : vector<1x16xf32> to vector<16xf32>
      %add3A_184 = arith.addf %add3A_128, %get3A_183 : vector<16xf32>
      %add3A_185 = arith.constant 2 : i32
      %add3A_186 = arith.addi %mul3A_48, %add3A_185 : i32
      %get3A_187 = arith.index_cast %add3A_186 : i32 to index
      %get3A_188 = arith.constant 112 : index
      %get3A_189 = tpu.vector_load %arg7[%get3A_187, %get3A_188] {strides = array<i32>} : memref<320x128xf32, #tpu.memory_space<vmem>>, vector<1x16xf32>,
      %get3A_190 = vector.shape_cast %get3A_189 : vector<1x16xf32> to vector<16xf32>
      %add3A_191 = arith.addf %add3A_135, %get3A_190 : vector<16xf32>
      %add3A_192 = arith.constant 3 : i32
      %add3A_193 = arith.addi %mul3A_48, %add3A_192 : i32
      %get3A_194 = arith.index_cast %add3A_193 : i32 to index
      %get3A_195 = arith.constant 0 : index
      %get3A_196 = tpu.vector_load %arg7[%get3A_194, %get3A_195] {strides = array<i32>} : memref<320x128xf32, #tpu.memory_space<vmem>>, vector<1x16xf32>,
      %get3A_197 = vector.shape_cast %get3A_196 : vector<1x16xf32> to vector<16xf32>
      %add3A_198 = arith.addf %add3A_142, %get3A_197 : vector<16xf32>
      %add3A_199 = arith.constant 3 : i32
      %add3A_200 = arith.addi %mul3A_48, %add3A_199 : i32
      %get3A_201 = arith.index_cast %add3A_200 : i32 to index
      %get3A_202 = arith.constant 16 : index
      %get3A_203 = tpu.vector_load %arg7[%get3A_201, %get3A_202] {strides = array<i32>} : memref<320x128xf32, #tpu.memory_space<vmem>>, vector<1x16xf32>,
      %get3A_204 = vector.shape_cast %get3A_203 : vector<1x16xf32> to vector<16xf32>
      %add3A_205 = arith.addf %add3A_149, %get3A_204 : vector<16xf32>
      %add3A_206 = arith.constant 3 : i32
      %add3A_207 = arith.addi %mul3A_48, %add3A_206 : i32
      %get3A_208 = arith.index_cast %add3A_207 : i32 to index
      %get3A_209 = arith.constant 32 : index
      %get3A_210 = tpu.vector_load %arg7[%get3A_208, %get3A_209] {strides = array<i32>} : memref<320x128xf32, #tpu.memory_space<vmem>>, vector<1x16xf32>,
      %get3A_211 = vector.shape_cast %get3A_210 : vector<1x16xf32> to vector<16xf32>
      %add3A_212 = arith.addf %add3A_156, %get3A_211 : vector<16xf32>
      %add3A_213 = arith.constant 3 : i32
      %add3A_214 = arith.addi %mul3A_48, %add3A_213 : i32
      %get3A_215 = arith.index_cast %add3A_214 : i32 to index
      %get3A_216 = arith.constant 48 : index
      %get3A_217 = tpu.vector_load %arg7[%get3A_215, %get3A_216] {strides = array<i32>} : memref<320x128xf32, #tpu.memory_space<vmem>>, vector<1x16xf32>,
      %get3A_218 = vector.shape_cast %get3A_217 : vector<1x16xf32> to vector<16xf32>
      %add3A_219 = arith.addf %add3A_163, %get3A_218 : vector<16xf32>
      %add3A_220 = arith.constant 3 : i32
      %add3A_221 = arith.addi %mul3A_48, %add3A_220 : i32
      %get3A_222 = arith.index_cast %add3A_221 : i32 to index
      %get3A_223 = arith.constant 64 : index
      %get3A_224 = tpu.vector_load %arg7[%get3A_222, %get3A_223] {strides = array<i32>} : memref<320x128xf32, #tpu.memory_space<vmem>>, vector<1x16xf32>,
      %get3A_225 = vector.shape_cast %get3A_224 : vector<1x16xf32> to vector<16xf32>
      %add3A_226 = arith.addf %add3A_170, %get3A_225 : vector<16xf32>
      %add3A_227 = arith.constant 3 : i32
      %add3A_228 = arith.addi %mul3A_48, %add3A_227 : i32
      %get3A_229 = arith.index_cast %add3A_228 : i32 to index
      %get3A_230 = arith.constant 80 : index
      %get3A_231 = tpu.vector_load %arg7[%get3A_229, %get3A_230] {strides = array<i32>} : memref<320x128xf32, #tpu.memory_space<vmem>>, vector<1x16xf32>,
      %get3A_232 = vector.shape_cast %get3A_231 : vector<1x16xf32> to vector<16xf32>
      %add3A_233 = arith.addf %add3A_177, %get3A_232 : vector<16xf32>
      %add3A_234 = arith.constant 3 : i32
      %add3A_235 = arith.addi %mul3A_48, %add3A_234 : i32
      %get3A_236 = arith.index_cast %add3A_235 : i32 to index
      %get3A_237 = arith.constant 96 : index
      %get3A_238 = tpu.vector_load %arg7[%get3A_236, %get3A_237] {strides = array<i32>} : memref<320x128xf32, #tpu.memory_space<vmem>>, vector<1x16xf32>,
      %get3A_239 = vector.shape_cast %get3A_238 : vector<1x16xf32> to vector<16xf32>
      %add3A_240 = arith.addf %add3A_184, %get3A_239 : vector<16xf32>
      %add3A_241 = arith.constant 3 : i32
      %add3A_242 = arith.addi %mul3A_48, %add3A_241 : i32
      %get3A_243 = arith.index_cast %add3A_242 : i32 to index
      %get3A_244 = arith.constant 112 : index
      %get3A_245 = tpu.vector_load %arg7[%get3A_243, %get3A_244] {strides = array<i32>} : memref<320x128xf32, #tpu.memory_space<vmem>>, vector<1x16xf32>,
      %get3A_246 = vector.shape_cast %get3A_245 : vector<1x16xf32> to vector<16xf32>
      %add3A_247 = arith.addf %add3A_191, %get3A_246 : vector<16xf32>
      %add3A_248 = arith.constant 4 : i32
      %add3A_249 = arith.addi %mul3A_48, %add3A_248 : i32
      %get3A_250 = arith.index_cast %add3A_249 : i32 to index
      %get3A_251 = arith.constant 0 : index
      %get3A_252 = tpu.vector_load %arg7[%get3A_250, %get3A_251] {strides = array<i32>} : memref<320x128xf32, #tpu.memory_space<vmem>>, vector<1x16xf32>,
      %get3A_253 = vector.shape_cast %get3A_252 : vector<1x16xf32> to vector<16xf32>
      %add3A_254 = arith.addf %add3A_198, %get3A_253 : vector<16xf32>
      %add3A_255 = arith.constant 4 : i32
      %add3A_256 = arith.addi %mul3A_48, %add3A_255 : i32
      %get3A_257 = arith.index_cast %add3A_256 : i32 to index
      %get3A_258 = arith.constant 16 : index
      %get3A_259 = tpu.vector_load %arg7[%get3A_257, %get3A_258] {strides = array<i32>} : memref<320x128xf32, #tpu.memory_space<vmem>>, vector<1x16xf32>,
      %get3A_260 = vector.shape_cast %get3A_259 : vector<1x16xf32> to vector<16xf32>
      %add3A_261 = arith.addf %add3A_205, %get3A_260 : vector<16xf32>
      %add3A_262 = arith.constant 4 : i32
      %add3A_263 = arith.addi %mul3A_48, %add3A_262 : i32
      %get3A_264 = arith.index_cast %add3A_263 : i32 to index
      %get3A_265 = arith.constant 32 : index
      %get3A_266 = tpu.vector_load %arg7[%get3A_264, %get3A_265] {strides = array<i32>} : memref<320x128xf32, #tpu.memory_space<vmem>>, vector<1x16xf32>,
      %get3A_267 = vector.shape_cast %get3A_266 : vector<1x16xf32> to vector<16xf32>
      %add3A_268 = arith.addf %add3A_212, %get3A_267 : vector<16xf32>
      %add3A_269 = arith.constant 4 : i32
      %add3A_270 = arith.addi %mul3A_48, %add3A_269 : i32
      %get3A_271 = arith.index_cast %add3A_270 : i32 to index
      %get3A_272 = arith.constant 48 : index
      %get3A_273 = tpu.vector_load %arg7[%get3A_271, %get3A_272] {strides = array<i32>} : memref<320x128xf32, #tpu.memory_space<vmem>>, vector<1x16xf32>,
      %get3A_274 = vector.shape_cast %get3A_273 : vector<1x16xf32> to vector<16xf32>
      %add3A_275 = arith.addf %add3A_219, %get3A_274 : vector<16xf32>
      %add3A_276 = arith.constant 4 : i32
      %add3A_277 = arith.addi %mul3A_48, %add3A_276 : i32
      %get3A_278 = arith.index_cast %add3A_277 : i32 to index
      %get3A_279 = arith.constant 64 : index
      %get3A_280 = tpu.vector_load %arg7[%get3A_278, %get3A_279] {strides = array<i32>} : memref<320x128xf32, #tpu.memory_space<vmem>>, vector<1x16xf32>,
      %get3A_281 = vector.shape_cast %get3A_280 : vector<1x16xf32> to vector<16xf32>
      %add3A_282 = arith.addf %add3A_226, %get3A_281 : vector<16xf32>
      %add3A_283 = arith.constant 4 : i32
      %add3A_284 = arith.addi %mul3A_48, %add3A_283 : i32
      %get3A_285 = arith.index_cast %add3A_284 : i32 to index
      %get3A_286 = arith.constant 80 : index
      %get3A_287 = tpu.vector_load %arg7[%get3A_285, %get3A_286] {strides = array<i32>} : memref<320x128xf32, #tpu.memory_space<vmem>>, vector<1x16xf32>,
      %get3A_288 = vector.shape_cast %get3A_287 : vector<1x16xf32> to vector<16xf32>
      %add3A_289 = arith.addf %add3A_233, %get3A_288 : vector<16xf32>
      %add3A_290 = arith.constant 4 : i32
      %add3A_291 = arith.addi %mul3A_48, %add3A_290 : i32
      %get3A_292 = arith.index_cast %add3A_291 : i32 to index
      %get3A_293 = arith.constant 96 : index
      %get3A_294 = tpu.vector_load %arg7[%get3A_292, %get3A_293] {strides = array<i32>} : memref<320x128xf32, #tpu.memory_space<vmem>>, vector<1x16xf32>,
      %get3A_295 = vector.shape_cast %get3A_294 : vector<1x16xf32> to vector<16xf32>
      %add3A_296 = arith.addf %add3A_240, %get3A_295 : vector<16xf32>
      %add3A_297 = arith.constant 4 : i32
      %add3A_298 = arith.addi %mul3A_48, %add3A_297 : i32
      %get3A_299 = arith.index_cast %add3A_298 : i32 to index
      %get3A_300 = arith.constant 112 : index
      %get3A_301 = tpu.vector_load %arg7[%get3A_299, %get3A_300] {strides = array<i32>} : memref<320x128xf32, #tpu.memory_space<vmem>>, vector<1x16xf32>,
      %get3A_302 = vector.shape_cast %get3A_301 : vector<1x16xf32> to vector<16xf32>
      %add3A_303 = arith.addf %add3A_247, %get3A_302 : vector<16xf32>
      %add3A_304 = arith.constant 5 : i32
      %add3A_305 = arith.addi %mul3A_48, %add3A_304 : i32
      %get3A_306 = arith.index_cast %add3A_305 : i32 to index
      %get3A_307 = arith.constant 0 : index
      %get3A_308 = tpu.vector_load %arg7[%get3A_306, %get3A_307] {strides = array<i32>} : memref<320x128xf32, #tpu.memory_space<vmem>>, vector<1x16xf32>,
      %get3A_309 = vector.shape_cast %get3A_308 : vector<1x16xf32> to vector<16xf32>
      %add3A_310 = arith.addf %add3A_254, %get3A_309 : vector<16xf32>
      %add3A_311 = arith.constant 5 : i32
      %add3A_312 = arith.addi %mul3A_48, %add3A_311 : i32
      %get3A_313 = arith.index_cast %add3A_312 : i32 to index
      %get3A_314 = arith.constant 16 : index
      %get3A_315 = tpu.vector_load %arg7[%get3A_313, %get3A_314] {strides = array<i32>} : memref<320x128xf32, #tpu.memory_space<vmem>>, vector<1x16xf32>,
      %get3A_316 = vector.shape_cast %get3A_315 : vector<1x16xf32> to vector<16xf32>
      %add3A_317 = arith.addf %add3A_261, %get3A_316 : vector<16xf32>
      %add3A_318 = arith.constant 5 : i32
      %add3A_319 = arith.addi %mul3A_48, %add3A_318 : i32
      %get3A_320 = arith.index_cast %add3A_319 : i32 to index
      %get3A_321 = arith.constant 32 : index
      %get3A_322 = tpu.vector_load %arg7[%get3A_320, %get3A_321] {strides = array<i32>} : memref<320x128xf32, #tpu.memory_space<vmem>>, vector<1x16xf32>,
      %get3A_323 = vector.shape_cast %get3A_322 : vector<1x16xf32> to vector<16xf32>
      %add3A_324 = arith.addf %add3A_268, %get3A_323 : vector<16xf32>
      %add3A_325 = arith.constant 5 : i32
      %add3A_326 = arith.addi %mul3A_48, %add3A_325 : i32
      %get3A_327 = arith.index_cast %add3A_326 : i32 to index
      %get3A_328 = arith.constant 48 : index
      %get3A_329 = tpu.vector_load %arg7[%get3A_327, %get3A_328] {strides = array<i32>} : memref<320x128xf32, #tpu.memory_space<vmem>>, vector<1x16xf32>,
      %get3A_330 = vector.shape_cast %get3A_329 : vector<1x16xf32> to vector<16xf32>
      %add3A_331 = arith.addf %add3A_275, %get3A_330 : vector<16xf32>
      %add3A_332 = arith.constant 5 : i32
      %add3A_333 = arith.addi %mul3A_48, %add3A_332 : i32
      %get3A_334 = arith.index_cast %add3A_333 : i32 to index
      %get3A_335 = arith.constant 64 : index
      %get3A_336 = tpu.vector_load %arg7[%get3A_334, %get3A_335] {strides = array<i32>} : memref<320x128xf32, #tpu.memory_space<vmem>>, vector<1x16xf32>,
      %get3A_337 = vector.shape_cast %get3A_336 : vector<1x16xf32> to vector<16xf32>
      %add3A_338 = arith.addf %add3A_282, %get3A_337 : vector<16xf32>
      %add3A_339 = arith.constant 5 : i32
      %add3A_340 = arith.addi %mul3A_48, %add3A_339 : i32
      %get3A_341 = arith.index_cast %add3A_340 : i32 to index
      %get3A_342 = arith.constant 80 : index
      %get3A_343 = tpu.vector_load %arg7[%get3A_341, %get3A_342] {strides = array<i32>} : memref<320x128xf32, #tpu.memory_space<vmem>>, vector<1x16xf32>,
      %get3A_344 = vector.shape_cast %get3A_343 : vector<1x16xf32> to vector<16xf32>
      %add3A_345 = arith.addf %add3A_289, %get3A_344 : vector<16xf32>
      %add3A_346 = arith.constant 5 : i32
      %add3A_347 = arith.addi %mul3A_48, %add3A_346 : i32
      %get3A_348 = arith.index_cast %add3A_347 : i32 to index
      %get3A_349 = arith.constant 96 : index
      %get3A_350 = tpu.vector_load %arg7[%get3A_348, %get3A_349] {strides = array<i32>} : memref<320x128xf32, #tpu.memory_space<vmem>>, vector<1x16xf32>,
      %get3A_351 = vector.shape_cast %get3A_350 : vector<1x16xf32> to vector<16xf32>
      %add3A_352 = arith.addf %add3A_296, %get3A_351 : vector<16xf32>
      %add3A_353 = arith.constant 5 : i32
      %add3A_354 = arith.addi %mul3A_48, %add3A_353 : i32
      %get3A_355 = arith.index_cast %add3A_354 : i32 to index
      %get3A_356 = arith.constant 112 : index
      %get3A_357 = tpu.vector_load %arg7[%get3A_355, %get3A_356] {strides = array<i32>} : memref<320x128xf32, #tpu.memory_space<vmem>>, vector<1x16xf32>,
      %get3A_358 = vector.shape_cast %get3A_357 : vector<1x16xf32> to vector<16xf32>
      %add3A_359 = arith.addf %add3A_303, %get3A_358 : vector<16xf32>
      %add3A_360 = arith.constant 6 : i32
      %add3A_361 = arith.addi %mul3A_48, %add3A_360 : i32
      %get3A_362 = arith.index_cast %add3A_361 : i32 to index
      %get3A_363 = arith.constant 0 : index
      %get3A_364 = tpu.vector_load %arg7[%get3A_362, %get3A_363] {strides = array<i32>} : memref<320x128xf32, #tpu.memory_space<vmem>>, vector<1x16xf32>,
      %get3A_365 = vector.shape_cast %get3A_364 : vector<1x16xf32> to vector<16xf32>
      %add3A_366 = arith.addf %add3A_310, %get3A_365 : vector<16xf32>
      %add3A_367 = arith.constant 6 : i32
      %add3A_368 = arith.addi %mul3A_48, %add3A_367 : i32
      %get3A_369 = arith.index_cast %add3A_368 : i32 to index
      %get3A_370 = arith.constant 16 : index
      %get3A_371 = tpu.vector_load %arg7[%get3A_369, %get3A_370] {strides = array<i32>} : memref<320x128xf32, #tpu.memory_space<vmem>>, vector<1x16xf32>,
      %get3A_372 = vector.shape_cast %get3A_371 : vector<1x16xf32> to vector<16xf32>
      %add3A_373 = arith.addf %add3A_317, %get3A_372 : vector<16xf32>
      %add3A_374 = arith.constant 6 : i32
      %add3A_375 = arith.addi %mul3A_48, %add3A_374 : i32
      %get3A_376 = arith.index_cast %add3A_375 : i32 to index
      %get3A_377 = arith.constant 32 : index
      %get3A_378 = tpu.vector_load %arg7[%get3A_376, %get3A_377] {strides = array<i32>} : memref<320x128xf32, #tpu.memory_space<vmem>>, vector<1x16xf32>,
      %get3A_379 = vector.shape_cast %get3A_378 : vector<1x16xf32> to vector<16xf32>
      %add3A_380 = arith.addf %add3A_324, %get3A_379 : vector<16xf32>
      %add3A_381 = arith.constant 6 : i32
      %add3A_382 = arith.addi %mul3A_48, %add3A_381 : i32
      %get3A_383 = arith.index_cast %add3A_382 : i32 to index
      %get3A_384 = arith.constant 48 : index
      %get3A_385 = tpu.vector_load %arg7[%get3A_383, %get3A_384] {strides = array<i32>} : memref<320x128xf32, #tpu.memory_space<vmem>>, vector<1x16xf32>,
      %get3A_386 = vector.shape_cast %get3A_385 : vector<1x16xf32> to vector<16xf32>
      %add3A_387 = arith.addf %add3A_331, %get3A_386 : vector<16xf32>
      %add3A_388 = arith.constant 6 : i32
      %add3A_389 = arith.addi %mul3A_48, %add3A_388 : i32
      %get3A_390 = arith.index_cast %add3A_389 : i32 to index
      %get3A_391 = arith.constant 64 : index
      %get3A_392 = tpu.vector_load %arg7[%get3A_390, %get3A_391] {strides = array<i32>} : memref<320x128xf32, #tpu.memory_space<vmem>>, vector<1x16xf32>,
      %get3A_393 = vector.shape_cast %get3A_392 : vector<1x16xf32> to vector<16xf32>
      %add3A_394 = arith.addf %add3A_338, %get3A_393 : vector<16xf32>
      %add3A_395 = arith.constant 6 : i32
      %add3A_396 = arith.addi %mul3A_48, %add3A_395 : i32
      %get3A_397 = arith.index_cast %add3A_396 : i32 to index
      %get3A_398 = arith.constant 80 : index
      %get3A_399 = tpu.vector_load %arg7[%get3A_397, %get3A_398] {strides = array<i32>} : memref<320x128xf32, #tpu.memory_space<vmem>>, vector<1x16xf32>,
      %get3A_400 = vector.shape_cast %get3A_399 : vector<1x16xf32> to vector<16xf32>
      %add3A_401 = arith.addf %add3A_345, %get3A_400 : vector<16xf32>
      %add3A_402 = arith.constant 6 : i32
      %add3A_403 = arith.addi %mul3A_48, %add3A_402 : i32
      %get3A_404 = arith.index_cast %add3A_403 : i32 to index
      %get3A_405 = arith.constant 96 : index
      %get3A_406 = tpu.vector_load %arg7[%get3A_404, %get3A_405] {strides = array<i32>} : memref<320x128xf32, #tpu.memory_space<vmem>>, vector<1x16xf32>,
      %get3A_407 = vector.shape_cast %get3A_406 : vector<1x16xf32> to vector<16xf32>
      %add3A_408 = arith.addf %add3A_352, %get3A_407 : vector<16xf32>
      %add3A_409 = arith.constant 6 : i32
      %add3A_410 = arith.addi %mul3A_48, %add3A_409 : i32
      %get3A_411 = arith.index_cast %add3A_410 : i32 to index
      %get3A_412 = arith.constant 112 : index
      %get3A_413 = tpu.vector_load %arg7[%get3A_411, %get3A_412] {strides = array<i32>} : memref<320x128xf32, #tpu.memory_space<vmem>>, vector<1x16xf32>,
      %get3A_414 = vector.shape_cast %get3A_413 : vector<1x16xf32> to vector<16xf32>
      %add3A_415 = arith.addf %add3A_359, %get3A_414 : vector<16xf32>
      %add3A_416 = arith.constant 7 : i32
      %add3A_417 = arith.addi %mul3A_48, %add3A_416 : i32
      %get3A_418 = arith.index_cast %add3A_417 : i32 to index
      %get3A_419 = arith.constant 0 : index
      %get3A_420 = tpu.vector_load %arg7[%get3A_418, %get3A_419] {strides = array<i32>} : memref<320x128xf32, #tpu.memory_space<vmem>>, vector<1x16xf32>,
      %get3A_421 = vector.shape_cast %get3A_420 : vector<1x16xf32> to vector<16xf32>
      %add3A_422 = arith.addf %add3A_366, %get3A_421 : vector<16xf32>
      %add3A_423 = arith.constant 7 : i32
      %add3A_424 = arith.addi %mul3A_48, %add3A_423 : i32
      %get3A_425 = arith.index_cast %add3A_424 : i32 to index
      %get3A_426 = arith.constant 16 : index
      %get3A_427 = tpu.vector_load %arg7[%get3A_425, %get3A_426] {strides = array<i32>} : memref<320x128xf32, #tpu.memory_space<vmem>>, vector<1x16xf32>,
      %get3A_428 = vector.shape_cast %get3A_427 : vector<1x16xf32> to vector<16xf32>
      %add3A_429 = arith.addf %add3A_373, %get3A_428 : vector<16xf32>
      %add3A_430 = arith.constant 7 : i32
      %add3A_431 = arith.addi %mul3A_48, %add3A_430 : i32
      %get3A_432 = arith.index_cast %add3A_431 : i32 to index
      %get3A_433 = arith.constant 32 : index
      %get3A_434 = tpu.vector_load %arg7[%get3A_432, %get3A_433] {strides = array<i32>} : memref<320x128xf32, #tpu.memory_space<vmem>>, vector<1x16xf32>,
      %get3A_435 = vector.shape_cast %get3A_434 : vector<1x16xf32> to vector<16xf32>
      %add3A_436 = arith.addf %add3A_380, %get3A_435 : vector<16xf32>
      %add3A_437 = arith.constant 7 : i32
      %add3A_438 = arith.addi %mul3A_48, %add3A_437 : i32
      %get3A_439 = arith.index_cast %add3A_438 : i32 to index
      %get3A_440 = arith.constant 48 : index
      %get3A_441 = tpu.vector_load %arg7[%get3A_439, %get3A_440] {strides = array<i32>} : memref<320x128xf32, #tpu.memory_space<vmem>>, vector<1x16xf32>,
      %get3A_442 = vector.shape_cast %get3A_441 : vector<1x16xf32> to vector<16xf32>
      %add3A_443 = arith.addf %add3A_387, %get3A_442 : vector<16xf32>
      %add3A_444 = arith.constant 7 : i32
      %add3A_445 = arith.addi %mul3A_48, %add3A_444 : i32
      %get3A_446 = arith.index_cast %add3A_445 : i32 to index
      %get3A_447 = arith.constant 64 : index
      %get3A_448 = tpu.vector_load %arg7[%get3A_446, %get3A_447] {strides = array<i32>} : memref<320x128xf32, #tpu.memory_space<vmem>>, vector<1x16xf32>,
      %get3A_449 = vector.shape_cast %get3A_448 : vector<1x16xf32> to vector<16xf32>
      %add3A_450 = arith.addf %add3A_394, %get3A_449 : vector<16xf32>
      %add3A_451 = arith.constant 7 : i32
      %add3A_452 = arith.addi %mul3A_48, %add3A_451 : i32
      %get3A_453 = arith.index_cast %add3A_452 : i32 to index
      %get3A_454 = arith.constant 80 : index
      %get3A_455 = tpu.vector_load %arg7[%get3A_453, %get3A_454] {strides = array<i32>} : memref<320x128xf32, #tpu.memory_space<vmem>>, vector<1x16xf32>,
      %get3A_456 = vector.shape_cast %get3A_455 : vector<1x16xf32> to vector<16xf32>
      %add3A_457 = arith.addf %add3A_401, %get3A_456 : vector<16xf32>
      %add3A_458 = arith.constant 7 : i32
      %add3A_459 = arith.addi %mul3A_48, %add3A_458 : i32
      %get3A_460 = arith.index_cast %add3A_459 : i32 to index
      %get3A_461 = arith.constant 96 : index
      %get3A_462 = tpu.vector_load %arg7[%get3A_460, %get3A_461] {strides = array<i32>} : memref<320x128xf32, #tpu.memory_space<vmem>>, vector<1x16xf32>,
      %get3A_463 = vector.shape_cast %get3A_462 : vector<1x16xf32> to vector<16xf32>
      %add3A_464 = arith.addf %add3A_408, %get3A_463 : vector<16xf32>
      %add3A_465 = arith.constant 7 : i32
      %add3A_466 = arith.addi %mul3A_48, %add3A_465 : i32
      %get3A_467 = arith.index_cast %add3A_466 : i32 to index
      %get3A_468 = arith.constant 112 : index
      %get3A_469 = tpu.vector_load %arg7[%get3A_467, %get3A_468] {strides = array<i32>} : memref<320x128xf32, #tpu.memory_space<vmem>>, vector<1x16xf32>,
      %get3A_470 = vector.shape_cast %get3A_469 : vector<1x16xf32> to vector<16xf32>
      %add3A_471 = arith.addf %add3A_415, %get3A_470 : vector<16xf32>
      %add3A_472 = arith.constant 8 : i32
      %add3A_473 = arith.addi %mul3A_48, %add3A_472 : i32
      %get3A_474 = arith.index_cast %add3A_473 : i32 to index
      %get3A_475 = arith.constant 0 : index
      %get3A_476 = tpu.vector_load %arg7[%get3A_474, %get3A_475] {strides = array<i32>} : memref<320x128xf32, #tpu.memory_space<vmem>>, vector<1x16xf32>,
      %get3A_477 = vector.shape_cast %get3A_476 : vector<1x16xf32> to vector<16xf32>
      %add3A_478 = arith.addf %add3A_422, %get3A_477 : vector<16xf32>
      %add3A_479 = arith.constant 8 : i32
      %add3A_480 = arith.addi %mul3A_48, %add3A_479 : i32
      %get3A_481 = arith.index_cast %add3A_480 : i32 to index
      %get3A_482 = arith.constant 16 : index
      %get3A_483 = tpu.vector_load %arg7[%get3A_481, %get3A_482] {strides = array<i32>} : memref<320x128xf32, #tpu.memory_space<vmem>>, vector<1x16xf32>,
      %get3A_484 = vector.shape_cast %get3A_483 : vector<1x16xf32> to vector<16xf32>
      %add3A_485 = arith.addf %add3A_429, %get3A_484 : vector<16xf32>
      %add3A_486 = arith.constant 8 : i32
      %add3A_487 = arith.addi %mul3A_48, %add3A_486 : i32
      %get3A_488 = arith.index_cast %add3A_487 : i32 to index
      %get3A_489 = arith.constant 32 : index
      %get3A_490 = tpu.vector_load %arg7[%get3A_488, %get3A_489] {strides = array<i32>} : memref<320x128xf32, #tpu.memory_space<vmem>>, vector<1x16xf32>,
      %get3A_491 = vector.shape_cast %get3A_490 : vector<1x16xf32> to vector<16xf32>
      %add3A_492 = arith.addf %add3A_436, %get3A_491 : vector<16xf32>
      %add3A_493 = arith.constant 8 : i32
      %add3A_494 = arith.addi %mul3A_48, %add3A_493 : i32
      %get3A_495 = arith.index_cast %add3A_494 : i32 to index
      %get3A_496 = arith.constant 48 : index
      %get3A_497 = tpu.vector_load %arg7[%get3A_495, %get3A_496] {strides = array<i32>} : memref<320x128xf32, #tpu.memory_space<vmem>>, vector<1x16xf32>,
      %get3A_498 = vector.shape_cast %get3A_497 : vector<1x16xf32> to vector<16xf32>
      %add3A_499 = arith.addf %add3A_443, %get3A_498 : vector<16xf32>
      %add3A_500 = arith.constant 8 : i32
      %add3A_501 = arith.addi %mul3A_48, %add3A_500 : i32
      %get3A_502 = arith.index_cast %add3A_501 : i32 to index
      %get3A_503 = arith.constant 64 : index
      %get3A_504 = tpu.vector_load %arg7[%get3A_502, %get3A_503] {strides = array<i32>} : memref<320x128xf32, #tpu.memory_space<vmem>>, vector<1x16xf32>,
      %get3A_505 = vector.shape_cast %get3A_504 : vector<1x16xf32> to vector<16xf32>
      %add3A_506 = arith.addf %add3A_450, %get3A_505 : vector<16xf32>
      %add3A_507 = arith.constant 8 : i32
      %add3A_508 = arith.addi %mul3A_48, %add3A_507 : i32
      %get3A_509 = arith.index_cast %add3A_508 : i32 to index
      %get3A_510 = arith.constant 80 : index
      %get3A_511 = tpu.vector_load %arg7[%get3A_509, %get3A_510] {strides = array<i32>} : memref<320x128xf32, #tpu.memory_space<vmem>>, vector<1x16xf32>,
      %get3A_512 = vector.shape_cast %get3A_511 : vector<1x16xf32> to vector<16xf32>
      %add3A_513 = arith.addf %add3A_457, %get3A_512 : vector<16xf32>
      %add3A_514 = arith.constant 8 : i32
      %add3A_515 = arith.addi %mul3A_48, %add3A_514 : i32
      %get3A_516 = arith.index_cast %add3A_515 : i32 to index
      %get3A_517 = arith.constant 96 : index
      %get3A_518 = tpu.vector_load %arg7[%get3A_516, %get3A_517] {strides = array<i32>} : memref<320x128xf32, #tpu.memory_space<vmem>>, vector<1x16xf32>,
      %get3A_519 = vector.shape_cast %get3A_518 : vector<1x16xf32> to vector<16xf32>
      %add3A_520 = arith.addf %add3A_464, %get3A_519 : vector<16xf32>
      %add3A_521 = arith.constant 8 : i32
      %add3A_522 = arith.addi %mul3A_48, %add3A_521 : i32
      %get3A_523 = arith.index_cast %add3A_522 : i32 to index
      %get3A_524 = arith.constant 112 : index
      %get3A_525 = tpu.vector_load %arg7[%get3A_523, %get3A_524] {strides = array<i32>} : memref<320x128xf32, #tpu.memory_space<vmem>>, vector<1x16xf32>,
      %get3A_526 = vector.shape_cast %get3A_525 : vector<1x16xf32> to vector<16xf32>
      %add3A_527 = arith.addf %add3A_471, %get3A_526 : vector<16xf32>
      %add3A_528 = arith.constant 9 : i32
      %add3A_529 = arith.addi %mul3A_48, %add3A_528 : i32
      %get3A_530 = arith.index_cast %add3A_529 : i32 to index
      %get3A_531 = arith.constant 0 : index
      %get3A_532 = tpu.vector_load %arg7[%get3A_530, %get3A_531] {strides = array<i32>} : memref<320x128xf32, #tpu.memory_space<vmem>>, vector<1x16xf32>,
      %get3A_533 = vector.shape_cast %get3A_532 : vector<1x16xf32> to vector<16xf32>
      %add3A_534 = arith.addf %add3A_478, %get3A_533 : vector<16xf32>
      %add3A_535 = arith.constant 9 : i32
      %add3A_536 = arith.addi %mul3A_48, %add3A_535 : i32
      %get3A_537 = arith.index_cast %add3A_536 : i32 to index
      %get3A_538 = arith.constant 16 : index
      %get3A_539 = tpu.vector_load %arg7[%get3A_537, %get3A_538] {strides = array<i32>} : memref<320x128xf32, #tpu.memory_space<vmem>>, vector<1x16xf32>,
      %get3A_540 = vector.shape_cast %get3A_539 : vector<1x16xf32> to vector<16xf32>
      %add3A_541 = arith.addf %add3A_485, %get3A_540 : vector<16xf32>
      %add3A_542 = arith.constant 9 : i32
      %add3A_543 = arith.addi %mul3A_48, %add3A_542 : i32
      %get3A_544 = arith.index_cast %add3A_543 : i32 to index
      %get3A_545 = arith.constant 32 : index
      %get3A_546 = tpu.vector_load %arg7[%get3A_544, %get3A_545] {strides = array<i32>} : memref<320x128xf32, #tpu.memory_space<vmem>>, vector<1x16xf32>,
      %get3A_547 = vector.shape_cast %get3A_546 : vector<1x16xf32> to vector<16xf32>
      %add3A_548 = arith.addf %add3A_492, %get3A_547 : vector<16xf32>
      %add3A_549 = arith.constant 9 : i32
      %add3A_550 = arith.addi %mul3A_48, %add3A_549 : i32
      %get3A_551 = arith.index_cast %add3A_550 : i32 to index
      %get3A_552 = arith.constant 48 : index
      %get3A_553 = tpu.vector_load %arg7[%get3A_551, %get3A_552] {strides = array<i32>} : memref<320x128xf32, #tpu.memory_space<vmem>>, vector<1x16xf32>,
      %get3A_554 = vector.shape_cast %get3A_553 : vector<1x16xf32> to vector<16xf32>
      %add3A_555 = arith.addf %add3A_499, %get3A_554 : vector<16xf32>
      %add3A_556 = arith.constant 9 : i32
      %add3A_557 = arith.addi %mul3A_48, %add3A_556 : i32
      %get3A_558 = arith.index_cast %add3A_557 : i32 to index
      %get3A_559 = arith.constant 64 : index
      %get3A_560 = tpu.vector_load %arg7[%get3A_558, %get3A_559] {strides = array<i32>} : memref<320x128xf32, #tpu.memory_space<vmem>>, vector<1x16xf32>,
      %get3A_561 = vector.shape_cast %get3A_560 : vector<1x16xf32> to vector<16xf32>
      %add3A_562 = arith.addf %add3A_506, %get3A_561 : vector<16xf32>
      %add3A_563 = arith.constant 9 : i32
      %add3A_564 = arith.addi %mul3A_48, %add3A_563 : i32
      %get3A_565 = arith.index_cast %add3A_564 : i32 to index
      %get3A_566 = arith.constant 80 : index
      %get3A_567 = tpu.vector_load %arg7[%get3A_565, %get3A_566] {strides = array<i32>} : memref<320x128xf32, #tpu.memory_space<vmem>>, vector<1x16xf32>,
      %get3A_568 = vector.shape_cast %get3A_567 : vector<1x16xf32> to vector<16xf32>
      %add3A_569 = arith.addf %add3A_513, %get3A_568 : vector<16xf32>
      %add3A_570 = arith.constant 9 : i32
      %add3A_571 = arith.addi %mul3A_48, %add3A_570 : i32
      %get3A_572 = arith.index_cast %add3A_571 : i32 to index
      %get3A_573 = arith.constant 96 : index
      %get3A_574 = tpu.vector_load %arg7[%get3A_572, %get3A_573] {strides = array<i32>} : memref<320x128xf32, #tpu.memory_space<vmem>>, vector<1x16xf32>,
      %get3A_575 = vector.shape_cast %get3A_574 : vector<1x16xf32> to vector<16xf32>
      %add3A_576 = arith.addf %add3A_520, %get3A_575 : vector<16xf32>
      %add3A_577 = arith.constant 9 : i32
      %add3A_578 = arith.addi %mul3A_48, %add3A_577 : i32
      %get3A_579 = arith.index_cast %add3A_578 : i32 to index
      %get3A_580 = arith.constant 112 : index
      %get3A_581 = tpu.vector_load %arg7[%get3A_579, %get3A_580] {strides = array<i32>} : memref<320x128xf32, #tpu.memory_space<vmem>>, vector<1x16xf32>,
      %get3A_582 = vector.shape_cast %get3A_581 : vector<1x16xf32> to vector<16xf32>
      %add3A_583 = arith.addf %add3A_527, %get3A_582 : vector<16xf32>
      %add3A_584 = arith.constant 10 : i32
      %add3A_585 = arith.addi %mul3A_48, %add3A_584 : i32
      %get3A_586 = arith.index_cast %add3A_585 : i32 to index
      %get3A_587 = arith.constant 0 : index
      %get3A_588 = tpu.vector_load %arg7[%get3A_586, %get3A_587] {strides = array<i32>} : memref<320x128xf32, #tpu.memory_space<vmem>>, vector<1x16xf32>,
      %get3A_589 = vector.shape_cast %get3A_588 : vector<1x16xf32> to vector<16xf32>
      %add3A_590 = arith.addf %add3A_534, %get3A_589 : vector<16xf32>
      %add3A_591 = arith.constant 10 : i32
      %add3A_592 = arith.addi %mul3A_48, %add3A_591 : i32
      %get3A_593 = arith.index_cast %add3A_592 : i32 to index
      %get3A_594 = arith.constant 16 : index
      %get3A_595 = tpu.vector_load %arg7[%get3A_593, %get3A_594] {strides = array<i32>} : memref<320x128xf32, #tpu.memory_space<vmem>>, vector<1x16xf32>,
      %get3A_596 = vector.shape_cast %get3A_595 : vector<1x16xf32> to vector<16xf32>
      %add3A_597 = arith.addf %add3A_541, %get3A_596 : vector<16xf32>
      %add3A_598 = arith.constant 10 : i32
      %add3A_599 = arith.addi %mul3A_48, %add3A_598 : i32
      %get3A_600 = arith.index_cast %add3A_599 : i32 to index
      %get3A_601 = arith.constant 32 : index
      %get3A_602 = tpu.vector_load %arg7[%get3A_600, %get3A_601] {strides = array<i32>} : memref<320x128xf32, #tpu.memory_space<vmem>>, vector<1x16xf32>,
      %get3A_603 = vector.shape_cast %get3A_602 : vector<1x16xf32> to vector<16xf32>
      %add3A_604 = arith.addf %add3A_548, %get3A_603 : vector<16xf32>
      %add3A_605 = arith.constant 10 : i32
      %add3A_606 = arith.addi %mul3A_48, %add3A_605 : i32
      %get3A_607 = arith.index_cast %add3A_606 : i32 to index
      %get3A_608 = arith.constant 48 : index
      %get3A_609 = tpu.vector_load %arg7[%get3A_607, %get3A_608] {strides = array<i32>} : memref<320x128xf32, #tpu.memory_space<vmem>>, vector<1x16xf32>,
      %get3A_610 = vector.shape_cast %get3A_609 : vector<1x16xf32> to vector<16xf32>
      %add3A_611 = arith.addf %add3A_555, %get3A_610 : vector<16xf32>
      %add3A_612 = arith.constant 10 : i32
      %add3A_613 = arith.addi %mul3A_48, %add3A_612 : i32
      %get3A_614 = arith.index_cast %add3A_613 : i32 to index
      %get3A_615 = arith.constant 64 : index
      %get3A_616 = tpu.vector_load %arg7[%get3A_614, %get3A_615] {strides = array<i32>} : memref<320x128xf32, #tpu.memory_space<vmem>>, vector<1x16xf32>,
      %get3A_617 = vector.shape_cast %get3A_616 : vector<1x16xf32> to vector<16xf32>
      %add3A_618 = arith.addf %add3A_562, %get3A_617 : vector<16xf32>
      %add3A_619 = arith.constant 10 : i32
      %add3A_620 = arith.addi %mul3A_48, %add3A_619 : i32
      %get3A_621 = arith.index_cast %add3A_620 : i32 to index
      %get3A_622 = arith.constant 80 : index
      %get3A_623 = tpu.vector_load %arg7[%get3A_621, %get3A_622] {strides = array<i32>} : memref<320x128xf32, #tpu.memory_space<vmem>>, vector<1x16xf32>,
      %get3A_624 = vector.shape_cast %get3A_623 : vector<1x16xf32> to vector<16xf32>
      %add3A_625 = arith.addf %add3A_569, %get3A_624 : vector<16xf32>
      %add3A_626 = arith.constant 10 : i32
      %add3A_627 = arith.addi %mul3A_48, %add3A_626 : i32
      %get3A_628 = arith.index_cast %add3A_627 : i32 to index
      %get3A_629 = arith.constant 96 : index
      %get3A_630 = tpu.vector_load %arg7[%get3A_628, %get3A_629] {strides = array<i32>} : memref<320x128xf32, #tpu.memory_space<vmem>>, vector<1x16xf32>,
      %get3A_631 = vector.shape_cast %get3A_630 : vector<1x16xf32> to vector<16xf32>
      %add3A_632 = arith.addf %add3A_576, %get3A_631 : vector<16xf32>
      %add3A_633 = arith.constant 10 : i32
      %add3A_634 = arith.addi %mul3A_48, %add3A_633 : i32
      %get3A_635 = arith.index_cast %add3A_634 : i32 to index
      %get3A_636 = arith.constant 112 : index
      %get3A_637 = tpu.vector_load %arg7[%get3A_635, %get3A_636] {strides = array<i32>} : memref<320x128xf32, #tpu.memory_space<vmem>>, vector<1x16xf32>,
      %get3A_638 = vector.shape_cast %get3A_637 : vector<1x16xf32> to vector<16xf32>
      %add3A_639 = arith.addf %add3A_583, %get3A_638 : vector<16xf32>
      %add3A_640 = arith.constant 11 : i32
      %add3A_641 = arith.addi %mul3A_48, %add3A_640 : i32
      %get3A_642 = arith.index_cast %add3A_641 : i32 to index
      %get3A_643 = arith.constant 0 : index
      %get3A_644 = tpu.vector_load %arg7[%get3A_642, %get3A_643] {strides = array<i32>} : memref<320x128xf32, #tpu.memory_space<vmem>>, vector<1x16xf32>,
      %get3A_645 = vector.shape_cast %get3A_644 : vector<1x16xf32> to vector<16xf32>
      %add3A_646 = arith.addf %add3A_590, %get3A_645 : vector<16xf32>
      %add3A_647 = arith.constant 11 : i32
      %add3A_648 = arith.addi %mul3A_48, %add3A_647 : i32
      %get3A_649 = arith.index_cast %add3A_648 : i32 to index
      %get3A_650 = arith.constant 16 : index
      %get3A_651 = tpu.vector_load %arg7[%get3A_649, %get3A_650] {strides = array<i32>} : memref<320x128xf32, #tpu.memory_space<vmem>>, vector<1x16xf32>,
      %get3A_652 = vector.shape_cast %get3A_651 : vector<1x16xf32> to vector<16xf32>
      %add3A_653 = arith.addf %add3A_597, %get3A_652 : vector<16xf32>
      %add3A_654 = arith.constant 11 : i32
      %add3A_655 = arith.addi %mul3A_48, %add3A_654 : i32
      %get3A_656 = arith.index_cast %add3A_655 : i32 to index
      %get3A_657 = arith.constant 32 : index
      %get3A_658 = tpu.vector_load %arg7[%get3A_656, %get3A_657] {strides = array<i32>} : memref<320x128xf32, #tpu.memory_space<vmem>>, vector<1x16xf32>,
      %get3A_659 = vector.shape_cast %get3A_658 : vector<1x16xf32> to vector<16xf32>
      %add3A_660 = arith.addf %add3A_604, %get3A_659 : vector<16xf32>
      %add3A_661 = arith.constant 11 : i32
      %add3A_662 = arith.addi %mul3A_48, %add3A_661 : i32
      %get3A_663 = arith.index_cast %add3A_662 : i32 to index
      %get3A_664 = arith.constant 48 : index
      %get3A_665 = tpu.vector_load %arg7[%get3A_663, %get3A_664] {strides = array<i32>} : memref<320x128xf32, #tpu.memory_space<vmem>>, vector<1x16xf32>,
      %get3A_666 = vector.shape_cast %get3A_665 : vector<1x16xf32> to vector<16xf32>
      %add3A_667 = arith.addf %add3A_611, %get3A_666 : vector<16xf32>
      %add3A_668 = arith.constant 11 : i32
      %add3A_669 = arith.addi %mul3A_48, %add3A_668 : i32
      %get3A_670 = arith.index_cast %add3A_669 : i32 to index
      %get3A_671 = arith.constant 64 : index
      %get3A_672 = tpu.vector_load %arg7[%get3A_670, %get3A_671] {strides = array<i32>} : memref<320x128xf32, #tpu.memory_space<vmem>>, vector<1x16xf32>,
      %get3A_673 = vector.shape_cast %get3A_672 : vector<1x16xf32> to vector<16xf32>
      %add3A_674 = arith.addf %add3A_618, %get3A_673 : vector<16xf32>
      %add3A_675 = arith.constant 11 : i32
      %add3A_676 = arith.addi %mul3A_48, %add3A_675 : i32
      %get3A_677 = arith.index_cast %add3A_676 : i32 to index
      %get3A_678 = arith.constant 80 : index
      %get3A_679 = tpu.vector_load %arg7[%get3A_677, %get3A_678] {strides = array<i32>} : memref<320x128xf32, #tpu.memory_space<vmem>>, vector<1x16xf32>,
      %get3A_680 = vector.shape_cast %get3A_679 : vector<1x16xf32> to vector<16xf32>
      %add3A_681 = arith.addf %add3A_625, %get3A_680 : vector<16xf32>
      %add3A_682 = arith.constant 11 : i32
      %add3A_683 = arith.addi %mul3A_48, %add3A_682 : i32
      %get3A_684 = arith.index_cast %add3A_683 : i32 to index
      %get3A_685 = arith.constant 96 : index
      %get3A_686 = tpu.vector_load %arg7[%get3A_684, %get3A_685] {strides = array<i32>} : memref<320x128xf32, #tpu.memory_space<vmem>>, vector<1x16xf32>,
      %get3A_687 = vector.shape_cast %get3A_686 : vector<1x16xf32> to vector<16xf32>
      %add3A_688 = arith.addf %add3A_632, %get3A_687 : vector<16xf32>
      %add3A_689 = arith.constant 11 : i32
      %add3A_690 = arith.addi %mul3A_48, %add3A_689 : i32
      %get3A_691 = arith.index_cast %add3A_690 : i32 to index
      %get3A_692 = arith.constant 112 : index
      %get3A_693 = tpu.vector_load %arg7[%get3A_691, %get3A_692] {strides = array<i32>} : memref<320x128xf32, #tpu.memory_space<vmem>>, vector<1x16xf32>,
      %get3A_694 = vector.shape_cast %get3A_693 : vector<1x16xf32> to vector<16xf32>
      %add3A_695 = arith.addf %add3A_639, %get3A_694 : vector<16xf32>
      %add3A_696 = arith.constant 12 : i32
      %add3A_697 = arith.addi %mul3A_48, %add3A_696 : i32
      %get3A_698 = arith.index_cast %add3A_697 : i32 to index
      %get3A_699 = arith.constant 0 : index
      %get3A_700 = tpu.vector_load %arg7[%get3A_698, %get3A_699] {strides = array<i32>} : memref<320x128xf32, #tpu.memory_space<vmem>>, vector<1x16xf32>,
      %get3A_701 = vector.shape_cast %get3A_700 : vector<1x16xf32> to vector<16xf32>
      %add3A_702 = arith.addf %add3A_646, %get3A_701 : vector<16xf32>
      %add3A_703 = arith.constant 12 : i32
      %add3A_704 = arith.addi %mul3A_48, %add3A_703 : i32
      %get3A_705 = arith.index_cast %add3A_704 : i32 to index
      %get3A_706 = arith.constant 16 : index
      %get3A_707 = tpu.vector_load %arg7[%get3A_705, %get3A_706] {strides = array<i32>} : memref<320x128xf32, #tpu.memory_space<vmem>>, vector<1x16xf32>,
      %get3A_708 = vector.shape_cast %get3A_707 : vector<1x16xf32> to vector<16xf32>
      %add3A_709 = arith.addf %add3A_653, %get3A_708 : vector<16xf32>
      %add3A_710 = arith.constant 12 : i32
      %add3A_711 = arith.addi %mul3A_48, %add3A_710 : i32
      %get3A_712 = arith.index_cast %add3A_711 : i32 to index
      %get3A_713 = arith.constant 32 : index
      %get3A_714 = tpu.vector_load %arg7[%get3A_712, %get3A_713] {strides = array<i32>} : memref<320x128xf32, #tpu.memory_space<vmem>>, vector<1x16xf32>,
      %get3A_715 = vector.shape_cast %get3A_714 : vector<1x16xf32> to vector<16xf32>
      %add3A_716 = arith.addf %add3A_660, %get3A_715 : vector<16xf32>
      %add3A_717 = arith.constant 12 : i32
      %add3A_718 = arith.addi %mul3A_48, %add3A_717 : i32
      %get3A_719 = arith.index_cast %add3A_718 : i32 to index
      %get3A_720 = arith.constant 48 : index
      %get3A_721 = tpu.vector_load %arg7[%get3A_719, %get3A_720] {strides = array<i32>} : memref<320x128xf32, #tpu.memory_space<vmem>>, vector<1x16xf32>,
      %get3A_722 = vector.shape_cast %get3A_721 : vector<1x16xf32> to vector<16xf32>
      %add3A_723 = arith.addf %add3A_667, %get3A_722 : vector<16xf32>
      %add3A_724 = arith.constant 12 : i32
      %add3A_725 = arith.addi %mul3A_48, %add3A_724 : i32
      %get3A_726 = arith.index_cast %add3A_725 : i32 to index
      %get3A_727 = arith.constant 64 : index
      %get3A_728 = tpu.vector_load %arg7[%get3A_726, %get3A_727] {strides = array<i32>} : memref<320x128xf32, #tpu.memory_space<vmem>>, vector<1x16xf32>,
      %get3A_729 = vector.shape_cast %get3A_728 : vector<1x16xf32> to vector<16xf32>
      %add3A_730 = arith.addf %add3A_674, %get3A_729 : vector<16xf32>
      %add3A_731 = arith.constant 12 : i32
      %add3A_732 = arith.addi %mul3A_48, %add3A_731 : i32
      %get3A_733 = arith.index_cast %add3A_732 : i32 to index
      %get3A_734 = arith.constant 80 : index
      %get3A_735 = tpu.vector_load %arg7[%get3A_733, %get3A_734] {strides = array<i32>} : memref<320x128xf32, #tpu.memory_space<vmem>>, vector<1x16xf32>,
      %get3A_736 = vector.shape_cast %get3A_735 : vector<1x16xf32> to vector<16xf32>
      %add3A_737 = arith.addf %add3A_681, %get3A_736 : vector<16xf32>
      %add3A_738 = arith.constant 12 : i32
      %add3A_739 = arith.addi %mul3A_48, %add3A_738 : i32
      %get3A_740 = arith.index_cast %add3A_739 : i32 to index
      %get3A_741 = arith.constant 96 : index
      %get3A_742 = tpu.vector_load %arg7[%get3A_740, %get3A_741] {strides = array<i32>} : memref<320x128xf32, #tpu.memory_space<vmem>>, vector<1x16xf32>,
      %get3A_743 = vector.shape_cast %get3A_742 : vector<1x16xf32> to vector<16xf32>
      %add3A_744 = arith.addf %add3A_688, %get3A_743 : vector<16xf32>
      %add3A_745 = arith.constant 12 : i32
      %add3A_746 = arith.addi %mul3A_48, %add3A_745 : i32
      %get3A_747 = arith.index_cast %add3A_746 : i32 to index
      %get3A_748 = arith.constant 112 : index
      %get3A_749 = tpu.vector_load %arg7[%get3A_747, %get3A_748] {strides = array<i32>} : memref<320x128xf32, #tpu.memory_space<vmem>>, vector<1x16xf32>,
      %get3A_750 = vector.shape_cast %get3A_749 : vector<1x16xf32> to vector<16xf32>
      %add3A_751 = arith.addf %add3A_695, %get3A_750 : vector<16xf32>
      %add3A_752 = arith.constant 13 : i32
      %add3A_753 = arith.addi %mul3A_48, %add3A_752 : i32
      %get3A_754 = arith.index_cast %add3A_753 : i32 to index
      %get3A_755 = arith.constant 0 : index
      %get3A_756 = tpu.vector_load %arg7[%get3A_754, %get3A_755] {strides = array<i32>} : memref<320x128xf32, #tpu.memory_space<vmem>>, vector<1x16xf32>,
      %get3A_757 = vector.shape_cast %get3A_756 : vector<1x16xf32> to vector<16xf32>
      %add3A_758 = arith.addf %add3A_702, %get3A_757 : vector<16xf32>
      %add3A_759 = arith.constant 13 : i32
      %add3A_760 = arith.addi %mul3A_48, %add3A_759 : i32
      %get3A_761 = arith.index_cast %add3A_760 : i32 to index
      %get3A_762 = arith.constant 16 : index
      %get3A_763 = tpu.vector_load %arg7[%get3A_761, %get3A_762] {strides = array<i32>} : memref<320x128xf32, #tpu.memory_space<vmem>>, vector<1x16xf32>,
      %get3A_764 = vector.shape_cast %get3A_763 : vector<1x16xf32> to vector<16xf32>
      %add3A_765 = arith.addf %add3A_709, %get3A_764 : vector<16xf32>
      %add3A_766 = arith.constant 13 : i32
      %add3A_767 = arith.addi %mul3A_48, %add3A_766 : i32
      %get3A_768 = arith.index_cast %add3A_767 : i32 to index
      %get3A_769 = arith.constant 32 : index
      %get3A_770 = tpu.vector_load %arg7[%get3A_768, %get3A_769] {strides = array<i32>} : memref<320x128xf32, #tpu.memory_space<vmem>>, vector<1x16xf32>,
      %get3A_771 = vector.shape_cast %get3A_770 : vector<1x16xf32> to vector<16xf32>
      %add3A_772 = arith.addf %add3A_716, %get3A_771 : vector<16xf32>
      %add3A_773 = arith.constant 13 : i32
      %add3A_774 = arith.addi %mul3A_48, %add3A_773 : i32
      %get3A_775 = arith.index_cast %add3A_774 : i32 to index
      %get3A_776 = arith.constant 48 : index
      %get3A_777 = tpu.vector_load %arg7[%get3A_775, %get3A_776] {strides = array<i32>} : memref<320x128xf32, #tpu.memory_space<vmem>>, vector<1x16xf32>,
      %get3A_778 = vector.shape_cast %get3A_777 : vector<1x16xf32> to vector<16xf32>
      %add3A_779 = arith.addf %add3A_723, %get3A_778 : vector<16xf32>
      %add3A_780 = arith.constant 13 : i32
      %add3A_781 = arith.addi %mul3A_48, %add3A_780 : i32
      %get3A_782 = arith.index_cast %add3A_781 : i32 to index
      %get3A_783 = arith.constant 64 : index
      %get3A_784 = tpu.vector_load %arg7[%get3A_782, %get3A_783] {strides = array<i32>} : memref<320x128xf32, #tpu.memory_space<vmem>>, vector<1x16xf32>,
      %get3A_785 = vector.shape_cast %get3A_784 : vector<1x16xf32> to vector<16xf32>
      %add3A_786 = arith.addf %add3A_730, %get3A_785 : vector<16xf32>
      %add3A_787 = arith.constant 13 : i32
      %add3A_788 = arith.addi %mul3A_48, %add3A_787 : i32
      %get3A_789 = arith.index_cast %add3A_788 : i32 to index
      %get3A_790 = arith.constant 80 : index
      %get3A_791 = tpu.vector_load %arg7[%get3A_789, %get3A_790] {strides = array<i32>} : memref<320x128xf32, #tpu.memory_space<vmem>>, vector<1x16xf32>,
      %get3A_792 = vector.shape_cast %get3A_791 : vector<1x16xf32> to vector<16xf32>
      %add3A_793 = arith.addf %add3A_737, %get3A_792 : vector<16xf32>
      %add3A_794 = arith.constant 13 : i32
      %add3A_795 = arith.addi %mul3A_48, %add3A_794 : i32
      %get3A_796 = arith.index_cast %add3A_795 : i32 to index
      %get3A_797 = arith.constant 96 : index
      %get3A_798 = tpu.vector_load %arg7[%get3A_796, %get3A_797] {strides = array<i32>} : memref<320x128xf32, #tpu.memory_space<vmem>>, vector<1x16xf32>,
      %get3A_799 = vector.shape_cast %get3A_798 : vector<1x16xf32> to vector<16xf32>
      %add3A_800 = arith.addf %add3A_744, %get3A_799 : vector<16xf32>
      %add3A_801 = arith.constant 13 : i32
      %add3A_802 = arith.addi %mul3A_48, %add3A_801 : i32
      %get3A_803 = arith.index_cast %add3A_802 : i32 to index
      %get3A_804 = arith.constant 112 : index
      %get3A_805 = tpu.vector_load %arg7[%get3A_803, %get3A_804] {strides = array<i32>} : memref<320x128xf32, #tpu.memory_space<vmem>>, vector<1x16xf32>,
      %get3A_806 = vector.shape_cast %get3A_805 : vector<1x16xf32> to vector<16xf32>
      %add3A_807 = arith.addf %add3A_751, %get3A_806 : vector<16xf32>
      %add3A_808 = arith.constant 14 : i32
      %add3A_809 = arith.addi %mul3A_48, %add3A_808 : i32
      %get3A_810 = arith.index_cast %add3A_809 : i32 to index
      %get3A_811 = arith.constant 0 : index
      %get3A_812 = tpu.vector_load %arg7[%get3A_810, %get3A_811] {strides = array<i32>} : memref<320x128xf32, #tpu.memory_space<vmem>>, vector<1x16xf32>,
      %get3A_813 = vector.shape_cast %get3A_812 : vector<1x16xf32> to vector<16xf32>
      %add3A_814 = arith.addf %add3A_758, %get3A_813 : vector<16xf32>
      %add3A_815 = arith.constant 14 : i32
      %add3A_816 = arith.addi %mul3A_48, %add3A_815 : i32
      %get3A_817 = arith.index_cast %add3A_816 : i32 to index
      %get3A_818 = arith.constant 16 : index
      %get3A_819 = tpu.vector_load %arg7[%get3A_817, %get3A_818] {strides = array<i32>} : memref<320x128xf32, #tpu.memory_space<vmem>>, vector<1x16xf32>,
      %get3A_820 = vector.shape_cast %get3A_819 : vector<1x16xf32> to vector<16xf32>
      %add3A_821 = arith.addf %add3A_765, %get3A_820 : vector<16xf32>
      %add3A_822 = arith.constant 14 : i32
      %add3A_823 = arith.addi %mul3A_48, %add3A_822 : i32
      %get3A_824 = arith.index_cast %add3A_823 : i32 to index
      %get3A_825 = arith.constant 32 : index
      %get3A_826 = tpu.vector_load %arg7[%get3A_824, %get3A_825] {strides = array<i32>} : memref<320x128xf32, #tpu.memory_space<vmem>>, vector<1x16xf32>,
      %get3A_827 = vector.shape_cast %get3A_826 : vector<1x16xf32> to vector<16xf32>
      %add3A_828 = arith.addf %add3A_772, %get3A_827 : vector<16xf32>
      %add3A_829 = arith.constant 14 : i32
      %add3A_830 = arith.addi %mul3A_48, %add3A_829 : i32
      %get3A_831 = arith.index_cast %add3A_830 : i32 to index
      %get3A_832 = arith.constant 48 : index
      %get3A_833 = tpu.vector_load %arg7[%get3A_831, %get3A_832] {strides = array<i32>} : memref<320x128xf32, #tpu.memory_space<vmem>>, vector<1x16xf32>,
      %get3A_834 = vector.shape_cast %get3A_833 : vector<1x16xf32> to vector<16xf32>
      %add3A_835 = arith.addf %add3A_779, %get3A_834 : vector<16xf32>
      %add3A_836 = arith.constant 14 : i32
      %add3A_837 = arith.addi %mul3A_48, %add3A_836 : i32
      %get3A_838 = arith.index_cast %add3A_837 : i32 to index
      %get3A_839 = arith.constant 64 : index
      %get3A_840 = tpu.vector_load %arg7[%get3A_838, %get3A_839] {strides = array<i32>} : memref<320x128xf32, #tpu.memory_space<vmem>>, vector<1x16xf32>,
      %get3A_841 = vector.shape_cast %get3A_840 : vector<1x16xf32> to vector<16xf32>
      %add3A_842 = arith.addf %add3A_786, %get3A_841 : vector<16xf32>
      %add3A_843 = arith.constant 14 : i32
      %add3A_844 = arith.addi %mul3A_48, %add3A_843 : i32
      %get3A_845 = arith.index_cast %add3A_844 : i32 to index
      %get3A_846 = arith.constant 80 : index
      %get3A_847 = tpu.vector_load %arg7[%get3A_845, %get3A_846] {strides = array<i32>} : memref<320x128xf32, #tpu.memory_space<vmem>>, vector<1x16xf32>,
      %get3A_848 = vector.shape_cast %get3A_847 : vector<1x16xf32> to vector<16xf32>
      %add3A_849 = arith.addf %add3A_793, %get3A_848 : vector<16xf32>
      %add3A_850 = arith.constant 14 : i32
      %add3A_851 = arith.addi %mul3A_48, %add3A_850 : i32
      %get3A_852 = arith.index_cast %add3A_851 : i32 to index
      %get3A_853 = arith.constant 96 : index
      %get3A_854 = tpu.vector_load %arg7[%get3A_852, %get3A_853] {strides = array<i32>} : memref<320x128xf32, #tpu.memory_space<vmem>>, vector<1x16xf32>,
      %get3A_855 = vector.shape_cast %get3A_854 : vector<1x16xf32> to vector<16xf32>
      %add3A_856 = arith.addf %add3A_800, %get3A_855 : vector<16xf32>
      %add3A_857 = arith.constant 14 : i32
      %add3A_858 = arith.addi %mul3A_48, %add3A_857 : i32
      %get3A_859 = arith.index_cast %add3A_858 : i32 to index
      %get3A_860 = arith.constant 112 : index
      %get3A_861 = tpu.vector_load %arg7[%get3A_859, %get3A_860] {strides = array<i32>} : memref<320x128xf32, #tpu.memory_space<vmem>>, vector<1x16xf32>,
      %get3A_862 = vector.shape_cast %get3A_861 : vector<1x16xf32> to vector<16xf32>
      %add3A_863 = arith.addf %add3A_807, %get3A_862 : vector<16xf32>
      %add3A_864 = arith.constant 15 : i32
      %add3A_865 = arith.addi %mul3A_48, %add3A_864 : i32
      %get3A_866 = arith.index_cast %add3A_865 : i32 to index
      %get3A_867 = arith.constant 0 : index
      %get3A_868 = tpu.vector_load %arg7[%get3A_866, %get3A_867] {strides = array<i32>} : memref<320x128xf32, #tpu.memory_space<vmem>>, vector<1x16xf32>,
      %get3A_869 = vector.shape_cast %get3A_868 : vector<1x16xf32> to vector<16xf32>
      %add3A_870 = arith.addf %add3A_814, %get3A_869 : vector<16xf32>
      %add3A_871 = arith.constant 15 : i32
      %add3A_872 = arith.addi %mul3A_48, %add3A_871 : i32
      %get3A_873 = arith.index_cast %add3A_872 : i32 to index
      %get3A_874 = arith.constant 16 : index
      %get3A_875 = tpu.vector_load %arg7[%get3A_873, %get3A_874] {strides = array<i32>} : memref<320x128xf32, #tpu.memory_space<vmem>>, vector<1x16xf32>,
      %get3A_876 = vector.shape_cast %get3A_875 : vector<1x16xf32> to vector<16xf32>
      %add3A_877 = arith.addf %add3A_821, %get3A_876 : vector<16xf32>
      %add3A_878 = arith.constant 15 : i32
      %add3A_879 = arith.addi %mul3A_48, %add3A_878 : i32
      %get3A_880 = arith.index_cast %add3A_879 : i32 to index
      %get3A_881 = arith.constant 32 : index
      %get3A_882 = tpu.vector_load %arg7[%get3A_880, %get3A_881] {strides = array<i32>} : memref<320x128xf32, #tpu.memory_space<vmem>>, vector<1x16xf32>,
      %get3A_883 = vector.shape_cast %get3A_882 : vector<1x16xf32> to vector<16xf32>
      %add3A_884 = arith.addf %add3A_828, %get3A_883 : vector<16xf32>
      %add3A_885 = arith.constant 15 : i32
      %add3A_886 = arith.addi %mul3A_48, %add3A_885 : i32
      %get3A_887 = arith.index_cast %add3A_886 : i32 to index
      %get3A_888 = arith.constant 48 : index
      %get3A_889 = tpu.vector_load %arg7[%get3A_887, %get3A_888] {strides = array<i32>} : memref<320x128xf32, #tpu.memory_space<vmem>>, vector<1x16xf32>,
      %get3A_890 = vector.shape_cast %get3A_889 : vector<1x16xf32> to vector<16xf32>
      %add3A_891 = arith.addf %add3A_835, %get3A_890 : vector<16xf32>
      %add3A_892 = arith.constant 15 : i32
      %add3A_893 = arith.addi %mul3A_48, %add3A_892 : i32
      %get3A_894 = arith.index_cast %add3A_893 : i32 to index
      %get3A_895 = arith.constant 64 : index
      %get3A_896 = tpu.vector_load %arg7[%get3A_894, %get3A_895] {strides = array<i32>} : memref<320x128xf32, #tpu.memory_space<vmem>>, vector<1x16xf32>,
      %get3A_897 = vector.shape_cast %get3A_896 : vector<1x16xf32> to vector<16xf32>
      %add3A_898 = arith.addf %add3A_842, %get3A_897 : vector<16xf32>
      %add3A_899 = arith.constant 15 : i32
      %add3A_900 = arith.addi %mul3A_48, %add3A_899 : i32
      %get3A_901 = arith.index_cast %add3A_900 : i32 to index
      %get3A_902 = arith.constant 80 : index
      %get3A_903 = tpu.vector_load %arg7[%get3A_901, %get3A_902] {strides = array<i32>} : memref<320x128xf32, #tpu.memory_space<vmem>>, vector<1x16xf32>,
      %get3A_904 = vector.shape_cast %get3A_903 : vector<1x16xf32> to vector<16xf32>
      %add3A_905 = arith.addf %add3A_849, %get3A_904 : vector<16xf32>
      %add3A_906 = arith.constant 15 : i32
      %add3A_907 = arith.addi %mul3A_48, %add3A_906 : i32
      %get3A_908 = arith.index_cast %add3A_907 : i32 to index
      %get3A_909 = arith.constant 96 : index
      %get3A_910 = tpu.vector_load %arg7[%get3A_908, %get3A_909] {strides = array<i32>} : memref<320x128xf32, #tpu.memory_space<vmem>>, vector<1x16xf32>,
      %get3A_911 = vector.shape_cast %get3A_910 : vector<1x16xf32> to vector<16xf32>
      %add3A_912 = arith.addf %add3A_856, %get3A_911 : vector<16xf32>
      %add3A_913 = arith.constant 15 : i32
      %add3A_914 = arith.addi %mul3A_48, %add3A_913 : i32
      %get3A_915 = arith.index_cast %add3A_914 : i32 to index
      %get3A_916 = arith.constant 112 : index
      %get3A_917 = tpu.vector_load %arg7[%get3A_915, %get3A_916] {strides = array<i32>} : memref<320x128xf32, #tpu.memory_space<vmem>>, vector<1x16xf32>,
      %get3A_918 = vector.shape_cast %get3A_917 : vector<1x16xf32> to vector<16xf32>
      %add3A_919 = arith.addf %add3A_863, %get3A_918 : vector<16xf32>
      %add3A_920 = arith.constant 16 : i32
      %add3A_921 = arith.addi %mul3A_48, %add3A_920 : i32
      %get3A_922 = arith.index_cast %add3A_921 : i32 to index
      %get3A_923 = arith.constant 0 : index
      %get3A_924 = tpu.vector_load %arg7[%get3A_922, %get3A_923] {strides = array<i32>} : memref<320x128xf32, #tpu.memory_space<vmem>>, vector<1x16xf32>,
      %get3A_925 = vector.shape_cast %get3A_924 : vector<1x16xf32> to vector<16xf32>
      %add3A_926 = arith.addf %add3A_870, %get3A_925 : vector<16xf32>
      %add3A_927 = arith.constant 16 : i32
      %add3A_928 = arith.addi %mul3A_48, %add3A_927 : i32
      %get3A_929 = arith.index_cast %add3A_928 : i32 to index
      %get3A_930 = arith.constant 16 : index
      %get3A_931 = tpu.vector_load %arg7[%get3A_929, %get3A_930] {strides = array<i32>} : memref<320x128xf32, #tpu.memory_space<vmem>>, vector<1x16xf32>,
      %get3A_932 = vector.shape_cast %get3A_931 : vector<1x16xf32> to vector<16xf32>
      %add3A_933 = arith.addf %add3A_877, %get3A_932 : vector<16xf32>
      %add3A_934 = arith.constant 16 : i32
      %add3A_935 = arith.addi %mul3A_48, %add3A_934 : i32
      %get3A_936 = arith.index_cast %add3A_935 : i32 to index
      %get3A_937 = arith.constant 32 : index
      %get3A_938 = tpu.vector_load %arg7[%get3A_936, %get3A_937] {strides = array<i32>} : memref<320x128xf32, #tpu.memory_space<vmem>>, vector<1x16xf32>,
      %get3A_939 = vector.shape_cast %get3A_938 : vector<1x16xf32> to vector<16xf32>
      %add3A_940 = arith.addf %add3A_884, %get3A_939 : vector<16xf32>
      %add3A_941 = arith.constant 16 : i32
      %add3A_942 = arith.addi %mul3A_48, %add3A_941 : i32
      %get3A_943 = arith.index_cast %add3A_942 : i32 to index
      %get3A_944 = arith.constant 48 : index
      %get3A_945 = tpu.vector_load %arg7[%get3A_943, %get3A_944] {strides = array<i32>} : memref<320x128xf32, #tpu.memory_space<vmem>>, vector<1x16xf32>,
      %get3A_946 = vector.shape_cast %get3A_945 : vector<1x16xf32> to vector<16xf32>
      %add3A_947 = arith.addf %add3A_891, %get3A_946 : vector<16xf32>
      %add3A_948 = arith.constant 16 : i32
      %add3A_949 = arith.addi %mul3A_48, %add3A_948 : i32
      %get3A_950 = arith.index_cast %add3A_949 : i32 to index
      %get3A_951 = arith.constant 64 : index
      %get3A_952 = tpu.vector_load %arg7[%get3A_950, %get3A_951] {strides = array<i32>} : memref<320x128xf32, #tpu.memory_space<vmem>>, vector<1x16xf32>,
      %get3A_953 = vector.shape_cast %get3A_952 : vector<1x16xf32> to vector<16xf32>
      %add3A_954 = arith.addf %add3A_898, %get3A_953 : vector<16xf32>
      %add3A_955 = arith.constant 16 : i32
      %add3A_956 = arith.addi %mul3A_48, %add3A_955 : i32
      %get3A_957 = arith.index_cast %add3A_956 : i32 to index
      %get3A_958 = arith.constant 80 : index
      %get3A_959 = tpu.vector_load %arg7[%get3A_957, %get3A_958] {strides = array<i32>} : memref<320x128xf32, #tpu.memory_space<vmem>>, vector<1x16xf32>,
      %get3A_960 = vector.shape_cast %get3A_959 : vector<1x16xf32> to vector<16xf32>
      %add3A_961 = arith.addf %add3A_905, %get3A_960 : vector<16xf32>
      %add3A_962 = arith.constant 16 : i32
      %add3A_963 = arith.addi %mul3A_48, %add3A_962 : i32
      %get3A_964 = arith.index_cast %add3A_963 : i32 to index
      %get3A_965 = arith.constant 96 : index
      %get3A_966 = tpu.vector_load %arg7[%get3A_964, %get3A_965] {strides = array<i32>} : memref<320x128xf32, #tpu.memory_space<vmem>>, vector<1x16xf32>,
      %get3A_967 = vector.shape_cast %get3A_966 : vector<1x16xf32> to vector<16xf32>
      %add3A_968 = arith.addf %add3A_912, %get3A_967 : vector<16xf32>
      %add3A_969 = arith.constant 16 : i32
      %add3A_970 = arith.addi %mul3A_48, %add3A_969 : i32
      %get3A_971 = arith.index_cast %add3A_970 : i32 to index
      %get3A_972 = arith.constant 112 : index
      %get3A_973 = tpu.vector_load %arg7[%get3A_971, %get3A_972] {strides = array<i32>} : memref<320x128xf32, #tpu.memory_space<vmem>>, vector<1x16xf32>,
      %get3A_974 = vector.shape_cast %get3A_973 : vector<1x16xf32> to vector<16xf32>
      %add3A_975 = arith.addf %add3A_919, %get3A_974 : vector<16xf32>
      %add3A_976 = arith.constant 17 : i32
      %add3A_977 = arith.addi %mul3A_48, %add3A_976 : i32
      %get3A_978 = arith.index_cast %add3A_977 : i32 to index
      %get3A_979 = arith.constant 0 : index
      %get3A_980 = tpu.vector_load %arg7[%get3A_978, %get3A_979] {strides = array<i32>} : memref<320x128xf32, #tpu.memory_space<vmem>>, vector<1x16xf32>,
      %get3A_981 = vector.shape_cast %get3A_980 : vector<1x16xf32> to vector<16xf32>
      %add3A_982 = arith.addf %add3A_926, %get3A_981 : vector<16xf32>
      %add3A_983 = arith.constant 17 : i32
      %add3A_984 = arith.addi %mul3A_48, %add3A_983 : i32
      %get3A_985 = arith.index_cast %add3A_984 : i32 to index
      %get3A_986 = arith.constant 16 : index
      %get3A_987 = tpu.vector_load %arg7[%get3A_985, %get3A_986] {strides = array<i32>} : memref<320x128xf32, #tpu.memory_space<vmem>>, vector<1x16xf32>,
      %get3A_988 = vector.shape_cast %get3A_987 : vector<1x16xf32> to vector<16xf32>
      %add3A_989 = arith.addf %add3A_933, %get3A_988 : vector<16xf32>
      %add3A_990 = arith.constant 17 : i32
      %add3A_991 = arith.addi %mul3A_48, %add3A_990 : i32
      %get3A_992 = arith.index_cast %add3A_991 : i32 to index
      %get3A_993 = arith.constant 32 : index
      %get3A_994 = tpu.vector_load %arg7[%get3A_992, %get3A_993] {strides = array<i32>} : memref<320x128xf32, #tpu.memory_space<vmem>>, vector<1x16xf32>,
      %get3A_995 = vector.shape_cast %get3A_994 : vector<1x16xf32> to vector<16xf32>
      %add3A_996 = arith.addf %add3A_940, %get3A_995 : vector<16xf32>
      %add3A_997 = arith.constant 17 : i32
      %add3A_998 = arith.addi %mul3A_48, %add3A_997 : i32
      %get3A_999 = arith.index_cast %add3A_998 : i32 to index
      %get3A_1000 = arith.constant 48 : index
      %get3A_1001 = tpu.vector_load %arg7[%get3A_999, %get3A_1000] {strides = array<i32>} : memref<320x128xf32, #tpu.memory_space<vmem>>, vector<1x16xf32>,
      %get3A_1002 = vector.shape_cast %get3A_1001 : vector<1x16xf32> to vector<16xf32>
      %add3A_1003 = arith.addf %add3A_947, %get3A_1002 : vector<16xf32>
      %add3A_1004 = arith.constant 17 : i32
      %add3A_1005 = arith.addi %mul3A_48, %add3A_1004 : i32
      %get3A_1006 = arith.index_cast %add3A_1005 : i32 to index
      %get3A_1007 = arith.constant 64 : index
      %get3A_1008 = tpu.vector_load %arg7[%get3A_1006, %get3A_1007] {strides = array<i32>} : memref<320x128xf32, #tpu.memory_space<vmem>>, vector<1x16xf32>,
      %get3A_1009 = vector.shape_cast %get3A_1008 : vector<1x16xf32> to vector<16xf32>
      %add3A_1010 = arith.addf %add3A_954, %get3A_1009 : vector<16xf32>
      %add3A_1011 = arith.constant 17 : i32
      %add3A_1012 = arith.addi %mul3A_48, %add3A_1011 : i32
      %get3A_1013 = arith.index_cast %add3A_1012 : i32 to index
      %get3A_1014 = arith.constant 80 : index
      %get3A_1015 = tpu.vector_load %arg7[%get3A_1013, %get3A_1014] {strides = array<i32>} : memref<320x128xf32, #tpu.memory_space<vmem>>, vector<1x16xf32>,
      %get3A_1016 = vector.shape_cast %get3A_1015 : vector<1x16xf32> to vector<16xf32>
      %add3A_1017 = arith.addf %add3A_961, %get3A_1016 : vector<16xf32>
      %add3A_1018 = arith.constant 17 : i32
      %add3A_1019 = arith.addi %mul3A_48, %add3A_1018 : i32
      %get3A_1020 = arith.index_cast %add3A_1019 : i32 to index
      %get3A_1021 = arith.constant 96 : index
      %get3A_1022 = tpu.vector_load %arg7[%get3A_1020, %get3A_1021] {strides = array<i32>} : memref<320x128xf32, #tpu.memory_space<vmem>>, vector<1x16xf32>,
      %get3A_1023 = vector.shape_cast %get3A_1022 : vector<1x16xf32> to vector<16xf32>
      %add3A_1024 = arith.addf %add3A_968, %get3A_1023 : vector<16xf32>
      %add3A_1025 = arith.constant 17 : i32
      %add3A_1026 = arith.addi %mul3A_48, %add3A_1025 : i32
      %get3A_1027 = arith.index_cast %add3A_1026 : i32 to index
      %get3A_1028 = arith.constant 112 : index
      %get3A_1029 = tpu.vector_load %arg7[%get3A_1027, %get3A_1028] {strides = array<i32>} : memref<320x128xf32, #tpu.memory_space<vmem>>, vector<1x16xf32>,
      %get3A_1030 = vector.shape_cast %get3A_1029 : vector<1x16xf32> to vector<16xf32>
      %add3A_1031 = arith.addf %add3A_975, %get3A_1030 : vector<16xf32>
      %add3A_1032 = arith.constant 18 : i32
      %add3A_1033 = arith.addi %mul3A_48, %add3A_1032 : i32
      %get3A_1034 = arith.index_cast %add3A_1033 : i32 to index
      %get3A_1035 = arith.constant 0 : index
      %get3A_1036 = tpu.vector_load %arg7[%get3A_1034, %get3A_1035] {strides = array<i32>} : memref<320x128xf32, #tpu.memory_space<vmem>>, vector<1x16xf32>,
      %get3A_1037 = vector.shape_cast %get3A_1036 : vector<1x16xf32> to vector<16xf32>
      %add3A_1038 = arith.addf %add3A_982, %get3A_1037 : vector<16xf32>
      %add3A_1039 = arith.constant 18 : i32
      %add3A_1040 = arith.addi %mul3A_48, %add3A_1039 : i32
      %get3A_1041 = arith.index_cast %add3A_1040 : i32 to index
      %get3A_1042 = arith.constant 16 : index
      %get3A_1043 = tpu.vector_load %arg7[%get3A_1041, %get3A_1042] {strides = array<i32>} : memref<320x128xf32, #tpu.memory_space<vmem>>, vector<1x16xf32>,
      %get3A_1044 = vector.shape_cast %get3A_1043 : vector<1x16xf32> to vector<16xf32>
      %add3A_1045 = arith.addf %add3A_989, %get3A_1044 : vector<16xf32>
      %add3A_1046 = arith.constant 18 : i32
      %add3A_1047 = arith.addi %mul3A_48, %add3A_1046 : i32
      %get3A_1048 = arith.index_cast %add3A_1047 : i32 to index
      %get3A_1049 = arith.constant 32 : index
      %get3A_1050 = tpu.vector_load %arg7[%get3A_1048, %get3A_1049] {strides = array<i32>} : memref<320x128xf32, #tpu.memory_space<vmem>>, vector<1x16xf32>,
      %get3A_1051 = vector.shape_cast %get3A_1050 : vector<1x16xf32> to vector<16xf32>
      %add3A_1052 = arith.addf %add3A_996, %get3A_1051 : vector<16xf32>
      %add3A_1053 = arith.constant 18 : i32
      %add3A_1054 = arith.addi %mul3A_48, %add3A_1053 : i32
      %get3A_1055 = arith.index_cast %add3A_1054 : i32 to index
      %get3A_1056 = arith.constant 48 : index
      %get3A_1057 = tpu.vector_load %arg7[%get3A_1055, %get3A_1056] {strides = array<i32>} : memref<320x128xf32, #tpu.memory_space<vmem>>, vector<1x16xf32>,
      %get3A_1058 = vector.shape_cast %get3A_1057 : vector<1x16xf32> to vector<16xf32>
      %add3A_1059 = arith.addf %add3A_1003, %get3A_1058 : vector<16xf32>
      %add3A_1060 = arith.constant 18 : i32
      %add3A_1061 = arith.addi %mul3A_48, %add3A_1060 : i32
      %get3A_1062 = arith.index_cast %add3A_1061 : i32 to index
      %get3A_1063 = arith.constant 64 : index
      %get3A_1064 = tpu.vector_load %arg7[%get3A_1062, %get3A_1063] {strides = array<i32>} : memref<320x128xf32, #tpu.memory_space<vmem>>, vector<1x16xf32>,
      %get3A_1065 = vector.shape_cast %get3A_1064 : vector<1x16xf32> to vector<16xf32>
      %add3A_1066 = arith.addf %add3A_1010, %get3A_1065 : vector<16xf32>
      %add3A_1067 = arith.constant 18 : i32
      %add3A_1068 = arith.addi %mul3A_48, %add3A_1067 : i32
      %get3A_1069 = arith.index_cast %add3A_1068 : i32 to index
      %get3A_1070 = arith.constant 80 : index
      %get3A_1071 = tpu.vector_load %arg7[%get3A_1069, %get3A_1070] {strides = array<i32>} : memref<320x128xf32, #tpu.memory_space<vmem>>, vector<1x16xf32>,
      %get3A_1072 = vector.shape_cast %get3A_1071 : vector<1x16xf32> to vector<16xf32>
      %add3A_1073 = arith.addf %add3A_1017, %get3A_1072 : vector<16xf32>
      %add3A_1074 = arith.constant 18 : i32
      %add3A_1075 = arith.addi %mul3A_48, %add3A_1074 : i32
      %get3A_1076 = arith.index_cast %add3A_1075 : i32 to index
      %get3A_1077 = arith.constant 96 : index
      %get3A_1078 = tpu.vector_load %arg7[%get3A_1076, %get3A_1077] {strides = array<i32>} : memref<320x128xf32, #tpu.memory_space<vmem>>, vector<1x16xf32>,
      %get3A_1079 = vector.shape_cast %get3A_1078 : vector<1x16xf32> to vector<16xf32>
      %add3A_1080 = arith.addf %add3A_1024, %get3A_1079 : vector<16xf32>
      %add3A_1081 = arith.constant 18 : i32
      %add3A_1082 = arith.addi %mul3A_48, %add3A_1081 : i32
      %get3A_1083 = arith.index_cast %add3A_1082 : i32 to index
      %get3A_1084 = arith.constant 112 : index
      %get3A_1085 = tpu.vector_load %arg7[%get3A_1083, %get3A_1084] {strides = array<i32>} : memref<320x128xf32, #tpu.memory_space<vmem>>, vector<1x16xf32>,
      %get3A_1086 = vector.shape_cast %get3A_1085 : vector<1x16xf32> to vector<16xf32>
      %add3A_1087 = arith.addf %add3A_1031, %get3A_1086 : vector<16xf32>
      %add3A_1088 = arith.constant 19 : i32
      %add3A_1089 = arith.addi %mul3A_48, %add3A_1088 : i32
      %get3A_1090 = arith.index_cast %add3A_1089 : i32 to index
      %get3A_1091 = arith.constant 0 : index
      %get3A_1092 = tpu.vector_load %arg7[%get3A_1090, %get3A_1091] {strides = array<i32>} : memref<320x128xf32, #tpu.memory_space<vmem>>, vector<1x16xf32>,
      %get3A_1093 = vector.shape_cast %get3A_1092 : vector<1x16xf32> to vector<16xf32>
      %add3A_1094 = arith.addf %add3A_1038, %get3A_1093 : vector<16xf32>
      %add3A_1095 = arith.constant 19 : i32
      %add3A_1096 = arith.addi %mul3A_48, %add3A_1095 : i32
      %get3A_1097 = arith.index_cast %add3A_1096 : i32 to index
      %get3A_1098 = arith.constant 16 : index
      %get3A_1099 = tpu.vector_load %arg7[%get3A_1097, %get3A_1098] {strides = array<i32>} : memref<320x128xf32, #tpu.memory_space<vmem>>, vector<1x16xf32>,
      %get3A_1100 = vector.shape_cast %get3A_1099 : vector<1x16xf32> to vector<16xf32>
      %add3A_1101 = arith.addf %add3A_1045, %get3A_1100 : vector<16xf32>
      %add3A_1102 = arith.constant 19 : i32
      %add3A_1103 = arith.addi %mul3A_48, %add3A_1102 : i32
      %get3A_1104 = arith.index_cast %add3A_1103 : i32 to index
      %get3A_1105 = arith.constant 32 : index
      %get3A_1106 = tpu.vector_load %arg7[%get3A_1104, %get3A_1105] {strides = array<i32>} : memref<320x128xf32, #tpu.memory_space<vmem>>, vector<1x16xf32>,
      %get3A_1107 = vector.shape_cast %get3A_1106 : vector<1x16xf32> to vector<16xf32>
      %add3A_1108 = arith.addf %add3A_1052, %get3A_1107 : vector<16xf32>
      %add3A_1109 = arith.constant 19 : i32
      %add3A_1110 = arith.addi %mul3A_48, %add3A_1109 : i32
      %get3A_1111 = arith.index_cast %add3A_1110 : i32 to index
      %get3A_1112 = arith.constant 48 : index
      %get3A_1113 = tpu.vector_load %arg7[%get3A_1111, %get3A_1112] {strides = array<i32>} : memref<320x128xf32, #tpu.memory_space<vmem>>, vector<1x16xf32>,
      %get3A_1114 = vector.shape_cast %get3A_1113 : vector<1x16xf32> to vector<16xf32>
      %add3A_1115 = arith.addf %add3A_1059, %get3A_1114 : vector<16xf32>
      %add3A_1116 = arith.constant 19 : i32
      %add3A_1117 = arith.addi %mul3A_48, %add3A_1116 : i32
      %get3A_1118 = arith.index_cast %add3A_1117 : i32 to index
      %get3A_1119 = arith.constant 64 : index
      %get3A_1120 = tpu.vector_load %arg7[%get3A_1118, %get3A_1119] {strides = array<i32>} : memref<320x128xf32, #tpu.memory_space<vmem>>, vector<1x16xf32>,
      %get3A_1121 = vector.shape_cast %get3A_1120 : vector<1x16xf32> to vector<16xf32>
      %add3A_1122 = arith.addf %add3A_1066, %get3A_1121 : vector<16xf32>
      %add3A_1123 = arith.constant 19 : i32
      %add3A_1124 = arith.addi %mul3A_48, %add3A_1123 : i32
      %get3A_1125 = arith.index_cast %add3A_1124 : i32 to index
      %get3A_1126 = arith.constant 80 : index
      %get3A_1127 = tpu.vector_load %arg7[%get3A_1125, %get3A_1126] {strides = array<i32>} : memref<320x128xf32, #tpu.memory_space<vmem>>, vector<1x16xf32>,
      %get3A_1128 = vector.shape_cast %get3A_1127 : vector<1x16xf32> to vector<16xf32>
      %add3A_1129 = arith.addf %add3A_1073, %get3A_1128 : vector<16xf32>
      %add3A_1130 = arith.constant 19 : i32
      %add3A_1131 = arith.addi %mul3A_48, %add3A_1130 : i32
      %get3A_1132 = arith.index_cast %add3A_1131 : i32 to index
      %get3A_1133 = arith.constant 96 : index
      %get3A_1134 = tpu.vector_load %arg7[%get3A_1132, %get3A_1133] {strides = array<i32>} : memref<320x128xf32, #tpu.memory_space<vmem>>, vector<1x16xf32>,
      %get3A_1135 = vector.shape_cast %get3A_1134 : vector<1x16xf32> to vector<16xf32>
      %add3A_1136 = arith.addf %add3A_1080, %get3A_1135 : vector<16xf32>
      %add3A_1137 = arith.constant 19 : i32
      %add3A_1138 = arith.addi %mul3A_48, %add3A_1137 : i32
      %get3A_1139 = arith.index_cast %add3A_1138 : i32 to index
      %get3A_1140 = arith.constant 112 : index
      %get3A_1141 = tpu.vector_load %arg7[%get3A_1139, %get3A_1140] {strides = array<i32>} : memref<320x128xf32, #tpu.memory_space<vmem>>, vector<1x16xf32>,
      %get3A_1142 = vector.shape_cast %get3A_1141 : vector<1x16xf32> to vector<16xf32>
      %add3A_1143 = arith.addf %add3A_1087, %get3A_1142 : vector<16xf32>
      %mul3A_1144 = arith.constant 5.000000e-02 : f32
      %mul3A_1145 = vector.broadcast %mul3A_1144 : f32 to vector<16xf32>
      %mul3A_1146 = arith.mulf %add3A_1094, %mul3A_1145 : vector<16xf32>
      %swap3A = arith.index_cast %scan3A_46 : i32 to index
      %swap3A_1147 = arith.constant 0 : index
      %swap3A_1148 = tpu.vector_load %arg8[%swap3A, %swap3A_1147] {strides = array<i32>} : memref<16x128xf32, #tpu.memory_space<vmem>>, vector<1x16xf32>,
      %swap3A_1149 = vector.shape_cast %swap3A_1148 : vector<1x16xf32> to vector<16xf32>
      %swap3A_1150 = vector.shape_cast %mul3A_1146 : vector<16xf32> to vector<1x16xf32>
      tpu.vector_store %arg8[%swap3A, %swap3A_1147], %swap3A_1150 {strides = array<i32>} : memref<16x128xf32, #tpu.memory_space<vmem>>, vector<1x16xf32>,
      %mul3A_1151 = arith.constant 5.000000e-02 : f32
      %mul3A_1152 = vector.broadcast %mul3A_1151 : f32 to vector<16xf32>
      %mul3A_1153 = arith.mulf %add3A_1101, %mul3A_1152 : vector<16xf32>
      %swap3A_1154 = arith.index_cast %scan3A_46 : i32 to index
      %swap3A_1155 = arith.constant 16 : index
      %swap3A_1156 = tpu.vector_load %arg8[%swap3A_1154, %swap3A_1155] {strides = array<i32>} : memref<16x128xf32, #tpu.memory_space<vmem>>, vector<1x16xf32>,
      %swap3A_1157 = vector.shape_cast %swap3A_1156 : vector<1x16xf32> to vector<16xf32>
      %swap3A_1158 = vector.shape_cast %mul3A_1153 : vector<16xf32> to vector<1x16xf32>
      tpu.vector_store %arg8[%swap3A_1154, %swap3A_1155], %swap3A_1158 {strides = array<i32>} : memref<16x128xf32, #tpu.memory_space<vmem>>, vector<1x16xf32>,
      %mul3A_1159 = arith.constant 5.000000e-02 : f32
      %mul3A_1160 = vector.broadcast %mul3A_1159 : f32 to vector<16xf32>
      %mul3A_1161 = arith.mulf %add3A_1108, %mul3A_1160 : vector<16xf32>
      %swap3A_1162 = arith.index_cast %scan3A_46 : i32 to index
      %swap3A_1163 = arith.constant 32 : index
      %swap3A_1164 = tpu.vector_load %arg8[%swap3A_1162, %swap3A_1163] {strides = array<i32>} : memref<16x128xf32, #tpu.memory_space<vmem>>, vector<1x16xf32>,
      %swap3A_1165 = vector.shape_cast %swap3A_1164 : vector<1x16xf32> to vector<16xf32>
      %swap3A_1166 = vector.shape_cast %mul3A_1161 : vector<16xf32> to vector<1x16xf32>
      tpu.vector_store %arg8[%swap3A_1162, %swap3A_1163], %swap3A_1166 {strides = array<i32>} : memref<16x128xf32, #tpu.memory_space<vmem>>, vector<1x16xf32>,
      %mul3A_1167 = arith.constant 5.000000e-02 : f32
      %mul3A_1168 = vector.broadcast %mul3A_1167 : f32 to vector<16xf32>
      %mul3A_1169 = arith.mulf %add3A_1115, %mul3A_1168 : vector<16xf32>
      %swap3A_1170 = arith.index_cast %scan3A_46 : i32 to index
      %swap3A_1171 = arith.constant 48 : index
      %swap3A_1172 = tpu.vector_load %arg8[%swap3A_1170, %swap3A_1171] {strides = array<i32>} : memref<16x128xf32, #tpu.memory_space<vmem>>, vector<1x16xf32>,
      %swap3A_1173 = vector.shape_cast %swap3A_1172 : vector<1x16xf32> to vector<16xf32>
      %swap3A_1174 = vector.shape_cast %mul3A_1169 : vector<16xf32> to vector<1x16xf32>
      tpu.vector_store %arg8[%swap3A_1170, %swap3A_1171], %swap3A_1174 {strides = array<i32>} : memref<16x128xf32, #tpu.memory_space<vmem>>, vector<1x16xf32>,
      %mul3A_1175 = arith.constant 5.000000e-02 : f32
      %mul3A_1176 = vector.broadcast %mul3A_1175 : f32 to vector<16xf32>
      %mul3A_1177 = arith.mulf %add3A_1122, %mul3A_1176 : vector<16xf32>
      %swap3A_1178 = arith.index_cast %scan3A_46 : i32 to index
      %swap3A_1179 = arith.constant 64 : index
      %swap3A_1180 = tpu.vector_load %arg8[%swap3A_1178, %swap3A_1179] {strides = array<i32>} : memref<16x128xf32, #tpu.memory_space<vmem>>, vector<1x16xf32>,
      %swap3A_1181 = vector.shape_cast %swap3A_1180 : vector<1x16xf32> to vector<16xf32>
      %swap3A_1182 = vector.shape_cast %mul3A_1177 : vector<16xf32> to vector<1x16xf32>
      tpu.vector_store %arg8[%swap3A_1178, %swap3A_1179], %swap3A_1182 {strides = array<i32>} : memref<16x128xf32, #tpu.memory_space<vmem>>, vector<1x16xf32>,
      %mul3A_1183 = arith.constant 5.000000e-02 : f32
      %mul3A_1184 = vector.broadcast %mul3A_1183 : f32 to vector<16xf32>
      %mul3A_1185 = arith.mulf %add3A_1129, %mul3A_1184 : vector<16xf32>
      %swap3A_1186 = arith.index_cast %scan3A_46 : i32 to index
      %swap3A_1187 = arith.constant 80 : index
      %swap3A_1188 = tpu.vector_load %arg8[%swap3A_1186, %swap3A_1187] {strides = array<i32>} : memref<16x128xf32, #tpu.memory_space<vmem>>, vector<1x16xf32>,
      %swap3A_1189 = vector.shape_cast %swap3A_1188 : vector<1x16xf32> to vector<16xf32>
      %swap3A_1190 = vector.shape_cast %mul3A_1185 : vector<16xf32> to vector<1x16xf32>
      tpu.vector_store %arg8[%swap3A_1186, %swap3A_1187], %swap3A_1190 {strides = array<i32>} : memref<16x128xf32, #tpu.memory_space<vmem>>, vector<1x16xf32>,
      %mul3A_1191 = arith.constant 5.000000e-02 : f32
      %mul3A_1192 = vector.broadcast %mul3A_1191 : f32 to vector<16xf32>
      %mul3A_1193 = arith.mulf %add3A_1136, %mul3A_1192 : vector<16xf32>
      %swap3A_1194 = arith.index_cast %scan3A_46 : i32 to index
      %swap3A_1195 = arith.constant 96 : index
      %swap3A_1196 = tpu.vector_load %arg8[%swap3A_1194, %swap3A_1195] {strides = array<i32>} : memref<16x128xf32, #tpu.memory_space<vmem>>, vector<1x16xf32>,
      %swap3A_1197 = vector.shape_cast %swap3A_1196 : vector<1x16xf32> to vector<16xf32>
      %swap3A_1198 = vector.shape_cast %mul3A_1193 : vector<16xf32> to vector<1x16xf32>
      tpu.vector_store %arg8[%swap3A_1194, %swap3A_1195], %swap3A_1198 {strides = array<i32>} : memref<16x128xf32, #tpu.memory_space<vmem>>, vector<1x16xf32>,
      %mul3A_1199 = arith.constant 5.000000e-02 : f32
      %mul3A_1200 = vector.broadcast %mul3A_1199 : f32 to vector<16xf32>
      %mul3A_1201 = arith.mulf %add3A_1143, %mul3A_1200 : vector<16xf32>
      %swap3A_1202 = arith.index_cast %scan3A_46 : i32 to index
      %swap3A_1203 = arith.constant 112 : index
      %swap3A_1204 = tpu.vector_load %arg8[%swap3A_1202, %swap3A_1203] {strides = array<i32>} : memref<16x128xf32, #tpu.memory_space<vmem>>, vector<1x16xf32>,
      %swap3A_1205 = vector.shape_cast %swap3A_1204 : vector<1x16xf32> to vector<16xf32>
      %swap3A_1206 = vector.shape_cast %mul3A_1201 : vector<16xf32> to vector<1x16xf32>
      tpu.vector_store %arg8[%swap3A_1202, %swap3A_1203], %swap3A_1206 {strides = array<i32>} : memref<16x128xf32, #tpu.memory_space<vmem>>, vector<1x16xf32>,
    }
    %scan3A_43 = arith.constant 16 : i32
    %add3A_44 = arith.constant 240 : i32
    %add3A_45 = arith.addi %mul3A_2, %add3A_44 : i32
    "tpu.region"() ({
      %run_scoped3A = tpu.sem_alloc : memref<!tpu.dma_semaphore, #tpu.memory_space<semaphore_mem>>
      %dma_start3A_46 = arith.constant 0 : i32
      %dma_start3A_47 = tpu.memref_slice %arg4[%add3A_45, %dma_start3A_46] : memref<8192x128xf32, #tpu.memory_space<hbm>> -> memref<16x128xf32, #tpu.memory_space<hbm>>
      %dma_start3A_48 = arith.constant 0 : i32
      %dma_start3A_49 = tpu.memref_slice %arg4[%add3A_45, %dma_start3A_48] : memref<8192x128xf32, #tpu.memory_space<hbm>> -> memref<16x128xf32, #tpu.memory_space<hbm>>
      tpu.enqueue_dma source(%arg8 : memref<16x128xf32, #tpu.memory_space<vmem>>) target(%dma_start3A_49 : memref<16x128xf32, #tpu.memory_space<hbm>>) target_semaphore(%run_scoped3A : memref<!tpu.dma_semaphore, #tpu.memory_space<semaphore_mem>>)
      %dma_wait3A_50 = arith.constant 0 : i32
      %dma_wait3A_51 = tpu.memref_slice %arg4[%add3A_45, %dma_wait3A_50] : memref<8192x128xf32, #tpu.memory_space<hbm>> -> memref<16x128xf32, #tpu.memory_space<hbm>>
      %dma_wait3A_52 = arith.constant 0 : i32
      %dma_wait3A_53 = tpu.memref_slice %arg4[%add3A_45, %dma_wait3A_52] : memref<8192x128xf32, #tpu.memory_space<hbm>> -> memref<16x128xf32, #tpu.memory_space<hbm>>
      tpu.wait_dma2 semaphore(%run_scoped3A : memref<!tpu.dma_semaphore, #tpu.memory_space<semaphore_mem>>) src(%arg8 : memref<16x128xf32, #tpu.memory_space<vmem>>) dst(%dma_wait3A_53 : memref<16x128xf32, #tpu.memory_space<hbm>>)
      tpu.yield
    }) : () -> ()
    return
  }
}

</mosaic_0001>

<sc_bundles>
// kernel: _sc_gather_mean.3.cloned.1.call-start
scs
__scs_entry_jumppad:
0x0: {  	(pc) =	sbr.rel $0x88, $3  }
0x1: {  	(tag) =	ssettag $0x0;
	lr =	simm.s32 $0x1  }
0x2: {  	[smem:$0x3F9F] =	sst lr;
	_ =	strace $0xD0000000  }
0x3: {  	_ = 	snop  }
0x4: {  	_ = 	snop  }
0x5: {  	_ = 	snop  }
0x6: {  	_ = 	snop  }
0x7: {  	_ = 	snop  }
__scs_overlays_trampoline_lowered:
0x8: {  	[smem:$0x3FAE] =	sst s0  }
0x9: {  	[smem:$0x3FAF] =	sst s1  }
0xa: {  	[smem:$0x3FB0] =	sst s2  }
0xb: {  	[smem:$0x3FB1] =	sst s3  }
0xc: {  	[smem:$0x3FB2] =	sst s4  }
0xd: {  	[smem:$0x3FB3] =	sst s5  }
0xe: {  	[smem:$0x3FB4] =	sst s6  }
0xf: {  	[smem:$0x3FB5] =	sst s7  }
0x10: {  	[smem:$0x3FB6] =	sst s8  }
0x11: {  	[smem:$0x3FB7] =	sst s9;
	s0 =	simm.s32 @!p0 $0x0  }
0x12: {  	s1 =	sld [smem:$0x3F9D];
	s0 =	simm.s32 @p0 $0x1  }
0x13: {  	[smem:$0x3FB8] =	sst s0;
	s0 =	simm.s32 @!p1 $0x0  }
0x14: {  	s2 =	sld [smem:$0x3F9C];
	s0 =	simm.s32 @p1 $0x1  }
0x15: {  	[smem:$0x3FB9] =	sst s0;
	s0 =	simm.s32 @!p2 $0x0  }
0x16: {  	s3 =	sld [smem:$0x3FDB];
	s0 =	simm.s32 @p2 $0x1  }
0x17: {  	s4 =	simm.s32 $0x1BF5;
	[smem:$0x3FBB] =	sst s0  }
0x18: {  	s0 =	sld [smem:$0x3F9E];
	_ =	swait.ge [sflag:s4], $0x0  }
0x19: {  	s7 =	sld [smem:$0x3F9F]  }
0x1a: {  	s8 =	sadd.s32 $0xFFFFE003, lr  }
0x1b: {  	s9 =	sadd.s32 $0xFFFFFEF7, lr;
	s5 =	simm.s32 $0xFFFFFFFF;
	p2 =	slt.u32 s8, $0xFFFFF086  }
0x1c: {  	p1 =	slt.u32 s9, $0xF7A;
	s5 =	simm.s32 @!p2 $0x0  }
0x1d: {  	s5 =	simm.s32 @p1 $0x1;
	p0 =	seq.s32 s7, s2  }
0x1e: {  	s7 =	smul.u32 @!p0 $0xF7A, s2;
	p2 =	seq.s32 @!p0 s5, $0x0  }
0x1f: {  	s9 =	smul.u32 $0xF7A, s1;
	s8 =	simm.s32 @!p0 $0x1BF5;
	p2 =	por !p2, p0  }
0x20: {  	[sflag:s8] =	ssyncset.s32 @!p0 $0xFFFFF086;
	s6 =	sadd.s32 @!p0 s3, s7;
	s7 =	simm.s32 @!p0 $0x108  }
0x21: {  	s3 =	sadd.s32 s3, s9;
	s6 =	sadd.s32 @!p0 $0x88, s6;
	s7 =	simm.s32 @p2 $0x1082  }
0x22: {  	[simem:s7], [sflag:s8] =	dma.local @!p0 [hbm:s6], $0xF7A  }
0x23: {  	s9 =	sor.u32 $0xD0000000, s2;
	s6 =	simm.s32 $0x108;
	_ =	swait.ge @!p0 [sflag:s8], $0x0  }
0x24: {  	s3 =	sadd.s32 $0x88, s3;
	s6 =	simm.s32 @!p1 $0x1082;
	[sflag:s4] =	ssyncset.s32 $0xFFFFF086  }
0x25: {  	[simem:s6], [sflag:s4] =	dma.local [hbm:s3], $0xF7A  }
0x26: {  	[smem:$0x3F9F] =	sst s1;
	(tag) =	ssettag s2;
	_ =	strace s9  }
0x27: {  	s1 =	sld [smem:$0x3FAF]  }
0x28: {  	s2 =	sld [smem:$0x3FB0]  }
0x29: {  	s4 =	sld [smem:$0x3FB2]  }
0x2a: {  	p0 =	seq.s32 s5, $0x0;
	s5 =	sld [smem:$0x3FB3]  }
0x2b: {  	s6 =	sld [smem:$0x3FB4]  }
0x2c: {  	s7 =	sld [smem:$0x3FB5]  }
0x2d: {  	s3 =	simm.s32 $0x108;
	s8 =	sld [smem:$0x3FB6]  }
0x2e: {  	s3 =	simm.s32 @!p0 $0x1082;
	s9 =	sld [smem:$0x3FB7]  }
0x2f: {  	lr =	sadd.s32 s0, s3;
	s0 =	sld [smem:$0x3FAE]  }
0x30: {  	s3 =	sld [smem:$0x3FB1]  }
0x31: {  	[smem:$0x3FBA] =	sst s10  }
0x32: {  	s10 =	sld [smem:$0x3FB8];
	_ =	sdelay $0x3  }
0x33: {  	p0 =	seq.s32 s10, $0x1;
	s10 =	sld [smem:$0x3FBA];
	_ =	sdelay $0x3  }
0x34: {  	[smem:$0x3FBA] =	sst s10  }
0x35: {  	s10 =	sld [smem:$0x3FB9];
	_ =	sdelay $0x3  }
0x36: {  	p1 =	seq.s32 s10, $0x1;
	s10 =	sld [smem:$0x3FBA];
	_ =	sdelay $0x3  }
0x37: {  	[smem:$0x3FBA] =	sst s10  }
0x38: {  	s10 =	sld [smem:$0x3FBB]  }
0x39: {  	_ = 	snop;
	(pc) =	sbr.ind lr, $3  }
0x3a: {  	_ = 	snop  }
0x3b: {  	_ = 	snop  }
0x3c: {  	p2 =	seq.s32 s10, $0x1;
	s10 =	sld [smem:$0x3FBA]  }
0x3d: {  	_ =	shalt  }
0x3e: {  	_ =	shalt  }
0x3f: {  	_ =	shalt  }
0x40: {  	_ =	shalt  }
0x41: {  	_ =	shalt  }
0x42: {  	_ =	shalt  }
0x43: {  	_ =	shalt  }
0x44: {  	_ =	shalt  }
0x45: {  	_ =	shalt  }
0x46: {  	_ =	shalt  }
0x47: {  	_ =	shalt  }
0x48: {  	_ =	shalt  }
0x49: {  	_ =	shalt  }
0x4a: {  	_ =	shalt  }
0x4b: {  	_ =	shalt  }
0x4c: {  	_ =	shalt  }
0x4d: {  	_ =	shalt  }
0x4e: {  	_ =	shalt  }
0x4f: {  	_ =	shalt  }
0x50: {  	_ =	shalt  }
0x51: {  	_ =	shalt  }
0x52: {  	_ =	shalt  }
0x53: {  	_ =	shalt  }
0x54: {  	_ =	shalt  }
0x55: {  	_ =	shalt  }
0x56: {  	_ =	shalt  }
0x57: {  	_ =	shalt  }
0x58: {  	_ =	shalt  }
0x59: {  	_ =	shalt  }
0x5a: {  	_ =	shalt  }
0x5b: {  	_ =	shalt  }
0x5c: {  	_ =	shalt  }
0x5d: {  	_ =	shalt  }
0x5e: {  	_ =	shalt  }
0x5f: {  	_ =	shalt  }
0x60: {  	_ =	shalt  }
0x61: {  	_ =	shalt  }
0x62: {  	_ =	shalt  }
0x63: {  	_ =	shalt  }
0x64: {  	_ =	shalt  }
0x65: {  	_ =	shalt  }
0x66: {  	_ =	shalt  }
0x67: {  	_ =	shalt  }
0x68: {  	_ =	shalt  }
0x69: {  	_ =	shalt  }
0x6a: {  	_ =	shalt  }
0x6b: {  	_ =	shalt  }
0x6c: {  	_ =	shalt  }
0x6d: {  	_ =	shalt  }
0x6e: {  	_ =	shalt  }
0x6f: {  	_ =	shalt  }
0x70: {  	_ =	shalt  }
0x71: {  	_ =	shalt  }
0x72: {  	_ =	shalt  }
0x73: {  	_ =	shalt  }
0x74: {  	_ =	shalt  }
0x75: {  	_ =	shalt  }
0x76: {  	_ =	shalt  }
0x77: {  	_ =	shalt  }
0x78: {  	_ =	shalt  }
0x79: {  	_ =	shalt  }
0x7a: {  	_ =	shalt  }
0x7b: {  	_ =	shalt  }
0x7c: {  	_ =	shalt  }
0x7d: {  	_ =	shalt  }
0x7e: {  	_ =	shalt  }
0x7f: {  	_ =	shalt  }
0x80: {  	_ =	shalt  }
0x81: {  	_ =	shalt  }
0x82: {  	_ =	shalt  }
0x83: {  	_ =	shalt  }
0x84: {  	_ =	shalt  }
0x85: {  	_ =	shalt  }
0x86: {  	_ =	shalt  }
0x87: {  	_ =	shalt  }
.Lfunc_end0:
.L_simem_size_0:
called_computation_lowered:
.L_overlay_start_0:
0x88: {  	s2 =	sld [smem:$0x3FD9]  }
0x89: {  	s3 =	sld [smem:$0x3FFE];
	_ =	sdelay $0x1  }
0x8a: {  	s1 =	srdreg.scid  }
0x8b: {  	s0 =	sand.u32 $0x1, s1  }
0x8c: {  	s18 =	sshll.u32 s0, $0xA;
	s2 =	sadd.s32 s3, s2  }
0x8d: {  	s2 =	sadd.s32 s2, s18  }
0x8e: {  	[smem:$0x3FC6] =	sst s2  }
0x8f: {  	_ = 	snop  }
0x90: {  	s2 =	sld [smem:$0x3FC9]  }
0x91: {  	s19 =	sld [smem:$0x3FC8]  }
0x92: {  	s4 =	sld [smem:$0x3FD0];
	(tm) =	ssettm $0x1  }
0x93: {  	s5 =	sld [smem:$0x3FFB];
	_ =	sdelay $0x3  }
0x94: {  	_ =	strace s5  }
0x95: {  	s5 =	sld [smem:$0x3FFC];
	_ =	sdelay $0x3  }
0x96: {  	_ =	strace s5  }
0x97: {  	s5 =	sld [smem:$0x3FFD];
	_ =	sdelay $0x3  }
0x98: {  	_ =	strace s5  }
0x99: {  	_ =	strace $0x8FFFFFFF  }
0x9a: {  	s20 =	sld [smem:$0x3FDB];
	_ =	sdelay $0x1  }
0x9b: {  	s6 =	simm.s32 $_scs_section_size  }
0x9c: {  	s7 =	simm.s32 $_size__tile_overlayer_lowered;
	s8 =	simm.s32 $_tile_overlayer_lowered  }
0x9d: {  	s23 =	simm.s32 $0x1BFF;
	s22 =	sshll.u32 s8, $0x1;
	s5 =	sadd.s32 s6, s20  }
0x9e: {  	s9 =	simm.s32 $0x0;
	s21 =	sshll.u32 s7, $0x1;
	s7 =	sadd.s32 s22, s5  }
0x9f: {  	[timem:s9], [sflag:s23] =	dma.local [hbm:s7], s21  }
0xa0: {  	_ =	swait.ge [sflag:s23], s21  }
0xa1: {  	s6 =	ssub.s32 $0x0, s21;
	[sflag:s23] =	ssyncset.done $0x0  }
0xa2: {  	[sflag:s23] =	ssyncadd.s32 s6;
	_ =	sdelay $0x1  }
0xa3: {  	s24 =	simm.s32 $0x1B8B  }
0xa4: {  	_ =	swait.ge [sflag:s24], $0x1  }
0xa5: {  	[sflag:s24] =	ssyncset.done $0x0  }
0xa6: {  	s25 =	simm.s32 $0x1B8E;
	[sflag:s24] =	ssyncadd.s32 $0xFFFFFFFF  }
0xa7: {  	s26 =	simm.s32 $execute0_lowered;
	[smem:$0x3FD2] =	sst s25  }
0xa8: {  	s6 =	sshll.u32 s26, $0x1;
	_ =	strace $0x80000046;
	[dreg:$0x1] =	wrdreg $0xFFFFFFFF  }
0xa9: {  	s28 =	simm.s32 $_size_execute0_lowered;
	s5 =	sadd.s32 s5, s6;
	[dreg:$0x0] =	wrdreg $0x0  }
0xaa: {  	s6 =	sshll.u32 s28, $0x1;
	[dreg:$0x2] =	wrdreg s5  }
0xab: {  	[dreg:$0x3] =	wrdreg s6  }
0xac: {  	[dreg:$0x4] =	wrdreg $0xC0  }
0xad: {  	_ =	task [dreg:s9], $0x5FFFF  }
0xae: {  	[dreg:$0x1] =	wrdreg $0xFFFFFFFF  }
0xaf: {  	[dreg:$0x0] =	wrdreg $0x60  }
0xb0: {  	[dreg:$0x2] =	wrdreg s2  }
0xb1: {  	[dreg:$0x3] =	wrdreg s19  }
0xb2: {  	[dreg:$0x4] =	wrdreg s4  }
0xb3: {  	[dreg:$0x5] =	wrdreg $0x9  }
0xb4: {  	_ =	task.clear_ibuf [dreg:s9], $0x6FFFF;
	_ =	strace $0x90000046  }
0xb5: {  	s29 =	simm.s32 $0x9;
	_ =	strace $0x80000048  }
0xb6: {  	_ =	swait.ge [sflag:s29], $0x1  }
0xb7: {  	[sflag:s29] =	ssyncadd.s32 $0xFFFFFFFF  }
0xb8: {  	_ =	strace $0x90000048  }
0xb9: {  	_ =	sfence  }
0xba: {  	s30 =	sld [smem:$0x0];
	_ =	sdelay $0x2  }
0xbb: {  	s31 =	sshll.u32 s1, $0xD;
	s1 =	sshrl.u32 s1, $0x2  }
0xbc: {  	s3 =	sand.u32 $0x4000, s31;
	s1 =	sadd.s32 s1, s30  }
0xbd: {  	s0 =	sor.u32 s3, s0;
	s1 =	sshll.u32 s1, $0x11  }
0xbe: {  	s0 =	sor.u32 s1, s0  }
0xbf: {  	s0 =	sadd.s32 $0x8F2B, s0  }
0xc0: {  	[sflag:s0] =	ssyncadd.remote.s32 $0x1  }
0xc1: {  	_ =	sfence.sel $0xFFFF  }
0xc2: {  	[dreg:$0x0] =	wrdreg $0xFFFFFFFF;
	(pc) =	sbr.abs _section_cstart, $3  }
0xc3: {  	[dreg:$0x1] =	wrdreg $0xFFFFFFFF  }
0xc4: {  	_ =	task.clear_ibuf [dreg:s9], $0x2FFFF;
	_ =	strace $0x9FFFFFFF  }
0xc5: {  	(tm) =	ssettm $0x7FFFFFFF  }
tec
execute0_lowered:
.L_overlay_start_1:
0x0: {  	(tag) =	ssettag $0x1  }
0x1: {  	s1 =	rddreg [dreg:$0x0]  }
0x2: {  	s5 =	rddreg [dreg:$0x1]  }
0x3: {  	s4 =	rddreg [dreg:$0x2]  }
0x4: {  	s0 =	rddreg [dreg:$0x3]  }
0x5: {  	s6 =	srdreg.scid;
	s2 =	stileid.u32  }
0x6: {  	s3 =	simm.s32 $0x0;
	s10 =	simm.s32 $0x140;
	s11 =	simm.s32 $0x1400  }
0x7: {  	s12 =	simm.s32 $0xB400;
	s13 =	simm.s32 $0x1;
	s14 =	simm.s32 $0x15400  }
0x8: {  	s15 =	simm.s32 $0x2;
	s6 =	sand.u32 $0x1, s6;
	s7 =	sshll.u32 s2, $0x1  }
0x9: {  	[smem:$0x7FF] =	sst s3;
	s8 =	ssub.s32 $0x2, s6;
	s6 =	sor.u32 s6, s7  }
0xa: {  	s31 =	sshrl.u32 s8, $0x1;
	s9 =	sshll.u32 s6, $0xC;
	s6 =	smul.u32 $0x280, s6  }
0xb: {  	s16 =	simm.s32 $0x0;
	_ =	strace $0x80000047;
	s8 =	ssub.s32 s8, s31  }
0xc: {  	s4 =	sadd.s32 s4, s9;
	s9 =	simm.s32 $0x3;
	s5 =	sadd.s32 s5, s6  }
0xd: {  	s6 =	sadd.s32 $0xE00, s4;
	s7 =	sadd.s32 $0xF00, s4;
	s8 =	smax.u32 s8, $0x1  }
.LBB2_1:
0xe: {  	[tilespmem:s3], [sflag:$0x3] =	stream.linear.gather [hbm4b:s5+s3], $0x1400, $0x38;
	[tilespmem:$0x15C00] =	vst v63  }
0xf: {  	_ =	swait.ge [sflag:s9], $0x1400  }
0x10: {  	[sflag:s9] =	ssyncset.done $0x0  }
0x11: {  	[sflag:s9] =	ssyncadd.s32 $0xFFFFEC00  }
0x12: {  	[tilespmem:s11], [sflag:$0x1] =	stream.indirect.gather [hbm4b:s1+s10], $0x80, s3, s10, $0xb8;
	[tilespmem:$0x15C00] =	vst v63  }
0x13: {  	s17 =	simm.s32 $0x0  }
0x14: {  	[tilespmem:s12], [sflag:$0x2] =	stream.indirect.gather [hbm4b:s1+s10], $0x80, s10, s10, $0xb8;
	[tilespmem:$0x15C00] =	vst v63  }
.LBB2_2:
0x15: {  	_ =	swait.ge [sflag:s13], $0xA000  }
0x16: {  	[sflag:s13] =	ssyncset.done $0x0  }
0x17: {  	s18 =	simm.s32 $0x0;
	s19 =	simm.s32 $0x1900;
	[sflag:s13] =	ssyncadd.s32 $0xFFFF6000  }
.LBB2_3:
0x18: {  	v0 =	vld [tilespmem:s19+$0xFFFFFB00]  }
0x19: {  	v1 =	vld [tilespmem:s19+$0xFFFFFB10]  }
0x1a: {  	v2 =	vld [tilespmem:s19+$0xFFFFFB20]  }
0x1b: {  	v3 =	vld [tilespmem:s19+$0xFFFFFB30]  }
0x1c: {  	v4 =	vld [tilespmem:s19+$0xFFFFFB40]  }
0x1d: {  	v5 =	vld [tilespmem:s19+$0xFFFFFB50]  }
0x1e: {  	v6 =	vld [tilespmem:s19+$0xFFFFFB60]  }
0x1f: {  	v7 =	vld [tilespmem:s19+$0xFFFFFB70]  }
0x20: {  	v8 =	vld [tilespmem:s19+$0xFFFFFB80]  }
0x21: {  	v9 =	vld [tilespmem:s19+$0xFFFFFB90]  }
0x22: {  	v10 =	vld [tilespmem:s19+$0xFFFFFBA0]  }
0x23: {  	v11 =	vld [tilespmem:s19+$0xFFFFFBB0]  }
0x24: {  	v12 =	vld [tilespmem:s19+$0xFFFFFBC0]  }
0x25: {  	v13 =	vld [tilespmem:s19+$0xFFFFFBD0]  }
0x26: {  	v14 =	vld [tilespmem:s19+$0xFFFFFBE0]  }
0x27: {  	v15 =	vld [tilespmem:s19+$0xFFFFFBF0]  }
0x28: {  	v16 =	vld [tilespmem:s19+$0xFFFFFC00]  }
0x29: {  	v17 =	vld [tilespmem:s19+$0xFFFFFC10]  }
0x2a: {  	v18 =	vld [tilespmem:s19+$0xFFFFFC20]  }
0x2b: {  	v19 =	vld [tilespmem:s19+$0xFFFFFC30]  }
0x2c: {  	v20 =	vld [tilespmem:s19+$0xFFFFFC40]  }
0x2d: {  	v21 =	vld [tilespmem:s19+$0xFFFFFC50]  }
0x2e: {  	v22 =	vld [tilespmem:s19+$0xFFFFFC60]  }
0x2f: {  	v23 =	vld [tilespmem:s19+$0xFFFFFC70]  }
0x30: {  	v24 =	vld [tilespmem:s19+$0xFFFFFC80]  }
0x31: {  	v25 =	vld [tilespmem:s19+$0xFFFFFC90]  }
0x32: {  	v26 =	vld [tilespmem:s19+$0xFFFFFCA0]  }
0x33: {  	v27 =	vld [tilespmem:s19+$0xFFFFFCB0]  }
0x34: {  	v28 =	vld [tilespmem:s19+$0xFFFFFCC0]  }
0x35: {  	v29 =	vld [tilespmem:s19+$0xFFFFFCD0]  }
0x36: {  	v30 =	vld [tilespmem:s19+$0xFFFFFCE0]  }
0x37: {  	v31 =	vld [tilespmem:s19+$0xFFFFFCF0]  }
0x38: {  	v32 =	vld [tilespmem:s19+$0xFFFFFD00]  }
0x39: {  	v33 =	vld [tilespmem:s19+$0xFFFFFD10]  }
0x3a: {  	v34 =	vld [tilespmem:s19+$0xFFFFFD20]  }
0x3b: {  	v35 =	vld [tilespmem:s19+$0xFFFFFD30]  }
0x3c: {  	v36 =	vld [tilespmem:s19+$0xFFFFFD40]  }
0x3d: {  	v37 =	vld [tilespmem:s19+$0xFFFFFD50]  }
0x3e: {  	v38 =	vld [tilespmem:s19+$0xFFFFFD60]  }
0x3f: {  	v39 =	vld [tilespmem:s19+$0xFFFFFD70]  }
0x40: {  	v40 =	vld [tilespmem:s19+$0xFFFFFD80]  }
0x41: {  	v41 =	vld [tilespmem:s19+$0xFFFFFD90]  }
0x42: {  	v62 =	vld [tilespmem:s19+$0xFFFFFEE0]  }
0x43: {  	v42 =	vld [tilespmem:s19+$0xFFFFFDA0]  }
0x44: {  	v43 =	vld [tilespmem:s19+$0xFFFFFDB0]  }
0x45: {  	v44 =	vld [tilespmem:s19+$0xFFFFFDC0]  }
0x46: {  	v45 =	vld [tilespmem:s19+$0xFFFFFDD0]  }
0x47: {  	[tilespmem:$0x1FE80] =	vst v62;
	v62 =	vld [tilespmem:s19+$0xFFFFFF00]  }
0x48: {  	v46 =	vld [tilespmem:s19+$0xFFFFFDE0]  }
0x49: {  	v47 =	vld [tilespmem:s19+$0xFFFFFDF0]  }
0x4a: {  	v48 =	vld [tilespmem:s19+$0xFFFFFE00]  }
0x4b: {  	v49 =	vld [tilespmem:s19+$0xFFFFFE10]  }
0x4c: {  	[tilespmem:$0x1FE90] =	vst v62;
	v62 =	vld [tilespmem:s19+$0xFFFFFF10]  }
0x4d: {  	v50 =	vld [tilespmem:s19+$0xFFFFFE20]  }
0x4e: {  	v51 =	vld [tilespmem:s19+$0xFFFFFE30]  }
0x4f: {  	v52 =	vld [tilespmem:s19+$0xFFFFFE40]  }
0x50: {  	v53 =	vld [tilespmem:s19+$0xFFFFFE50]  }
0x51: {  	[tilespmem:$0x1FEA0] =	vst v62;
	v62 =	vld [tilespmem:s19+$0xFFFFFF20]  }
0x52: {  	v54 =	vld [tilespmem:s19+$0xFFFFFE60]  }
0x53: {  	v55 =	vld [tilespmem:s19+$0xFFFFFE70]  }
0x54: {  	v56 =	vld [tilespmem:s19+$0xFFFFFE80]  }
0x55: {  	v57 =	vld [tilespmem:s19+$0xFFFFFE90]  }
0x56: {  	[tilespmem:$0x1FEB0] =	vst v62;
	v62 =	vld [tilespmem:s19+$0xFFFFFF30]  }
0x57: {  	v58 =	vld [tilespmem:s19+$0xFFFFFEA0]  }
0x58: {  	v59 =	vld [tilespmem:s19+$0xFFFFFEB0]  }
0x59: {  	v60 =	vld [tilespmem:s19+$0xFFFFFEC0]  }
0x5a: {  	v61 =	vld [tilespmem:s19+$0xFFFFFED0]  }
0x5b: {  	[tilespmem:$0x1FEC0] =	vst v62;
	v62 =	vld [tilespmem:s19+$0xFFFFFF40]  }
0x5c: {  	v63 =	vld [tilespmem:s19+$0xFFFFFEF0]  }
0x5d: {  	v0 =	vadd.f32 v8, v0;
	v8 =	vld [tilespmem:s19+$0x80]  }
0x5e: {  	v1 =	vadd.f32 v9, v1;
	v9 =	vld [tilespmem:s19+$0x90]  }
0x5f: {  	v2 =	vadd.f32 v10, v2;
	v10 =	vld [tilespmem:s19+$0xA0]  }
0x60: {  	[tilespmem:$0x1FED0] =	vst v62;
	v62 =	vld [tilespmem:s19+$0xFFFFFF50]  }
0x61: {  	v3 =	vadd.f32 v11, v3;
	v11 =	vld [tilespmem:s19+$0xB0]  }
0x62: {  	v4 =	vadd.f32 v12, v4;
	v12 =	vld [tilespmem:s19+$0xC0]  }
0x63: {  	v5 =	vadd.f32 v13, v5;
	v13 =	vld [tilespmem:s19+$0xD0]  }
0x64: {  	v6 =	vadd.f32 v14, v6;
	v14 =	vld [tilespmem:s19+$0xE0]  }
0x65: {  	[tilespmem:$0x1FEE0] =	vst v62;
	v62 =	vld [tilespmem:s19+$0xFFFFFF60]  }
0x66: {  	v7 =	vadd.f32 v15, v7;
	v15 =	vld [tilespmem:s19+$0xF0]  }
0x67: {  	v0 =	vadd.f32 v16, v0;
	v16 =	vld [tilespmem:s19+$0x100]  }
0x68: {  	v1 =	vadd.f32 v17, v1;
	v17 =	vld [tilespmem:s19+$0x110]  }
0x69: {  	v2 =	vadd.f32 v18, v2;
	v18 =	vld [tilespmem:s19+$0x120]  }
0x6a: {  	[tilespmem:$0x1FEF0] =	vst v62;
	v62 =	vld [tilespmem:s19+$0xFFFFFF70]  }
0x6b: {  	v3 =	vadd.f32 v19, v3;
	v19 =	vld [tilespmem:s19+$0x130]  }
0x6c: {  	v4 =	vadd.f32 v20, v4;
	v20 =	vld [tilespmem:s19+$0x140]  }
0x6d: {  	v5 =	vadd.f32 v21, v5;
	v21 =	vld [tilespmem:s19+$0x150]  }
0x6e: {  	v6 =	vadd.f32 v22, v6;
	v22 =	vld [tilespmem:s19+$0x160]  }
0x6f: {  	[tilespmem:$0x1FF00] =	vst v62;
	v62 =	vld [tilespmem:s19+$0xFFFFFF80]  }
0x70: {  	v7 =	vadd.f32 v23, v7;
	v23 =	vld [tilespmem:s19+$0x170]  }
0x71: {  	v0 =	vadd.f32 v24, v0;
	v24 =	vld [tilespmem:s19+$0x180]  }
0x72: {  	v1 =	vadd.f32 v25, v1;
	v25 =	vld [tilespmem:s19+$0x190]  }
0x73: {  	v2 =	vadd.f32 v26, v2;
	v26 =	vld [tilespmem:s19+$0x1A0]  }
0x74: {  	[tilespmem:$0x1FF10] =	vst v62;
	v62 =	vld [tilespmem:s19+$0xFFFFFF90]  }
0x75: {  	v3 =	vadd.f32 v27, v3;
	v27 =	vld [tilespmem:s19+$0x1B0]  }
0x76: {  	v4 =	vadd.f32 v28, v4;
	v28 =	vld [tilespmem:s19+$0x1C0]  }
0x77: {  	v5 =	vadd.f32 v29, v5;
	v29 =	vld [tilespmem:s19+$0x1D0]  }
0x78: {  	v6 =	vadd.f32 v30, v6;
	v30 =	vld [tilespmem:s19+$0x1E0]  }
0x79: {  	[tilespmem:$0x1FF20] =	vst v62;
	v62 =	vld [tilespmem:s19+$0xFFFFFFA0]  }
0x7a: {  	v7 =	vadd.f32 v31, v7;
	v31 =	vld [tilespmem:s19+$0x1F0]  }
0x7b: {  	v0 =	vadd.f32 v32, v0;
	v32 =	vld [tilespmem:s19+$0x200]  }
0x7c: {  	v1 =	vadd.f32 v33, v1;
	v33 =	vld [tilespmem:s19+$0x210]  }
0x7d: {  	v2 =	vadd.f32 v34, v2;
	v34 =	vld [tilespmem:s19+$0x220]  }
0x7e: {  	[tilespmem:$0x1FF30] =	vst v62;
	v62 =	vld [tilespmem:s19+$0xFFFFFFB0]  }
0x7f: {  	v3 =	vadd.f32 v35, v3;
	v35 =	vld [tilespmem:s19+$0x230]  }
0x80: {  	v4 =	vadd.f32 v36, v4;
	v36 =	vld [tilespmem:s19+$0x240]  }
0x81: {  	v5 =	vadd.f32 v37, v5;
	v37 =	vld [tilespmem:s19+$0x250]  }
0x82: {  	v6 =	vadd.f32 v38, v6;
	v38 =	vld [tilespmem:s19+$0x260]  }
0x83: {  	[tilespmem:$0x1FF40] =	vst v62;
	v62 =	vld [tilespmem:s19+$0xFFFFFFC0]  }
0x84: {  	v7 =	vadd.f32 v39, v7;
	v39 =	vld [tilespmem:s19+$0x270]  }
0x85: {  	v2 =	vadd.f32 v42, v2;
	v42 =	vld [tilespmem:$0x1FE80]  }
0x86: {  	v0 =	vadd.f32 v40, v0;
	v3 =	vadd.f32 v43, v3;
	v43 =	vld [tilespmem:$0x1FE90]  }
0x87: {  	v6 =	vadd.f32 v46, v6;
	v40 =	vld [tilespmem:s19+$0x280]  }
0x88: {  	v0 =	vadd.f32 v48, v0;
	[tilespmem:$0x1FF50] =	vst v62;
	v62 =	vld [tilespmem:s19+$0xFFFFFFD0]  }
0x89: {  	v1 =	vadd.f32 v41, v1;
	v41 =	vld [tilespmem:s19+$0x290];
	v6 =	vadd.f32 v54, v6  }
0x8a: {  	v4 =	vadd.f32 v44, v4;
	v44 =	vld [tilespmem:$0x1FEA0];
	v0 =	vadd.f32 v56, v0  }
0x8b: {  	v1 =	vadd.f32 v49, v1;
	v6 =	vadd.f32 v42, v6;
	v42 =	vld [tilespmem:s19+$0x2A0]  }
0x8c: {  	v0 =	vadd.f32 v43, v0;
	v43 =	vld [tilespmem:s19+$0x2B0]  }
0x8d: {  	v1 =	vadd.f32 v57, v1;
	[tilespmem:$0x1FF60] =	vst v62;
	v62 =	vld [tilespmem:s19+$0xFFFFFFE0]  }
0x8e: {  	v5 =	vadd.f32 v45, v5;
	v45 =	vld [tilespmem:$0x1FEB0]  }
0x8f: {  	v2 =	vadd.f32 v50, v2;
	v1 =	vadd.f32 v44, v1;
	v44 =	vld [tilespmem:s19+$0x2C0]  }
0x90: {  	v7 =	vadd.f32 v47, v7;
	v47 =	vld [tilespmem:$0x1FED0]  }
0x91: {  	v4 =	vadd.f32 v52, v4;
	v2 =	vadd.f32 v58, v2;
	v46 =	vld [tilespmem:$0x1FEC0]  }
0x92: {  	[tilespmem:$0x1FF70] =	vst v62;
	v62 =	vld [tilespmem:s19+$0xFFFFFFF0]  }
0x93: {  	v4 =	vadd.f32 v60, v4;
	v2 =	vadd.f32 v45, v2;
	v45 =	vld [tilespmem:s19+$0x2D0]  }
0x94: {  	v48 =	vld [tilespmem:$0x1FEE0]  }
0x95: {  	v4 =	vadd.f32 v47, v4;
	v47 =	vld [tilespmem:s19+$0x470]  }
0x96: {  	v49 =	vld [tilespmem:$0x1FEF0]  }
0x97: {  	[tilespmem:$0x1FF80] =	vst v62;
	v62 =	vld [tilespmem:s19+$0x0]  }
0x98: {  	v50 =	vld [tilespmem:$0x1FF00]  }
0x99: {  	v7 =	vadd.f32 v55, v7;
	v52 =	vld [tilespmem:$0x1FF20]  }
0x9a: {  	v3 =	vadd.f32 v51, v3;
	v51 =	vld [tilespmem:$0x1FF10]  }
0x9b: {  	v5 =	vadd.f32 v53, v5;
	v7 =	vadd.f32 v63, v7;
	v53 =	vld [tilespmem:$0x1FF30]  }
0x9c: {  	[tilespmem:$0x1FF90] =	vst v62;
	v62 =	vld [tilespmem:s19+$0x10]  }
0x9d: {  	v7 =	vadd.f32 v50, v7;
	v50 =	vld [tilespmem:s19+$0x2E0]  }
0x9e: {  	v1 =	vadd.f32 v52, v1;
	v52 =	vld [tilespmem:s19+$0x2F0]  }
0x9f: {  	v54 =	vld [tilespmem:$0x1FF40]  }
0xa0: {  	v3 =	vadd.f32 v59, v3;
	v2 =	vadd.f32 v53, v2;
	v53 =	vld [tilespmem:s19+$0x300]  }
0xa1: {  	[tilespmem:$0x1FFA0] =	vst v62;
	v62 =	vld [tilespmem:s19+$0x20]  }
0xa2: {  	v3 =	vadd.f32 v46, v3;
	v59 =	vld [tilespmem:$0x1FF90]  }
0xa3: {  	v55 =	vld [tilespmem:$0x1FF50]  }
0xa4: {  	v3 =	vadd.f32 v54, v3;
	v54 =	vld [tilespmem:s19+$0x310]  }
0xa5: {  	v0 =	vadd.f32 v51, v0;
	v60 =	vld [tilespmem:$0x1FFA0]  }
0xa6: {  	[tilespmem:$0x1FFB0] =	vst v62;
	v62 =	vld [tilespmem:s19+$0x30]  }
0xa7: {  	v5 =	vadd.f32 v61, v5;
	v56 =	vld [tilespmem:$0x1FF60];
	v0 =	vadd.f32 v59, v0  }
0xa8: {  	v61 =	vld [tilespmem:$0x1FFB0]  }
0xa9: {  	v5 =	vadd.f32 v48, v5;
	v57 =	vld [tilespmem:$0x1FF70];
	v0 =	vadd.f32 v8, v0  }
0xaa: {  	v6 =	vadd.f32 v49, v6;
	v58 =	vld [tilespmem:$0x1FF80];
	v1 =	vadd.f32 v60, v1  }
0xab: {  	v4 =	vadd.f32 v55, v4;
	v0 =	vadd.f32 v16, v0;
	[tilespmem:$0x1FFC0] =	vst v62;
	v62 =	vld [tilespmem:s19+$0x40]  }
0xac: {  	v55 =	vld [tilespmem:s19+$0x320];
	v5 =	vadd.f32 v56, v5;
	v1 =	vadd.f32 v9, v1  }
0xad: {  	v0 =	vadd.f32 v24, v0;
	v2 =	vadd.f32 v61, v2;
	v63 =	vld [tilespmem:$0x1FFC0]  }
0xae: {  	v56 =	vld [tilespmem:s19+$0x330];
	v6 =	vadd.f32 v57, v6;
	v1 =	vadd.f32 v17, v1  }
0xaf: {  	v0 =	vadd.f32 v32, v0;
	v61 =	vld [tilespmem:s19+$0x380];
	v2 =	vadd.f32 v10, v2  }
0xb0: {  	v7 =	vadd.f32 v58, v7;
	v1 =	vadd.f32 v25, v1;
	[tilespmem:$0x1FFD0] =	vst v62;
	v62 =	vld [tilespmem:s19+$0x50]  }
0xb1: {  	v0 =	vadd.f32 v40, v0;
	v2 =	vadd.f32 v18, v2;
	v48 =	vld [tilespmem:$0x1FFD0]  }
0xb2: {  	v57 =	vld [tilespmem:s19+$0x340];
	v1 =	vadd.f32 v33, v1;
	v3 =	vadd.f32 v63, v3  }
0xb3: {  	v40 =	vld [tilespmem:s19+$0x400];
	v0 =	vadd.f32 v53, v0;
	v2 =	vadd.f32 v26, v2  }
0xb4: {  	v63 =	vld [tilespmem:s19+$0x3A0];
	v1 =	vadd.f32 v41, v1;
	v3 =	vadd.f32 v11, v3  }
0xb5: {  	v0 =	vadd.f32 v61, v0;
	v2 =	vadd.f32 v34, v2;
	[tilespmem:$0x1FFE0] =	vst v62;
	v62 =	vld [tilespmem:s19+$0x60]  }
0xb6: {  	v3 =	vadd.f32 v19, v3;
	v4 =	vadd.f32 v48, v4;
	v49 =	vld [tilespmem:$0x1FFE0]  }
0xb7: {  	v1 =	vadd.f32 v54, v1;
	v2 =	vadd.f32 v42, v2;
	v48 =	vld [tilespmem:s19+$0x480]  }
0xb8: {  	v42 =	vld [tilespmem:s19+$0x420];
	v3 =	vadd.f32 v27, v3;
	v4 =	vadd.f32 v12, v4  }
0xb9: {  	v58 =	vld [tilespmem:s19+$0x350];
	v0 =	vadd.f32 v40, v0;
	v2 =	vadd.f32 v55, v2  }
0xba: {  	v3 =	vadd.f32 v35, v3;
	[tilespmem:$0x1FFF0] =	vst v62;
	v62 =	vld [tilespmem:s19+$0x70];
	v4 =	vadd.f32 v20, v4  }
0xbb: {  	v2 =	vadd.f32 v63, v2;
	v5 =	vadd.f32 v49, v5;
	v51 =	vld [tilespmem:$0x1FFF0]  }
0xbc: {  	v59 =	vld [tilespmem:s19+$0x360];
	v3 =	vadd.f32 v43, v3;
	v0 =	vadd.f32 v48, v0  }
0xbd: {  	v60 =	vld [tilespmem:s19+$0x370];
	v4 =	vadd.f32 v28, v4;
	v2 =	vadd.f32 v42, v2  }
0xbe: {  	v53 =	vld [tilespmem:s19+$0x4D0];
	v5 =	vadd.f32 v13, v5;
	v3 =	vadd.f32 v56, v3  }
0xbf: {  	v33 =	vld [tilespmem:s19+$0x3C0];
	v4 =	vadd.f32 v36, v4;
	v7 =	vadd.f32 v62, v7  }
0xc0: {  	v5 =	vadd.f32 v21, v5;
	v62 =	vld [tilespmem:s19+$0x390];
	v6 =	vadd.f32 v51, v6  }
0xc1: {  	v41 =	vld [tilespmem:s19+$0x410];
	v4 =	vadd.f32 v44, v4;
	v7 =	vadd.f32 v15, v7  }
0xc2: {  	v35 =	vld [tilespmem:s19+$0x3D0];
	v5 =	vadd.f32 v29, v5;
	v6 =	vadd.f32 v14, v6  }
0xc3: {  	v44 =	vld [tilespmem:s19+$0x440];
	v4 =	vadd.f32 v57, v4;
	v7 =	vadd.f32 v23, v7  }
0xc4: {  	v43 =	vld [tilespmem:s19+$0x430];
	v5 =	vadd.f32 v37, v5;
	v6 =	vadd.f32 v22, v6  }
0xc5: {  	v49 =	vld [tilespmem:s19+$0x490];
	v1 =	vadd.f32 v62, v1;
	v4 =	vadd.f32 v33, v4  }
0xc6: {  	v51 =	vld [tilespmem:s19+$0x4B0];
	v7 =	vadd.f32 v31, v7;
	v5 =	vadd.f32 v45, v5  }
0xc7: {  	v31 =	vld [tilespmem:s19+$0x3B0];
	v6 =	vadd.f32 v30, v6;
	v1 =	vadd.f32 v41, v1  }
0xc8: {  	v45 =	vld [tilespmem:s19+$0x450];
	v4 =	vadd.f32 v44, v4;
	v7 =	vadd.f32 v39, v7  }
0xc9: {  	v39 =	vld [tilespmem:s19+$0x3F0];
	v5 =	vadd.f32 v58, v5;
	v6 =	vadd.f32 v38, v6  }
0xca: {  	v37 =	vld [tilespmem:s19+$0x3E0];
	v1 =	vadd.f32 v49, v1;
	v7 =	vadd.f32 v52, v7  }
0xcb: {  	v5 =	vadd.f32 v35, v5;
	v52 =	vld [tilespmem:s19+$0x4C0];
	v6 =	vadd.f32 v50, v6  }
0xcc: {  	v3 =	vadd.f32 v31, v3;
	v50 =	vld [tilespmem:s19+$0x4A0];
	v7 =	vadd.f32 v60, v7  }
0xcd: {  	v46 =	vld [tilespmem:s19+$0x460];
	v5 =	vadd.f32 v45, v5;
	v6 =	vadd.f32 v59, v6  }
0xce: {  	v55 =	vld [tilespmem:s19+$0x4F0];
	v3 =	vadd.f32 v43, v3;
	v7 =	vadd.f32 v39, v7  }
0xcf: {  	v54 =	vld [tilespmem:s19+$0x4E0];
	v0 =	vmul.f32 $5.000000070e-02, v0;
	v5 =	vadd.f32 v53, v5;
	v6 =	vadd.f32 v37, v6  }
0xd0: {  	s20 =	sshra.s32 s18, $0x2;
	v1 =	vmul.f32 $5.000000070e-02, v1;
	v3 =	vadd.f32 v51, v3;
	v4 =	vadd.f32 v52, v4  }
0xd1: {  	[tilespmem:s20+$0x15400] =	vst v0;
	v2 =	vadd.f32 v50, v2;
	v57 =	vadd.f32 v47, v7;
	v61 =	vmul.f32 $5.000000070e-02, v5  }
0xd2: {  	[tilespmem:s20+$0x15410] =	vst v1;
	v6 =	vadd.f32 v46, v6;
	v58 =	vmul.f32 $5.000000070e-02, v3  }
0xd3: {  	p0 =	sne.s32 s18, $0x1E00;
	v60 =	vmul.f32 $5.000000070e-02, v4;
	v56 =	vmul.f32 $5.000000070e-02, v2;
	v2 =	vadd.f32 v55, v57;
	[tilespmem:s20+$0x15450] =	vst v61  }
.Ltmp0:
0xd4: {  	v59 =	vadd.f32 v54, v6;
	[tilespmem:s20+$0x15430] =	vst v58;
	(pc) =	sbr.rel @p0 .LBB2_3-.Ltmp0, $4  }
0xd5: {  	[tilespmem:s20+$0x15440] =	vst v60;
	v63 =	vmul.f32 $5.000000070e-02, v2  }
0xd6: {  	[tilespmem:s20+$0x15420] =	vst v56;
	v62 =	vmul.f32 $5.000000070e-02, v59  }
0xd7: {  	[tilespmem:s20+$0x15470] =	vst v63  }
0xd8: {  	s18 =	sadd.s32 $0x200, s18;
	s19 =	sadd.s32 $0xA00, s19;
	[tilespmem:s20+$0x15460] =	vst v62  }
0xd9: {  	s18 =	sshll.u32 s17, $0x9  }
0xda: {  	s20 =	simm.s32 $0x0;
	s19 =	smul.u32 $0xA00, s17;
	s18 =	sadd.s32 s18, s4  }
0xdb: {  	[hbm4b:s18+s20] =	stream.linear.scatter [tilespmem:s14], [sflag:$0x3], $0x800, $0x38;
	[tilespmem:$0x15C00] =	vst v63  }
0xdc: {  	_ =	swait.ge [sflag:s9], $0x800  }
0xdd: {  	s19 =	sshra.s32 s19, $0x2;
	[sflag:s9] =	ssyncset.done $0x0  }
0xde: {  	s21 =	sadd.s32 $0x280, s19;
	[sflag:s9] =	ssyncadd.s32 $0xFFFFF800  }
0xdf: {  	[tilespmem:s11], [sflag:$0x1] =	stream.indirect.gather [hbm4b:s1+s10], $0x80, s21, s10, $0xb8;
	[tilespmem:$0x15C00] =	vst v63  }
0xe0: {  	_ =	swait.ge [sflag:s15], $0xA000  }
0xe1: {  	[sflag:s15] =	ssyncset.done $0x0  }
0xe2: {  	s21 =	simm.s32 $0xB900;
	[sflag:s15] =	ssyncadd.s32 $0xFFFF6000  }
.LBB2_5:
0xe3: {  	v0 =	vld [tilespmem:s21+$0xFFFFFB00]  }
0xe4: {  	v1 =	vld [tilespmem:s21+$0xFFFFFB10]  }
0xe5: {  	v2 =	vld [tilespmem:s21+$0xFFFFFB20]  }
0xe6: {  	v3 =	vld [tilespmem:s21+$0xFFFFFB30]  }
0xe7: {  	v4 =	vld [tilespmem:s21+$0xFFFFFB40]  }
0xe8: {  	v5 =	vld [tilespmem:s21+$0xFFFFFB50]  }
0xe9: {  	v6 =	vld [tilespmem:s21+$0xFFFFFB60]  }
0xea: {  	v7 =	vld [tilespmem:s21+$0xFFFFFB70]  }
0xeb: {  	v8 =	vld [tilespmem:s21+$0xFFFFFB80]  }
0xec: {  	v9 =	vld [tilespmem:s21+$0xFFFFFB90]  }
0xed: {  	v10 =	vld [tilespmem:s21+$0xFFFFFBA0]  }
0xee: {  	v11 =	vld [tilespmem:s21+$0xFFFFFBB0]  }
0xef: {  	v12 =	vld [tilespmem:s21+$0xFFFFFBC0]  }
0xf0: {  	v13 =	vld [tilespmem:s21+$0xFFFFFBD0]  }
0xf1: {  	v14 =	vld [tilespmem:s21+$0xFFFFFBE0]  }
0xf2: {  	v15 =	vld [tilespmem:s21+$0xFFFFFBF0]  }
0xf3: {  	v16 =	vld [tilespmem:s21+$0xFFFFFC00]  }
0xf4: {  	v17 =	vld [tilespmem:s21+$0xFFFFFC10]  }
0xf5: {  	v18 =	vld [tilespmem:s21+$0xFFFFFC20]  }
0xf6: {  	v19 =	vld [tilespmem:s21+$0xFFFFFC30]  }
0xf7: {  	v20 =	vld [tilespmem:s21+$0xFFFFFC40]  }
0xf8: {  	v21 =	vld [tilespmem:s21+$0xFFFFFC50]  }
0xf9: {  	v22 =	vld [tilespmem:s21+$0xFFFFFC60]  }
0xfa: {  	v23 =	vld [tilespmem:s21+$0xFFFFFC70]  }
0xfb: {  	v24 =	vld [tilespmem:s21+$0xFFFFFC80]  }
0xfc: {  	v25 =	vld [tilespmem:s21+$0xFFFFFC90]  }
0xfd: {  	v26 =	vld [tilespmem:s21+$0xFFFFFCA0]  }
0xfe: {  	v27 =	vld [tilespmem:s21+$0xFFFFFCB0]  }
0xff: {  	v28 =	vld [tilespmem:s21+$0xFFFFFCC0]  }
0x100: {  	v29 =	vld [tilespmem:s21+$0xFFFFFCD0]  }
0x101: {  	v30 =	vld [tilespmem:s21+$0xFFFFFCE0]  }
0x102: {  	v31 =	vld [tilespmem:s21+$0xFFFFFCF0]  }
0x103: {  	v32 =	vld [tilespmem:s21+$0xFFFFFD00]  }
0x104: {  	v33 =	vld [tilespmem:s21+$0xFFFFFD10]  }
0x105: {  	v34 =	vld [tilespmem:s21+$0xFFFFFD20]  }
0x106: {  	v35 =	vld [tilespmem:s21+$0xFFFFFD30]  }
0x107: {  	v36 =	vld [tilespmem:s21+$0xFFFFFD40]  }
0x108: {  	v37 =	vld [tilespmem:s21+$0xFFFFFD50]  }
0x109: {  	v38 =	vld [tilespmem:s21+$0xFFFFFD60]  }
0x10a: {  	v39 =	vld [tilespmem:s21+$0xFFFFFD70]  }
0x10b: {  	v40 =	vld [tilespmem:s21+$0xFFFFFD80]  }
0x10c: {  	v41 =	vld [tilespmem:s21+$0xFFFFFD90]  }
0x10d: {  	v62 =	vld [tilespmem:s21+$0xFFFFFEE0]  }
0x10e: {  	v42 =	vld [tilespmem:s21+$0xFFFFFDA0]  }
0x10f: {  	v43 =	vld [tilespmem:s21+$0xFFFFFDB0]  }
0x110: {  	v44 =	vld [tilespmem:s21+$0xFFFFFDC0]  }
0x111: {  	v45 =	vld [tilespmem:s21+$0xFFFFFDD0]  }
0x112: {  	[tilespmem:$0x1FD00] =	vst v62;
	v62 =	vld [tilespmem:s21+$0xFFFFFF00]  }
0x113: {  	v46 =	vld [tilespmem:s21+$0xFFFFFDE0]  }
0x114: {  	v47 =	vld [tilespmem:s21+$0xFFFFFDF0]  }
0x115: {  	v48 =	vld [tilespmem:s21+$0xFFFFFE00]  }
0x116: {  	v49 =	vld [tilespmem:s21+$0xFFFFFE10]  }
0x117: {  	[tilespmem:$0x1FD10] =	vst v62;
	v62 =	vld [tilespmem:s21+$0xFFFFFF10]  }
0x118: {  	v50 =	vld [tilespmem:s21+$0xFFFFFE20]  }
0x119: {  	v51 =	vld [tilespmem:s21+$0xFFFFFE30]  }
0x11a: {  	v52 =	vld [tilespmem:s21+$0xFFFFFE40]  }
0x11b: {  	v53 =	vld [tilespmem:s21+$0xFFFFFE50]  }
0x11c: {  	[tilespmem:$0x1FD20] =	vst v62;
	v62 =	vld [tilespmem:s21+$0xFFFFFF20]  }
0x11d: {  	v54 =	vld [tilespmem:s21+$0xFFFFFE60]  }
0x11e: {  	v55 =	vld [tilespmem:s21+$0xFFFFFE70]  }
0x11f: {  	v56 =	vld [tilespmem:s21+$0xFFFFFE80]  }
0x120: {  	v57 =	vld [tilespmem:s21+$0xFFFFFE90]  }
0x121: {  	[tilespmem:$0x1FD30] =	vst v62;
	v62 =	vld [tilespmem:s21+$0xFFFFFF30]  }
0x122: {  	v58 =	vld [tilespmem:s21+$0xFFFFFEA0]  }
0x123: {  	v59 =	vld [tilespmem:s21+$0xFFFFFEB0]  }
0x124: {  	v60 =	vld [tilespmem:s21+$0xFFFFFEC0]  }
0x125: {  	v61 =	vld [tilespmem:s21+$0xFFFFFED0]  }
0x126: {  	[tilespmem:$0x1FD40] =	vst v62;
	v62 =	vld [tilespmem:s21+$0xFFFFFF40]  }
0x127: {  	v63 =	vld [tilespmem:s21+$0xFFFFFEF0]  }
0x128: {  	v0 =	vadd.f32 v8, v0;
	v8 =	vld [tilespmem:s21+$0x80]  }
0x129: {  	v1 =	vadd.f32 v9, v1;
	v9 =	vld [tilespmem:s21+$0x90]  }
0x12a: {  	v2 =	vadd.f32 v10, v2;
	v10 =	vld [tilespmem:s21+$0xA0]  }
0x12b: {  	[tilespmem:$0x1FD50] =	vst v62;
	v62 =	vld [tilespmem:s21+$0xFFFFFF50]  }
0x12c: {  	v3 =	vadd.f32 v11, v3;
	v11 =	vld [tilespmem:s21+$0xB0]  }
0x12d: {  	v4 =	vadd.f32 v12, v4;
	v12 =	vld [tilespmem:s21+$0xC0]  }
0x12e: {  	v5 =	vadd.f32 v13, v5;
	v13 =	vld [tilespmem:s21+$0xD0]  }
0x12f: {  	v6 =	vadd.f32 v14, v6;
	v14 =	vld [tilespmem:s21+$0xE0]  }
0x130: {  	[tilespmem:$0x1FD60] =	vst v62;
	v62 =	vld [tilespmem:s21+$0xFFFFFF60]  }
0x131: {  	v7 =	vadd.f32 v15, v7;
	v15 =	vld [tilespmem:s21+$0xF0]  }
0x132: {  	v0 =	vadd.f32 v16, v0;
	v16 =	vld [tilespmem:s21+$0x100]  }
0x133: {  	v1 =	vadd.f32 v17, v1;
	v17 =	vld [tilespmem:s21+$0x110]  }
0x134: {  	v2 =	vadd.f32 v18, v2;
	v18 =	vld [tilespmem:s21+$0x120]  }
0x135: {  	[tilespmem:$0x1FD70] =	vst v62;
	v62 =	vld [tilespmem:s21+$0xFFFFFF70]  }
0x136: {  	v3 =	vadd.f32 v19, v3;
	v19 =	vld [tilespmem:s21+$0x130]  }
0x137: {  	v4 =	vadd.f32 v20, v4;
	v20 =	vld [tilespmem:s21+$0x140]  }
0x138: {  	v5 =	vadd.f32 v21, v5;
	v21 =	vld [tilespmem:s21+$0x150]  }
0x139: {  	v6 =	vadd.f32 v22, v6;
	v22 =	vld [tilespmem:s21+$0x160]  }
0x13a: {  	[tilespmem:$0x1FD80] =	vst v62;
	v62 =	vld [tilespmem:s21+$0xFFFFFF80]  }
0x13b: {  	v7 =	vadd.f32 v23, v7;
	v23 =	vld [tilespmem:s21+$0x170]  }
0x13c: {  	v0 =	vadd.f32 v24, v0;
	v24 =	vld [tilespmem:s21+$0x180]  }
0x13d: {  	v1 =	vadd.f32 v25, v1;
	v25 =	vld [tilespmem:s21+$0x190]  }
0x13e: {  	v2 =	vadd.f32 v26, v2;
	v26 =	vld [tilespmem:s21+$0x1A0]  }
0x13f: {  	[tilespmem:$0x1FD90] =	vst v62;
	v62 =	vld [tilespmem:s21+$0xFFFFFF90]  }
0x140: {  	v3 =	vadd.f32 v27, v3;
	v27 =	vld [tilespmem:s21+$0x1B0]  }
0x141: {  	v4 =	vadd.f32 v28, v4;
	v28 =	vld [tilespmem:s21+$0x1C0]  }
0x142: {  	v5 =	vadd.f32 v29, v5;
	v29 =	vld [tilespmem:s21+$0x1D0]  }
0x143: {  	v6 =	vadd.f32 v30, v6;
	v30 =	vld [tilespmem:s21+$0x1E0]  }
0x144: {  	[tilespmem:$0x1FDA0] =	vst v62;
	v62 =	vld [tilespmem:s21+$0xFFFFFFA0]  }
0x145: {  	v7 =	vadd.f32 v31, v7;
	v31 =	vld [tilespmem:s21+$0x1F0]  }
0x146: {  	v0 =	vadd.f32 v32, v0;
	v32 =	vld [tilespmem:s21+$0x200]  }
0x147: {  	v1 =	vadd.f32 v33, v1;
	v33 =	vld [tilespmem:s21+$0x210]  }
0x148: {  	v2 =	vadd.f32 v34, v2;
	v34 =	vld [tilespmem:s21+$0x220]  }
0x149: {  	[tilespmem:$0x1FDB0] =	vst v62;
	v62 =	vld [tilespmem:s21+$0xFFFFFFB0]  }
0x14a: {  	v3 =	vadd.f32 v35, v3;
	v35 =	vld [tilespmem:s21+$0x230]  }
0x14b: {  	v4 =	vadd.f32 v36, v4;
	v36 =	vld [tilespmem:s21+$0x240]  }
0x14c: {  	v5 =	vadd.f32 v37, v5;
	v37 =	vld [tilespmem:s21+$0x250]  }
0x14d: {  	v6 =	vadd.f32 v38, v6;
	v38 =	vld [tilespmem:s21+$0x260]  }
0x14e: {  	[tilespmem:$0x1FDC0] =	vst v62;
	v62 =	vld [tilespmem:s21+$0xFFFFFFC0]  }
0x14f: {  	v7 =	vadd.f32 v39, v7;
	v39 =	vld [tilespmem:s21+$0x270]  }
0x150: {  	v2 =	vadd.f32 v42, v2;
	v42 =	vld [tilespmem:$0x1FD00]  }
0x151: {  	v0 =	vadd.f32 v40, v0;
	v3 =	vadd.f32 v43, v3;
	v43 =	vld [tilespmem:$0x1FD10]  }
0x152: {  	v6 =	vadd.f32 v46, v6;
	v40 =	vld [tilespmem:s21+$0x280]  }
0x153: {  	v0 =	vadd.f32 v48, v0;
	[tilespmem:$0x1FDD0] =	vst v62;
	v62 =	vld [tilespmem:s21+$0xFFFFFFD0]  }
0x154: {  	v1 =	vadd.f32 v41, v1;
	v41 =	vld [tilespmem:s21+$0x290];
	v6 =	vadd.f32 v54, v6  }
0x155: {  	v4 =	vadd.f32 v44, v4;
	v44 =	vld [tilespmem:$0x1FD20];
	v0 =	vadd.f32 v56, v0  }
0x156: {  	v1 =	vadd.f32 v49, v1;
	v6 =	vadd.f32 v42, v6;
	v42 =	vld [tilespmem:s21+$0x2A0]  }
0x157: {  	v0 =	vadd.f32 v43, v0;
	v43 =	vld [tilespmem:s21+$0x2B0]  }
0x158: {  	v1 =	vadd.f32 v57, v1;
	[tilespmem:$0x1FDE0] =	vst v62;
	v62 =	vld [tilespmem:s21+$0xFFFFFFE0]  }
0x159: {  	v5 =	vadd.f32 v45, v5;
	v45 =	vld [tilespmem:$0x1FD30]  }
0x15a: {  	v2 =	vadd.f32 v50, v2;
	v1 =	vadd.f32 v44, v1;
	v44 =	vld [tilespmem:s21+$0x2C0]  }
0x15b: {  	v7 =	vadd.f32 v47, v7;
	v47 =	vld [tilespmem:$0x1FD50]  }
0x15c: {  	v4 =	vadd.f32 v52, v4;
	v2 =	vadd.f32 v58, v2;
	v46 =	vld [tilespmem:$0x1FD40]  }
0x15d: {  	[tilespmem:$0x1FDF0] =	vst v62;
	v62 =	vld [tilespmem:s21+$0xFFFFFFF0]  }
0x15e: {  	v4 =	vadd.f32 v60, v4;
	v2 =	vadd.f32 v45, v2;
	v45 =	vld [tilespmem:s21+$0x2D0]  }
0x15f: {  	v48 =	vld [tilespmem:$0x1FD60]  }
0x160: {  	v4 =	vadd.f32 v47, v4;
	v47 =	vld [tilespmem:s21+$0x470]  }
0x161: {  	v49 =	vld [tilespmem:$0x1FD70]  }
0x162: {  	[tilespmem:$0x1FE00] =	vst v62;
	v62 =	vld [tilespmem:s21+$0x0]  }
0x163: {  	v50 =	vld [tilespmem:$0x1FD80]  }
0x164: {  	v7 =	vadd.f32 v55, v7;
	v52 =	vld [tilespmem:$0x1FDA0]  }
0x165: {  	v3 =	vadd.f32 v51, v3;
	v51 =	vld [tilespmem:$0x1FD90]  }
0x166: {  	v5 =	vadd.f32 v53, v5;
	v7 =	vadd.f32 v63, v7;
	v53 =	vld [tilespmem:$0x1FDB0]  }
0x167: {  	[tilespmem:$0x1FE10] =	vst v62;
	v62 =	vld [tilespmem:s21+$0x10]  }
0x168: {  	v7 =	vadd.f32 v50, v7;
	v50 =	vld [tilespmem:s21+$0x2E0]  }
0x169: {  	v1 =	vadd.f32 v52, v1;
	v52 =	vld [tilespmem:s21+$0x2F0]  }
0x16a: {  	v54 =	vld [tilespmem:$0x1FDC0]  }
0x16b: {  	v3 =	vadd.f32 v59, v3;
	v2 =	vadd.f32 v53, v2;
	v53 =	vld [tilespmem:s21+$0x300]  }
0x16c: {  	[tilespmem:$0x1FE20] =	vst v62;
	v62 =	vld [tilespmem:s21+$0x20]  }
0x16d: {  	v3 =	vadd.f32 v46, v3;
	v59 =	vld [tilespmem:$0x1FE10]  }
0x16e: {  	v55 =	vld [tilespmem:$0x1FDD0]  }
0x16f: {  	v3 =	vadd.f32 v54, v3;
	v54 =	vld [tilespmem:s21+$0x310]  }
0x170: {  	v0 =	vadd.f32 v51, v0;
	v60 =	vld [tilespmem:$0x1FE20]  }
0x171: {  	[tilespmem:$0x1FE30] =	vst v62;
	v62 =	vld [tilespmem:s21+$0x30]  }
0x172: {  	v5 =	vadd.f32 v61, v5;
	v56 =	vld [tilespmem:$0x1FDE0];
	v0 =	vadd.f32 v59, v0  }
0x173: {  	v61 =	vld [tilespmem:$0x1FE30]  }
0x174: {  	v5 =	vadd.f32 v48, v5;
	v57 =	vld [tilespmem:$0x1FDF0];
	v0 =	vadd.f32 v8, v0  }
0x175: {  	v6 =	vadd.f32 v49, v6;
	v58 =	vld [tilespmem:$0x1FE00];
	v1 =	vadd.f32 v60, v1  }
0x176: {  	v4 =	vadd.f32 v55, v4;
	v0 =	vadd.f32 v16, v0;
	[tilespmem:$0x1FE40] =	vst v62;
	v62 =	vld [tilespmem:s21+$0x40]  }
0x177: {  	v55 =	vld [tilespmem:s21+$0x320];
	v5 =	vadd.f32 v56, v5;
	v1 =	vadd.f32 v9, v1  }
0x178: {  	v0 =	vadd.f32 v24, v0;
	v2 =	vadd.f32 v61, v2;
	v63 =	vld [tilespmem:$0x1FE40]  }
0x179: {  	v56 =	vld [tilespmem:s21+$0x330];
	v6 =	vadd.f32 v57, v6;
	v1 =	vadd.f32 v17, v1  }
0x17a: {  	v0 =	vadd.f32 v32, v0;
	v61 =	vld [tilespmem:s21+$0x380];
	v2 =	vadd.f32 v10, v2  }
0x17b: {  	v7 =	vadd.f32 v58, v7;
	v1 =	vadd.f32 v25, v1;
	[tilespmem:$0x1FE50] =	vst v62;
	v62 =	vld [tilespmem:s21+$0x50]  }
0x17c: {  	v0 =	vadd.f32 v40, v0;
	v2 =	vadd.f32 v18, v2;
	v48 =	vld [tilespmem:$0x1FE50]  }
0x17d: {  	v57 =	vld [tilespmem:s21+$0x340];
	v1 =	vadd.f32 v33, v1;
	v3 =	vadd.f32 v63, v3  }
0x17e: {  	v40 =	vld [tilespmem:s21+$0x400];
	v0 =	vadd.f32 v53, v0;
	v2 =	vadd.f32 v26, v2  }
0x17f: {  	v63 =	vld [tilespmem:s21+$0x3A0];
	v1 =	vadd.f32 v41, v1;
	v3 =	vadd.f32 v11, v3  }
0x180: {  	v0 =	vadd.f32 v61, v0;
	v2 =	vadd.f32 v34, v2;
	[tilespmem:$0x1FE60] =	vst v62;
	v62 =	vld [tilespmem:s21+$0x60]  }
0x181: {  	v3 =	vadd.f32 v19, v3;
	v4 =	vadd.f32 v48, v4;
	v49 =	vld [tilespmem:$0x1FE60]  }
0x182: {  	v1 =	vadd.f32 v54, v1;
	v2 =	vadd.f32 v42, v2;
	v48 =	vld [tilespmem:s21+$0x480]  }
0x183: {  	v42 =	vld [tilespmem:s21+$0x420];
	v3 =	vadd.f32 v27, v3;
	v4 =	vadd.f32 v12, v4  }
0x184: {  	v58 =	vld [tilespmem:s21+$0x350];
	v0 =	vadd.f32 v40, v0;
	v2 =	vadd.f32 v55, v2  }
0x185: {  	v3 =	vadd.f32 v35, v3;
	[tilespmem:$0x1FE70] =	vst v62;
	v62 =	vld [tilespmem:s21+$0x70];
	v4 =	vadd.f32 v20, v4  }
0x186: {  	v2 =	vadd.f32 v63, v2;
	v5 =	vadd.f32 v49, v5;
	v51 =	vld [tilespmem:$0x1FE70]  }
0x187: {  	v59 =	vld [tilespmem:s21+$0x360];
	v3 =	vadd.f32 v43, v3;
	v0 =	vadd.f32 v48, v0  }
0x188: {  	v60 =	vld [tilespmem:s21+$0x370];
	v4 =	vadd.f32 v28, v4;
	v2 =	vadd.f32 v42, v2  }
0x189: {  	v53 =	vld [tilespmem:s21+$0x4D0];
	v5 =	vadd.f32 v13, v5;
	v3 =	vadd.f32 v56, v3  }
0x18a: {  	v33 =	vld [tilespmem:s21+$0x3C0];
	v4 =	vadd.f32 v36, v4;
	v7 =	vadd.f32 v62, v7  }
0x18b: {  	v5 =	vadd.f32 v21, v5;
	v62 =	vld [tilespmem:s21+$0x390];
	v6 =	vadd.f32 v51, v6  }
0x18c: {  	v41 =	vld [tilespmem:s21+$0x410];
	v4 =	vadd.f32 v44, v4;
	v7 =	vadd.f32 v15, v7  }
0x18d: {  	v35 =	vld [tilespmem:s21+$0x3D0];
	v5 =	vadd.f32 v29, v5;
	v6 =	vadd.f32 v14, v6  }
0x18e: {  	v44 =	vld [tilespmem:s21+$0x440];
	v4 =	vadd.f32 v57, v4;
	v7 =	vadd.f32 v23, v7  }
0x18f: {  	v43 =	vld [tilespmem:s21+$0x430];
	v5 =	vadd.f32 v37, v5;
	v6 =	vadd.f32 v22, v6  }
0x190: {  	v49 =	vld [tilespmem:s21+$0x490];
	v1 =	vadd.f32 v62, v1;
	v4 =	vadd.f32 v33, v4  }
0x191: {  	v51 =	vld [tilespmem:s21+$0x4B0];
	v7 =	vadd.f32 v31, v7;
	v5 =	vadd.f32 v45, v5  }
0x192: {  	v31 =	vld [tilespmem:s21+$0x3B0];
	v6 =	vadd.f32 v30, v6;
	v1 =	vadd.f32 v41, v1  }
0x193: {  	v45 =	vld [tilespmem:s21+$0x450];
	v4 =	vadd.f32 v44, v4;
	v7 =	vadd.f32 v39, v7  }
0x194: {  	v39 =	vld [tilespmem:s21+$0x3F0];
	v5 =	vadd.f32 v58, v5;
	v6 =	vadd.f32 v38, v6  }
0x195: {  	v37 =	vld [tilespmem:s21+$0x3E0];
	v1 =	vadd.f32 v49, v1;
	v7 =	vadd.f32 v52, v7  }
0x196: {  	v5 =	vadd.f32 v35, v5;
	v52 =	vld [tilespmem:s21+$0x4C0];
	v6 =	vadd.f32 v50, v6  }
0x197: {  	v3 =	vadd.f32 v31, v3;
	v50 =	vld [tilespmem:s21+$0x4A0];
	v7 =	vadd.f32 v60, v7  }
0x198: {  	v46 =	vld [tilespmem:s21+$0x460];
	v5 =	vadd.f32 v45, v5;
	v6 =	vadd.f32 v59, v6  }
0x199: {  	v55 =	vld [tilespmem:s21+$0x4F0];
	v3 =	vadd.f32 v43, v3;
	v7 =	vadd.f32 v39, v7  }
0x19a: {  	v54 =	vld [tilespmem:s21+$0x4E0];
	v0 =	vmul.f32 $5.000000070e-02, v0;
	v5 =	vadd.f32 v53, v5;
	v6 =	vadd.f32 v37, v6  }
0x19b: {  	s22 =	sshra.s32 s20, $0x2;
	v1 =	vmul.f32 $5.000000070e-02, v1;
	v3 =	vadd.f32 v51, v3;
	v4 =	vadd.f32 v52, v4  }
0x19c: {  	[tilespmem:s22+$0x15400] =	vst v0;
	v2 =	vadd.f32 v50, v2;
	v57 =	vadd.f32 v47, v7;
	v61 =	vmul.f32 $5.000000070e-02, v5  }
0x19d: {  	[tilespmem:s22+$0x15410] =	vst v1;
	v6 =	vadd.f32 v46, v6;
	v58 =	vmul.f32 $5.000000070e-02, v3  }
0x19e: {  	p0 =	sne.s32 s20, $0x1E00;
	v60 =	vmul.f32 $5.000000070e-02, v4;
	v56 =	vmul.f32 $5.000000070e-02, v2;
	v2 =	vadd.f32 v55, v57;
	[tilespmem:s22+$0x15450] =	vst v61  }
.Ltmp1:
0x19f: {  	v59 =	vadd.f32 v54, v6;
	[tilespmem:s22+$0x15430] =	vst v58;
	(pc) =	sbr.rel @p0 .LBB2_5-.Ltmp1, $4  }
0x1a0: {  	[tilespmem:s22+$0x15440] =	vst v60;
	v63 =	vmul.f32 $5.000000070e-02, v2  }
0x1a1: {  	[tilespmem:s22+$0x15420] =	vst v56;
	v62 =	vmul.f32 $5.000000070e-02, v59  }
0x1a2: {  	[tilespmem:s22+$0x15470] =	vst v63  }
0x1a3: {  	s20 =	sadd.s32 $0x200, s20;
	s21 =	sadd.s32 $0xA00, s21;
	[tilespmem:s22+$0x15460] =	vst v62  }
0x1a4: {  	s18 =	sadd.s32 $0x100, s18;
	s17 =	sadd.s32 $0x1, s17  }
0x1a5: {  	[hbm4b:s18+s3] =	stream.linear.scatter [tilespmem:s14], [sflag:$0x3], $0x800, $0x38;
	[tilespmem:$0x15C00] =	vst v63  }
0x1a6: {  	p0 =	sne.s32 s17, $0x7  }
.Ltmp2:
0x1a7: {  	_ = 	snop;
	(pc) =	sbr.rel @p0 .LBB2_2-.Ltmp2, $4  }
0x1a8: {  	_ =	swait.ge [sflag:s9], $0x800  }
0x1a9: {  	[sflag:s9] =	ssyncset.done $0x0  }
0x1aa: {  	s31 =	sadd.s32 $0x3C0, s19;
	[sflag:s9] =	ssyncadd.s32 $0xFFFFF800  }
0x1ab: {  	[tilespmem:s12], [sflag:$0x2] =	stream.indirect.gather [hbm4b:s1+s10], $0x80, s31, s10, $0xb8;
	[tilespmem:$0x15C00] =	vst v63  }
0x1ac: {  	_ =	swait.ge [sflag:s13], $0xA000  }
0x1ad: {  	[sflag:s13] =	ssyncset.done $0x0  }
0x1ae: {  	s17 =	simm.s32 $0x0;
	s18 =	simm.s32 $0x1900;
	[sflag:s13] =	ssyncadd.s32 $0xFFFF6000  }
.LBB2_8:
0x1af: {  	v0 =	vld [tilespmem:s18+$0xFFFFFB00]  }
0x1b0: {  	v1 =	vld [tilespmem:s18+$0xFFFFFB10]  }
0x1b1: {  	v2 =	vld [tilespmem:s18+$0xFFFFFB20]  }
0x1b2: {  	v3 =	vld [tilespmem:s18+$0xFFFFFB30]  }
0x1b3: {  	v4 =	vld [tilespmem:s18+$0xFFFFFB40]  }
0x1b4: {  	v5 =	vld [tilespmem:s18+$0xFFFFFB50]  }
0x1b5: {  	v6 =	vld [tilespmem:s18+$0xFFFFFB60]  }
0x1b6: {  	v7 =	vld [tilespmem:s18+$0xFFFFFB70]  }
0x1b7: {  	v8 =	vld [tilespmem:s18+$0xFFFFFB80]  }
0x1b8: {  	v9 =	vld [tilespmem:s18+$0xFFFFFB90]  }
0x1b9: {  	v10 =	vld [tilespmem:s18+$0xFFFFFBA0]  }
0x1ba: {  	v11 =	vld [tilespmem:s18+$0xFFFFFBB0]  }
0x1bb: {  	v12 =	vld [tilespmem:s18+$0xFFFFFBC0]  }
0x1bc: {  	v13 =	vld [tilespmem:s18+$0xFFFFFBD0]  }
0x1bd: {  	v14 =	vld [tilespmem:s18+$0xFFFFFBE0]  }
0x1be: {  	v15 =	vld [tilespmem:s18+$0xFFFFFBF0]  }
0x1bf: {  	v16 =	vld [tilespmem:s18+$0xFFFFFC00]  }
0x1c0: {  	v17 =	vld [tilespmem:s18+$0xFFFFFC10]  }
0x1c1: {  	v18 =	vld [tilespmem:s18+$0xFFFFFC20]  }
0x1c2: {  	v19 =	vld [tilespmem:s18+$0xFFFFFC30]  }
0x1c3: {  	v20 =	vld [tilespmem:s18+$0xFFFFFC40]  }
0x1c4: {  	v21 =	vld [tilespmem:s18+$0xFFFFFC50]  }
0x1c5: {  	v22 =	vld [tilespmem:s18+$0xFFFFFC60]  }
0x1c6: {  	v23 =	vld [tilespmem:s18+$0xFFFFFC70]  }
0x1c7: {  	v24 =	vld [tilespmem:s18+$0xFFFFFC80]  }
0x1c8: {  	v25 =	vld [tilespmem:s18+$0xFFFFFC90]  }
0x1c9: {  	v26 =	vld [tilespmem:s18+$0xFFFFFCA0]  }
0x1ca: {  	v27 =	vld [tilespmem:s18+$0xFFFFFCB0]  }
0x1cb: {  	v28 =	vld [tilespmem:s18+$0xFFFFFCC0]  }
0x1cc: {  	v29 =	vld [tilespmem:s18+$0xFFFFFCD0]  }
0x1cd: {  	v30 =	vld [tilespmem:s18+$0xFFFFFCE0]  }
0x1ce: {  	v31 =	vld [tilespmem:s18+$0xFFFFFCF0]  }
0x1cf: {  	v32 =	vld [tilespmem:s18+$0xFFFFFD00]  }
0x1d0: {  	v33 =	vld [tilespmem:s18+$0xFFFFFD10]  }
0x1d1: {  	v34 =	vld [tilespmem:s18+$0xFFFFFD20]  }
0x1d2: {  	v35 =	vld [tilespmem:s18+$0xFFFFFD30]  }
0x1d3: {  	v36 =	vld [tilespmem:s18+$0xFFFFFD40]  }
0x1d4: {  	v37 =	vld [tilespmem:s18+$0xFFFFFD50]  }
0x1d5: {  	v38 =	vld [tilespmem:s18+$0xFFFFFD60]  }
0x1d6: {  	v39 =	vld [tilespmem:s18+$0xFFFFFD70]  }
0x1d7: {  	v40 =	vld [tilespmem:s18+$0xFFFFFD80]  }
0x1d8: {  	v41 =	vld [tilespmem:s18+$0xFFFFFD90]  }
0x1d9: {  	v62 =	vld [tilespmem:s18+$0xFFFFFEE0]  }
0x1da: {  	v42 =	vld [tilespmem:s18+$0xFFFFFDA0]  }
0x1db: {  	v43 =	vld [tilespmem:s18+$0xFFFFFDB0]  }
0x1dc: {  	v44 =	vld [tilespmem:s18+$0xFFFFFDC0]  }
0x1dd: {  	v45 =	vld [tilespmem:s18+$0xFFFFFDD0]  }
0x1de: {  	[tilespmem:$0x1FB80] =	vst v62;
	v62 =	vld [tilespmem:s18+$0xFFFFFF00]  }
0x1df: {  	v46 =	vld [tilespmem:s18+$0xFFFFFDE0]  }
0x1e0: {  	v47 =	vld [tilespmem:s18+$0xFFFFFDF0]  }
0x1e1: {  	v48 =	vld [tilespmem:s18+$0xFFFFFE00]  }
0x1e2: {  	v49 =	vld [tilespmem:s18+$0xFFFFFE10]  }
0x1e3: {  	[tilespmem:$0x1FB90] =	vst v62;
	v62 =	vld [tilespmem:s18+$0xFFFFFF10]  }
0x1e4: {  	v50 =	vld [tilespmem:s18+$0xFFFFFE20]  }
0x1e5: {  	v51 =	vld [tilespmem:s18+$0xFFFFFE30]  }
0x1e6: {  	v52 =	vld [tilespmem:s18+$0xFFFFFE40]  }
0x1e7: {  	v53 =	vld [tilespmem:s18+$0xFFFFFE50]  }
0x1e8: {  	[tilespmem:$0x1FBA0] =	vst v62;
	v62 =	vld [tilespmem:s18+$0xFFFFFF20]  }
0x1e9: {  	v54 =	vld [tilespmem:s18+$0xFFFFFE60]  }
0x1ea: {  	v55 =	vld [tilespmem:s18+$0xFFFFFE70]  }
0x1eb: {  	v56 =	vld [tilespmem:s18+$0xFFFFFE80]  }
0x1ec: {  	v57 =	vld [tilespmem:s18+$0xFFFFFE90]  }
0x1ed: {  	[tilespmem:$0x1FBB0] =	vst v62;
	v62 =	vld [tilespmem:s18+$0xFFFFFF30]  }
0x1ee: {  	v58 =	vld [tilespmem:s18+$0xFFFFFEA0]  }
0x1ef: {  	v59 =	vld [tilespmem:s18+$0xFFFFFEB0]  }
0x1f0: {  	v60 =	vld [tilespmem:s18+$0xFFFFFEC0]  }
0x1f1: {  	v61 =	vld [tilespmem:s18+$0xFFFFFED0]  }
0x1f2: {  	[tilespmem:$0x1FBC0] =	vst v62;
	v62 =	vld [tilespmem:s18+$0xFFFFFF40]  }
0x1f3: {  	v63 =	vld [tilespmem:s18+$0xFFFFFEF0]  }
0x1f4: {  	v0 =	vadd.f32 v8, v0;
	v8 =	vld [tilespmem:s18+$0x80]  }
0x1f5: {  	v1 =	vadd.f32 v9, v1;
	v9 =	vld [tilespmem:s18+$0x90]  }
0x1f6: {  	v2 =	vadd.f32 v10, v2;
	v10 =	vld [tilespmem:s18+$0xA0]  }
0x1f7: {  	[tilespmem:$0x1FBD0] =	vst v62;
	v62 =	vld [tilespmem:s18+$0xFFFFFF50]  }
0x1f8: {  	v3 =	vadd.f32 v11, v3;
	v11 =	vld [tilespmem:s18+$0xB0]  }
0x1f9: {  	v4 =	vadd.f32 v12, v4;
	v12 =	vld [tilespmem:s18+$0xC0]  }
0x1fa: {  	v5 =	vadd.f32 v13, v5;
	v13 =	vld [tilespmem:s18+$0xD0]  }
0x1fb: {  	v6 =	vadd.f32 v14, v6;
	v14 =	vld [tilespmem:s18+$0xE0]  }
0x1fc: {  	[tilespmem:$0x1FBE0] =	vst v62;
	v62 =	vld [tilespmem:s18+$0xFFFFFF60]  }
0x1fd: {  	v7 =	vadd.f32 v15, v7;
	v15 =	vld [tilespmem:s18+$0xF0]  }
0x1fe: {  	v0 =	vadd.f32 v16, v0;
	v16 =	vld [tilespmem:s18+$0x100]  }
0x1ff: {  	v1 =	vadd.f32 v17, v1;
	v17 =	vld [tilespmem:s18+$0x110]  }
0x200: {  	v2 =	vadd.f32 v18, v2;
	v18 =	vld [tilespmem:s18+$0x120]  }
0x201: {  	[tilespmem:$0x1FBF0] =	vst v62;
	v62 =	vld [tilespmem:s18+$0xFFFFFF70]  }
0x202: {  	v3 =	vadd.f32 v19, v3;
	v19 =	vld [tilespmem:s18+$0x130]  }
0x203: {  	v4 =	vadd.f32 v20, v4;
	v20 =	vld [tilespmem:s18+$0x140]  }
0x204: {  	v5 =	vadd.f32 v21, v5;
	v21 =	vld [tilespmem:s18+$0x150]  }
0x205: {  	v6 =	vadd.f32 v22, v6;
	v22 =	vld [tilespmem:s18+$0x160]  }
0x206: {  	[tilespmem:$0x1FC00] =	vst v62;
	v62 =	vld [tilespmem:s18+$0xFFFFFF80]  }
0x207: {  	v7 =	vadd.f32 v23, v7;
	v23 =	vld [tilespmem:s18+$0x170]  }
0x208: {  	v0 =	vadd.f32 v24, v0;
	v24 =	vld [tilespmem:s18+$0x180]  }
0x209: {  	v1 =	vadd.f32 v25, v1;
	v25 =	vld [tilespmem:s18+$0x190]  }
0x20a: {  	v2 =	vadd.f32 v26, v2;
	v26 =	vld [tilespmem:s18+$0x1A0]  }
0x20b: {  	[tilespmem:$0x1FC10] =	vst v62;
	v62 =	vld [tilespmem:s18+$0xFFFFFF90]  }
0x20c: {  	v3 =	vadd.f32 v27, v3;
	v27 =	vld [tilespmem:s18+$0x1B0]  }
0x20d: {  	v4 =	vadd.f32 v28, v4;
	v28 =	vld [tilespmem:s18+$0x1C0]  }
0x20e: {  	v5 =	vadd.f32 v29, v5;
	v29 =	vld [tilespmem:s18+$0x1D0]  }
0x20f: {  	v6 =	vadd.f32 v30, v6;
	v30 =	vld [tilespmem:s18+$0x1E0]  }
0x210: {  	[tilespmem:$0x1FC20] =	vst v62;
	v62 =	vld [tilespmem:s18+$0xFFFFFFA0]  }
0x211: {  	v7 =	vadd.f32 v31, v7;
	v31 =	vld [tilespmem:s18+$0x1F0]  }
0x212: {  	v0 =	vadd.f32 v32, v0;
	v32 =	vld [tilespmem:s18+$0x200]  }
0x213: {  	v1 =	vadd.f32 v33, v1;
	v33 =	vld [tilespmem:s18+$0x210]  }
0x214: {  	v2 =	vadd.f32 v34, v2;
	v34 =	vld [tilespmem:s18+$0x220]  }
0x215: {  	[tilespmem:$0x1FC30] =	vst v62;
	v62 =	vld [tilespmem:s18+$0xFFFFFFB0]  }
0x216: {  	v3 =	vadd.f32 v35, v3;
	v35 =	vld [tilespmem:s18+$0x230]  }
0x217: {  	v4 =	vadd.f32 v36, v4;
	v36 =	vld [tilespmem:s18+$0x240]  }
0x218: {  	v5 =	vadd.f32 v37, v5;
	v37 =	vld [tilespmem:s18+$0x250]  }
0x219: {  	v6 =	vadd.f32 v38, v6;
	v38 =	vld [tilespmem:s18+$0x260]  }
0x21a: {  	[tilespmem:$0x1FC40] =	vst v62;
	v62 =	vld [tilespmem:s18+$0xFFFFFFC0]  }
0x21b: {  	v7 =	vadd.f32 v39, v7;
	v39 =	vld [tilespmem:s18+$0x270]  }
0x21c: {  	v2 =	vadd.f32 v42, v2;
	v42 =	vld [tilespmem:$0x1FB80]  }
0x21d: {  	v0 =	vadd.f32 v40, v0;
	v3 =	vadd.f32 v43, v3;
	v43 =	vld [tilespmem:$0x1FB90]  }
0x21e: {  	v6 =	vadd.f32 v46, v6;
	v40 =	vld [tilespmem:s18+$0x280]  }
0x21f: {  	v0 =	vadd.f32 v48, v0;
	[tilespmem:$0x1FC50] =	vst v62;
	v62 =	vld [tilespmem:s18+$0xFFFFFFD0]  }
0x220: {  	v1 =	vadd.f32 v41, v1;
	v41 =	vld [tilespmem:s18+$0x290];
	v6 =	vadd.f32 v54, v6  }
0x221: {  	v4 =	vadd.f32 v44, v4;
	v44 =	vld [tilespmem:$0x1FBA0];
	v0 =	vadd.f32 v56, v0  }
0x222: {  	v1 =	vadd.f32 v49, v1;
	v6 =	vadd.f32 v42, v6;
	v42 =	vld [tilespmem:s18+$0x2A0]  }
0x223: {  	v0 =	vadd.f32 v43, v0;
	v43 =	vld [tilespmem:s18+$0x2B0]  }
0x224: {  	v1 =	vadd.f32 v57, v1;
	[tilespmem:$0x1FC60] =	vst v62;
	v62 =	vld [tilespmem:s18+$0xFFFFFFE0]  }
0x225: {  	v5 =	vadd.f32 v45, v5;
	v45 =	vld [tilespmem:$0x1FBB0]  }
0x226: {  	v2 =	vadd.f32 v50, v2;
	v1 =	vadd.f32 v44, v1;
	v44 =	vld [tilespmem:s18+$0x2C0]  }
0x227: {  	v7 =	vadd.f32 v47, v7;
	v47 =	vld [tilespmem:$0x1FBD0]  }
0x228: {  	v4 =	vadd.f32 v52, v4;
	v2 =	vadd.f32 v58, v2;
	v46 =	vld [tilespmem:$0x1FBC0]  }
0x229: {  	[tilespmem:$0x1FC70] =	vst v62;
	v62 =	vld [tilespmem:s18+$0xFFFFFFF0]  }
0x22a: {  	v4 =	vadd.f32 v60, v4;
	v2 =	vadd.f32 v45, v2;
	v45 =	vld [tilespmem:s18+$0x2D0]  }
0x22b: {  	v48 =	vld [tilespmem:$0x1FBE0]  }
0x22c: {  	v4 =	vadd.f32 v47, v4;
	v47 =	vld [tilespmem:s18+$0x470]  }
0x22d: {  	v49 =	vld [tilespmem:$0x1FBF0]  }
0x22e: {  	[tilespmem:$0x1FC80] =	vst v62;
	v62 =	vld [tilespmem:s18+$0x0]  }
0x22f: {  	v50 =	vld [tilespmem:$0x1FC00]  }
0x230: {  	v7 =	vadd.f32 v55, v7;
	v52 =	vld [tilespmem:$0x1FC20]  }
0x231: {  	v3 =	vadd.f32 v51, v3;
	v51 =	vld [tilespmem:$0x1FC10]  }
0x232: {  	v5 =	vadd.f32 v53, v5;
	v7 =	vadd.f32 v63, v7;
	v53 =	vld [tilespmem:$0x1FC30]  }
0x233: {  	[tilespmem:$0x1FC90] =	vst v62;
	v62 =	vld [tilespmem:s18+$0x10]  }
0x234: {  	v7 =	vadd.f32 v50, v7;
	v50 =	vld [tilespmem:s18+$0x2E0]  }
0x235: {  	v1 =	vadd.f32 v52, v1;
	v52 =	vld [tilespmem:s18+$0x2F0]  }
0x236: {  	v54 =	vld [tilespmem:$0x1FC40]  }
0x237: {  	v3 =	vadd.f32 v59, v3;
	v2 =	vadd.f32 v53, v2;
	v53 =	vld [tilespmem:s18+$0x300]  }
0x238: {  	[tilespmem:$0x1FCA0] =	vst v62;
	v62 =	vld [tilespmem:s18+$0x20]  }
0x239: {  	v3 =	vadd.f32 v46, v3;
	v59 =	vld [tilespmem:$0x1FC90]  }
0x23a: {  	v55 =	vld [tilespmem:$0x1FC50]  }
0x23b: {  	v3 =	vadd.f32 v54, v3;
	v54 =	vld [tilespmem:s18+$0x310]  }
0x23c: {  	v0 =	vadd.f32 v51, v0;
	v60 =	vld [tilespmem:$0x1FCA0]  }
0x23d: {  	[tilespmem:$0x1FCB0] =	vst v62;
	v62 =	vld [tilespmem:s18+$0x30]  }
0x23e: {  	v5 =	vadd.f32 v61, v5;
	v56 =	vld [tilespmem:$0x1FC60];
	v0 =	vadd.f32 v59, v0  }
0x23f: {  	v61 =	vld [tilespmem:$0x1FCB0]  }
0x240: {  	v5 =	vadd.f32 v48, v5;
	v57 =	vld [tilespmem:$0x1FC70];
	v0 =	vadd.f32 v8, v0  }
0x241: {  	v6 =	vadd.f32 v49, v6;
	v58 =	vld [tilespmem:$0x1FC80];
	v1 =	vadd.f32 v60, v1  }
0x242: {  	v4 =	vadd.f32 v55, v4;
	v0 =	vadd.f32 v16, v0;
	[tilespmem:$0x1FCC0] =	vst v62;
	v62 =	vld [tilespmem:s18+$0x40]  }
0x243: {  	v55 =	vld [tilespmem:s18+$0x320];
	v5 =	vadd.f32 v56, v5;
	v1 =	vadd.f32 v9, v1  }
0x244: {  	v0 =	vadd.f32 v24, v0;
	v2 =	vadd.f32 v61, v2;
	v63 =	vld [tilespmem:$0x1FCC0]  }
0x245: {  	v56 =	vld [tilespmem:s18+$0x330];
	v6 =	vadd.f32 v57, v6;
	v1 =	vadd.f32 v17, v1  }
0x246: {  	v0 =	vadd.f32 v32, v0;
	v61 =	vld [tilespmem:s18+$0x380];
	v2 =	vadd.f32 v10, v2  }
0x247: {  	v7 =	vadd.f32 v58, v7;
	v1 =	vadd.f32 v25, v1;
	[tilespmem:$0x1FCD0] =	vst v62;
	v62 =	vld [tilespmem:s18+$0x50]  }
0x248: {  	v0 =	vadd.f32 v40, v0;
	v2 =	vadd.f32 v18, v2;
	v48 =	vld [tilespmem:$0x1FCD0]  }
0x249: {  	v57 =	vld [tilespmem:s18+$0x340];
	v1 =	vadd.f32 v33, v1;
	v3 =	vadd.f32 v63, v3  }
0x24a: {  	v40 =	vld [tilespmem:s18+$0x400];
	v0 =	vadd.f32 v53, v0;
	v2 =	vadd.f32 v26, v2  }
0x24b: {  	v63 =	vld [tilespmem:s18+$0x3A0];
	v1 =	vadd.f32 v41, v1;
	v3 =	vadd.f32 v11, v3  }
0x24c: {  	v0 =	vadd.f32 v61, v0;
	v2 =	vadd.f32 v34, v2;
	[tilespmem:$0x1FCE0] =	vst v62;
	v62 =	vld [tilespmem:s18+$0x60]  }
0x24d: {  	v3 =	vadd.f32 v19, v3;
	v4 =	vadd.f32 v48, v4;
	v49 =	vld [tilespmem:$0x1FCE0]  }
0x24e: {  	v1 =	vadd.f32 v54, v1;
	v2 =	vadd.f32 v42, v2;
	v48 =	vld [tilespmem:s18+$0x480]  }
0x24f: {  	v42 =	vld [tilespmem:s18+$0x420];
	v3 =	vadd.f32 v27, v3;
	v4 =	vadd.f32 v12, v4  }
0x250: {  	v58 =	vld [tilespmem:s18+$0x350];
	v0 =	vadd.f32 v40, v0;
	v2 =	vadd.f32 v55, v2  }
0x251: {  	v3 =	vadd.f32 v35, v3;
	[tilespmem:$0x1FCF0] =	vst v62;
	v62 =	vld [tilespmem:s18+$0x70];
	v4 =	vadd.f32 v20, v4  }
0x252: {  	v2 =	vadd.f32 v63, v2;
	v5 =	vadd.f32 v49, v5;
	v51 =	vld [tilespmem:$0x1FCF0]  }
0x253: {  	v59 =	vld [tilespmem:s18+$0x360];
	v3 =	vadd.f32 v43, v3;
	v0 =	vadd.f32 v48, v0  }
0x254: {  	v60 =	vld [tilespmem:s18+$0x370];
	v4 =	vadd.f32 v28, v4;
	v2 =	vadd.f32 v42, v2  }
0x255: {  	v53 =	vld [tilespmem:s18+$0x4D0];
	v5 =	vadd.f32 v13, v5;
	v3 =	vadd.f32 v56, v3  }
0x256: {  	v33 =	vld [tilespmem:s18+$0x3C0];
	v4 =	vadd.f32 v36, v4;
	v7 =	vadd.f32 v62, v7  }
0x257: {  	v5 =	vadd.f32 v21, v5;
	v62 =	vld [tilespmem:s18+$0x390];
	v6 =	vadd.f32 v51, v6  }
0x258: {  	v41 =	vld [tilespmem:s18+$0x410];
	v4 =	vadd.f32 v44, v4;
	v7 =	vadd.f32 v15, v7  }
0x259: {  	v35 =	vld [tilespmem:s18+$0x3D0];
	v5 =	vadd.f32 v29, v5;
	v6 =	vadd.f32 v14, v6  }
0x25a: {  	v44 =	vld [tilespmem:s18+$0x440];
	v4 =	vadd.f32 v57, v4;
	v7 =	vadd.f32 v23, v7  }
0x25b: {  	v43 =	vld [tilespmem:s18+$0x430];
	v5 =	vadd.f32 v37, v5;
	v6 =	vadd.f32 v22, v6  }
0x25c: {  	v49 =	vld [tilespmem:s18+$0x490];
	v1 =	vadd.f32 v62, v1;
	v4 =	vadd.f32 v33, v4  }
0x25d: {  	v51 =	vld [tilespmem:s18+$0x4B0];
	v7 =	vadd.f32 v31, v7;
	v5 =	vadd.f32 v45, v5  }
0x25e: {  	v31 =	vld [tilespmem:s18+$0x3B0];
	v6 =	vadd.f32 v30, v6;
	v1 =	vadd.f32 v41, v1  }
0x25f: {  	v45 =	vld [tilespmem:s18+$0x450];
	v4 =	vadd.f32 v44, v4;
	v7 =	vadd.f32 v39, v7  }
0x260: {  	v39 =	vld [tilespmem:s18+$0x3F0];
	v5 =	vadd.f32 v58, v5;
	v6 =	vadd.f32 v38, v6  }
0x261: {  	v37 =	vld [tilespmem:s18+$0x3E0];
	v1 =	vadd.f32 v49, v1;
	v7 =	vadd.f32 v52, v7  }
0x262: {  	v5 =	vadd.f32 v35, v5;
	v52 =	vld [tilespmem:s18+$0x4C0];
	v6 =	vadd.f32 v50, v6  }
0x263: {  	v3 =	vadd.f32 v31, v3;
	v50 =	vld [tilespmem:s18+$0x4A0];
	v7 =	vadd.f32 v60, v7  }
0x264: {  	v46 =	vld [tilespmem:s18+$0x460];
	v5 =	vadd.f32 v45, v5;
	v6 =	vadd.f32 v59, v6  }
0x265: {  	v55 =	vld [tilespmem:s18+$0x4F0];
	v3 =	vadd.f32 v43, v3;
	v7 =	vadd.f32 v39, v7  }
0x266: {  	v54 =	vld [tilespmem:s18+$0x4E0];
	v0 =	vmul.f32 $5.000000070e-02, v0;
	v5 =	vadd.f32 v53, v5;
	v6 =	vadd.f32 v37, v6  }
0x267: {  	s19 =	sshra.s32 s17, $0x2;
	v1 =	vmul.f32 $5.000000070e-02, v1;
	v3 =	vadd.f32 v51, v3;
	v4 =	vadd.f32 v52, v4  }
0x268: {  	[tilespmem:s19+$0x15400] =	vst v0;
	v2 =	vadd.f32 v50, v2;
	v57 =	vadd.f32 v47, v7;
	v61 =	vmul.f32 $5.000000070e-02, v5  }
0x269: {  	[tilespmem:s19+$0x15410] =	vst v1;
	v6 =	vadd.f32 v46, v6;
	v58 =	vmul.f32 $5.000000070e-02, v3  }
0x26a: {  	p0 =	sne.s32 s17, $0x1E00;
	v60 =	vmul.f32 $5.000000070e-02, v4;
	v56 =	vmul.f32 $5.000000070e-02, v2;
	v2 =	vadd.f32 v55, v57;
	[tilespmem:s19+$0x15450] =	vst v61  }
.Ltmp3:
0x26b: {  	v59 =	vadd.f32 v54, v6;
	[tilespmem:s19+$0x15430] =	vst v58;
	(pc) =	sbr.rel @p0 .LBB2_8-.Ltmp3, $4  }
0x26c: {  	[tilespmem:s19+$0x15440] =	vst v60;
	v63 =	vmul.f32 $5.000000070e-02, v2  }
0x26d: {  	[tilespmem:s19+$0x15420] =	vst v56;
	v62 =	vmul.f32 $5.000000070e-02, v59  }
0x26e: {  	[tilespmem:s19+$0x15470] =	vst v63  }
0x26f: {  	s17 =	sadd.s32 $0x200, s17;
	s18 =	sadd.s32 $0xA00, s18;
	[tilespmem:s19+$0x15460] =	vst v62  }
0x270: {  	s17 =	simm.s32 $0x0  }
0x271: {  	[hbm4b:s6+s17] =	stream.linear.scatter [tilespmem:s14], [sflag:$0x3], $0x800, $0x38;
	[tilespmem:$0x15C00] =	vst v63  }
0x272: {  	_ =	swait.ge [sflag:s9], $0x800  }
0x273: {  	[sflag:s9] =	ssyncset.done $0x0  }
0x274: {  	[sflag:s9] =	ssyncadd.s32 $0xFFFFF800  }
0x275: {  	_ =	swait.ge [sflag:s15], $0xA000  }
0x276: {  	[sflag:s15] =	ssyncset.done $0x0  }
0x277: {  	s18 =	simm.s32 $0xB900;
	[sflag:s15] =	ssyncadd.s32 $0xFFFF6000  }
.LBB2_10:
0x278: {  	v0 =	vld [tilespmem:s18+$0xFFFFFB00]  }
0x279: {  	v1 =	vld [tilespmem:s18+$0xFFFFFB10]  }
0x27a: {  	v2 =	vld [tilespmem:s18+$0xFFFFFB20]  }
0x27b: {  	v3 =	vld [tilespmem:s18+$0xFFFFFB30]  }
0x27c: {  	v4 =	vld [tilespmem:s18+$0xFFFFFB40]  }
0x27d: {  	v5 =	vld [tilespmem:s18+$0xFFFFFB50]  }
0x27e: {  	v6 =	vld [tilespmem:s18+$0xFFFFFB60]  }
0x27f: {  	v7 =	vld [tilespmem:s18+$0xFFFFFB70]  }
0x280: {  	v8 =	vld [tilespmem:s18+$0xFFFFFB80]  }
0x281: {  	v9 =	vld [tilespmem:s18+$0xFFFFFB90]  }
0x282: {  	v10 =	vld [tilespmem:s18+$0xFFFFFBA0]  }
0x283: {  	v11 =	vld [tilespmem:s18+$0xFFFFFBB0]  }
0x284: {  	v12 =	vld [tilespmem:s18+$0xFFFFFBC0]  }
0x285: {  	v13 =	vld [tilespmem:s18+$0xFFFFFBD0]  }
0x286: {  	v14 =	vld [tilespmem:s18+$0xFFFFFBE0]  }
0x287: {  	v15 =	vld [tilespmem:s18+$0xFFFFFBF0]  }
0x288: {  	v16 =	vld [tilespmem:s18+$0xFFFFFC00]  }
0x289: {  	v17 =	vld [tilespmem:s18+$0xFFFFFC10]  }
0x28a: {  	v18 =	vld [tilespmem:s18+$0xFFFFFC20]  }
0x28b: {  	v19 =	vld [tilespmem:s18+$0xFFFFFC30]  }
0x28c: {  	v20 =	vld [tilespmem:s18+$0xFFFFFC40]  }
0x28d: {  	v21 =	vld [tilespmem:s18+$0xFFFFFC50]  }
0x28e: {  	v22 =	vld [tilespmem:s18+$0xFFFFFC60]  }
0x28f: {  	v23 =	vld [tilespmem:s18+$0xFFFFFC70]  }
0x290: {  	v24 =	vld [tilespmem:s18+$0xFFFFFC80]  }
0x291: {  	v25 =	vld [tilespmem:s18+$0xFFFFFC90]  }
0x292: {  	v26 =	vld [tilespmem:s18+$0xFFFFFCA0]  }
0x293: {  	v27 =	vld [tilespmem:s18+$0xFFFFFCB0]  }
0x294: {  	v28 =	vld [tilespmem:s18+$0xFFFFFCC0]  }
0x295: {  	v29 =	vld [tilespmem:s18+$0xFFFFFCD0]  }
0x296: {  	v30 =	vld [tilespmem:s18+$0xFFFFFCE0]  }
0x297: {  	v31 =	vld [tilespmem:s18+$0xFFFFFCF0]  }
0x298: {  	v32 =	vld [tilespmem:s18+$0xFFFFFD00]  }
0x299: {  	v33 =	vld [tilespmem:s18+$0xFFFFFD10]  }
0x29a: {  	v34 =	vld [tilespmem:s18+$0xFFFFFD20]  }
0x29b: {  	v35 =	vld [tilespmem:s18+$0xFFFFFD30]  }
0x29c: {  	v36 =	vld [tilespmem:s18+$0xFFFFFD40]  }
0x29d: {  	v37 =	vld [tilespmem:s18+$0xFFFFFD50]  }
0x29e: {  	v38 =	vld [tilespmem:s18+$0xFFFFFD60]  }
0x29f: {  	v39 =	vld [tilespmem:s18+$0xFFFFFD70]  }
0x2a0: {  	v40 =	vld [tilespmem:s18+$0xFFFFFD80]  }
0x2a1: {  	v41 =	vld [tilespmem:s18+$0xFFFFFD90]  }
0x2a2: {  	v62 =	vld [tilespmem:s18+$0xFFFFFEE0]  }
0x2a3: {  	v42 =	vld [tilespmem:s18+$0xFFFFFDA0]  }
0x2a4: {  	v43 =	vld [tilespmem:s18+$0xFFFFFDB0]  }
0x2a5: {  	v44 =	vld [tilespmem:s18+$0xFFFFFDC0]  }
0x2a6: {  	v45 =	vld [tilespmem:s18+$0xFFFFFDD0]  }
0x2a7: {  	[tilespmem:$0x1FA00] =	vst v62;
	v62 =	vld [tilespmem:s18+$0xFFFFFF00]  }
0x2a8: {  	v46 =	vld [tilespmem:s18+$0xFFFFFDE0]  }
0x2a9: {  	v47 =	vld [tilespmem:s18+$0xFFFFFDF0]  }
0x2aa: {  	v48 =	vld [tilespmem:s18+$0xFFFFFE00]  }
0x2ab: {  	v49 =	vld [tilespmem:s18+$0xFFFFFE10]  }
0x2ac: {  	[tilespmem:$0x1FA10] =	vst v62;
	v62 =	vld [tilespmem:s18+$0xFFFFFF10]  }
0x2ad: {  	v50 =	vld [tilespmem:s18+$0xFFFFFE20]  }
0x2ae: {  	v51 =	vld [tilespmem:s18+$0xFFFFFE30]  }
0x2af: {  	v52 =	vld [tilespmem:s18+$0xFFFFFE40]  }
0x2b0: {  	v53 =	vld [tilespmem:s18+$0xFFFFFE50]  }
0x2b1: {  	[tilespmem:$0x1FA20] =	vst v62;
	v62 =	vld [tilespmem:s18+$0xFFFFFF20]  }
0x2b2: {  	v54 =	vld [tilespmem:s18+$0xFFFFFE60]  }
0x2b3: {  	v55 =	vld [tilespmem:s18+$0xFFFFFE70]  }
0x2b4: {  	v56 =	vld [tilespmem:s18+$0xFFFFFE80]  }
0x2b5: {  	v57 =	vld [tilespmem:s18+$0xFFFFFE90]  }
0x2b6: {  	[tilespmem:$0x1FA30] =	vst v62;
	v62 =	vld [tilespmem:s18+$0xFFFFFF30]  }
0x2b7: {  	v58 =	vld [tilespmem:s18+$0xFFFFFEA0]  }
0x2b8: {  	v59 =	vld [tilespmem:s18+$0xFFFFFEB0]  }
0x2b9: {  	v60 =	vld [tilespmem:s18+$0xFFFFFEC0]  }
0x2ba: {  	v61 =	vld [tilespmem:s18+$0xFFFFFED0]  }
0x2bb: {  	[tilespmem:$0x1FA40] =	vst v62;
	v62 =	vld [tilespmem:s18+$0xFFFFFF40]  }
0x2bc: {  	v63 =	vld [tilespmem:s18+$0xFFFFFEF0]  }
0x2bd: {  	v0 =	vadd.f32 v8, v0;
	v8 =	vld [tilespmem:s18+$0x80]  }
0x2be: {  	v1 =	vadd.f32 v9, v1;
	v9 =	vld [tilespmem:s18+$0x90]  }
0x2bf: {  	v2 =	vadd.f32 v10, v2;
	v10 =	vld [tilespmem:s18+$0xA0]  }
0x2c0: {  	[tilespmem:$0x1FA50] =	vst v62;
	v62 =	vld [tilespmem:s18+$0xFFFFFF50]  }
0x2c1: {  	v3 =	vadd.f32 v11, v3;
	v11 =	vld [tilespmem:s18+$0xB0]  }
0x2c2: {  	v4 =	vadd.f32 v12, v4;
	v12 =	vld [tilespmem:s18+$0xC0]  }
0x2c3: {  	v5 =	vadd.f32 v13, v5;
	v13 =	vld [tilespmem:s18+$0xD0]  }
0x2c4: {  	v6 =	vadd.f32 v14, v6;
	v14 =	vld [tilespmem:s18+$0xE0]  }
0x2c5: {  	[tilespmem:$0x1FA60] =	vst v62;
	v62 =	vld [tilespmem:s18+$0xFFFFFF60]  }
0x2c6: {  	v7 =	vadd.f32 v15, v7;
	v15 =	vld [tilespmem:s18+$0xF0]  }
0x2c7: {  	v0 =	vadd.f32 v16, v0;
	v16 =	vld [tilespmem:s18+$0x100]  }
0x2c8: {  	v1 =	vadd.f32 v17, v1;
	v17 =	vld [tilespmem:s18+$0x110]  }
0x2c9: {  	v2 =	vadd.f32 v18, v2;
	v18 =	vld [tilespmem:s18+$0x120]  }
0x2ca: {  	[tilespmem:$0x1FA70] =	vst v62;
	v62 =	vld [tilespmem:s18+$0xFFFFFF70]  }
0x2cb: {  	v3 =	vadd.f32 v19, v3;
	v19 =	vld [tilespmem:s18+$0x130]  }
0x2cc: {  	v4 =	vadd.f32 v20, v4;
	v20 =	vld [tilespmem:s18+$0x140]  }
0x2cd: {  	v5 =	vadd.f32 v21, v5;
	v21 =	vld [tilespmem:s18+$0x150]  }
0x2ce: {  	v6 =	vadd.f32 v22, v6;
	v22 =	vld [tilespmem:s18+$0x160]  }
0x2cf: {  	[tilespmem:$0x1FA80] =	vst v62;
	v62 =	vld [tilespmem:s18+$0xFFFFFF80]  }
0x2d0: {  	v7 =	vadd.f32 v23, v7;
	v23 =	vld [tilespmem:s18+$0x170]  }
0x2d1: {  	v0 =	vadd.f32 v24, v0;
	v24 =	vld [tilespmem:s18+$0x180]  }
0x2d2: {  	v1 =	vadd.f32 v25, v1;
	v25 =	vld [tilespmem:s18+$0x190]  }
0x2d3: {  	v2 =	vadd.f32 v26, v2;
	v26 =	vld [tilespmem:s18+$0x1A0]  }
0x2d4: {  	[tilespmem:$0x1FA90] =	vst v62;
	v62 =	vld [tilespmem:s18+$0xFFFFFF90]  }
0x2d5: {  	v3 =	vadd.f32 v27, v3;
	v27 =	vld [tilespmem:s18+$0x1B0]  }
0x2d6: {  	v4 =	vadd.f32 v28, v4;
	v28 =	vld [tilespmem:s18+$0x1C0]  }
0x2d7: {  	v5 =	vadd.f32 v29, v5;
	v29 =	vld [tilespmem:s18+$0x1D0]  }
0x2d8: {  	v6 =	vadd.f32 v30, v6;
	v30 =	vld [tilespmem:s18+$0x1E0]  }
0x2d9: {  	[tilespmem:$0x1FAA0] =	vst v62;
	v62 =	vld [tilespmem:s18+$0xFFFFFFA0]  }
0x2da: {  	v7 =	vadd.f32 v31, v7;
	v31 =	vld [tilespmem:s18+$0x1F0]  }
0x2db: {  	v0 =	vadd.f32 v32, v0;
	v32 =	vld [tilespmem:s18+$0x200]  }
0x2dc: {  	v1 =	vadd.f32 v33, v1;
	v33 =	vld [tilespmem:s18+$0x210]  }
0x2dd: {  	v2 =	vadd.f32 v34, v2;
	v34 =	vld [tilespmem:s18+$0x220]  }
0x2de: {  	[tilespmem:$0x1FAB0] =	vst v62;
	v62 =	vld [tilespmem:s18+$0xFFFFFFB0]  }
0x2df: {  	v3 =	vadd.f32 v35, v3;
	v35 =	vld [tilespmem:s18+$0x230]  }
0x2e0: {  	v4 =	vadd.f32 v36, v4;
	v36 =	vld [tilespmem:s18+$0x240]  }
0x2e1: {  	v5 =	vadd.f32 v37, v5;
	v37 =	vld [tilespmem:s18+$0x250]  }
0x2e2: {  	v6 =	vadd.f32 v38, v6;
	v38 =	vld [tilespmem:s18+$0x260]  }
0x2e3: {  	[tilespmem:$0x1FAC0] =	vst v62;
	v62 =	vld [tilespmem:s18+$0xFFFFFFC0]  }
0x2e4: {  	v7 =	vadd.f32 v39, v7;
	v39 =	vld [tilespmem:s18+$0x270]  }
0x2e5: {  	v2 =	vadd.f32 v42, v2;
	v42 =	vld [tilespmem:$0x1FA00]  }
0x2e6: {  	v0 =	vadd.f32 v40, v0;
	v3 =	vadd.f32 v43, v3;
	v43 =	vld [tilespmem:$0x1FA10]  }
0x2e7: {  	v6 =	vadd.f32 v46, v6;
	v40 =	vld [tilespmem:s18+$0x280]  }
0x2e8: {  	v0 =	vadd.f32 v48, v0;
	[tilespmem:$0x1FAD0] =	vst v62;
	v62 =	vld [tilespmem:s18+$0xFFFFFFD0]  }
0x2e9: {  	v1 =	vadd.f32 v41, v1;
	v41 =	vld [tilespmem:s18+$0x290];
	v6 =	vadd.f32 v54, v6  }
0x2ea: {  	v4 =	vadd.f32 v44, v4;
	v44 =	vld [tilespmem:$0x1FA20];
	v0 =	vadd.f32 v56, v0  }
0x2eb: {  	v1 =	vadd.f32 v49, v1;
	v6 =	vadd.f32 v42, v6;
	v42 =	vld [tilespmem:s18+$0x2A0]  }
0x2ec: {  	v0 =	vadd.f32 v43, v0;
	v43 =	vld [tilespmem:s18+$0x2B0]  }
0x2ed: {  	v1 =	vadd.f32 v57, v1;
	[tilespmem:$0x1FAE0] =	vst v62;
	v62 =	vld [tilespmem:s18+$0xFFFFFFE0]  }
0x2ee: {  	v5 =	vadd.f32 v45, v5;
	v45 =	vld [tilespmem:$0x1FA30]  }
0x2ef: {  	v2 =	vadd.f32 v50, v2;
	v1 =	vadd.f32 v44, v1;
	v44 =	vld [tilespmem:s18+$0x2C0]  }
0x2f0: {  	v7 =	vadd.f32 v47, v7;
	v47 =	vld [tilespmem:$0x1FA50]  }
0x2f1: {  	v4 =	vadd.f32 v52, v4;
	v2 =	vadd.f32 v58, v2;
	v46 =	vld [tilespmem:$0x1FA40]  }
0x2f2: {  	[tilespmem:$0x1FAF0] =	vst v62;
	v62 =	vld [tilespmem:s18+$0xFFFFFFF0]  }
0x2f3: {  	v4 =	vadd.f32 v60, v4;
	v2 =	vadd.f32 v45, v2;
	v45 =	vld [tilespmem:s18+$0x2D0]  }
0x2f4: {  	v48 =	vld [tilespmem:$0x1FA60]  }
0x2f5: {  	v4 =	vadd.f32 v47, v4;
	v47 =	vld [tilespmem:s18+$0x470]  }
0x2f6: {  	v49 =	vld [tilespmem:$0x1FA70]  }
0x2f7: {  	[tilespmem:$0x1FB00] =	vst v62;
	v62 =	vld [tilespmem:s18+$0x0]  }
0x2f8: {  	v50 =	vld [tilespmem:$0x1FA80]  }
0x2f9: {  	v7 =	vadd.f32 v55, v7;
	v52 =	vld [tilespmem:$0x1FAA0]  }
0x2fa: {  	v3 =	vadd.f32 v51, v3;
	v51 =	vld [tilespmem:$0x1FA90]  }
0x2fb: {  	v5 =	vadd.f32 v53, v5;
	v7 =	vadd.f32 v63, v7;
	v53 =	vld [tilespmem:$0x1FAB0]  }
0x2fc: {  	[tilespmem:$0x1FB10] =	vst v62;
	v62 =	vld [tilespmem:s18+$0x10]  }
0x2fd: {  	v7 =	vadd.f32 v50, v7;
	v50 =	vld [tilespmem:s18+$0x2E0]  }
0x2fe: {  	v1 =	vadd.f32 v52, v1;
	v52 =	vld [tilespmem:s18+$0x2F0]  }
0x2ff: {  	v54 =	vld [tilespmem:$0x1FAC0]  }
0x300: {  	v3 =	vadd.f32 v59, v3;
	v2 =	vadd.f32 v53, v2;
	v53 =	vld [tilespmem:s18+$0x300]  }
0x301: {  	[tilespmem:$0x1FB20] =	vst v62;
	v62 =	vld [tilespmem:s18+$0x20]  }
0x302: {  	v3 =	vadd.f32 v46, v3;
	v59 =	vld [tilespmem:$0x1FB10]  }
0x303: {  	v55 =	vld [tilespmem:$0x1FAD0]  }
0x304: {  	v3 =	vadd.f32 v54, v3;
	v54 =	vld [tilespmem:s18+$0x310]  }
0x305: {  	v0 =	vadd.f32 v51, v0;
	v60 =	vld [tilespmem:$0x1FB20]  }
0x306: {  	[tilespmem:$0x1FB30] =	vst v62;
	v62 =	vld [tilespmem:s18+$0x30]  }
0x307: {  	v5 =	vadd.f32 v61, v5;
	v56 =	vld [tilespmem:$0x1FAE0];
	v0 =	vadd.f32 v59, v0  }
0x308: {  	v61 =	vld [tilespmem:$0x1FB30]  }
0x309: {  	v5 =	vadd.f32 v48, v5;
	v57 =	vld [tilespmem:$0x1FAF0];
	v0 =	vadd.f32 v8, v0  }
0x30a: {  	v6 =	vadd.f32 v49, v6;
	v58 =	vld [tilespmem:$0x1FB00];
	v1 =	vadd.f32 v60, v1  }
0x30b: {  	v4 =	vadd.f32 v55, v4;
	v0 =	vadd.f32 v16, v0;
	[tilespmem:$0x1FB40] =	vst v62;
	v62 =	vld [tilespmem:s18+$0x40]  }
0x30c: {  	v55 =	vld [tilespmem:s18+$0x320];
	v5 =	vadd.f32 v56, v5;
	v1 =	vadd.f32 v9, v1  }
0x30d: {  	v0 =	vadd.f32 v24, v0;
	v2 =	vadd.f32 v61, v2;
	v63 =	vld [tilespmem:$0x1FB40]  }
0x30e: {  	v56 =	vld [tilespmem:s18+$0x330];
	v6 =	vadd.f32 v57, v6;
	v1 =	vadd.f32 v17, v1  }
0x30f: {  	v0 =	vadd.f32 v32, v0;
	v61 =	vld [tilespmem:s18+$0x380];
	v2 =	vadd.f32 v10, v2  }
0x310: {  	v7 =	vadd.f32 v58, v7;
	v1 =	vadd.f32 v25, v1;
	[tilespmem:$0x1FB50] =	vst v62;
	v62 =	vld [tilespmem:s18+$0x50]  }
0x311: {  	v0 =	vadd.f32 v40, v0;
	v2 =	vadd.f32 v18, v2;
	v48 =	vld [tilespmem:$0x1FB50]  }
0x312: {  	v57 =	vld [tilespmem:s18+$0x340];
	v1 =	vadd.f32 v33, v1;
	v3 =	vadd.f32 v63, v3  }
0x313: {  	v40 =	vld [tilespmem:s18+$0x400];
	v0 =	vadd.f32 v53, v0;
	v2 =	vadd.f32 v26, v2  }
0x314: {  	v63 =	vld [tilespmem:s18+$0x3A0];
	v1 =	vadd.f32 v41, v1;
	v3 =	vadd.f32 v11, v3  }
0x315: {  	v0 =	vadd.f32 v61, v0;
	v2 =	vadd.f32 v34, v2;
	[tilespmem:$0x1FB60] =	vst v62;
	v62 =	vld [tilespmem:s18+$0x60]  }
0x316: {  	v3 =	vadd.f32 v19, v3;
	v4 =	vadd.f32 v48, v4;
	v49 =	vld [tilespmem:$0x1FB60]  }
0x317: {  	v1 =	vadd.f32 v54, v1;
	v2 =	vadd.f32 v42, v2;
	v48 =	vld [tilespmem:s18+$0x480]  }
0x318: {  	v42 =	vld [tilespmem:s18+$0x420];
	v3 =	vadd.f32 v27, v3;
	v4 =	vadd.f32 v12, v4  }
0x319: {  	v58 =	vld [tilespmem:s18+$0x350];
	v0 =	vadd.f32 v40, v0;
	v2 =	vadd.f32 v55, v2  }
0x31a: {  	v3 =	vadd.f32 v35, v3;
	[tilespmem:$0x1FB70] =	vst v62;
	v62 =	vld [tilespmem:s18+$0x70];
	v4 =	vadd.f32 v20, v4  }
0x31b: {  	v2 =	vadd.f32 v63, v2;
	v5 =	vadd.f32 v49, v5;
	v51 =	vld [tilespmem:$0x1FB70]  }
0x31c: {  	v59 =	vld [tilespmem:s18+$0x360];
	v3 =	vadd.f32 v43, v3;
	v0 =	vadd.f32 v48, v0  }
0x31d: {  	v60 =	vld [tilespmem:s18+$0x370];
	v4 =	vadd.f32 v28, v4;
	v2 =	vadd.f32 v42, v2  }
0x31e: {  	v53 =	vld [tilespmem:s18+$0x4D0];
	v5 =	vadd.f32 v13, v5;
	v3 =	vadd.f32 v56, v3  }
0x31f: {  	v33 =	vld [tilespmem:s18+$0x3C0];
	v4 =	vadd.f32 v36, v4;
	v7 =	vadd.f32 v62, v7  }
0x320: {  	v5 =	vadd.f32 v21, v5;
	v62 =	vld [tilespmem:s18+$0x390];
	v6 =	vadd.f32 v51, v6  }
0x321: {  	v41 =	vld [tilespmem:s18+$0x410];
	v4 =	vadd.f32 v44, v4;
	v7 =	vadd.f32 v15, v7  }
0x322: {  	v35 =	vld [tilespmem:s18+$0x3D0];
	v5 =	vadd.f32 v29, v5;
	v6 =	vadd.f32 v14, v6  }
0x323: {  	v44 =	vld [tilespmem:s18+$0x440];
	v4 =	vadd.f32 v57, v4;
	v7 =	vadd.f32 v23, v7  }
0x324: {  	v43 =	vld [tilespmem:s18+$0x430];
	v5 =	vadd.f32 v37, v5;
	v6 =	vadd.f32 v22, v6  }
0x325: {  	v49 =	vld [tilespmem:s18+$0x490];
	v1 =	vadd.f32 v62, v1;
	v4 =	vadd.f32 v33, v4  }
0x326: {  	v51 =	vld [tilespmem:s18+$0x4B0];
	v7 =	vadd.f32 v31, v7;
	v5 =	vadd.f32 v45, v5  }
0x327: {  	v31 =	vld [tilespmem:s18+$0x3B0];
	v6 =	vadd.f32 v30, v6;
	v1 =	vadd.f32 v41, v1  }
0x328: {  	v45 =	vld [tilespmem:s18+$0x450];
	v4 =	vadd.f32 v44, v4;
	v7 =	vadd.f32 v39, v7  }
0x329: {  	v39 =	vld [tilespmem:s18+$0x3F0];
	v5 =	vadd.f32 v58, v5;
	v6 =	vadd.f32 v38, v6  }
0x32a: {  	v37 =	vld [tilespmem:s18+$0x3E0];
	v1 =	vadd.f32 v49, v1;
	v7 =	vadd.f32 v52, v7  }
0x32b: {  	v5 =	vadd.f32 v35, v5;
	v52 =	vld [tilespmem:s18+$0x4C0];
	v6 =	vadd.f32 v50, v6  }
0x32c: {  	v3 =	vadd.f32 v31, v3;
	v50 =	vld [tilespmem:s18+$0x4A0];
	v7 =	vadd.f32 v60, v7  }
0x32d: {  	v46 =	vld [tilespmem:s18+$0x460];
	v5 =	vadd.f32 v45, v5;
	v6 =	vadd.f32 v59, v6  }
0x32e: {  	v55 =	vld [tilespmem:s18+$0x4F0];
	v3 =	vadd.f32 v43, v3;
	v7 =	vadd.f32 v39, v7  }
0x32f: {  	v54 =	vld [tilespmem:s18+$0x4E0];
	v0 =	vmul.f32 $5.000000070e-02, v0;
	v5 =	vadd.f32 v53, v5;
	v6 =	vadd.f32 v37, v6  }
0x330: {  	s19 =	sshra.s32 s17, $0x2;
	v1 =	vmul.f32 $5.000000070e-02, v1;
	v3 =	vadd.f32 v51, v3;
	v4 =	vadd.f32 v52, v4  }
0x331: {  	[tilespmem:s19+$0x15400] =	vst v0;
	v2 =	vadd.f32 v50, v2;
	v57 =	vadd.f32 v47, v7;
	v61 =	vmul.f32 $5.000000070e-02, v5  }
0x332: {  	[tilespmem:s19+$0x15410] =	vst v1;
	v6 =	vadd.f32 v46, v6;
	v58 =	vmul.f32 $5.000000070e-02, v3  }
0x333: {  	p0 =	sne.s32 s17, $0x1E00;
	v60 =	vmul.f32 $5.000000070e-02, v4;
	v56 =	vmul.f32 $5.000000070e-02, v2;
	v2 =	vadd.f32 v55, v57;
	[tilespmem:s19+$0x15450] =	vst v61  }
.Ltmp4:
0x334: {  	v59 =	vadd.f32 v54, v6;
	[tilespmem:s19+$0x15430] =	vst v58;
	(pc) =	sbr.rel @p0 .LBB2_10-.Ltmp4, $4  }
0x335: {  	[tilespmem:s19+$0x15440] =	vst v60;
	v63 =	vmul.f32 $5.000000070e-02, v2  }
0x336: {  	[tilespmem:s19+$0x15420] =	vst v56;
	v62 =	vmul.f32 $5.000000070e-02, v59  }
0x337: {  	[tilespmem:s19+$0x15470] =	vst v63  }
0x338: {  	s17 =	sadd.s32 $0x200, s17;
	s18 =	sadd.s32 $0xA00, s18;
	[tilespmem:s19+$0x15460] =	vst v62  }
0x339: {  	s16 =	sadd.s32 $0x1, s16  }
0x33a: {  	p0 =	sne.s32 s16, s8  }
.Ltmp5:
0x33b: {  	_ = 	snop;
	(pc) =	sbr.rel @p0 .LBB2_1-.Ltmp5, $4  }
0x33c: {  	[hbm4b:s7+s3] =	stream.linear.scatter [tilespmem:s14], [sflag:$0x3], $0x800, $0x38;
	[tilespmem:$0x15C00] =	vst v63  }
0x33d: {  	_ =	swait.ge [sflag:s9], $0x800  }
0x33e: {  	[sflag:s9] =	ssyncset.done $0x0  }
0x33f: {  	[sflag:s9] =	ssyncadd.s32 $0xFFFFF800  }
0x340: {  	_ =	sfence.sel $0x180000  }
0x341: {  	[bflag:$0x0] =	sbarrier.arrive $0xFFFF  }
0x342: {  	p0 =	sne.s32 s2, $0x0;
	_ =	strace $0x90000047  }
0x343: {  	s0 =	sadd.s32 @!p0 $0x100000, s0;
	[bflag:$0x2] =	sbarrier.arrive $0xFFFF  }
0x344: {  	[sflag:s0] =	ssyncadd.tile.s32 @!p0 $0x1;
	_ =	shalt  }
.Lfunc_end2:
_tile_overlayer_lowered:
.L_overlay_start_2:
0x345: {  	(tag) =	ssettag $0x2  }
0x346: {  	s0 =	rddreg [dreg:$0x0];
	s2 =	stileid.u32  }
0x347: {  	s1 =	rddreg [dreg:$0x1];
	p0 =	sne.s32 s2, $0x0  }
0x348: {  	s3 =	rddreg [dreg:$0x2];
	[bflag:$0x3] =	sbarrier.arrive $0xFFFF;
	s2 =	simm.s32 @!p0 $0x1C03  }
0x349: {  	[timem:s3], [sflag:s2] =	dma.local @!p0 [hbm:s0], s1  }
0x34a: {  	s0 =	simm.s32 @!p0 $0x3  }
0x34b: {  	_ =	swait.ge @!p0 [sflag:s0], s1  }
0x34c: {  	s1 =	ssub.s32 @!p0 $0x0, s1;
	[sflag:s0] =	ssyncset.done @!p0 $0x0  }
0x34d: {  	[sflag:s0] =	ssyncadd.s32 @!p0 s1  }
0x34e: {  	[bflag:$0x3] =	sbarrier.arrive $0xFFFF  }
0x34f: {  	_ =	shalt  }

</sc_bundles>
